<compile_context>
chip_gen: v7x
topology: tpu7x:2x2x1
jax: 0.10.2.dev20260603
libtpu: 0.0.44.dev20260713+nightly
codegen_flags: <defaults>
</compile_context>

<pallas_src>
import functools

import numpy as np
import jax
import jax.numpy as jnp
from jax import lax
from jax.experimental import pallas as pl
from jax.experimental.pallas import tpu as pltpu
from jax.experimental.pallas import tpu_sc as plsc

VOCAB_SIZE = 100000
D_MODEL = 1024
SEQ_LEN = 8192
BATCH = 4
N_ROWS = BATCH * SEQ_LEN

_NC = 2
_NS = 16
_NW = _NC * _NS
_S_PER_W = SEQ_LEN // _NW
_C = 8
_K = _S_PER_W // _C
_LANES = 16
_VECS_PER_ROW = D_MODEL // _LANES


def _sinusoid_pe_np(max_len: int, d_model: int) -> np.ndarray:
    pos = np.arange(max_len, dtype=np.float32)[:, None]
    i = np.arange(0, d_model, 2, dtype=np.float32)
    div = np.power(10000.0, i / d_model)
    pe = np.zeros((max_len, d_model), dtype=np.float32)
    pe[:, 0::2] = np.sin(pos / div)
    pe[:, 1::2] = np.cos(pos / div)
    return pe


_PE_NP = _sinusoid_pe_np(SEQ_LEN, D_MODEL)


def _make_kernel():
    mesh = plsc.VectorSubcoreMesh(core_axis_name="c", subcore_axis_name="s")

    ring_t = pltpu.VMEM((BATCH, _C, D_MODEL), jnp.float32)
    pe_t = pltpu.VMEM((_C, D_MODEL), jnp.float32)
    dma = pltpu.SemaphoreType.DMA

    @functools.partial(
        pl.kernel,
        mesh=mesh,
        out_type=jax.ShapeDtypeStruct((N_ROWS, D_MODEL), jnp.float32),
        scratch_types=[
            pltpu.VMEM((BATCH, _S_PER_W), jnp.int32),
            ring_t, ring_t, ring_t,
            pe_t, pe_t, pe_t,
            dma, dma, dma,
            dma, dma, dma,
            dma, dma, dma,
        ],
    )
    def emb_kernel(x_hbm, pe_hbm, table_hbm, out_hbm,
                   idx_v, r0, r1, r2, p0, p1, p2,
                   g0, g1, g2, w0, w1, w2, s0, s1, s2):
        wid = lax.axis_index("s") * _NC + lax.axis_index("c")
        s_base = wid * _S_PER_W

        rings = (r0, r1, r2)
        pes = (p0, p1, p2)
        gsems = (g0, g1, g2)
        wsems = (w0, w1, w2)
        psems = (s0, s1, s2)

        def issue_gathers(k, j):
            for b in range(BATCH):
                pltpu.async_copy(
                    table_hbm.at[idx_v.at[b, pl.ds(k * _C, _C)]],
                    rings[j].at[b], gsems[j])

        def issue_pe(k, j):
            pltpu.async_copy(pe_hbm.at[pl.ds(s_base + k * _C, _C)],
                             pes[j], psems[j])

        def wait_pe(j):
            pltpu.make_async_copy(pe_hbm.at[pl.ds(0, _C)], pes[j],
                                  psems[j]).wait()

        def drain_writes(j):
            for b in range(BATCH):
                pltpu.make_async_copy(rings[j].at[b],
                                      out_hbm.at[pl.ds(0, _C)],
                                      wsems[j]).wait()

        def drain_gathers(j):
            for b in range(BATCH):
                pltpu.make_async_copy(
                    table_hbm.at[idx_v.at[b, pl.ds(0, _C)]],
                    rings[j].at[b], gsems[j]).wait()

        def issue_writes(k, j):
            for b in range(BATCH):
                row0 = b * SEQ_LEN + s_base + k * _C
                pltpu.async_copy(rings[j].at[b],
                                 out_hbm.at[pl.ds(row0, _C)], wsems[j])

        def half(k, j, drain_prev=True, issue_next=True, prefetch_pe=True):
            nj = (j + 1) % 3
            if drain_prev:
                drain_writes(nj)
            if issue_next:
                issue_gathers(k + 1, nj)

            wait_pe(j)
            drain_gathers(j)

            ring, pe_buf = rings[j], pes[j]

            @plsc.parallel_loop(0, _C * _VECS_PER_ROW, step=1, unroll=4)
            def _add_slice(t):
                r = lax.shift_right_logical(t, _VECS_PER_ROW.bit_length() - 1)
                v = lax.bitwise_and(t, _VECS_PER_ROW - 1)
                sl = pl.ds(v * _LANES, _LANES)
                val = pe_buf[r, sl]
                for b in range(BATCH):
                    plsc.addupdate(ring.at[b, r, sl], val)

            if prefetch_pe:
                issue_pe(k + 2, (j + 2) % 3)
            issue_writes(k, j)

        for b in range(BATCH):
            pltpu.sync_copy(x_hbm.at[pl.ds(b * SEQ_LEN + s_base, _S_PER_W)],
                            idx_v.at[b])
        issue_pe(0, 0)
        issue_pe(1, 1)
        issue_gathers(0, 0)

        half(0, 0, drain_prev=False)
        half(1, 1, drain_prev=False)

        def body(kk, carry):
            k = 2 + 3 * kk
            half(k, 2)
            half(k + 1, 0)
            half(k + 2, 1)
            return carry

        lax.fori_loop(0, (_K - 5) // 3, body, 0, unroll=False)

        half(_K - 3, 2)
        half(_K - 2, 0, prefetch_pe=False)
        half(_K - 1, 1, issue_next=False, prefetch_pe=False)
        drain_writes(0)
        drain_writes(1)

    return emb_kernel


_EMB_KERNEL = _make_kernel()


def kernel(x, table):
    pe = jnp.asarray(_PE_NP)
    xflat = x.reshape(N_ROWS).astype(jnp.int32)
    out = _EMB_KERNEL(xflat, pe, table)
    return out.reshape(BATCH, SEQ_LEN, D_MODEL)

# --- scband reference (transcript-rebuilt; emitter-appended) ---
"""Pipeline reference for scband-transformer-embedding-910533067375 (READ-ONLY COPY).

The authoritative reference and input builder live on the scoring server;
editing this copy changes nothing except your own understanding.
"""

import jax, jax.numpy as jnp
import numpy as np

VOCAB = 100000
D_MODEL = 1024
MAX_LEN = 8192


def _sinusoid_pe(max_len, d_model):
    pos = np.arange(max_len, dtype=np.float32)[:, None]
    i = np.arange(0, d_model, 2, dtype=np.float32)
    div = np.power(10000.0, i / d_model)
    pe = np.zeros((max_len, d_model), dtype=np.float32)
    pe[:, 0::2] = np.sin(pos / div)
    pe[:, 1::2] = np.cos(pos / div)
    return jnp.asarray(pe)


def setup_inputs(seed: int = 0) -> dict:
    key = jax.random.key(seed)
    k1, k2 = jax.random.split(key)
    x = jax.random.randint(k1, (4, 8192), 0, VOCAB, dtype=jnp.int64 if jax.config.jax_enable_x64 else jnp.int32).astype(jnp.int32)
    table = jax.random.normal(k2, (VOCAB, D_MODEL), dtype=jnp.float32) * 0.02
    return {"x": x, "table": table}


def reference(x, table):
    # token embedding lookup (gather)
    tok_emb = jnp.take(table, x, axis=0)  # [B, S, D]
    # sinusoidal positional encoding (constant, non-learned)
    seq_len = x.shape[1]
    pe = _sinusoid_pe(MAX_LEN, D_MODEL)[:seq_len]  # [S, D]
    pos_emb = pe[None, :, :]
    # dropout is identity in eval mode
    return tok_emb + pos_emb

if __name__ == "__main__":
    import jax
    _d = setup_inputs()
    print(jax.jit(kernel)(*tuple(_d.values())))

</pallas_src>

<mosaic_0001>
#map = affine_map<(d0, d1) -> (0)>
#map1 = affine_map<(d0, d1) -> (0, 0)>
module attributes {stable_mosaic.version = 14 : i64} {
  func.func @emb_kernel(%arg0: i32, %arg1: i32, %arg2: memref<32768xi32, #tpu.memory_space<hbm>>, %arg3: memref<8192x1024xf32, #tpu.memory_space<hbm>>, %arg4: memref<100000x1024xf32, #tpu.memory_space<hbm>>, %arg5: memref<32768x1024xf32, #tpu.memory_space<hbm>>, %arg6: memref<4x256xi32, #tpu.memory_space<vmem>>, %arg7: memref<4x8x1024xf32, #tpu.memory_space<vmem>>, %arg8: memref<4x8x1024xf32, #tpu.memory_space<vmem>>, %arg9: memref<4x8x1024xf32, #tpu.memory_space<vmem>>, %arg10: memref<8x1024xf32, #tpu.memory_space<vmem>>, %arg11: memref<8x1024xf32, #tpu.memory_space<vmem>>, %arg12: memref<8x1024xf32, #tpu.memory_space<vmem>>, %arg13: memref<!tpu.dma_semaphore, #tpu.memory_space<semaphore_mem>>, %arg14: memref<!tpu.dma_semaphore, #tpu.memory_space<semaphore_mem>>, %arg15: memref<!tpu.dma_semaphore, #tpu.memory_space<semaphore_mem>>, %arg16: memref<!tpu.dma_semaphore, #tpu.memory_space<semaphore_mem>>, %arg17: memref<!tpu.dma_semaphore, #tpu.memory_space<semaphore_mem>>, %arg18: memref<!tpu.dma_semaphore, #tpu.memory_space<semaphore_mem>>, %arg19: memref<!tpu.dma_semaphore, #tpu.memory_space<semaphore_mem>>, %arg20: memref<!tpu.dma_semaphore, #tpu.memory_space<semaphore_mem>>, %arg21: memref<!tpu.dma_semaphore, #tpu.memory_space<semaphore_mem>>) attributes {dimension_semantics = [#tpu.dimension_semantics<core_parallel>, #tpu.dimension_semantics<subcore_parallel>], iteration_bounds = array<i64: 2, 16>, scalar_prefetch = 0 : i64, scratch_operands = 16 : i64, tpu.core_type = #tpu.core_type<sc_vector_subcore>, window_params = [{transform_indices = #map}, {transform_indices = #map1}, {transform_indices = #map1}, {transform_indices = #map1}]} {
    %mul3A = arith.constant 2 : i32
    %mul3A_0 = arith.muli %arg1, %mul3A : i32
    %add3A = arith.addi %mul3A_0, %arg0 : i32
    %mul3A_1 = arith.constant 256 : i32
    %mul3A_2 = arith.muli %add3A, %mul3A_1 : i32
    %add3A_3 = arith.constant 0 : i32
    %add3A_4 = arith.addi %add3A_3, %mul3A_2 : i32
    %run_scoped3A = arith.constant 0 : i32
    "tpu.region"() ({
      %run_scoped3A_1211 = tpu.sem_alloc : memref<!tpu.dma_semaphore, #tpu.memory_space<semaphore_mem>>
      %dma_start3A_1212 = arith.constant 0 : i32
      %dma_start3A_1213 = tpu.memref_slice %arg6[%run_scoped3A, %dma_start3A_1212] : memref<4x256xi32, #tpu.memory_space<vmem>> -> memref<1x256xi32, #tpu.memory_space<vmem>>
      %dma_start3A_1214 = tpu.memref_squeeze %dma_start3A_1213 : memref<1x256xi32, #tpu.memory_space<vmem>> -> memref<256xi32, #tpu.memory_space<vmem>>
      %dma_start3A_1215 = tpu.memref_slice %arg2[%add3A_4] : memref<32768xi32, #tpu.memory_space<hbm>> -> memref<256xi32, #tpu.memory_space<hbm>>
      %dma_start3A_1216 = arith.constant 0 : i32
      %dma_start3A_1217 = tpu.memref_slice %arg6[%run_scoped3A, %dma_start3A_1216] : memref<4x256xi32, #tpu.memory_space<vmem>> -> memref<1x256xi32, #tpu.memory_space<vmem>>
      %dma_start3A_1218 = tpu.memref_squeeze %dma_start3A_1217 : memref<1x256xi32, #tpu.memory_space<vmem>> -> memref<256xi32, #tpu.memory_space<vmem>>
      %dma_start3A_1219 = tpu.memref_slice %arg2[%add3A_4] : memref<32768xi32, #tpu.memory_space<hbm>> -> memref<256xi32, #tpu.memory_space<hbm>>
      tpu.enqueue_dma source(%dma_start3A_1219 : memref<256xi32, #tpu.memory_space<hbm>>) target(%dma_start3A_1218 : memref<256xi32, #tpu.memory_space<vmem>>) target_semaphore(%run_scoped3A_1211 : memref<!tpu.dma_semaphore, #tpu.memory_space<semaphore_mem>>)
      %dma_wait3A_1220 = arith.constant 0 : i32
      %dma_wait3A_1221 = tpu.memref_slice %arg6[%run_scoped3A, %dma_wait3A_1220] : memref<4x256xi32, #tpu.memory_space<vmem>> -> memref<1x256xi32, #tpu.memory_space<vmem>>
      %dma_wait3A_1222 = tpu.memref_squeeze %dma_wait3A_1221 : memref<1x256xi32, #tpu.memory_space<vmem>> -> memref<256xi32, #tpu.memory_space<vmem>>
      %dma_wait3A_1223 = tpu.memref_slice %arg2[%add3A_4] : memref<32768xi32, #tpu.memory_space<hbm>> -> memref<256xi32, #tpu.memory_space<hbm>>
      %dma_wait3A_1224 = arith.constant 0 : i32
      %dma_wait3A_1225 = tpu.memref_slice %arg6[%run_scoped3A, %dma_wait3A_1224] : memref<4x256xi32, #tpu.memory_space<vmem>> -> memref<1x256xi32, #tpu.memory_space<vmem>>
      %dma_wait3A_1226 = tpu.memref_squeeze %dma_wait3A_1225 : memref<1x256xi32, #tpu.memory_space<vmem>> -> memref<256xi32, #tpu.memory_space<vmem>>
      %dma_wait3A_1227 = tpu.memref_slice %arg2[%add3A_4] : memref<32768xi32, #tpu.memory_space<hbm>> -> memref<256xi32, #tpu.memory_space<hbm>>
      tpu.wait_dma2 semaphore(%run_scoped3A_1211 : memref<!tpu.dma_semaphore, #tpu.memory_space<semaphore_mem>>) src(%dma_wait3A_1227 : memref<256xi32, #tpu.memory_space<hbm>>) dst(%dma_wait3A_1226 : memref<256xi32, #tpu.memory_space<vmem>>)
      tpu.yield
    }) : () -> ()
    %add3A_5 = arith.constant 8192 : i32
    %add3A_6 = arith.addi %add3A_5, %mul3A_2 : i32
    %run_scoped3A_7 = arith.constant 1 : i32
    "tpu.region"() ({
      %run_scoped3A_1211 = tpu.sem_alloc : memref<!tpu.dma_semaphore, #tpu.memory_space<semaphore_mem>>
      %dma_start3A_1212 = arith.constant 0 : i32
      %dma_start3A_1213 = tpu.memref_slice %arg6[%run_scoped3A_7, %dma_start3A_1212] : memref<4x256xi32, #tpu.memory_space<vmem>> -> memref<1x256xi32, #tpu.memory_space<vmem>>
      %dma_start3A_1214 = tpu.memref_squeeze %dma_start3A_1213 : memref<1x256xi32, #tpu.memory_space<vmem>> -> memref<256xi32, #tpu.memory_space<vmem>>
      %dma_start3A_1215 = tpu.memref_slice %arg2[%add3A_6] : memref<32768xi32, #tpu.memory_space<hbm>> -> memref<256xi32, #tpu.memory_space<hbm>>
      %dma_start3A_1216 = arith.constant 0 : i32
      %dma_start3A_1217 = tpu.memref_slice %arg6[%run_scoped3A_7, %dma_start3A_1216] : memref<4x256xi32, #tpu.memory_space<vmem>> -> memref<1x256xi32, #tpu.memory_space<vmem>>
      %dma_start3A_1218 = tpu.memref_squeeze %dma_start3A_1217 : memref<1x256xi32, #tpu.memory_space<vmem>> -> memref<256xi32, #tpu.memory_space<vmem>>
      %dma_start3A_1219 = tpu.memref_slice %arg2[%add3A_6] : memref<32768xi32, #tpu.memory_space<hbm>> -> memref<256xi32, #tpu.memory_space<hbm>>
      tpu.enqueue_dma source(%dma_start3A_1219 : memref<256xi32, #tpu.memory_space<hbm>>) target(%dma_start3A_1218 : memref<256xi32, #tpu.memory_space<vmem>>) target_semaphore(%run_scoped3A_1211 : memref<!tpu.dma_semaphore, #tpu.memory_space<semaphore_mem>>)
      %dma_wait3A_1220 = arith.constant 0 : i32
      %dma_wait3A_1221 = tpu.memref_slice %arg6[%run_scoped3A_7, %dma_wait3A_1220] : memref<4x256xi32, #tpu.memory_space<vmem>> -> memref<1x256xi32, #tpu.memory_space<vmem>>
      %dma_wait3A_1222 = tpu.memref_squeeze %dma_wait3A_1221 : memref<1x256xi32, #tpu.memory_space<vmem>> -> memref<256xi32, #tpu.memory_space<vmem>>
      %dma_wait3A_1223 = tpu.memref_slice %arg2[%add3A_6] : memref<32768xi32, #tpu.memory_space<hbm>> -> memref<256xi32, #tpu.memory_space<hbm>>
      %dma_wait3A_1224 = arith.constant 0 : i32
      %dma_wait3A_1225 = tpu.memref_slice %arg6[%run_scoped3A_7, %dma_wait3A_1224] : memref<4x256xi32, #tpu.memory_space<vmem>> -> memref<1x256xi32, #tpu.memory_space<vmem>>
      %dma_wait3A_1226 = tpu.memref_squeeze %dma_wait3A_1225 : memref<1x256xi32, #tpu.memory_space<vmem>> -> memref<256xi32, #tpu.memory_space<vmem>>
      %dma_wait3A_1227 = tpu.memref_slice %arg2[%add3A_6] : memref<32768xi32, #tpu.memory_space<hbm>> -> memref<256xi32, #tpu.memory_space<hbm>>
      tpu.wait_dma2 semaphore(%run_scoped3A_1211 : memref<!tpu.dma_semaphore, #tpu.memory_space<semaphore_mem>>) src(%dma_wait3A_1227 : memref<256xi32, #tpu.memory_space<hbm>>) dst(%dma_wait3A_1226 : memref<256xi32, #tpu.memory_space<vmem>>)
      tpu.yield
    }) : () -> ()
    %add3A_8 = arith.constant 16384 : i32
    %add3A_9 = arith.addi %add3A_8, %mul3A_2 : i32
    %run_scoped3A_10 = arith.constant 2 : i32
    "tpu.region"() ({
      %run_scoped3A_1211 = tpu.sem_alloc : memref<!tpu.dma_semaphore, #tpu.memory_space<semaphore_mem>>
      %dma_start3A_1212 = arith.constant 0 : i32
      %dma_start3A_1213 = tpu.memref_slice %arg6[%run_scoped3A_10, %dma_start3A_1212] : memref<4x256xi32, #tpu.memory_space<vmem>> -> memref<1x256xi32, #tpu.memory_space<vmem>>
      %dma_start3A_1214 = tpu.memref_squeeze %dma_start3A_1213 : memref<1x256xi32, #tpu.memory_space<vmem>> -> memref<256xi32, #tpu.memory_space<vmem>>
      %dma_start3A_1215 = tpu.memref_slice %arg2[%add3A_9] : memref<32768xi32, #tpu.memory_space<hbm>> -> memref<256xi32, #tpu.memory_space<hbm>>
      %dma_start3A_1216 = arith.constant 0 : i32
      %dma_start3A_1217 = tpu.memref_slice %arg6[%run_scoped3A_10, %dma_start3A_1216] : memref<4x256xi32, #tpu.memory_space<vmem>> -> memref<1x256xi32, #tpu.memory_space<vmem>>
      %dma_start3A_1218 = tpu.memref_squeeze %dma_start3A_1217 : memref<1x256xi32, #tpu.memory_space<vmem>> -> memref<256xi32, #tpu.memory_space<vmem>>
      %dma_start3A_1219 = tpu.memref_slice %arg2[%add3A_9] : memref<32768xi32, #tpu.memory_space<hbm>> -> memref<256xi32, #tpu.memory_space<hbm>>
      tpu.enqueue_dma source(%dma_start3A_1219 : memref<256xi32, #tpu.memory_space<hbm>>) target(%dma_start3A_1218 : memref<256xi32, #tpu.memory_space<vmem>>) target_semaphore(%run_scoped3A_1211 : memref<!tpu.dma_semaphore, #tpu.memory_space<semaphore_mem>>)
      %dma_wait3A_1220 = arith.constant 0 : i32
      %dma_wait3A_1221 = tpu.memref_slice %arg6[%run_scoped3A_10, %dma_wait3A_1220] : memref<4x256xi32, #tpu.memory_space<vmem>> -> memref<1x256xi32, #tpu.memory_space<vmem>>
      %dma_wait3A_1222 = tpu.memref_squeeze %dma_wait3A_1221 : memref<1x256xi32, #tpu.memory_space<vmem>> -> memref<256xi32, #tpu.memory_space<vmem>>
      %dma_wait3A_1223 = tpu.memref_slice %arg2[%add3A_9] : memref<32768xi32, #tpu.memory_space<hbm>> -> memref<256xi32, #tpu.memory_space<hbm>>
      %dma_wait3A_1224 = arith.constant 0 : i32
      %dma_wait3A_1225 = tpu.memref_slice %arg6[%run_scoped3A_10, %dma_wait3A_1224] : memref<4x256xi32, #tpu.memory_space<vmem>> -> memref<1x256xi32, #tpu.memory_space<vmem>>
      %dma_wait3A_1226 = tpu.memref_squeeze %dma_wait3A_1225 : memref<1x256xi32, #tpu.memory_space<vmem>> -> memref<256xi32, #tpu.memory_space<vmem>>
      %dma_wait3A_1227 = tpu.memref_slice %arg2[%add3A_9] : memref<32768xi32, #tpu.memory_space<hbm>> -> memref<256xi32, #tpu.memory_space<hbm>>
      tpu.wait_dma2 semaphore(%run_scoped3A_1211 : memref<!tpu.dma_semaphore, #tpu.memory_space<semaphore_mem>>) src(%dma_wait3A_1227 : memref<256xi32, #tpu.memory_space<hbm>>) dst(%dma_wait3A_1226 : memref<256xi32, #tpu.memory_space<vmem>>)
      tpu.yield
    }) : () -> ()
    %add3A_11 = arith.constant 24576 : i32
    %add3A_12 = arith.addi %add3A_11, %mul3A_2 : i32
    %run_scoped3A_13 = arith.constant 3 : i32
    "tpu.region"() ({
      %run_scoped3A_1211 = tpu.sem_alloc : memref<!tpu.dma_semaphore, #tpu.memory_space<semaphore_mem>>
      %dma_start3A_1212 = arith.constant 0 : i32
      %dma_start3A_1213 = tpu.memref_slice %arg6[%run_scoped3A_13, %dma_start3A_1212] : memref<4x256xi32, #tpu.memory_space<vmem>> -> memref<1x256xi32, #tpu.memory_space<vmem>>
      %dma_start3A_1214 = tpu.memref_squeeze %dma_start3A_1213 : memref<1x256xi32, #tpu.memory_space<vmem>> -> memref<256xi32, #tpu.memory_space<vmem>>
      %dma_start3A_1215 = tpu.memref_slice %arg2[%add3A_12] : memref<32768xi32, #tpu.memory_space<hbm>> -> memref<256xi32, #tpu.memory_space<hbm>>
      %dma_start3A_1216 = arith.constant 0 : i32
      %dma_start3A_1217 = tpu.memref_slice %arg6[%run_scoped3A_13, %dma_start3A_1216] : memref<4x256xi32, #tpu.memory_space<vmem>> -> memref<1x256xi32, #tpu.memory_space<vmem>>
      %dma_start3A_1218 = tpu.memref_squeeze %dma_start3A_1217 : memref<1x256xi32, #tpu.memory_space<vmem>> -> memref<256xi32, #tpu.memory_space<vmem>>
      %dma_start3A_1219 = tpu.memref_slice %arg2[%add3A_12] : memref<32768xi32, #tpu.memory_space<hbm>> -> memref<256xi32, #tpu.memory_space<hbm>>
      tpu.enqueue_dma source(%dma_start3A_1219 : memref<256xi32, #tpu.memory_space<hbm>>) target(%dma_start3A_1218 : memref<256xi32, #tpu.memory_space<vmem>>) target_semaphore(%run_scoped3A_1211 : memref<!tpu.dma_semaphore, #tpu.memory_space<semaphore_mem>>)
      %dma_wait3A_1220 = arith.constant 0 : i32
      %dma_wait3A_1221 = tpu.memref_slice %arg6[%run_scoped3A_13, %dma_wait3A_1220] : memref<4x256xi32, #tpu.memory_space<vmem>> -> memref<1x256xi32, #tpu.memory_space<vmem>>
      %dma_wait3A_1222 = tpu.memref_squeeze %dma_wait3A_1221 : memref<1x256xi32, #tpu.memory_space<vmem>> -> memref<256xi32, #tpu.memory_space<vmem>>
      %dma_wait3A_1223 = tpu.memref_slice %arg2[%add3A_12] : memref<32768xi32, #tpu.memory_space<hbm>> -> memref<256xi32, #tpu.memory_space<hbm>>
      %dma_wait3A_1224 = arith.constant 0 : i32
      %dma_wait3A_1225 = tpu.memref_slice %arg6[%run_scoped3A_13, %dma_wait3A_1224] : memref<4x256xi32, #tpu.memory_space<vmem>> -> memref<1x256xi32, #tpu.memory_space<vmem>>
      %dma_wait3A_1226 = tpu.memref_squeeze %dma_wait3A_1225 : memref<1x256xi32, #tpu.memory_space<vmem>> -> memref<256xi32, #tpu.memory_space<vmem>>
      %dma_wait3A_1227 = tpu.memref_slice %arg2[%add3A_12] : memref<32768xi32, #tpu.memory_space<hbm>> -> memref<256xi32, #tpu.memory_space<hbm>>
      tpu.wait_dma2 semaphore(%run_scoped3A_1211 : memref<!tpu.dma_semaphore, #tpu.memory_space<semaphore_mem>>) src(%dma_wait3A_1227 : memref<256xi32, #tpu.memory_space<hbm>>) dst(%dma_wait3A_1226 : memref<256xi32, #tpu.memory_space<vmem>>)
      tpu.yield
    }) : () -> ()
    %add3A_14 = arith.constant 0 : i32
    %add3A_15 = arith.addi %mul3A_2, %add3A_14 : i32
    %dma_start3A = arith.constant 0 : i32
    %dma_start3A_16 = tpu.memref_slice %arg3[%add3A_15, %dma_start3A] : memref<8192x1024xf32, #tpu.memory_space<hbm>> -> memref<8x1024xf32, #tpu.memory_space<hbm>>
    %dma_start3A_17 = arith.constant 0 : i32
    %dma_start3A_18 = tpu.memref_slice %arg3[%add3A_15, %dma_start3A_17] : memref<8192x1024xf32, #tpu.memory_space<hbm>> -> memref<8x1024xf32, #tpu.memory_space<hbm>>
    tpu.enqueue_dma source(%dma_start3A_18 : memref<8x1024xf32, #tpu.memory_space<hbm>>) target(%arg10 : memref<8x1024xf32, #tpu.memory_space<vmem>>) target_semaphore(%arg19 : memref<!tpu.dma_semaphore, #tpu.memory_space<semaphore_mem>>)
    %add3A_19 = arith.constant 8 : i32
    %add3A_20 = arith.addi %mul3A_2, %add3A_19 : i32
    %dma_start3A_21 = arith.constant 0 : i32
    %dma_start3A_22 = tpu.memref_slice %arg3[%add3A_20, %dma_start3A_21] : memref<8192x1024xf32, #tpu.memory_space<hbm>> -> memref<8x1024xf32, #tpu.memory_space<hbm>>
    %dma_start3A_23 = arith.constant 0 : i32
    %dma_start3A_24 = tpu.memref_slice %arg3[%add3A_20, %dma_start3A_23] : memref<8192x1024xf32, #tpu.memory_space<hbm>> -> memref<8x1024xf32, #tpu.memory_space<hbm>>
    tpu.enqueue_dma source(%dma_start3A_24 : memref<8x1024xf32, #tpu.memory_space<hbm>>) target(%arg11 : memref<8x1024xf32, #tpu.memory_space<vmem>>) target_semaphore(%arg20 : memref<!tpu.dma_semaphore, #tpu.memory_space<semaphore_mem>>)
    %dma_start3A_25 = arith.constant 0 : i32
    %dma_start3A_26 = arith.constant 0 : i32
    %dma_start3A_27 = arith.constant 0 : i32
    %dma_start3A_28 = arith.constant 0 : i32
    %dma_start3A_29 = tpu.memref_slice %arg7[%dma_start3A_26, %dma_start3A_27, %dma_start3A_28] : memref<4x8x1024xf32, #tpu.memory_space<vmem>> -> memref<1x8x1024xf32, #tpu.memory_space<vmem>>
    %dma_start3A_30 = tpu.memref_squeeze %dma_start3A_29 : memref<1x8x1024xf32, #tpu.memory_space<vmem>> -> memref<8x1024xf32, #tpu.memory_space<vmem>>
    %dma_start3A_31 = arith.constant 0 : i32
    %dma_start3A_32 = tpu.memref_slice %arg6[%dma_start3A_25, %dma_start3A_31] : memref<4x256xi32, #tpu.memory_space<vmem>> -> memref<1x8xi32, #tpu.memory_space<vmem>>
    %dma_start3A_33 = tpu.memref_squeeze %dma_start3A_32 : memref<1x8xi32, #tpu.memory_space<vmem>> -> memref<8xi32, #tpu.memory_space<vmem>>
    %dma_start3A_34 = arith.constant 0 : i32
    %dma_start3A_35 = arith.constant 0 : i32
    %dma_start3A_36 = tpu.memref_slice %arg4[%dma_start3A_34, %dma_start3A_35] : memref<100000x1024xf32, #tpu.memory_space<hbm>> -> memref<100000x1024xf32, #tpu.memory_space<hbm>>
    tpu.enqueue_indirect_dma source(%dma_start3A_36 : memref<100000x1024xf32, #tpu.memory_space<hbm>>) target(%dma_start3A_30 : memref<8x1024xf32, #tpu.memory_space<vmem>>) offsets(%dma_start3A_33 : memref<8xi32, #tpu.memory_space<vmem>>) semaphore(%arg13 : memref<!tpu.dma_semaphore, #tpu.memory_space<semaphore_mem>>)
    %dma_start3A_37 = arith.constant 1 : i32
    %dma_start3A_38 = arith.constant 1 : i32
    %dma_start3A_39 = arith.constant 0 : i32
    %dma_start3A_40 = arith.constant 0 : i32
    %dma_start3A_41 = tpu.memref_slice %arg7[%dma_start3A_38, %dma_start3A_39, %dma_start3A_40] : memref<4x8x1024xf32, #tpu.memory_space<vmem>> -> memref<1x8x1024xf32, #tpu.memory_space<vmem>>
    %dma_start3A_42 = tpu.memref_squeeze %dma_start3A_41 : memref<1x8x1024xf32, #tpu.memory_space<vmem>> -> memref<8x1024xf32, #tpu.memory_space<vmem>>
    %dma_start3A_43 = arith.constant 0 : i32
    %dma_start3A_44 = tpu.memref_slice %arg6[%dma_start3A_37, %dma_start3A_43] : memref<4x256xi32, #tpu.memory_space<vmem>> -> memref<1x8xi32, #tpu.memory_space<vmem>>
    %dma_start3A_45 = tpu.memref_squeeze %dma_start3A_44 : memref<1x8xi32, #tpu.memory_space<vmem>> -> memref<8xi32, #tpu.memory_space<vmem>>
    %dma_start3A_46 = arith.constant 0 : i32
    %dma_start3A_47 = arith.constant 0 : i32
    %dma_start3A_48 = tpu.memref_slice %arg4[%dma_start3A_46, %dma_start3A_47] : memref<100000x1024xf32, #tpu.memory_space<hbm>> -> memref<100000x1024xf32, #tpu.memory_space<hbm>>
    tpu.enqueue_indirect_dma source(%dma_start3A_48 : memref<100000x1024xf32, #tpu.memory_space<hbm>>) target(%dma_start3A_42 : memref<8x1024xf32, #tpu.memory_space<vmem>>) offsets(%dma_start3A_45 : memref<8xi32, #tpu.memory_space<vmem>>) semaphore(%arg13 : memref<!tpu.dma_semaphore, #tpu.memory_space<semaphore_mem>>)
    %dma_start3A_49 = arith.constant 2 : i32
    %dma_start3A_50 = arith.constant 2 : i32
    %dma_start3A_51 = arith.constant 0 : i32
    %dma_start3A_52 = arith.constant 0 : i32
    %dma_start3A_53 = tpu.memref_slice %arg7[%dma_start3A_50, %dma_start3A_51, %dma_start3A_52] : memref<4x8x1024xf32, #tpu.memory_space<vmem>> -> memref<1x8x1024xf32, #tpu.memory_space<vmem>>
    %dma_start3A_54 = tpu.memref_squeeze %dma_start3A_53 : memref<1x8x1024xf32, #tpu.memory_space<vmem>> -> memref<8x1024xf32, #tpu.memory_space<vmem>>
    %dma_start3A_55 = arith.constant 0 : i32
    %dma_start3A_56 = tpu.memref_slice %arg6[%dma_start3A_49, %dma_start3A_55] : memref<4x256xi32, #tpu.memory_space<vmem>> -> memref<1x8xi32, #tpu.memory_space<vmem>>
    %dma_start3A_57 = tpu.memref_squeeze %dma_start3A_56 : memref<1x8xi32, #tpu.memory_space<vmem>> -> memref<8xi32, #tpu.memory_space<vmem>>
    %dma_start3A_58 = arith.constant 0 : i32
    %dma_start3A_59 = arith.constant 0 : i32
    %dma_start3A_60 = tpu.memref_slice %arg4[%dma_start3A_58, %dma_start3A_59] : memref<100000x1024xf32, #tpu.memory_space<hbm>> -> memref<100000x1024xf32, #tpu.memory_space<hbm>>
    tpu.enqueue_indirect_dma source(%dma_start3A_60 : memref<100000x1024xf32, #tpu.memory_space<hbm>>) target(%dma_start3A_54 : memref<8x1024xf32, #tpu.memory_space<vmem>>) offsets(%dma_start3A_57 : memref<8xi32, #tpu.memory_space<vmem>>) semaphore(%arg13 : memref<!tpu.dma_semaphore, #tpu.memory_space<semaphore_mem>>)
    %dma_start3A_61 = arith.constant 3 : i32
    %dma_start3A_62 = arith.constant 3 : i32
    %dma_start3A_63 = arith.constant 0 : i32
    %dma_start3A_64 = arith.constant 0 : i32
    %dma_start3A_65 = tpu.memref_slice %arg7[%dma_start3A_62, %dma_start3A_63, %dma_start3A_64] : memref<4x8x1024xf32, #tpu.memory_space<vmem>> -> memref<1x8x1024xf32, #tpu.memory_space<vmem>>
    %dma_start3A_66 = tpu.memref_squeeze %dma_start3A_65 : memref<1x8x1024xf32, #tpu.memory_space<vmem>> -> memref<8x1024xf32, #tpu.memory_space<vmem>>
    %dma_start3A_67 = arith.constant 0 : i32
    %dma_start3A_68 = tpu.memref_slice %arg6[%dma_start3A_61, %dma_start3A_67] : memref<4x256xi32, #tpu.memory_space<vmem>> -> memref<1x8xi32, #tpu.memory_space<vmem>>
    %dma_start3A_69 = tpu.memref_squeeze %dma_start3A_68 : memref<1x8xi32, #tpu.memory_space<vmem>> -> memref<8xi32, #tpu.memory_space<vmem>>
    %dma_start3A_70 = arith.constant 0 : i32
    %dma_start3A_71 = arith.constant 0 : i32
    %dma_start3A_72 = tpu.memref_slice %arg4[%dma_start3A_70, %dma_start3A_71] : memref<100000x1024xf32, #tpu.memory_space<hbm>> -> memref<100000x1024xf32, #tpu.memory_space<hbm>>
    tpu.enqueue_indirect_dma source(%dma_start3A_72 : memref<100000x1024xf32, #tpu.memory_space<hbm>>) target(%dma_start3A_66 : memref<8x1024xf32, #tpu.memory_space<vmem>>) offsets(%dma_start3A_69 : memref<8xi32, #tpu.memory_space<vmem>>) semaphore(%arg13 : memref<!tpu.dma_semaphore, #tpu.memory_space<semaphore_mem>>)
    %dma_start3A_73 = arith.constant 0 : i32
    %dma_start3A_74 = arith.constant 0 : i32
    %dma_start3A_75 = arith.constant 0 : i32
    %dma_start3A_76 = arith.constant 0 : i32
    %dma_start3A_77 = tpu.memref_slice %arg8[%dma_start3A_74, %dma_start3A_75, %dma_start3A_76] : memref<4x8x1024xf32, #tpu.memory_space<vmem>> -> memref<1x8x1024xf32, #tpu.memory_space<vmem>>
    %dma_start3A_78 = tpu.memref_squeeze %dma_start3A_77 : memref<1x8x1024xf32, #tpu.memory_space<vmem>> -> memref<8x1024xf32, #tpu.memory_space<vmem>>
    %dma_start3A_79 = arith.constant 8 : i32
    %dma_start3A_80 = tpu.memref_slice %arg6[%dma_start3A_73, %dma_start3A_79] : memref<4x256xi32, #tpu.memory_space<vmem>> -> memref<1x8xi32, #tpu.memory_space<vmem>>
    %dma_start3A_81 = tpu.memref_squeeze %dma_start3A_80 : memref<1x8xi32, #tpu.memory_space<vmem>> -> memref<8xi32, #tpu.memory_space<vmem>>
    %dma_start3A_82 = arith.constant 0 : i32
    %dma_start3A_83 = arith.constant 0 : i32
    %dma_start3A_84 = tpu.memref_slice %arg4[%dma_start3A_82, %dma_start3A_83] : memref<100000x1024xf32, #tpu.memory_space<hbm>> -> memref<100000x1024xf32, #tpu.memory_space<hbm>>
    tpu.enqueue_indirect_dma source(%dma_start3A_84 : memref<100000x1024xf32, #tpu.memory_space<hbm>>) target(%dma_start3A_78 : memref<8x1024xf32, #tpu.memory_space<vmem>>) offsets(%dma_start3A_81 : memref<8xi32, #tpu.memory_space<vmem>>) semaphore(%arg14 : memref<!tpu.dma_semaphore, #tpu.memory_space<semaphore_mem>>)
    %dma_start3A_85 = arith.constant 1 : i32
    %dma_start3A_86 = arith.constant 1 : i32
    %dma_start3A_87 = arith.constant 0 : i32
    %dma_start3A_88 = arith.constant 0 : i32
    %dma_start3A_89 = tpu.memref_slice %arg8[%dma_start3A_86, %dma_start3A_87, %dma_start3A_88] : memref<4x8x1024xf32, #tpu.memory_space<vmem>> -> memref<1x8x1024xf32, #tpu.memory_space<vmem>>
    %dma_start3A_90 = tpu.memref_squeeze %dma_start3A_89 : memref<1x8x1024xf32, #tpu.memory_space<vmem>> -> memref<8x1024xf32, #tpu.memory_space<vmem>>
    %dma_start3A_91 = arith.constant 8 : i32
    %dma_start3A_92 = tpu.memref_slice %arg6[%dma_start3A_85, %dma_start3A_91] : memref<4x256xi32, #tpu.memory_space<vmem>> -> memref<1x8xi32, #tpu.memory_space<vmem>>
    %dma_start3A_93 = tpu.memref_squeeze %dma_start3A_92 : memref<1x8xi32, #tpu.memory_space<vmem>> -> memref<8xi32, #tpu.memory_space<vmem>>
    %dma_start3A_94 = arith.constant 0 : i32
    %dma_start3A_95 = arith.constant 0 : i32
    %dma_start3A_96 = tpu.memref_slice %arg4[%dma_start3A_94, %dma_start3A_95] : memref<100000x1024xf32, #tpu.memory_space<hbm>> -> memref<100000x1024xf32, #tpu.memory_space<hbm>>
    tpu.enqueue_indirect_dma source(%dma_start3A_96 : memref<100000x1024xf32, #tpu.memory_space<hbm>>) target(%dma_start3A_90 : memref<8x1024xf32, #tpu.memory_space<vmem>>) offsets(%dma_start3A_93 : memref<8xi32, #tpu.memory_space<vmem>>) semaphore(%arg14 : memref<!tpu.dma_semaphore, #tpu.memory_space<semaphore_mem>>)
    %dma_start3A_97 = arith.constant 2 : i32
    %dma_start3A_98 = arith.constant 2 : i32
    %dma_start3A_99 = arith.constant 0 : i32
    %dma_start3A_100 = arith.constant 0 : i32
    %dma_start3A_101 = tpu.memref_slice %arg8[%dma_start3A_98, %dma_start3A_99, %dma_start3A_100] : memref<4x8x1024xf32, #tpu.memory_space<vmem>> -> memref<1x8x1024xf32, #tpu.memory_space<vmem>>
    %dma_start3A_102 = tpu.memref_squeeze %dma_start3A_101 : memref<1x8x1024xf32, #tpu.memory_space<vmem>> -> memref<8x1024xf32, #tpu.memory_space<vmem>>
    %dma_start3A_103 = arith.constant 8 : i32
    %dma_start3A_104 = tpu.memref_slice %arg6[%dma_start3A_97, %dma_start3A_103] : memref<4x256xi32, #tpu.memory_space<vmem>> -> memref<1x8xi32, #tpu.memory_space<vmem>>
    %dma_start3A_105 = tpu.memref_squeeze %dma_start3A_104 : memref<1x8xi32, #tpu.memory_space<vmem>> -> memref<8xi32, #tpu.memory_space<vmem>>
    %dma_start3A_106 = arith.constant 0 : i32
    %dma_start3A_107 = arith.constant 0 : i32
    %dma_start3A_108 = tpu.memref_slice %arg4[%dma_start3A_106, %dma_start3A_107] : memref<100000x1024xf32, #tpu.memory_space<hbm>> -> memref<100000x1024xf32, #tpu.memory_space<hbm>>
    tpu.enqueue_indirect_dma source(%dma_start3A_108 : memref<100000x1024xf32, #tpu.memory_space<hbm>>) target(%dma_start3A_102 : memref<8x1024xf32, #tpu.memory_space<vmem>>) offsets(%dma_start3A_105 : memref<8xi32, #tpu.memory_space<vmem>>) semaphore(%arg14 : memref<!tpu.dma_semaphore, #tpu.memory_space<semaphore_mem>>)
    %dma_start3A_109 = arith.constant 3 : i32
    %dma_start3A_110 = arith.constant 3 : i32
    %dma_start3A_111 = arith.constant 0 : i32
    %dma_start3A_112 = arith.constant 0 : i32
    %dma_start3A_113 = tpu.memref_slice %arg8[%dma_start3A_110, %dma_start3A_111, %dma_start3A_112] : memref<4x8x1024xf32, #tpu.memory_space<vmem>> -> memref<1x8x1024xf32, #tpu.memory_space<vmem>>
    %dma_start3A_114 = tpu.memref_squeeze %dma_start3A_113 : memref<1x8x1024xf32, #tpu.memory_space<vmem>> -> memref<8x1024xf32, #tpu.memory_space<vmem>>
    %dma_start3A_115 = arith.constant 8 : i32
    %dma_start3A_116 = tpu.memref_slice %arg6[%dma_start3A_109, %dma_start3A_115] : memref<4x256xi32, #tpu.memory_space<vmem>> -> memref<1x8xi32, #tpu.memory_space<vmem>>
    %dma_start3A_117 = tpu.memref_squeeze %dma_start3A_116 : memref<1x8xi32, #tpu.memory_space<vmem>> -> memref<8xi32, #tpu.memory_space<vmem>>
    %dma_start3A_118 = arith.constant 0 : i32
    %dma_start3A_119 = arith.constant 0 : i32
    %dma_start3A_120 = tpu.memref_slice %arg4[%dma_start3A_118, %dma_start3A_119] : memref<100000x1024xf32, #tpu.memory_space<hbm>> -> memref<100000x1024xf32, #tpu.memory_space<hbm>>
    tpu.enqueue_indirect_dma source(%dma_start3A_120 : memref<100000x1024xf32, #tpu.memory_space<hbm>>) target(%dma_start3A_114 : memref<8x1024xf32, #tpu.memory_space<vmem>>) offsets(%dma_start3A_117 : memref<8xi32, #tpu.memory_space<vmem>>) semaphore(%arg14 : memref<!tpu.dma_semaphore, #tpu.memory_space<semaphore_mem>>)
    %dma_wait3A = arith.constant 0 : i32
    %dma_wait3A_121 = arith.constant 0 : i32
    %dma_wait3A_122 = tpu.memref_slice %arg3[%dma_wait3A, %dma_wait3A_121] : memref<8192x1024xf32, #tpu.memory_space<hbm>> -> memref<8x1024xf32, #tpu.memory_space<hbm>>
    %dma_wait3A_123 = arith.constant 0 : i32
    %dma_wait3A_124 = arith.constant 0 : i32
    %dma_wait3A_125 = tpu.memref_slice %arg3[%dma_wait3A_123, %dma_wait3A_124] : memref<8192x1024xf32, #tpu.memory_space<hbm>> -> memref<8x1024xf32, #tpu.memory_space<hbm>>
    tpu.wait_dma2 semaphore(%arg19 : memref<!tpu.dma_semaphore, #tpu.memory_space<semaphore_mem>>) src(%dma_wait3A_125 : memref<8x1024xf32, #tpu.memory_space<hbm>>) dst(%arg10 : memref<8x1024xf32, #tpu.memory_space<vmem>>)
    %dma_wait3A_126 = arith.constant 0 : i32
    %dma_wait3A_127 = arith.constant 0 : i32
    %dma_wait3A_128 = arith.constant 0 : i32
    %dma_wait3A_129 = arith.constant 0 : i32
    %dma_wait3A_130 = tpu.memref_slice %arg7[%dma_wait3A_127, %dma_wait3A_128, %dma_wait3A_129] : memref<4x8x1024xf32, #tpu.memory_space<vmem>> -> memref<1x8x1024xf32, #tpu.memory_space<vmem>>
    %dma_wait3A_131 = tpu.memref_squeeze %dma_wait3A_130 : memref<1x8x1024xf32, #tpu.memory_space<vmem>> -> memref<8x1024xf32, #tpu.memory_space<vmem>>
    %dma_wait3A_132 = arith.constant 0 : i32
    %dma_wait3A_133 = tpu.memref_slice %arg6[%dma_wait3A_126, %dma_wait3A_132] : memref<4x256xi32, #tpu.memory_space<vmem>> -> memref<1x8xi32, #tpu.memory_space<vmem>>
    %dma_wait3A_134 = tpu.memref_squeeze %dma_wait3A_133 : memref<1x8xi32, #tpu.memory_space<vmem>> -> memref<8xi32, #tpu.memory_space<vmem>>
    %dma_wait3A_135 = arith.constant 0 : i32
    %dma_wait3A_136 = arith.constant 0 : i32
    %dma_wait3A_137 = tpu.memref_slice %arg4[%dma_wait3A_135, %dma_wait3A_136] : memref<100000x1024xf32, #tpu.memory_space<hbm>> -> memref<100000x1024xf32, #tpu.memory_space<hbm>>
    tpu.wait_indirect_dma semaphore(%arg13 : memref<!tpu.dma_semaphore, #tpu.memory_space<semaphore_mem>>) src(%dma_wait3A_137 : memref<100000x1024xf32, #tpu.memory_space<hbm>>) dst(%dma_wait3A_131 : memref<8x1024xf32, #tpu.memory_space<vmem>>)
    %dma_wait3A_138 = arith.constant 1 : i32
    %dma_wait3A_139 = arith.constant 1 : i32
    %dma_wait3A_140 = arith.constant 0 : i32
    %dma_wait3A_141 = arith.constant 0 : i32
    %dma_wait3A_142 = tpu.memref_slice %arg7[%dma_wait3A_139, %dma_wait3A_140, %dma_wait3A_141] : memref<4x8x1024xf32, #tpu.memory_space<vmem>> -> memref<1x8x1024xf32, #tpu.memory_space<vmem>>
    %dma_wait3A_143 = tpu.memref_squeeze %dma_wait3A_142 : memref<1x8x1024xf32, #tpu.memory_space<vmem>> -> memref<8x1024xf32, #tpu.memory_space<vmem>>
    %dma_wait3A_144 = arith.constant 0 : i32
    %dma_wait3A_145 = tpu.memref_slice %arg6[%dma_wait3A_138, %dma_wait3A_144] : memref<4x256xi32, #tpu.memory_space<vmem>> -> memref<1x8xi32, #tpu.memory_space<vmem>>
    %dma_wait3A_146 = tpu.memref_squeeze %dma_wait3A_145 : memref<1x8xi32, #tpu.memory_space<vmem>> -> memref<8xi32, #tpu.memory_space<vmem>>
    %dma_wait3A_147 = arith.constant 0 : i32
    %dma_wait3A_148 = arith.constant 0 : i32
    %dma_wait3A_149 = tpu.memref_slice %arg4[%dma_wait3A_147, %dma_wait3A_148] : memref<100000x1024xf32, #tpu.memory_space<hbm>> -> memref<100000x1024xf32, #tpu.memory_space<hbm>>
    tpu.wait_indirect_dma semaphore(%arg13 : memref<!tpu.dma_semaphore, #tpu.memory_space<semaphore_mem>>) src(%dma_wait3A_149 : memref<100000x1024xf32, #tpu.memory_space<hbm>>) dst(%dma_wait3A_143 : memref<8x1024xf32, #tpu.memory_space<vmem>>)
    %dma_wait3A_150 = arith.constant 2 : i32
    %dma_wait3A_151 = arith.constant 2 : i32
    %dma_wait3A_152 = arith.constant 0 : i32
    %dma_wait3A_153 = arith.constant 0 : i32
    %dma_wait3A_154 = tpu.memref_slice %arg7[%dma_wait3A_151, %dma_wait3A_152, %dma_wait3A_153] : memref<4x8x1024xf32, #tpu.memory_space<vmem>> -> memref<1x8x1024xf32, #tpu.memory_space<vmem>>
    %dma_wait3A_155 = tpu.memref_squeeze %dma_wait3A_154 : memref<1x8x1024xf32, #tpu.memory_space<vmem>> -> memref<8x1024xf32, #tpu.memory_space<vmem>>
    %dma_wait3A_156 = arith.constant 0 : i32
    %dma_wait3A_157 = tpu.memref_slice %arg6[%dma_wait3A_150, %dma_wait3A_156] : memref<4x256xi32, #tpu.memory_space<vmem>> -> memref<1x8xi32, #tpu.memory_space<vmem>>
    %dma_wait3A_158 = tpu.memref_squeeze %dma_wait3A_157 : memref<1x8xi32, #tpu.memory_space<vmem>> -> memref<8xi32, #tpu.memory_space<vmem>>
    %dma_wait3A_159 = arith.constant 0 : i32
    %dma_wait3A_160 = arith.constant 0 : i32
    %dma_wait3A_161 = tpu.memref_slice %arg4[%dma_wait3A_159, %dma_wait3A_160] : memref<100000x1024xf32, #tpu.memory_space<hbm>> -> memref<100000x1024xf32, #tpu.memory_space<hbm>>
    tpu.wait_indirect_dma semaphore(%arg13 : memref<!tpu.dma_semaphore, #tpu.memory_space<semaphore_mem>>) src(%dma_wait3A_161 : memref<100000x1024xf32, #tpu.memory_space<hbm>>) dst(%dma_wait3A_155 : memref<8x1024xf32, #tpu.memory_space<vmem>>)
    %dma_wait3A_162 = arith.constant 3 : i32
    %dma_wait3A_163 = arith.constant 3 : i32
    %dma_wait3A_164 = arith.constant 0 : i32
    %dma_wait3A_165 = arith.constant 0 : i32
    %dma_wait3A_166 = tpu.memref_slice %arg7[%dma_wait3A_163, %dma_wait3A_164, %dma_wait3A_165] : memref<4x8x1024xf32, #tpu.memory_space<vmem>> -> memref<1x8x1024xf32, #tpu.memory_space<vmem>>
    %dma_wait3A_167 = tpu.memref_squeeze %dma_wait3A_166 : memref<1x8x1024xf32, #tpu.memory_space<vmem>> -> memref<8x1024xf32, #tpu.memory_space<vmem>>
    %dma_wait3A_168 = arith.constant 0 : i32
    %dma_wait3A_169 = tpu.memref_slice %arg6[%dma_wait3A_162, %dma_wait3A_168] : memref<4x256xi32, #tpu.memory_space<vmem>> -> memref<1x8xi32, #tpu.memory_space<vmem>>
    %dma_wait3A_170 = tpu.memref_squeeze %dma_wait3A_169 : memref<1x8xi32, #tpu.memory_space<vmem>> -> memref<8xi32, #tpu.memory_space<vmem>>
    %dma_wait3A_171 = arith.constant 0 : i32
    %dma_wait3A_172 = arith.constant 0 : i32
    %dma_wait3A_173 = tpu.memref_slice %arg4[%dma_wait3A_171, %dma_wait3A_172] : memref<100000x1024xf32, #tpu.memory_space<hbm>> -> memref<100000x1024xf32, #tpu.memory_space<hbm>>
    tpu.wait_indirect_dma semaphore(%arg13 : memref<!tpu.dma_semaphore, #tpu.memory_space<semaphore_mem>>) src(%dma_wait3A_173 : memref<100000x1024xf32, #tpu.memory_space<hbm>>) dst(%dma_wait3A_167 : memref<8x1024xf32, #tpu.memory_space<vmem>>)
    %parallel_loop3A = arith.constant 0 : i32
    %parallel_loop3A_174 = arith.constant 512 : i32
    %parallel_loop3A_175 = arith.constant 1 : i32
    scf.for %parallel_loop3A_1211 = %parallel_loop3A to %parallel_loop3A_174 step %parallel_loop3A_175  : i32 {
      %parallel_loop3A_1212 = arith.constant 6 : i32
      %parallel_loop3A_1213 = arith.shrui %parallel_loop3A_1211, %parallel_loop3A_1212 : i32
      %parallel_loop3A_1214 = arith.constant 63 : i32
      %parallel_loop3A_1215 = arith.andi %parallel_loop3A_1211, %parallel_loop3A_1214 : i32
      %parallel_loop3A_1216 = arith.constant 16 : i32
      %parallel_loop3A_1217 = arith.muli %parallel_loop3A_1215, %parallel_loop3A_1216 : i32
      %parallel_loop3A_1218 = arith.index_cast %parallel_loop3A_1213 : i32 to index
      %parallel_loop3A_1219 = arith.index_cast %parallel_loop3A_1217 : i32 to index
      %parallel_loop3A_1220 = tpu.vector_load %arg10[%parallel_loop3A_1218, %parallel_loop3A_1219] {strides = array<i32>} : memref<8x1024xf32, #tpu.memory_space<vmem>>, vector<1x16xf32>,
      %parallel_loop3A_1221 = vector.shape_cast %parallel_loop3A_1220 : vector<1x16xf32> to vector<16xf32>
      %parallel_loop3A_1222 = arith.constant 0 : i32
      %parallel_loop3A_1223 = arith.index_cast %parallel_loop3A_1222 : i32 to index
      %parallel_loop3A_1224 = arith.index_cast %parallel_loop3A_1213 : i32 to index
      %parallel_loop3A_1225 = arith.index_cast %parallel_loop3A_1217 : i32 to index
      %parallel_loop3A_1226 = tpu.vector_load %arg7[%parallel_loop3A_1223, %parallel_loop3A_1224, %parallel_loop3A_1225] {strides = array<i32>} : memref<4x8x1024xf32, #tpu.memory_space<vmem>>, vector<1x1x16xf32>,
      %parallel_loop3A_1227 = vector.shape_cast %parallel_loop3A_1226 : vector<1x1x16xf32> to vector<16xf32>
      %parallel_loop3A_1228 = vector.shape_cast %parallel_loop3A_1221 : vector<16xf32> to vector<1x1x16xf32>
      tpu.vector_store %arg7[%parallel_loop3A_1223, %parallel_loop3A_1224, %parallel_loop3A_1225], %parallel_loop3A_1228 {add = true, strides = array<i32>} : memref<4x8x1024xf32, #tpu.memory_space<vmem>>, vector<1x1x16xf32>,
      %parallel_loop3A_1229 = arith.constant 1 : i32
      %parallel_loop3A_1230 = arith.index_cast %parallel_loop3A_1229 : i32 to index
      %parallel_loop3A_1231 = arith.index_cast %parallel_loop3A_1213 : i32 to index
      %parallel_loop3A_1232 = arith.index_cast %parallel_loop3A_1217 : i32 to index
      %parallel_loop3A_1233 = tpu.vector_load %arg7[%parallel_loop3A_1230, %parallel_loop3A_1231, %parallel_loop3A_1232] {strides = array<i32>} : memref<4x8x1024xf32, #tpu.memory_space<vmem>>, vector<1x1x16xf32>,
      %parallel_loop3A_1234 = vector.shape_cast %parallel_loop3A_1233 : vector<1x1x16xf32> to vector<16xf32>
      %parallel_loop3A_1235 = vector.shape_cast %parallel_loop3A_1221 : vector<16xf32> to vector<1x1x16xf32>
      tpu.vector_store %arg7[%parallel_loop3A_1230, %parallel_loop3A_1231, %parallel_loop3A_1232], %parallel_loop3A_1235 {add = true, strides = array<i32>} : memref<4x8x1024xf32, #tpu.memory_space<vmem>>, vector<1x1x16xf32>,
      %parallel_loop3A_1236 = arith.constant 2 : i32
      %parallel_loop3A_1237 = arith.index_cast %parallel_loop3A_1236 : i32 to index
      %parallel_loop3A_1238 = arith.index_cast %parallel_loop3A_1213 : i32 to index
      %parallel_loop3A_1239 = arith.index_cast %parallel_loop3A_1217 : i32 to index
      %parallel_loop3A_1240 = tpu.vector_load %arg7[%parallel_loop3A_1237, %parallel_loop3A_1238, %parallel_loop3A_1239] {strides = array<i32>} : memref<4x8x1024xf32, #tpu.memory_space<vmem>>, vector<1x1x16xf32>,
      %parallel_loop3A_1241 = vector.shape_cast %parallel_loop3A_1240 : vector<1x1x16xf32> to vector<16xf32>
      %parallel_loop3A_1242 = vector.shape_cast %parallel_loop3A_1221 : vector<16xf32> to vector<1x1x16xf32>
      tpu.vector_store %arg7[%parallel_loop3A_1237, %parallel_loop3A_1238, %parallel_loop3A_1239], %parallel_loop3A_1242 {add = true, strides = array<i32>} : memref<4x8x1024xf32, #tpu.memory_space<vmem>>, vector<1x1x16xf32>,
      %parallel_loop3A_1243 = arith.constant 3 : i32
      %parallel_loop3A_1244 = arith.index_cast %parallel_loop3A_1243 : i32 to index
      %parallel_loop3A_1245 = arith.index_cast %parallel_loop3A_1213 : i32 to index
      %parallel_loop3A_1246 = arith.index_cast %parallel_loop3A_1217 : i32 to index
      %parallel_loop3A_1247 = tpu.vector_load %arg7[%parallel_loop3A_1244, %parallel_loop3A_1245, %parallel_loop3A_1246] {strides = array<i32>} : memref<4x8x1024xf32, #tpu.memory_space<vmem>>, vector<1x1x16xf32>,
      %parallel_loop3A_1248 = vector.shape_cast %parallel_loop3A_1247 : vector<1x1x16xf32> to vector<16xf32>
      %parallel_loop3A_1249 = vector.shape_cast %parallel_loop3A_1221 : vector<16xf32> to vector<1x1x16xf32>
      tpu.vector_store %arg7[%parallel_loop3A_1244, %parallel_loop3A_1245, %parallel_loop3A_1246], %parallel_loop3A_1249 {add = true, strides = array<i32>} : memref<4x8x1024xf32, #tpu.memory_space<vmem>>, vector<1x1x16xf32>,
    } {sc.loop_unroll_factor = 4 : i64, sc.parallel_access}
    %add3A_176 = arith.constant 16 : i32
    %add3A_177 = arith.addi %mul3A_2, %add3A_176 : i32
    %dma_start3A_178 = arith.constant 0 : i32
    %dma_start3A_179 = tpu.memref_slice %arg3[%add3A_177, %dma_start3A_178] : memref<8192x1024xf32, #tpu.memory_space<hbm>> -> memref<8x1024xf32, #tpu.memory_space<hbm>>
    %dma_start3A_180 = arith.constant 0 : i32
    %dma_start3A_181 = tpu.memref_slice %arg3[%add3A_177, %dma_start3A_180] : memref<8192x1024xf32, #tpu.memory_space<hbm>> -> memref<8x1024xf32, #tpu.memory_space<hbm>>
    tpu.enqueue_dma source(%dma_start3A_181 : memref<8x1024xf32, #tpu.memory_space<hbm>>) target(%arg12 : memref<8x1024xf32, #tpu.memory_space<vmem>>) target_semaphore(%arg21 : memref<!tpu.dma_semaphore, #tpu.memory_space<semaphore_mem>>)
    %add3A_182 = arith.constant 0 : i32
    %add3A_183 = arith.addi %add3A_182, %mul3A_2 : i32
    %add3A_184 = arith.constant 0 : i32
    %add3A_185 = arith.addi %add3A_183, %add3A_184 : i32
    %dma_start3A_186 = arith.constant 0 : i32
    %dma_start3A_187 = arith.constant 0 : i32
    %dma_start3A_188 = arith.constant 0 : i32
    %dma_start3A_189 = tpu.memref_slice %arg7[%dma_start3A_186, %dma_start3A_187, %dma_start3A_188] : memref<4x8x1024xf32, #tpu.memory_space<vmem>> -> memref<1x8x1024xf32, #tpu.memory_space<vmem>>
    %dma_start3A_190 = tpu.memref_squeeze %dma_start3A_189 : memref<1x8x1024xf32, #tpu.memory_space<vmem>> -> memref<8x1024xf32, #tpu.memory_space<vmem>>
    %dma_start3A_191 = arith.constant 0 : i32
    %dma_start3A_192 = tpu.memref_slice %arg5[%add3A_185, %dma_start3A_191] : memref<32768x1024xf32, #tpu.memory_space<hbm>> -> memref<8x1024xf32, #tpu.memory_space<hbm>>
    %dma_start3A_193 = arith.constant 0 : i32
    %dma_start3A_194 = tpu.memref_slice %arg5[%add3A_185, %dma_start3A_193] : memref<32768x1024xf32, #tpu.memory_space<hbm>> -> memref<8x1024xf32, #tpu.memory_space<hbm>>
    %dma_start3A_195 = arith.constant 0 : i32
    %dma_start3A_196 = arith.constant 0 : i32
    %dma_start3A_197 = tpu.memref_slice %arg7[%dma_start3A_186, %dma_start3A_195, %dma_start3A_196] : memref<4x8x1024xf32, #tpu.memory_space<vmem>> -> memref<1x8x1024xf32, #tpu.memory_space<vmem>>
    %dma_start3A_198 = tpu.memref_squeeze %dma_start3A_197 : memref<1x8x1024xf32, #tpu.memory_space<vmem>> -> memref<8x1024xf32, #tpu.memory_space<vmem>>
    tpu.enqueue_dma source(%dma_start3A_198 : memref<8x1024xf32, #tpu.memory_space<vmem>>) target(%dma_start3A_194 : memref<8x1024xf32, #tpu.memory_space<hbm>>) target_semaphore(%arg16 : memref<!tpu.dma_semaphore, #tpu.memory_space<semaphore_mem>>)
    %add3A_199 = arith.constant 8192 : i32
    %add3A_200 = arith.addi %add3A_199, %mul3A_2 : i32
    %add3A_201 = arith.constant 0 : i32
    %add3A_202 = arith.addi %add3A_200, %add3A_201 : i32
    %dma_start3A_203 = arith.constant 1 : i32
    %dma_start3A_204 = arith.constant 0 : i32
    %dma_start3A_205 = arith.constant 0 : i32
    %dma_start3A_206 = tpu.memref_slice %arg7[%dma_start3A_203, %dma_start3A_204, %dma_start3A_205] : memref<4x8x1024xf32, #tpu.memory_space<vmem>> -> memref<1x8x1024xf32, #tpu.memory_space<vmem>>
    %dma_start3A_207 = tpu.memref_squeeze %dma_start3A_206 : memref<1x8x1024xf32, #tpu.memory_space<vmem>> -> memref<8x1024xf32, #tpu.memory_space<vmem>>
    %dma_start3A_208 = arith.constant 0 : i32
    %dma_start3A_209 = tpu.memref_slice %arg5[%add3A_202, %dma_start3A_208] : memref<32768x1024xf32, #tpu.memory_space<hbm>> -> memref<8x1024xf32, #tpu.memory_space<hbm>>
    %dma_start3A_210 = arith.constant 0 : i32
    %dma_start3A_211 = tpu.memref_slice %arg5[%add3A_202, %dma_start3A_210] : memref<32768x1024xf32, #tpu.memory_space<hbm>> -> memref<8x1024xf32, #tpu.memory_space<hbm>>
    %dma_start3A_212 = arith.constant 0 : i32
    %dma_start3A_213 = arith.constant 0 : i32
    %dma_start3A_214 = tpu.memref_slice %arg7[%dma_start3A_203, %dma_start3A_212, %dma_start3A_213] : memref<4x8x1024xf32, #tpu.memory_space<vmem>> -> memref<1x8x1024xf32, #tpu.memory_space<vmem>>
    %dma_start3A_215 = tpu.memref_squeeze %dma_start3A_214 : memref<1x8x1024xf32, #tpu.memory_space<vmem>> -> memref<8x1024xf32, #tpu.memory_space<vmem>>
    tpu.enqueue_dma source(%dma_start3A_215 : memref<8x1024xf32, #tpu.memory_space<vmem>>) target(%dma_start3A_211 : memref<8x1024xf32, #tpu.memory_space<hbm>>) target_semaphore(%arg16 : memref<!tpu.dma_semaphore, #tpu.memory_space<semaphore_mem>>)
    %add3A_216 = arith.constant 16384 : i32
    %add3A_217 = arith.addi %add3A_216, %mul3A_2 : i32
    %add3A_218 = arith.constant 0 : i32
    %add3A_219 = arith.addi %add3A_217, %add3A_218 : i32
    %dma_start3A_220 = arith.constant 2 : i32
    %dma_start3A_221 = arith.constant 0 : i32
    %dma_start3A_222 = arith.constant 0 : i32
    %dma_start3A_223 = tpu.memref_slice %arg7[%dma_start3A_220, %dma_start3A_221, %dma_start3A_222] : memref<4x8x1024xf32, #tpu.memory_space<vmem>> -> memref<1x8x1024xf32, #tpu.memory_space<vmem>>
    %dma_start3A_224 = tpu.memref_squeeze %dma_start3A_223 : memref<1x8x1024xf32, #tpu.memory_space<vmem>> -> memref<8x1024xf32, #tpu.memory_space<vmem>>
    %dma_start3A_225 = arith.constant 0 : i32
    %dma_start3A_226 = tpu.memref_slice %arg5[%add3A_219, %dma_start3A_225] : memref<32768x1024xf32, #tpu.memory_space<hbm>> -> memref<8x1024xf32, #tpu.memory_space<hbm>>
    %dma_start3A_227 = arith.constant 0 : i32
    %dma_start3A_228 = tpu.memref_slice %arg5[%add3A_219, %dma_start3A_227] : memref<32768x1024xf32, #tpu.memory_space<hbm>> -> memref<8x1024xf32, #tpu.memory_space<hbm>>
    %dma_start3A_229 = arith.constant 0 : i32
    %dma_start3A_230 = arith.constant 0 : i32
    %dma_start3A_231 = tpu.memref_slice %arg7[%dma_start3A_220, %dma_start3A_229, %dma_start3A_230] : memref<4x8x1024xf32, #tpu.memory_space<vmem>> -> memref<1x8x1024xf32, #tpu.memory_space<vmem>>
    %dma_start3A_232 = tpu.memref_squeeze %dma_start3A_231 : memref<1x8x1024xf32, #tpu.memory_space<vmem>> -> memref<8x1024xf32, #tpu.memory_space<vmem>>
    tpu.enqueue_dma source(%dma_start3A_232 : memref<8x1024xf32, #tpu.memory_space<vmem>>) target(%dma_start3A_228 : memref<8x1024xf32, #tpu.memory_space<hbm>>) target_semaphore(%arg16 : memref<!tpu.dma_semaphore, #tpu.memory_space<semaphore_mem>>)
    %add3A_233 = arith.constant 24576 : i32
    %add3A_234 = arith.addi %add3A_233, %mul3A_2 : i32
    %add3A_235 = arith.constant 0 : i32
    %add3A_236 = arith.addi %add3A_234, %add3A_235 : i32
    %dma_start3A_237 = arith.constant 3 : i32
    %dma_start3A_238 = arith.constant 0 : i32
    %dma_start3A_239 = arith.constant 0 : i32
    %dma_start3A_240 = tpu.memref_slice %arg7[%dma_start3A_237, %dma_start3A_238, %dma_start3A_239] : memref<4x8x1024xf32, #tpu.memory_space<vmem>> -> memref<1x8x1024xf32, #tpu.memory_space<vmem>>
    %dma_start3A_241 = tpu.memref_squeeze %dma_start3A_240 : memref<1x8x1024xf32, #tpu.memory_space<vmem>> -> memref<8x1024xf32, #tpu.memory_space<vmem>>
    %dma_start3A_242 = arith.constant 0 : i32
    %dma_start3A_243 = tpu.memref_slice %arg5[%add3A_236, %dma_start3A_242] : memref<32768x1024xf32, #tpu.memory_space<hbm>> -> memref<8x1024xf32, #tpu.memory_space<hbm>>
    %dma_start3A_244 = arith.constant 0 : i32
    %dma_start3A_245 = tpu.memref_slice %arg5[%add3A_236, %dma_start3A_244] : memref<32768x1024xf32, #tpu.memory_space<hbm>> -> memref<8x1024xf32, #tpu.memory_space<hbm>>
    %dma_start3A_246 = arith.constant 0 : i32
    %dma_start3A_247 = arith.constant 0 : i32
    %dma_start3A_248 = tpu.memref_slice %arg7[%dma_start3A_237, %dma_start3A_246, %dma_start3A_247] : memref<4x8x1024xf32, #tpu.memory_space<vmem>> -> memref<1x8x1024xf32, #tpu.memory_space<vmem>>
    %dma_start3A_249 = tpu.memref_squeeze %dma_start3A_248 : memref<1x8x1024xf32, #tpu.memory_space<vmem>> -> memref<8x1024xf32, #tpu.memory_space<vmem>>
    tpu.enqueue_dma source(%dma_start3A_249 : memref<8x1024xf32, #tpu.memory_space<vmem>>) target(%dma_start3A_245 : memref<8x1024xf32, #tpu.memory_space<hbm>>) target_semaphore(%arg16 : memref<!tpu.dma_semaphore, #tpu.memory_space<semaphore_mem>>)
    %dma_start3A_250 = arith.constant 0 : i32
    %dma_start3A_251 = arith.constant 0 : i32
    %dma_start3A_252 = arith.constant 0 : i32
    %dma_start3A_253 = arith.constant 0 : i32
    %dma_start3A_254 = tpu.memref_slice %arg9[%dma_start3A_251, %dma_start3A_252, %dma_start3A_253] : memref<4x8x1024xf32, #tpu.memory_space<vmem>> -> memref<1x8x1024xf32, #tpu.memory_space<vmem>>
    %dma_start3A_255 = tpu.memref_squeeze %dma_start3A_254 : memref<1x8x1024xf32, #tpu.memory_space<vmem>> -> memref<8x1024xf32, #tpu.memory_space<vmem>>
    %dma_start3A_256 = arith.constant 16 : i32
    %dma_start3A_257 = tpu.memref_slice %arg6[%dma_start3A_250, %dma_start3A_256] : memref<4x256xi32, #tpu.memory_space<vmem>> -> memref<1x8xi32, #tpu.memory_space<vmem>>
    %dma_start3A_258 = tpu.memref_squeeze %dma_start3A_257 : memref<1x8xi32, #tpu.memory_space<vmem>> -> memref<8xi32, #tpu.memory_space<vmem>>
    %dma_start3A_259 = arith.constant 0 : i32
    %dma_start3A_260 = arith.constant 0 : i32
    %dma_start3A_261 = tpu.memref_slice %arg4[%dma_start3A_259, %dma_start3A_260] : memref<100000x1024xf32, #tpu.memory_space<hbm>> -> memref<100000x1024xf32, #tpu.memory_space<hbm>>
    tpu.enqueue_indirect_dma source(%dma_start3A_261 : memref<100000x1024xf32, #tpu.memory_space<hbm>>) target(%dma_start3A_255 : memref<8x1024xf32, #tpu.memory_space<vmem>>) offsets(%dma_start3A_258 : memref<8xi32, #tpu.memory_space<vmem>>) semaphore(%arg15 : memref<!tpu.dma_semaphore, #tpu.memory_space<semaphore_mem>>)
    %dma_start3A_262 = arith.constant 1 : i32
    %dma_start3A_263 = arith.constant 1 : i32
    %dma_start3A_264 = arith.constant 0 : i32
    %dma_start3A_265 = arith.constant 0 : i32
    %dma_start3A_266 = tpu.memref_slice %arg9[%dma_start3A_263, %dma_start3A_264, %dma_start3A_265] : memref<4x8x1024xf32, #tpu.memory_space<vmem>> -> memref<1x8x1024xf32, #tpu.memory_space<vmem>>
    %dma_start3A_267 = tpu.memref_squeeze %dma_start3A_266 : memref<1x8x1024xf32, #tpu.memory_space<vmem>> -> memref<8x1024xf32, #tpu.memory_space<vmem>>
    %dma_start3A_268 = arith.constant 16 : i32
    %dma_start3A_269 = tpu.memref_slice %arg6[%dma_start3A_262, %dma_start3A_268] : memref<4x256xi32, #tpu.memory_space<vmem>> -> memref<1x8xi32, #tpu.memory_space<vmem>>
    %dma_start3A_270 = tpu.memref_squeeze %dma_start3A_269 : memref<1x8xi32, #tpu.memory_space<vmem>> -> memref<8xi32, #tpu.memory_space<vmem>>
    %dma_start3A_271 = arith.constant 0 : i32
    %dma_start3A_272 = arith.constant 0 : i32
    %dma_start3A_273 = tpu.memref_slice %arg4[%dma_start3A_271, %dma_start3A_272] : memref<100000x1024xf32, #tpu.memory_space<hbm>> -> memref<100000x1024xf32, #tpu.memory_space<hbm>>
    tpu.enqueue_indirect_dma source(%dma_start3A_273 : memref<100000x1024xf32, #tpu.memory_space<hbm>>) target(%dma_start3A_267 : memref<8x1024xf32, #tpu.memory_space<vmem>>) offsets(%dma_start3A_270 : memref<8xi32, #tpu.memory_space<vmem>>) semaphore(%arg15 : memref<!tpu.dma_semaphore, #tpu.memory_space<semaphore_mem>>)
    %dma_start3A_274 = arith.constant 2 : i32
    %dma_start3A_275 = arith.constant 2 : i32
    %dma_start3A_276 = arith.constant 0 : i32
    %dma_start3A_277 = arith.constant 0 : i32
    %dma_start3A_278 = tpu.memref_slice %arg9[%dma_start3A_275, %dma_start3A_276, %dma_start3A_277] : memref<4x8x1024xf32, #tpu.memory_space<vmem>> -> memref<1x8x1024xf32, #tpu.memory_space<vmem>>
    %dma_start3A_279 = tpu.memref_squeeze %dma_start3A_278 : memref<1x8x1024xf32, #tpu.memory_space<vmem>> -> memref<8x1024xf32, #tpu.memory_space<vmem>>
    %dma_start3A_280 = arith.constant 16 : i32
    %dma_start3A_281 = tpu.memref_slice %arg6[%dma_start3A_274, %dma_start3A_280] : memref<4x256xi32, #tpu.memory_space<vmem>> -> memref<1x8xi32, #tpu.memory_space<vmem>>
    %dma_start3A_282 = tpu.memref_squeeze %dma_start3A_281 : memref<1x8xi32, #tpu.memory_space<vmem>> -> memref<8xi32, #tpu.memory_space<vmem>>
    %dma_start3A_283 = arith.constant 0 : i32
    %dma_start3A_284 = arith.constant 0 : i32
    %dma_start3A_285 = tpu.memref_slice %arg4[%dma_start3A_283, %dma_start3A_284] : memref<100000x1024xf32, #tpu.memory_space<hbm>> -> memref<100000x1024xf32, #tpu.memory_space<hbm>>
    tpu.enqueue_indirect_dma source(%dma_start3A_285 : memref<100000x1024xf32, #tpu.memory_space<hbm>>) target(%dma_start3A_279 : memref<8x1024xf32, #tpu.memory_space<vmem>>) offsets(%dma_start3A_282 : memref<8xi32, #tpu.memory_space<vmem>>) semaphore(%arg15 : memref<!tpu.dma_semaphore, #tpu.memory_space<semaphore_mem>>)
    %dma_start3A_286 = arith.constant 3 : i32
    %dma_start3A_287 = arith.constant 3 : i32
    %dma_start3A_288 = arith.constant 0 : i32
    %dma_start3A_289 = arith.constant 0 : i32
    %dma_start3A_290 = tpu.memref_slice %arg9[%dma_start3A_287, %dma_start3A_288, %dma_start3A_289] : memref<4x8x1024xf32, #tpu.memory_space<vmem>> -> memref<1x8x1024xf32, #tpu.memory_space<vmem>>
    %dma_start3A_291 = tpu.memref_squeeze %dma_start3A_290 : memref<1x8x1024xf32, #tpu.memory_space<vmem>> -> memref<8x1024xf32, #tpu.memory_space<vmem>>
    %dma_start3A_292 = arith.constant 16 : i32
    %dma_start3A_293 = tpu.memref_slice %arg6[%dma_start3A_286, %dma_start3A_292] : memref<4x256xi32, #tpu.memory_space<vmem>> -> memref<1x8xi32, #tpu.memory_space<vmem>>
    %dma_start3A_294 = tpu.memref_squeeze %dma_start3A_293 : memref<1x8xi32, #tpu.memory_space<vmem>> -> memref<8xi32, #tpu.memory_space<vmem>>
    %dma_start3A_295 = arith.constant 0 : i32
    %dma_start3A_296 = arith.constant 0 : i32
    %dma_start3A_297 = tpu.memref_slice %arg4[%dma_start3A_295, %dma_start3A_296] : memref<100000x1024xf32, #tpu.memory_space<hbm>> -> memref<100000x1024xf32, #tpu.memory_space<hbm>>
    tpu.enqueue_indirect_dma source(%dma_start3A_297 : memref<100000x1024xf32, #tpu.memory_space<hbm>>) target(%dma_start3A_291 : memref<8x1024xf32, #tpu.memory_space<vmem>>) offsets(%dma_start3A_294 : memref<8xi32, #tpu.memory_space<vmem>>) semaphore(%arg15 : memref<!tpu.dma_semaphore, #tpu.memory_space<semaphore_mem>>)
    %dma_wait3A_298 = arith.constant 0 : i32
    %dma_wait3A_299 = arith.constant 0 : i32
    %dma_wait3A_300 = tpu.memref_slice %arg3[%dma_wait3A_298, %dma_wait3A_299] : memref<8192x1024xf32, #tpu.memory_space<hbm>> -> memref<8x1024xf32, #tpu.memory_space<hbm>>
    %dma_wait3A_301 = arith.constant 0 : i32
    %dma_wait3A_302 = arith.constant 0 : i32
    %dma_wait3A_303 = tpu.memref_slice %arg3[%dma_wait3A_301, %dma_wait3A_302] : memref<8192x1024xf32, #tpu.memory_space<hbm>> -> memref<8x1024xf32, #tpu.memory_space<hbm>>
    tpu.wait_dma2 semaphore(%arg20 : memref<!tpu.dma_semaphore, #tpu.memory_space<semaphore_mem>>) src(%dma_wait3A_303 : memref<8x1024xf32, #tpu.memory_space<hbm>>) dst(%arg11 : memref<8x1024xf32, #tpu.memory_space<vmem>>)
    %dma_wait3A_304 = arith.constant 0 : i32
    %dma_wait3A_305 = arith.constant 0 : i32
    %dma_wait3A_306 = arith.constant 0 : i32
    %dma_wait3A_307 = arith.constant 0 : i32
    %dma_wait3A_308 = tpu.memref_slice %arg8[%dma_wait3A_305, %dma_wait3A_306, %dma_wait3A_307] : memref<4x8x1024xf32, #tpu.memory_space<vmem>> -> memref<1x8x1024xf32, #tpu.memory_space<vmem>>
    %dma_wait3A_309 = tpu.memref_squeeze %dma_wait3A_308 : memref<1x8x1024xf32, #tpu.memory_space<vmem>> -> memref<8x1024xf32, #tpu.memory_space<vmem>>
    %dma_wait3A_310 = arith.constant 0 : i32
    %dma_wait3A_311 = tpu.memref_slice %arg6[%dma_wait3A_304, %dma_wait3A_310] : memref<4x256xi32, #tpu.memory_space<vmem>> -> memref<1x8xi32, #tpu.memory_space<vmem>>
    %dma_wait3A_312 = tpu.memref_squeeze %dma_wait3A_311 : memref<1x8xi32, #tpu.memory_space<vmem>> -> memref<8xi32, #tpu.memory_space<vmem>>
    %dma_wait3A_313 = arith.constant 0 : i32
    %dma_wait3A_314 = arith.constant 0 : i32
    %dma_wait3A_315 = tpu.memref_slice %arg4[%dma_wait3A_313, %dma_wait3A_314] : memref<100000x1024xf32, #tpu.memory_space<hbm>> -> memref<100000x1024xf32, #tpu.memory_space<hbm>>
    tpu.wait_indirect_dma semaphore(%arg14 : memref<!tpu.dma_semaphore, #tpu.memory_space<semaphore_mem>>) src(%dma_wait3A_315 : memref<100000x1024xf32, #tpu.memory_space<hbm>>) dst(%dma_wait3A_309 : memref<8x1024xf32, #tpu.memory_space<vmem>>)
    %dma_wait3A_316 = arith.constant 1 : i32
    %dma_wait3A_317 = arith.constant 1 : i32
    %dma_wait3A_318 = arith.constant 0 : i32
    %dma_wait3A_319 = arith.constant 0 : i32
    %dma_wait3A_320 = tpu.memref_slice %arg8[%dma_wait3A_317, %dma_wait3A_318, %dma_wait3A_319] : memref<4x8x1024xf32, #tpu.memory_space<vmem>> -> memref<1x8x1024xf32, #tpu.memory_space<vmem>>
    %dma_wait3A_321 = tpu.memref_squeeze %dma_wait3A_320 : memref<1x8x1024xf32, #tpu.memory_space<vmem>> -> memref<8x1024xf32, #tpu.memory_space<vmem>>
    %dma_wait3A_322 = arith.constant 0 : i32
    %dma_wait3A_323 = tpu.memref_slice %arg6[%dma_wait3A_316, %dma_wait3A_322] : memref<4x256xi32, #tpu.memory_space<vmem>> -> memref<1x8xi32, #tpu.memory_space<vmem>>
    %dma_wait3A_324 = tpu.memref_squeeze %dma_wait3A_323 : memref<1x8xi32, #tpu.memory_space<vmem>> -> memref<8xi32, #tpu.memory_space<vmem>>
    %dma_wait3A_325 = arith.constant 0 : i32
    %dma_wait3A_326 = arith.constant 0 : i32
    %dma_wait3A_327 = tpu.memref_slice %arg4[%dma_wait3A_325, %dma_wait3A_326] : memref<100000x1024xf32, #tpu.memory_space<hbm>> -> memref<100000x1024xf32, #tpu.memory_space<hbm>>
    tpu.wait_indirect_dma semaphore(%arg14 : memref<!tpu.dma_semaphore, #tpu.memory_space<semaphore_mem>>) src(%dma_wait3A_327 : memref<100000x1024xf32, #tpu.memory_space<hbm>>) dst(%dma_wait3A_321 : memref<8x1024xf32, #tpu.memory_space<vmem>>)
    %dma_wait3A_328 = arith.constant 2 : i32
    %dma_wait3A_329 = arith.constant 2 : i32
    %dma_wait3A_330 = arith.constant 0 : i32
    %dma_wait3A_331 = arith.constant 0 : i32
    %dma_wait3A_332 = tpu.memref_slice %arg8[%dma_wait3A_329, %dma_wait3A_330, %dma_wait3A_331] : memref<4x8x1024xf32, #tpu.memory_space<vmem>> -> memref<1x8x1024xf32, #tpu.memory_space<vmem>>
    %dma_wait3A_333 = tpu.memref_squeeze %dma_wait3A_332 : memref<1x8x1024xf32, #tpu.memory_space<vmem>> -> memref<8x1024xf32, #tpu.memory_space<vmem>>
    %dma_wait3A_334 = arith.constant 0 : i32
    %dma_wait3A_335 = tpu.memref_slice %arg6[%dma_wait3A_328, %dma_wait3A_334] : memref<4x256xi32, #tpu.memory_space<vmem>> -> memref<1x8xi32, #tpu.memory_space<vmem>>
    %dma_wait3A_336 = tpu.memref_squeeze %dma_wait3A_335 : memref<1x8xi32, #tpu.memory_space<vmem>> -> memref<8xi32, #tpu.memory_space<vmem>>
    %dma_wait3A_337 = arith.constant 0 : i32
    %dma_wait3A_338 = arith.constant 0 : i32
    %dma_wait3A_339 = tpu.memref_slice %arg4[%dma_wait3A_337, %dma_wait3A_338] : memref<100000x1024xf32, #tpu.memory_space<hbm>> -> memref<100000x1024xf32, #tpu.memory_space<hbm>>
    tpu.wait_indirect_dma semaphore(%arg14 : memref<!tpu.dma_semaphore, #tpu.memory_space<semaphore_mem>>) src(%dma_wait3A_339 : memref<100000x1024xf32, #tpu.memory_space<hbm>>) dst(%dma_wait3A_333 : memref<8x1024xf32, #tpu.memory_space<vmem>>)
    %dma_wait3A_340 = arith.constant 3 : i32
    %dma_wait3A_341 = arith.constant 3 : i32
    %dma_wait3A_342 = arith.constant 0 : i32
    %dma_wait3A_343 = arith.constant 0 : i32
    %dma_wait3A_344 = tpu.memref_slice %arg8[%dma_wait3A_341, %dma_wait3A_342, %dma_wait3A_343] : memref<4x8x1024xf32, #tpu.memory_space<vmem>> -> memref<1x8x1024xf32, #tpu.memory_space<vmem>>
    %dma_wait3A_345 = tpu.memref_squeeze %dma_wait3A_344 : memref<1x8x1024xf32, #tpu.memory_space<vmem>> -> memref<8x1024xf32, #tpu.memory_space<vmem>>
    %dma_wait3A_346 = arith.constant 0 : i32
    %dma_wait3A_347 = tpu.memref_slice %arg6[%dma_wait3A_340, %dma_wait3A_346] : memref<4x256xi32, #tpu.memory_space<vmem>> -> memref<1x8xi32, #tpu.memory_space<vmem>>
    %dma_wait3A_348 = tpu.memref_squeeze %dma_wait3A_347 : memref<1x8xi32, #tpu.memory_space<vmem>> -> memref<8xi32, #tpu.memory_space<vmem>>
    %dma_wait3A_349 = arith.constant 0 : i32
    %dma_wait3A_350 = arith.constant 0 : i32
    %dma_wait3A_351 = tpu.memref_slice %arg4[%dma_wait3A_349, %dma_wait3A_350] : memref<100000x1024xf32, #tpu.memory_space<hbm>> -> memref<100000x1024xf32, #tpu.memory_space<hbm>>
    tpu.wait_indirect_dma semaphore(%arg14 : memref<!tpu.dma_semaphore, #tpu.memory_space<semaphore_mem>>) src(%dma_wait3A_351 : memref<100000x1024xf32, #tpu.memory_space<hbm>>) dst(%dma_wait3A_345 : memref<8x1024xf32, #tpu.memory_space<vmem>>)
    %parallel_loop3A_352 = arith.constant 0 : i32
    %parallel_loop3A_353 = arith.constant 512 : i32
    %parallel_loop3A_354 = arith.constant 1 : i32
    scf.for %parallel_loop3A_1211 = %parallel_loop3A_352 to %parallel_loop3A_353 step %parallel_loop3A_354  : i32 {
      %parallel_loop3A_1212 = arith.constant 6 : i32
      %parallel_loop3A_1213 = arith.shrui %parallel_loop3A_1211, %parallel_loop3A_1212 : i32
      %parallel_loop3A_1214 = arith.constant 63 : i32
      %parallel_loop3A_1215 = arith.andi %parallel_loop3A_1211, %parallel_loop3A_1214 : i32
      %parallel_loop3A_1216 = arith.constant 16 : i32
      %parallel_loop3A_1217 = arith.muli %parallel_loop3A_1215, %parallel_loop3A_1216 : i32
      %parallel_loop3A_1218 = arith.index_cast %parallel_loop3A_1213 : i32 to index
      %parallel_loop3A_1219 = arith.index_cast %parallel_loop3A_1217 : i32 to index
      %parallel_loop3A_1220 = tpu.vector_load %arg11[%parallel_loop3A_1218, %parallel_loop3A_1219] {strides = array<i32>} : memref<8x1024xf32, #tpu.memory_space<vmem>>, vector<1x16xf32>,
      %parallel_loop3A_1221 = vector.shape_cast %parallel_loop3A_1220 : vector<1x16xf32> to vector<16xf32>
      %parallel_loop3A_1222 = arith.constant 0 : i32
      %parallel_loop3A_1223 = arith.index_cast %parallel_loop3A_1222 : i32 to index
      %parallel_loop3A_1224 = arith.index_cast %parallel_loop3A_1213 : i32 to index
      %parallel_loop3A_1225 = arith.index_cast %parallel_loop3A_1217 : i32 to index
      %parallel_loop3A_1226 = tpu.vector_load %arg8[%parallel_loop3A_1223, %parallel_loop3A_1224, %parallel_loop3A_1225] {strides = array<i32>} : memref<4x8x1024xf32, #tpu.memory_space<vmem>>, vector<1x1x16xf32>,
      %parallel_loop3A_1227 = vector.shape_cast %parallel_loop3A_1226 : vector<1x1x16xf32> to vector<16xf32>
      %parallel_loop3A_1228 = vector.shape_cast %parallel_loop3A_1221 : vector<16xf32> to vector<1x1x16xf32>
      tpu.vector_store %arg8[%parallel_loop3A_1223, %parallel_loop3A_1224, %parallel_loop3A_1225], %parallel_loop3A_1228 {add = true, strides = array<i32>} : memref<4x8x1024xf32, #tpu.memory_space<vmem>>, vector<1x1x16xf32>,
      %parallel_loop3A_1229 = arith.constant 1 : i32
      %parallel_loop3A_1230 = arith.index_cast %parallel_loop3A_1229 : i32 to index
      %parallel_loop3A_1231 = arith.index_cast %parallel_loop3A_1213 : i32 to index
      %parallel_loop3A_1232 = arith.index_cast %parallel_loop3A_1217 : i32 to index
      %parallel_loop3A_1233 = tpu.vector_load %arg8[%parallel_loop3A_1230, %parallel_loop3A_1231, %parallel_loop3A_1232] {strides = array<i32>} : memref<4x8x1024xf32, #tpu.memory_space<vmem>>, vector<1x1x16xf32>,
      %parallel_loop3A_1234 = vector.shape_cast %parallel_loop3A_1233 : vector<1x1x16xf32> to vector<16xf32>
      %parallel_loop3A_1235 = vector.shape_cast %parallel_loop3A_1221 : vector<16xf32> to vector<1x1x16xf32>
      tpu.vector_store %arg8[%parallel_loop3A_1230, %parallel_loop3A_1231, %parallel_loop3A_1232], %parallel_loop3A_1235 {add = true, strides = array<i32>} : memref<4x8x1024xf32, #tpu.memory_space<vmem>>, vector<1x1x16xf32>,
      %parallel_loop3A_1236 = arith.constant 2 : i32
      %parallel_loop3A_1237 = arith.index_cast %parallel_loop3A_1236 : i32 to index
      %parallel_loop3A_1238 = arith.index_cast %parallel_loop3A_1213 : i32 to index
      %parallel_loop3A_1239 = arith.index_cast %parallel_loop3A_1217 : i32 to index
      %parallel_loop3A_1240 = tpu.vector_load %arg8[%parallel_loop3A_1237, %parallel_loop3A_1238, %parallel_loop3A_1239] {strides = array<i32>} : memref<4x8x1024xf32, #tpu.memory_space<vmem>>, vector<1x1x16xf32>,
      %parallel_loop3A_1241 = vector.shape_cast %parallel_loop3A_1240 : vector<1x1x16xf32> to vector<16xf32>
      %parallel_loop3A_1242 = vector.shape_cast %parallel_loop3A_1221 : vector<16xf32> to vector<1x1x16xf32>
      tpu.vector_store %arg8[%parallel_loop3A_1237, %parallel_loop3A_1238, %parallel_loop3A_1239], %parallel_loop3A_1242 {add = true, strides = array<i32>} : memref<4x8x1024xf32, #tpu.memory_space<vmem>>, vector<1x1x16xf32>,
      %parallel_loop3A_1243 = arith.constant 3 : i32
      %parallel_loop3A_1244 = arith.index_cast %parallel_loop3A_1243 : i32 to index
      %parallel_loop3A_1245 = arith.index_cast %parallel_loop3A_1213 : i32 to index
      %parallel_loop3A_1246 = arith.index_cast %parallel_loop3A_1217 : i32 to index
      %parallel_loop3A_1247 = tpu.vector_load %arg8[%parallel_loop3A_1244, %parallel_loop3A_1245, %parallel_loop3A_1246] {strides = array<i32>} : memref<4x8x1024xf32, #tpu.memory_space<vmem>>, vector<1x1x16xf32>,
      %parallel_loop3A_1248 = vector.shape_cast %parallel_loop3A_1247 : vector<1x1x16xf32> to vector<16xf32>
      %parallel_loop3A_1249 = vector.shape_cast %parallel_loop3A_1221 : vector<16xf32> to vector<1x1x16xf32>
      tpu.vector_store %arg8[%parallel_loop3A_1244, %parallel_loop3A_1245, %parallel_loop3A_1246], %parallel_loop3A_1249 {add = true, strides = array<i32>} : memref<4x8x1024xf32, #tpu.memory_space<vmem>>, vector<1x1x16xf32>,
    } {sc.loop_unroll_factor = 4 : i64, sc.parallel_access}
    %add3A_355 = arith.constant 24 : i32
    %add3A_356 = arith.addi %mul3A_2, %add3A_355 : i32
    %dma_start3A_357 = arith.constant 0 : i32
    %dma_start3A_358 = tpu.memref_slice %arg3[%add3A_356, %dma_start3A_357] : memref<8192x1024xf32, #tpu.memory_space<hbm>> -> memref<8x1024xf32, #tpu.memory_space<hbm>>
    %dma_start3A_359 = arith.constant 0 : i32
    %dma_start3A_360 = tpu.memref_slice %arg3[%add3A_356, %dma_start3A_359] : memref<8192x1024xf32, #tpu.memory_space<hbm>> -> memref<8x1024xf32, #tpu.memory_space<hbm>>
    tpu.enqueue_dma source(%dma_start3A_360 : memref<8x1024xf32, #tpu.memory_space<hbm>>) target(%arg10 : memref<8x1024xf32, #tpu.memory_space<vmem>>) target_semaphore(%arg19 : memref<!tpu.dma_semaphore, #tpu.memory_space<semaphore_mem>>)
    %add3A_361 = arith.constant 0 : i32
    %add3A_362 = arith.addi %add3A_361, %mul3A_2 : i32
    %add3A_363 = arith.constant 8 : i32
    %add3A_364 = arith.addi %add3A_362, %add3A_363 : i32
    %dma_start3A_365 = arith.constant 0 : i32
    %dma_start3A_366 = arith.constant 0 : i32
    %dma_start3A_367 = arith.constant 0 : i32
    %dma_start3A_368 = tpu.memref_slice %arg8[%dma_start3A_365, %dma_start3A_366, %dma_start3A_367] : memref<4x8x1024xf32, #tpu.memory_space<vmem>> -> memref<1x8x1024xf32, #tpu.memory_space<vmem>>
    %dma_start3A_369 = tpu.memref_squeeze %dma_start3A_368 : memref<1x8x1024xf32, #tpu.memory_space<vmem>> -> memref<8x1024xf32, #tpu.memory_space<vmem>>
    %dma_start3A_370 = arith.constant 0 : i32
    %dma_start3A_371 = tpu.memref_slice %arg5[%add3A_364, %dma_start3A_370] : memref<32768x1024xf32, #tpu.memory_space<hbm>> -> memref<8x1024xf32, #tpu.memory_space<hbm>>
    %dma_start3A_372 = arith.constant 0 : i32
    %dma_start3A_373 = tpu.memref_slice %arg5[%add3A_364, %dma_start3A_372] : memref<32768x1024xf32, #tpu.memory_space<hbm>> -> memref<8x1024xf32, #tpu.memory_space<hbm>>
    %dma_start3A_374 = arith.constant 0 : i32
    %dma_start3A_375 = arith.constant 0 : i32
    %dma_start3A_376 = tpu.memref_slice %arg8[%dma_start3A_365, %dma_start3A_374, %dma_start3A_375] : memref<4x8x1024xf32, #tpu.memory_space<vmem>> -> memref<1x8x1024xf32, #tpu.memory_space<vmem>>
    %dma_start3A_377 = tpu.memref_squeeze %dma_start3A_376 : memref<1x8x1024xf32, #tpu.memory_space<vmem>> -> memref<8x1024xf32, #tpu.memory_space<vmem>>
    tpu.enqueue_dma source(%dma_start3A_377 : memref<8x1024xf32, #tpu.memory_space<vmem>>) target(%dma_start3A_373 : memref<8x1024xf32, #tpu.memory_space<hbm>>) target_semaphore(%arg17 : memref<!tpu.dma_semaphore, #tpu.memory_space<semaphore_mem>>)
    %add3A_378 = arith.constant 8192 : i32
    %add3A_379 = arith.addi %add3A_378, %mul3A_2 : i32
    %add3A_380 = arith.constant 8 : i32
    %add3A_381 = arith.addi %add3A_379, %add3A_380 : i32
    %dma_start3A_382 = arith.constant 1 : i32
    %dma_start3A_383 = arith.constant 0 : i32
    %dma_start3A_384 = arith.constant 0 : i32
    %dma_start3A_385 = tpu.memref_slice %arg8[%dma_start3A_382, %dma_start3A_383, %dma_start3A_384] : memref<4x8x1024xf32, #tpu.memory_space<vmem>> -> memref<1x8x1024xf32, #tpu.memory_space<vmem>>
    %dma_start3A_386 = tpu.memref_squeeze %dma_start3A_385 : memref<1x8x1024xf32, #tpu.memory_space<vmem>> -> memref<8x1024xf32, #tpu.memory_space<vmem>>
    %dma_start3A_387 = arith.constant 0 : i32
    %dma_start3A_388 = tpu.memref_slice %arg5[%add3A_381, %dma_start3A_387] : memref<32768x1024xf32, #tpu.memory_space<hbm>> -> memref<8x1024xf32, #tpu.memory_space<hbm>>
    %dma_start3A_389 = arith.constant 0 : i32
    %dma_start3A_390 = tpu.memref_slice %arg5[%add3A_381, %dma_start3A_389] : memref<32768x1024xf32, #tpu.memory_space<hbm>> -> memref<8x1024xf32, #tpu.memory_space<hbm>>
    %dma_start3A_391 = arith.constant 0 : i32
    %dma_start3A_392 = arith.constant 0 : i32
    %dma_start3A_393 = tpu.memref_slice %arg8[%dma_start3A_382, %dma_start3A_391, %dma_start3A_392] : memref<4x8x1024xf32, #tpu.memory_space<vmem>> -> memref<1x8x1024xf32, #tpu.memory_space<vmem>>
    %dma_start3A_394 = tpu.memref_squeeze %dma_start3A_393 : memref<1x8x1024xf32, #tpu.memory_space<vmem>> -> memref<8x1024xf32, #tpu.memory_space<vmem>>
    tpu.enqueue_dma source(%dma_start3A_394 : memref<8x1024xf32, #tpu.memory_space<vmem>>) target(%dma_start3A_390 : memref<8x1024xf32, #tpu.memory_space<hbm>>) target_semaphore(%arg17 : memref<!tpu.dma_semaphore, #tpu.memory_space<semaphore_mem>>)
    %add3A_395 = arith.constant 16384 : i32
    %add3A_396 = arith.addi %add3A_395, %mul3A_2 : i32
    %add3A_397 = arith.constant 8 : i32
    %add3A_398 = arith.addi %add3A_396, %add3A_397 : i32
    %dma_start3A_399 = arith.constant 2 : i32
    %dma_start3A_400 = arith.constant 0 : i32
    %dma_start3A_401 = arith.constant 0 : i32
    %dma_start3A_402 = tpu.memref_slice %arg8[%dma_start3A_399, %dma_start3A_400, %dma_start3A_401] : memref<4x8x1024xf32, #tpu.memory_space<vmem>> -> memref<1x8x1024xf32, #tpu.memory_space<vmem>>
    %dma_start3A_403 = tpu.memref_squeeze %dma_start3A_402 : memref<1x8x1024xf32, #tpu.memory_space<vmem>> -> memref<8x1024xf32, #tpu.memory_space<vmem>>
    %dma_start3A_404 = arith.constant 0 : i32
    %dma_start3A_405 = tpu.memref_slice %arg5[%add3A_398, %dma_start3A_404] : memref<32768x1024xf32, #tpu.memory_space<hbm>> -> memref<8x1024xf32, #tpu.memory_space<hbm>>
    %dma_start3A_406 = arith.constant 0 : i32
    %dma_start3A_407 = tpu.memref_slice %arg5[%add3A_398, %dma_start3A_406] : memref<32768x1024xf32, #tpu.memory_space<hbm>> -> memref<8x1024xf32, #tpu.memory_space<hbm>>
    %dma_start3A_408 = arith.constant 0 : i32
    %dma_start3A_409 = arith.constant 0 : i32
    %dma_start3A_410 = tpu.memref_slice %arg8[%dma_start3A_399, %dma_start3A_408, %dma_start3A_409] : memref<4x8x1024xf32, #tpu.memory_space<vmem>> -> memref<1x8x1024xf32, #tpu.memory_space<vmem>>
    %dma_start3A_411 = tpu.memref_squeeze %dma_start3A_410 : memref<1x8x1024xf32, #tpu.memory_space<vmem>> -> memref<8x1024xf32, #tpu.memory_space<vmem>>
    tpu.enqueue_dma source(%dma_start3A_411 : memref<8x1024xf32, #tpu.memory_space<vmem>>) target(%dma_start3A_407 : memref<8x1024xf32, #tpu.memory_space<hbm>>) target_semaphore(%arg17 : memref<!tpu.dma_semaphore, #tpu.memory_space<semaphore_mem>>)
    %add3A_412 = arith.constant 24576 : i32
    %add3A_413 = arith.addi %add3A_412, %mul3A_2 : i32
    %add3A_414 = arith.constant 8 : i32
    %add3A_415 = arith.addi %add3A_413, %add3A_414 : i32
    %dma_start3A_416 = arith.constant 3 : i32
    %dma_start3A_417 = arith.constant 0 : i32
    %dma_start3A_418 = arith.constant 0 : i32
    %dma_start3A_419 = tpu.memref_slice %arg8[%dma_start3A_416, %dma_start3A_417, %dma_start3A_418] : memref<4x8x1024xf32, #tpu.memory_space<vmem>> -> memref<1x8x1024xf32, #tpu.memory_space<vmem>>
    %dma_start3A_420 = tpu.memref_squeeze %dma_start3A_419 : memref<1x8x1024xf32, #tpu.memory_space<vmem>> -> memref<8x1024xf32, #tpu.memory_space<vmem>>
    %dma_start3A_421 = arith.constant 0 : i32
    %dma_start3A_422 = tpu.memref_slice %arg5[%add3A_415, %dma_start3A_421] : memref<32768x1024xf32, #tpu.memory_space<hbm>> -> memref<8x1024xf32, #tpu.memory_space<hbm>>
    %dma_start3A_423 = arith.constant 0 : i32
    %dma_start3A_424 = tpu.memref_slice %arg5[%add3A_415, %dma_start3A_423] : memref<32768x1024xf32, #tpu.memory_space<hbm>> -> memref<8x1024xf32, #tpu.memory_space<hbm>>
    %dma_start3A_425 = arith.constant 0 : i32
    %dma_start3A_426 = arith.constant 0 : i32
    %dma_start3A_427 = tpu.memref_slice %arg8[%dma_start3A_416, %dma_start3A_425, %dma_start3A_426] : memref<4x8x1024xf32, #tpu.memory_space<vmem>> -> memref<1x8x1024xf32, #tpu.memory_space<vmem>>
    %dma_start3A_428 = tpu.memref_squeeze %dma_start3A_427 : memref<1x8x1024xf32, #tpu.memory_space<vmem>> -> memref<8x1024xf32, #tpu.memory_space<vmem>>
    tpu.enqueue_dma source(%dma_start3A_428 : memref<8x1024xf32, #tpu.memory_space<vmem>>) target(%dma_start3A_424 : memref<8x1024xf32, #tpu.memory_space<hbm>>) target_semaphore(%arg17 : memref<!tpu.dma_semaphore, #tpu.memory_space<semaphore_mem>>)
    %scan3A = arith.constant 0 : i32
    %scan3A_429 = arith.constant 0 : i32
    %scan3A_430 = arith.constant 9 : i32
    %scan3A_431 = arith.addi %scan3A_429, %scan3A_430 : i32
    %scan3A_432 = arith.constant 1 : i32
    scf.for %scan3A_1211 = %scan3A_429 to %scan3A_431 step %scan3A_432  : i32 {
      %mul3A_1212 = arith.constant 3 : i32
      %mul3A_1213 = arith.muli %mul3A_1212, %scan3A_1211 : i32
      %add3A_1214 = arith.constant 2 : i32
      %add3A_1215 = arith.addi %add3A_1214, %mul3A_1213 : i32
      %dma_wait3A_1216 = arith.constant 0 : i32
      %dma_wait3A_1217 = arith.constant 0 : i32
      %dma_wait3A_1218 = arith.constant 0 : i32
      %dma_wait3A_1219 = tpu.memref_slice %arg7[%dma_wait3A_1216, %dma_wait3A_1217, %dma_wait3A_1218] : memref<4x8x1024xf32, #tpu.memory_space<vmem>> -> memref<1x8x1024xf32, #tpu.memory_space<vmem>>
      %dma_wait3A_1220 = tpu.memref_squeeze %dma_wait3A_1219 : memref<1x8x1024xf32, #tpu.memory_space<vmem>> -> memref<8x1024xf32, #tpu.memory_space<vmem>>
      %dma_wait3A_1221 = arith.constant 0 : i32
      %dma_wait3A_1222 = arith.constant 0 : i32
      %dma_wait3A_1223 = tpu.memref_slice %arg5[%dma_wait3A_1221, %dma_wait3A_1222] : memref<32768x1024xf32, #tpu.memory_space<hbm>> -> memref<8x1024xf32, #tpu.memory_space<hbm>>
      %dma_wait3A_1224 = arith.constant 0 : i32
      %dma_wait3A_1225 = arith.constant 0 : i32
      %dma_wait3A_1226 = tpu.memref_slice %arg5[%dma_wait3A_1224, %dma_wait3A_1225] : memref<32768x1024xf32, #tpu.memory_space<hbm>> -> memref<8x1024xf32, #tpu.memory_space<hbm>>
      %dma_wait3A_1227 = arith.constant 0 : i32
      %dma_wait3A_1228 = arith.constant 0 : i32
      %dma_wait3A_1229 = tpu.memref_slice %arg7[%dma_wait3A_1216, %dma_wait3A_1227, %dma_wait3A_1228] : memref<4x8x1024xf32, #tpu.memory_space<vmem>> -> memref<1x8x1024xf32, #tpu.memory_space<vmem>>
      %dma_wait3A_1230 = tpu.memref_squeeze %dma_wait3A_1229 : memref<1x8x1024xf32, #tpu.memory_space<vmem>> -> memref<8x1024xf32, #tpu.memory_space<vmem>>
      tpu.wait_dma2 semaphore(%arg16 : memref<!tpu.dma_semaphore, #tpu.memory_space<semaphore_mem>>) src(%dma_wait3A_1230 : memref<8x1024xf32, #tpu.memory_space<vmem>>) dst(%dma_wait3A_1226 : memref<8x1024xf32, #tpu.memory_space<hbm>>)
      %dma_wait3A_1231 = arith.constant 1 : i32
      %dma_wait3A_1232 = arith.constant 0 : i32
      %dma_wait3A_1233 = arith.constant 0 : i32
      %dma_wait3A_1234 = tpu.memref_slice %arg7[%dma_wait3A_1231, %dma_wait3A_1232, %dma_wait3A_1233] : memref<4x8x1024xf32, #tpu.memory_space<vmem>> -> memref<1x8x1024xf32, #tpu.memory_space<vmem>>
      %dma_wait3A_1235 = tpu.memref_squeeze %dma_wait3A_1234 : memref<1x8x1024xf32, #tpu.memory_space<vmem>> -> memref<8x1024xf32, #tpu.memory_space<vmem>>
      %dma_wait3A_1236 = arith.constant 0 : i32
      %dma_wait3A_1237 = arith.constant 0 : i32
      %dma_wait3A_1238 = tpu.memref_slice %arg5[%dma_wait3A_1236, %dma_wait3A_1237] : memref<32768x1024xf32, #tpu.memory_space<hbm>> -> memref<8x1024xf32, #tpu.memory_space<hbm>>
      %dma_wait3A_1239 = arith.constant 0 : i32
      %dma_wait3A_1240 = arith.constant 0 : i32
      %dma_wait3A_1241 = tpu.memref_slice %arg5[%dma_wait3A_1239, %dma_wait3A_1240] : memref<32768x1024xf32, #tpu.memory_space<hbm>> -> memref<8x1024xf32, #tpu.memory_space<hbm>>
      %dma_wait3A_1242 = arith.constant 0 : i32
      %dma_wait3A_1243 = arith.constant 0 : i32
      %dma_wait3A_1244 = tpu.memref_slice %arg7[%dma_wait3A_1231, %dma_wait3A_1242, %dma_wait3A_1243] : memref<4x8x1024xf32, #tpu.memory_space<vmem>> -> memref<1x8x1024xf32, #tpu.memory_space<vmem>>
      %dma_wait3A_1245 = tpu.memref_squeeze %dma_wait3A_1244 : memref<1x8x1024xf32, #tpu.memory_space<vmem>> -> memref<8x1024xf32, #tpu.memory_space<vmem>>
      tpu.wait_dma2 semaphore(%arg16 : memref<!tpu.dma_semaphore, #tpu.memory_space<semaphore_mem>>) src(%dma_wait3A_1245 : memref<8x1024xf32, #tpu.memory_space<vmem>>) dst(%dma_wait3A_1241 : memref<8x1024xf32, #tpu.memory_space<hbm>>)
      %dma_wait3A_1246 = arith.constant 2 : i32
      %dma_wait3A_1247 = arith.constant 0 : i32
      %dma_wait3A_1248 = arith.constant 0 : i32
      %dma_wait3A_1249 = tpu.memref_slice %arg7[%dma_wait3A_1246, %dma_wait3A_1247, %dma_wait3A_1248] : memref<4x8x1024xf32, #tpu.memory_space<vmem>> -> memref<1x8x1024xf32, #tpu.memory_space<vmem>>
      %dma_wait3A_1250 = tpu.memref_squeeze %dma_wait3A_1249 : memref<1x8x1024xf32, #tpu.memory_space<vmem>> -> memref<8x1024xf32, #tpu.memory_space<vmem>>
      %dma_wait3A_1251 = arith.constant 0 : i32
      %dma_wait3A_1252 = arith.constant 0 : i32
      %dma_wait3A_1253 = tpu.memref_slice %arg5[%dma_wait3A_1251, %dma_wait3A_1252] : memref<32768x1024xf32, #tpu.memory_space<hbm>> -> memref<8x1024xf32, #tpu.memory_space<hbm>>
      %dma_wait3A_1254 = arith.constant 0 : i32
      %dma_wait3A_1255 = arith.constant 0 : i32
      %dma_wait3A_1256 = tpu.memref_slice %arg5[%dma_wait3A_1254, %dma_wait3A_1255] : memref<32768x1024xf32, #tpu.memory_space<hbm>> -> memref<8x1024xf32, #tpu.memory_space<hbm>>
      %dma_wait3A_1257 = arith.constant 0 : i32
      %dma_wait3A_1258 = arith.constant 0 : i32
      %dma_wait3A_1259 = tpu.memref_slice %arg7[%dma_wait3A_1246, %dma_wait3A_1257, %dma_wait3A_1258] : memref<4x8x1024xf32, #tpu.memory_space<vmem>> -> memref<1x8x1024xf32, #tpu.memory_space<vmem>>
      %dma_wait3A_1260 = tpu.memref_squeeze %dma_wait3A_1259 : memref<1x8x1024xf32, #tpu.memory_space<vmem>> -> memref<8x1024xf32, #tpu.memory_space<vmem>>
      tpu.wait_dma2 semaphore(%arg16 : memref<!tpu.dma_semaphore, #tpu.memory_space<semaphore_mem>>) src(%dma_wait3A_1260 : memref<8x1024xf32, #tpu.memory_space<vmem>>) dst(%dma_wait3A_1256 : memref<8x1024xf32, #tpu.memory_space<hbm>>)
      %dma_wait3A_1261 = arith.constant 3 : i32
      %dma_wait3A_1262 = arith.constant 0 : i32
      %dma_wait3A_1263 = arith.constant 0 : i32
      %dma_wait3A_1264 = tpu.memref_slice %arg7[%dma_wait3A_1261, %dma_wait3A_1262, %dma_wait3A_1263] : memref<4x8x1024xf32, #tpu.memory_space<vmem>> -> memref<1x8x1024xf32, #tpu.memory_space<vmem>>
      %dma_wait3A_1265 = tpu.memref_squeeze %dma_wait3A_1264 : memref<1x8x1024xf32, #tpu.memory_space<vmem>> -> memref<8x1024xf32, #tpu.memory_space<vmem>>
      %dma_wait3A_1266 = arith.constant 0 : i32
      %dma_wait3A_1267 = arith.constant 0 : i32
      %dma_wait3A_1268 = tpu.memref_slice %arg5[%dma_wait3A_1266, %dma_wait3A_1267] : memref<32768x1024xf32, #tpu.memory_space<hbm>> -> memref<8x1024xf32, #tpu.memory_space<hbm>>
      %dma_wait3A_1269 = arith.constant 0 : i32
      %dma_wait3A_1270 = arith.constant 0 : i32
      %dma_wait3A_1271 = tpu.memref_slice %arg5[%dma_wait3A_1269, %dma_wait3A_1270] : memref<32768x1024xf32, #tpu.memory_space<hbm>> -> memref<8x1024xf32, #tpu.memory_space<hbm>>
      %dma_wait3A_1272 = arith.constant 0 : i32
      %dma_wait3A_1273 = arith.constant 0 : i32
      %dma_wait3A_1274 = tpu.memref_slice %arg7[%dma_wait3A_1261, %dma_wait3A_1272, %dma_wait3A_1273] : memref<4x8x1024xf32, #tpu.memory_space<vmem>> -> memref<1x8x1024xf32, #tpu.memory_space<vmem>>
      %dma_wait3A_1275 = tpu.memref_squeeze %dma_wait3A_1274 : memref<1x8x1024xf32, #tpu.memory_space<vmem>> -> memref<8x1024xf32, #tpu.memory_space<vmem>>
      tpu.wait_dma2 semaphore(%arg16 : memref<!tpu.dma_semaphore, #tpu.memory_space<semaphore_mem>>) src(%dma_wait3A_1275 : memref<8x1024xf32, #tpu.memory_space<vmem>>) dst(%dma_wait3A_1271 : memref<8x1024xf32, #tpu.memory_space<hbm>>)
      %add3A_1276 = arith.constant 1 : i32
      %add3A_1277 = arith.addi %add3A_1215, %add3A_1276 : i32
      %mul3A_1278 = arith.constant 8 : i32
      %mul3A_1279 = arith.muli %add3A_1277, %mul3A_1278 : i32
      %dma_start3A_1280 = arith.constant 0 : i32
      %dma_start3A_1281 = arith.constant 0 : i32
      %dma_start3A_1282 = arith.constant 0 : i32
      %dma_start3A_1283 = arith.constant 0 : i32
      %dma_start3A_1284 = tpu.memref_slice %arg7[%dma_start3A_1281, %dma_start3A_1282, %dma_start3A_1283] : memref<4x8x1024xf32, #tpu.memory_space<vmem>> -> memref<1x8x1024xf32, #tpu.memory_space<vmem>>
      %dma_start3A_1285 = tpu.memref_squeeze %dma_start3A_1284 : memref<1x8x1024xf32, #tpu.memory_space<vmem>> -> memref<8x1024xf32, #tpu.memory_space<vmem>>
      %dma_start3A_1286 = tpu.memref_slice %arg6[%dma_start3A_1280, %mul3A_1279] : memref<4x256xi32, #tpu.memory_space<vmem>> -> memref<1x8xi32, #tpu.memory_space<vmem>>
      %dma_start3A_1287 = tpu.memref_squeeze %dma_start3A_1286 : memref<1x8xi32, #tpu.memory_space<vmem>> -> memref<8xi32, #tpu.memory_space<vmem>>
      %dma_start3A_1288 = arith.constant 0 : i32
      %dma_start3A_1289 = arith.constant 0 : i32
      %dma_start3A_1290 = tpu.memref_slice %arg4[%dma_start3A_1288, %dma_start3A_1289] : memref<100000x1024xf32, #tpu.memory_space<hbm>> -> memref<100000x1024xf32, #tpu.memory_space<hbm>>
      tpu.enqueue_indirect_dma source(%dma_start3A_1290 : memref<100000x1024xf32, #tpu.memory_space<hbm>>) target(%dma_start3A_1285 : memref<8x1024xf32, #tpu.memory_space<vmem>>) offsets(%dma_start3A_1287 : memref<8xi32, #tpu.memory_space<vmem>>) semaphore(%arg13 : memref<!tpu.dma_semaphore, #tpu.memory_space<semaphore_mem>>)
      %mul3A_1291 = arith.constant 8 : i32
      %mul3A_1292 = arith.muli %add3A_1277, %mul3A_1291 : i32
      %dma_start3A_1293 = arith.constant 1 : i32
      %dma_start3A_1294 = arith.constant 1 : i32
      %dma_start3A_1295 = arith.constant 0 : i32
      %dma_start3A_1296 = arith.constant 0 : i32
      %dma_start3A_1297 = tpu.memref_slice %arg7[%dma_start3A_1294, %dma_start3A_1295, %dma_start3A_1296] : memref<4x8x1024xf32, #tpu.memory_space<vmem>> -> memref<1x8x1024xf32, #tpu.memory_space<vmem>>
      %dma_start3A_1298 = tpu.memref_squeeze %dma_start3A_1297 : memref<1x8x1024xf32, #tpu.memory_space<vmem>> -> memref<8x1024xf32, #tpu.memory_space<vmem>>
      %dma_start3A_1299 = tpu.memref_slice %arg6[%dma_start3A_1293, %mul3A_1292] : memref<4x256xi32, #tpu.memory_space<vmem>> -> memref<1x8xi32, #tpu.memory_space<vmem>>
      %dma_start3A_1300 = tpu.memref_squeeze %dma_start3A_1299 : memref<1x8xi32, #tpu.memory_space<vmem>> -> memref<8xi32, #tpu.memory_space<vmem>>
      %dma_start3A_1301 = arith.constant 0 : i32
      %dma_start3A_1302 = arith.constant 0 : i32
      %dma_start3A_1303 = tpu.memref_slice %arg4[%dma_start3A_1301, %dma_start3A_1302] : memref<100000x1024xf32, #tpu.memory_space<hbm>> -> memref<100000x1024xf32, #tpu.memory_space<hbm>>
      tpu.enqueue_indirect_dma source(%dma_start3A_1303 : memref<100000x1024xf32, #tpu.memory_space<hbm>>) target(%dma_start3A_1298 : memref<8x1024xf32, #tpu.memory_space<vmem>>) offsets(%dma_start3A_1300 : memref<8xi32, #tpu.memory_space<vmem>>) semaphore(%arg13 : memref<!tpu.dma_semaphore, #tpu.memory_space<semaphore_mem>>)
      %mul3A_1304 = arith.constant 8 : i32
      %mul3A_1305 = arith.muli %add3A_1277, %mul3A_1304 : i32
      %dma_start3A_1306 = arith.constant 2 : i32
      %dma_start3A_1307 = arith.constant 2 : i32
      %dma_start3A_1308 = arith.constant 0 : i32
      %dma_start3A_1309 = arith.constant 0 : i32
      %dma_start3A_1310 = tpu.memref_slice %arg7[%dma_start3A_1307, %dma_start3A_1308, %dma_start3A_1309] : memref<4x8x1024xf32, #tpu.memory_space<vmem>> -> memref<1x8x1024xf32, #tpu.memory_space<vmem>>
      %dma_start3A_1311 = tpu.memref_squeeze %dma_start3A_1310 : memref<1x8x1024xf32, #tpu.memory_space<vmem>> -> memref<8x1024xf32, #tpu.memory_space<vmem>>
      %dma_start3A_1312 = tpu.memref_slice %arg6[%dma_start3A_1306, %mul3A_1305] : memref<4x256xi32, #tpu.memory_space<vmem>> -> memref<1x8xi32, #tpu.memory_space<vmem>>
      %dma_start3A_1313 = tpu.memref_squeeze %dma_start3A_1312 : memref<1x8xi32, #tpu.memory_space<vmem>> -> memref<8xi32, #tpu.memory_space<vmem>>
      %dma_start3A_1314 = arith.constant 0 : i32
      %dma_start3A_1315 = arith.constant 0 : i32
      %dma_start3A_1316 = tpu.memref_slice %arg4[%dma_start3A_1314, %dma_start3A_1315] : memref<100000x1024xf32, #tpu.memory_space<hbm>> -> memref<100000x1024xf32, #tpu.memory_space<hbm>>
      tpu.enqueue_indirect_dma source(%dma_start3A_1316 : memref<100000x1024xf32, #tpu.memory_space<hbm>>) target(%dma_start3A_1311 : memref<8x1024xf32, #tpu.memory_space<vmem>>) offsets(%dma_start3A_1313 : memref<8xi32, #tpu.memory_space<vmem>>) semaphore(%arg13 : memref<!tpu.dma_semaphore, #tpu.memory_space<semaphore_mem>>)
      %mul3A_1317 = arith.constant 8 : i32
      %mul3A_1318 = arith.muli %add3A_1277, %mul3A_1317 : i32
      %dma_start3A_1319 = arith.constant 3 : i32
      %dma_start3A_1320 = arith.constant 3 : i32
      %dma_start3A_1321 = arith.constant 0 : i32
      %dma_start3A_1322 = arith.constant 0 : i32
      %dma_start3A_1323 = tpu.memref_slice %arg7[%dma_start3A_1320, %dma_start3A_1321, %dma_start3A_1322] : memref<4x8x1024xf32, #tpu.memory_space<vmem>> -> memref<1x8x1024xf32, #tpu.memory_space<vmem>>
      %dma_start3A_1324 = tpu.memref_squeeze %dma_start3A_1323 : memref<1x8x1024xf32, #tpu.memory_space<vmem>> -> memref<8x1024xf32, #tpu.memory_space<vmem>>
      %dma_start3A_1325 = tpu.memref_slice %arg6[%dma_start3A_1319, %mul3A_1318] : memref<4x256xi32, #tpu.memory_space<vmem>> -> memref<1x8xi32, #tpu.memory_space<vmem>>
      %dma_start3A_1326 = tpu.memref_squeeze %dma_start3A_1325 : memref<1x8xi32, #tpu.memory_space<vmem>> -> memref<8xi32, #tpu.memory_space<vmem>>
      %dma_start3A_1327 = arith.constant 0 : i32
      %dma_start3A_1328 = arith.constant 0 : i32
      %dma_start3A_1329 = tpu.memref_slice %arg4[%dma_start3A_1327, %dma_start3A_1328] : memref<100000x1024xf32, #tpu.memory_space<hbm>> -> memref<100000x1024xf32, #tpu.memory_space<hbm>>
      tpu.enqueue_indirect_dma source(%dma_start3A_1329 : memref<100000x1024xf32, #tpu.memory_space<hbm>>) target(%dma_start3A_1324 : memref<8x1024xf32, #tpu.memory_space<vmem>>) offsets(%dma_start3A_1326 : memref<8xi32, #tpu.memory_space<vmem>>) semaphore(%arg13 : memref<!tpu.dma_semaphore, #tpu.memory_space<semaphore_mem>>)
      %dma_wait3A_1330 = arith.constant 0 : i32
      %dma_wait3A_1331 = arith.constant 0 : i32
      %dma_wait3A_1332 = tpu.memref_slice %arg3[%dma_wait3A_1330, %dma_wait3A_1331] : memref<8192x1024xf32, #tpu.memory_space<hbm>> -> memref<8x1024xf32, #tpu.memory_space<hbm>>
      %dma_wait3A_1333 = arith.constant 0 : i32
      %dma_wait3A_1334 = arith.constant 0 : i32
      %dma_wait3A_1335 = tpu.memref_slice %arg3[%dma_wait3A_1333, %dma_wait3A_1334] : memref<8192x1024xf32, #tpu.memory_space<hbm>> -> memref<8x1024xf32, #tpu.memory_space<hbm>>
      tpu.wait_dma2 semaphore(%arg21 : memref<!tpu.dma_semaphore, #tpu.memory_space<semaphore_mem>>) src(%dma_wait3A_1335 : memref<8x1024xf32, #tpu.memory_space<hbm>>) dst(%arg12 : memref<8x1024xf32, #tpu.memory_space<vmem>>)
      %dma_wait3A_1336 = arith.constant 0 : i32
      %dma_wait3A_1337 = arith.constant 0 : i32
      %dma_wait3A_1338 = arith.constant 0 : i32
      %dma_wait3A_1339 = arith.constant 0 : i32
      %dma_wait3A_1340 = tpu.memref_slice %arg9[%dma_wait3A_1337, %dma_wait3A_1338, %dma_wait3A_1339] : memref<4x8x1024xf32, #tpu.memory_space<vmem>> -> memref<1x8x1024xf32, #tpu.memory_space<vmem>>
      %dma_wait3A_1341 = tpu.memref_squeeze %dma_wait3A_1340 : memref<1x8x1024xf32, #tpu.memory_space<vmem>> -> memref<8x1024xf32, #tpu.memory_space<vmem>>
      %dma_wait3A_1342 = arith.constant 0 : i32
      %dma_wait3A_1343 = tpu.memref_slice %arg6[%dma_wait3A_1336, %dma_wait3A_1342] : memref<4x256xi32, #tpu.memory_space<vmem>> -> memref<1x8xi32, #tpu.memory_space<vmem>>
      %dma_wait3A_1344 = tpu.memref_squeeze %dma_wait3A_1343 : memref<1x8xi32, #tpu.memory_space<vmem>> -> memref<8xi32, #tpu.memory_space<vmem>>
      %dma_wait3A_1345 = arith.constant 0 : i32
      %dma_wait3A_1346 = arith.constant 0 : i32
      %dma_wait3A_1347 = tpu.memref_slice %arg4[%dma_wait3A_1345, %dma_wait3A_1346] : memref<100000x1024xf32, #tpu.memory_space<hbm>> -> memref<100000x1024xf32, #tpu.memory_space<hbm>>
      tpu.wait_indirect_dma semaphore(%arg15 : memref<!tpu.dma_semaphore, #tpu.memory_space<semaphore_mem>>) src(%dma_wait3A_1347 : memref<100000x1024xf32, #tpu.memory_space<hbm>>) dst(%dma_wait3A_1341 : memref<8x1024xf32, #tpu.memory_space<vmem>>)
      %dma_wait3A_1348 = arith.constant 1 : i32
      %dma_wait3A_1349 = arith.constant 1 : i32
      %dma_wait3A_1350 = arith.constant 0 : i32
      %dma_wait3A_1351 = arith.constant 0 : i32
      %dma_wait3A_1352 = tpu.memref_slice %arg9[%dma_wait3A_1349, %dma_wait3A_1350, %dma_wait3A_1351] : memref<4x8x1024xf32, #tpu.memory_space<vmem>> -> memref<1x8x1024xf32, #tpu.memory_space<vmem>>
      %dma_wait3A_1353 = tpu.memref_squeeze %dma_wait3A_1352 : memref<1x8x1024xf32, #tpu.memory_space<vmem>> -> memref<8x1024xf32, #tpu.memory_space<vmem>>
      %dma_wait3A_1354 = arith.constant 0 : i32
      %dma_wait3A_1355 = tpu.memref_slice %arg6[%dma_wait3A_1348, %dma_wait3A_1354] : memref<4x256xi32, #tpu.memory_space<vmem>> -> memref<1x8xi32, #tpu.memory_space<vmem>>
      %dma_wait3A_1356 = tpu.memref_squeeze %dma_wait3A_1355 : memref<1x8xi32, #tpu.memory_space<vmem>> -> memref<8xi32, #tpu.memory_space<vmem>>
      %dma_wait3A_1357 = arith.constant 0 : i32
      %dma_wait3A_1358 = arith.constant 0 : i32
      %dma_wait3A_1359 = tpu.memref_slice %arg4[%dma_wait3A_1357, %dma_wait3A_1358] : memref<100000x1024xf32, #tpu.memory_space<hbm>> -> memref<100000x1024xf32, #tpu.memory_space<hbm>>
      tpu.wait_indirect_dma semaphore(%arg15 : memref<!tpu.dma_semaphore, #tpu.memory_space<semaphore_mem>>) src(%dma_wait3A_1359 : memref<100000x1024xf32, #tpu.memory_space<hbm>>) dst(%dma_wait3A_1353 : memref<8x1024xf32, #tpu.memory_space<vmem>>)
      %dma_wait3A_1360 = arith.constant 2 : i32
      %dma_wait3A_1361 = arith.constant 2 : i32
      %dma_wait3A_1362 = arith.constant 0 : i32
      %dma_wait3A_1363 = arith.constant 0 : i32
      %dma_wait3A_1364 = tpu.memref_slice %arg9[%dma_wait3A_1361, %dma_wait3A_1362, %dma_wait3A_1363] : memref<4x8x1024xf32, #tpu.memory_space<vmem>> -> memref<1x8x1024xf32, #tpu.memory_space<vmem>>
      %dma_wait3A_1365 = tpu.memref_squeeze %dma_wait3A_1364 : memref<1x8x1024xf32, #tpu.memory_space<vmem>> -> memref<8x1024xf32, #tpu.memory_space<vmem>>
      %dma_wait3A_1366 = arith.constant 0 : i32
      %dma_wait3A_1367 = tpu.memref_slice %arg6[%dma_wait3A_1360, %dma_wait3A_1366] : memref<4x256xi32, #tpu.memory_space<vmem>> -> memref<1x8xi32, #tpu.memory_space<vmem>>
      %dma_wait3A_1368 = tpu.memref_squeeze %dma_wait3A_1367 : memref<1x8xi32, #tpu.memory_space<vmem>> -> memref<8xi32, #tpu.memory_space<vmem>>
      %dma_wait3A_1369 = arith.constant 0 : i32
      %dma_wait3A_1370 = arith.constant 0 : i32
      %dma_wait3A_1371 = tpu.memref_slice %arg4[%dma_wait3A_1369, %dma_wait3A_1370] : memref<100000x1024xf32, #tpu.memory_space<hbm>> -> memref<100000x1024xf32, #tpu.memory_space<hbm>>
      tpu.wait_indirect_dma semaphore(%arg15 : memref<!tpu.dma_semaphore, #tpu.memory_space<semaphore_mem>>) src(%dma_wait3A_1371 : memref<100000x1024xf32, #tpu.memory_space<hbm>>) dst(%dma_wait3A_1365 : memref<8x1024xf32, #tpu.memory_space<vmem>>)
      %dma_wait3A_1372 = arith.constant 3 : i32
      %dma_wait3A_1373 = arith.constant 3 : i32
      %dma_wait3A_1374 = arith.constant 0 : i32
      %dma_wait3A_1375 = arith.constant 0 : i32
      %dma_wait3A_1376 = tpu.memref_slice %arg9[%dma_wait3A_1373, %dma_wait3A_1374, %dma_wait3A_1375] : memref<4x8x1024xf32, #tpu.memory_space<vmem>> -> memref<1x8x1024xf32, #tpu.memory_space<vmem>>
      %dma_wait3A_1377 = tpu.memref_squeeze %dma_wait3A_1376 : memref<1x8x1024xf32, #tpu.memory_space<vmem>> -> memref<8x1024xf32, #tpu.memory_space<vmem>>
      %dma_wait3A_1378 = arith.constant 0 : i32
      %dma_wait3A_1379 = tpu.memref_slice %arg6[%dma_wait3A_1372, %dma_wait3A_1378] : memref<4x256xi32, #tpu.memory_space<vmem>> -> memref<1x8xi32, #tpu.memory_space<vmem>>
      %dma_wait3A_1380 = tpu.memref_squeeze %dma_wait3A_1379 : memref<1x8xi32, #tpu.memory_space<vmem>> -> memref<8xi32, #tpu.memory_space<vmem>>
      %dma_wait3A_1381 = arith.constant 0 : i32
      %dma_wait3A_1382 = arith.constant 0 : i32
      %dma_wait3A_1383 = tpu.memref_slice %arg4[%dma_wait3A_1381, %dma_wait3A_1382] : memref<100000x1024xf32, #tpu.memory_space<hbm>> -> memref<100000x1024xf32, #tpu.memory_space<hbm>>
      tpu.wait_indirect_dma semaphore(%arg15 : memref<!tpu.dma_semaphore, #tpu.memory_space<semaphore_mem>>) src(%dma_wait3A_1383 : memref<100000x1024xf32, #tpu.memory_space<hbm>>) dst(%dma_wait3A_1377 : memref<8x1024xf32, #tpu.memory_space<vmem>>)
      %parallel_loop3A_1384 = arith.constant 0 : i32
      %parallel_loop3A_1385 = arith.constant 512 : i32
      %parallel_loop3A_1386 = arith.constant 1 : i32
      scf.for %parallel_loop3A_1976 = %parallel_loop3A_1384 to %parallel_loop3A_1385 step %parallel_loop3A_1386  : i32 {
        %parallel_loop3A_1977 = arith.constant 6 : i32
        %parallel_loop3A_1978 = arith.shrui %parallel_loop3A_1976, %parallel_loop3A_1977 : i32
        %parallel_loop3A_1979 = arith.constant 63 : i32
        %parallel_loop3A_1980 = arith.andi %parallel_loop3A_1976, %parallel_loop3A_1979 : i32
        %parallel_loop3A_1981 = arith.constant 16 : i32
        %parallel_loop3A_1982 = arith.muli %parallel_loop3A_1980, %parallel_loop3A_1981 : i32
        %parallel_loop3A_1983 = arith.index_cast %parallel_loop3A_1978 : i32 to index
        %parallel_loop3A_1984 = arith.index_cast %parallel_loop3A_1982 : i32 to index
        %parallel_loop3A_1985 = tpu.vector_load %arg12[%parallel_loop3A_1983, %parallel_loop3A_1984] {strides = array<i32>} : memref<8x1024xf32, #tpu.memory_space<vmem>>, vector<1x16xf32>,
        %parallel_loop3A_1986 = vector.shape_cast %parallel_loop3A_1985 : vector<1x16xf32> to vector<16xf32>
        %parallel_loop3A_1987 = arith.constant 0 : i32
        %parallel_loop3A_1988 = arith.index_cast %parallel_loop3A_1987 : i32 to index
        %parallel_loop3A_1989 = arith.index_cast %parallel_loop3A_1978 : i32 to index
        %parallel_loop3A_1990 = arith.index_cast %parallel_loop3A_1982 : i32 to index
        %parallel_loop3A_1991 = tpu.vector_load %arg9[%parallel_loop3A_1988, %parallel_loop3A_1989, %parallel_loop3A_1990] {strides = array<i32>} : memref<4x8x1024xf32, #tpu.memory_space<vmem>>, vector<1x1x16xf32>,
        %parallel_loop3A_1992 = vector.shape_cast %parallel_loop3A_1991 : vector<1x1x16xf32> to vector<16xf32>
        %parallel_loop3A_1993 = vector.shape_cast %parallel_loop3A_1986 : vector<16xf32> to vector<1x1x16xf32>
        tpu.vector_store %arg9[%parallel_loop3A_1988, %parallel_loop3A_1989, %parallel_loop3A_1990], %parallel_loop3A_1993 {add = true, strides = array<i32>} : memref<4x8x1024xf32, #tpu.memory_space<vmem>>, vector<1x1x16xf32>,
        %parallel_loop3A_1994 = arith.constant 1 : i32
        %parallel_loop3A_1995 = arith.index_cast %parallel_loop3A_1994 : i32 to index
        %parallel_loop3A_1996 = arith.index_cast %parallel_loop3A_1978 : i32 to index
        %parallel_loop3A_1997 = arith.index_cast %parallel_loop3A_1982 : i32 to index
        %parallel_loop3A_1998 = tpu.vector_load %arg9[%parallel_loop3A_1995, %parallel_loop3A_1996, %parallel_loop3A_1997] {strides = array<i32>} : memref<4x8x1024xf32, #tpu.memory_space<vmem>>, vector<1x1x16xf32>,
        %parallel_loop3A_1999 = vector.shape_cast %parallel_loop3A_1998 : vector<1x1x16xf32> to vector<16xf32>
        %parallel_loop3A_2000 = vector.shape_cast %parallel_loop3A_1986 : vector<16xf32> to vector<1x1x16xf32>
        tpu.vector_store %arg9[%parallel_loop3A_1995, %parallel_loop3A_1996, %parallel_loop3A_1997], %parallel_loop3A_2000 {add = true, strides = array<i32>} : memref<4x8x1024xf32, #tpu.memory_space<vmem>>, vector<1x1x16xf32>,
        %parallel_loop3A_2001 = arith.constant 2 : i32
        %parallel_loop3A_2002 = arith.index_cast %parallel_loop3A_2001 : i32 to index
        %parallel_loop3A_2003 = arith.index_cast %parallel_loop3A_1978 : i32 to index
        %parallel_loop3A_2004 = arith.index_cast %parallel_loop3A_1982 : i32 to index
        %parallel_loop3A_2005 = tpu.vector_load %arg9[%parallel_loop3A_2002, %parallel_loop3A_2003, %parallel_loop3A_2004] {strides = array<i32>} : memref<4x8x1024xf32, #tpu.memory_space<vmem>>, vector<1x1x16xf32>,
        %parallel_loop3A_2006 = vector.shape_cast %parallel_loop3A_2005 : vector<1x1x16xf32> to vector<16xf32>
        %parallel_loop3A_2007 = vector.shape_cast %parallel_loop3A_1986 : vector<16xf32> to vector<1x1x16xf32>
        tpu.vector_store %arg9[%parallel_loop3A_2002, %parallel_loop3A_2003, %parallel_loop3A_2004], %parallel_loop3A_2007 {add = true, strides = array<i32>} : memref<4x8x1024xf32, #tpu.memory_space<vmem>>, vector<1x1x16xf32>,
        %parallel_loop3A_2008 = arith.constant 3 : i32
        %parallel_loop3A_2009 = arith.index_cast %parallel_loop3A_2008 : i32 to index
        %parallel_loop3A_2010 = arith.index_cast %parallel_loop3A_1978 : i32 to index
        %parallel_loop3A_2011 = arith.index_cast %parallel_loop3A_1982 : i32 to index
        %parallel_loop3A_2012 = tpu.vector_load %arg9[%parallel_loop3A_2009, %parallel_loop3A_2010, %parallel_loop3A_2011] {strides = array<i32>} : memref<4x8x1024xf32, #tpu.memory_space<vmem>>, vector<1x1x16xf32>,
        %parallel_loop3A_2013 = vector.shape_cast %parallel_loop3A_2012 : vector<1x1x16xf32> to vector<16xf32>
        %parallel_loop3A_2014 = vector.shape_cast %parallel_loop3A_1986 : vector<16xf32> to vector<1x1x16xf32>
        tpu.vector_store %arg9[%parallel_loop3A_2009, %parallel_loop3A_2010, %parallel_loop3A_2011], %parallel_loop3A_2014 {add = true, strides = array<i32>} : memref<4x8x1024xf32, #tpu.memory_space<vmem>>, vector<1x1x16xf32>,
      } {sc.loop_unroll_factor = 4 : i64, sc.parallel_access}
      %add3A_1387 = arith.constant 2 : i32
      %add3A_1388 = arith.addi %add3A_1215, %add3A_1387 : i32
      %mul3A_1389 = arith.constant 8 : i32
      %mul3A_1390 = arith.muli %add3A_1388, %mul3A_1389 : i32
      %add3A_1391 = arith.addi %mul3A_2, %mul3A_1390 : i32
      %dma_start3A_1392 = arith.constant 0 : i32
      %dma_start3A_1393 = tpu.memref_slice %arg3[%add3A_1391, %dma_start3A_1392] : memref<8192x1024xf32, #tpu.memory_space<hbm>> -> memref<8x1024xf32, #tpu.memory_space<hbm>>
      %dma_start3A_1394 = arith.constant 0 : i32
      %dma_start3A_1395 = tpu.memref_slice %arg3[%add3A_1391, %dma_start3A_1394] : memref<8192x1024xf32, #tpu.memory_space<hbm>> -> memref<8x1024xf32, #tpu.memory_space<hbm>>
      tpu.enqueue_dma source(%dma_start3A_1395 : memref<8x1024xf32, #tpu.memory_space<hbm>>) target(%arg11 : memref<8x1024xf32, #tpu.memory_space<vmem>>) target_semaphore(%arg20 : memref<!tpu.dma_semaphore, #tpu.memory_space<semaphore_mem>>)
      %add3A_1396 = arith.constant 0 : i32
      %add3A_1397 = arith.addi %add3A_1396, %mul3A_2 : i32
      %mul3A_1398 = arith.constant 8 : i32
      %mul3A_1399 = arith.muli %add3A_1215, %mul3A_1398 : i32
      %add3A_1400 = arith.addi %add3A_1397, %mul3A_1399 : i32
      %dma_start3A_1401 = arith.constant 0 : i32
      %dma_start3A_1402 = arith.constant 0 : i32
      %dma_start3A_1403 = arith.constant 0 : i32
      %dma_start3A_1404 = tpu.memref_slice %arg9[%dma_start3A_1401, %dma_start3A_1402, %dma_start3A_1403] : memref<4x8x1024xf32, #tpu.memory_space<vmem>> -> memref<1x8x1024xf32, #tpu.memory_space<vmem>>
      %dma_start3A_1405 = tpu.memref_squeeze %dma_start3A_1404 : memref<1x8x1024xf32, #tpu.memory_space<vmem>> -> memref<8x1024xf32, #tpu.memory_space<vmem>>
      %dma_start3A_1406 = arith.constant 0 : i32
      %dma_start3A_1407 = tpu.memref_slice %arg5[%add3A_1400, %dma_start3A_1406] : memref<32768x1024xf32, #tpu.memory_space<hbm>> -> memref<8x1024xf32, #tpu.memory_space<hbm>>
      %dma_start3A_1408 = arith.constant 0 : i32
      %dma_start3A_1409 = tpu.memref_slice %arg5[%add3A_1400, %dma_start3A_1408] : memref<32768x1024xf32, #tpu.memory_space<hbm>> -> memref<8x1024xf32, #tpu.memory_space<hbm>>
      %dma_start3A_1410 = arith.constant 0 : i32
      %dma_start3A_1411 = arith.constant 0 : i32
      %dma_start3A_1412 = tpu.memref_slice %arg9[%dma_start3A_1401, %dma_start3A_1410, %dma_start3A_1411] : memref<4x8x1024xf32, #tpu.memory_space<vmem>> -> memref<1x8x1024xf32, #tpu.memory_space<vmem>>
      %dma_start3A_1413 = tpu.memref_squeeze %dma_start3A_1412 : memref<1x8x1024xf32, #tpu.memory_space<vmem>> -> memref<8x1024xf32, #tpu.memory_space<vmem>>
      tpu.enqueue_dma source(%dma_start3A_1413 : memref<8x1024xf32, #tpu.memory_space<vmem>>) target(%dma_start3A_1409 : memref<8x1024xf32, #tpu.memory_space<hbm>>) target_semaphore(%arg18 : memref<!tpu.dma_semaphore, #tpu.memory_space<semaphore_mem>>)
      %add3A_1414 = arith.constant 8192 : i32
      %add3A_1415 = arith.addi %add3A_1414, %mul3A_2 : i32
      %mul3A_1416 = arith.constant 8 : i32
      %mul3A_1417 = arith.muli %add3A_1215, %mul3A_1416 : i32
      %add3A_1418 = arith.addi %add3A_1415, %mul3A_1417 : i32
      %dma_start3A_1419 = arith.constant 1 : i32
      %dma_start3A_1420 = arith.constant 0 : i32
      %dma_start3A_1421 = arith.constant 0 : i32
      %dma_start3A_1422 = tpu.memref_slice %arg9[%dma_start3A_1419, %dma_start3A_1420, %dma_start3A_1421] : memref<4x8x1024xf32, #tpu.memory_space<vmem>> -> memref<1x8x1024xf32, #tpu.memory_space<vmem>>
      %dma_start3A_1423 = tpu.memref_squeeze %dma_start3A_1422 : memref<1x8x1024xf32, #tpu.memory_space<vmem>> -> memref<8x1024xf32, #tpu.memory_space<vmem>>
      %dma_start3A_1424 = arith.constant 0 : i32
      %dma_start3A_1425 = tpu.memref_slice %arg5[%add3A_1418, %dma_start3A_1424] : memref<32768x1024xf32, #tpu.memory_space<hbm>> -> memref<8x1024xf32, #tpu.memory_space<hbm>>
      %dma_start3A_1426 = arith.constant 0 : i32
      %dma_start3A_1427 = tpu.memref_slice %arg5[%add3A_1418, %dma_start3A_1426] : memref<32768x1024xf32, #tpu.memory_space<hbm>> -> memref<8x1024xf32, #tpu.memory_space<hbm>>
      %dma_start3A_1428 = arith.constant 0 : i32
      %dma_start3A_1429 = arith.constant 0 : i32
      %dma_start3A_1430 = tpu.memref_slice %arg9[%dma_start3A_1419, %dma_start3A_1428, %dma_start3A_1429] : memref<4x8x1024xf32, #tpu.memory_space<vmem>> -> memref<1x8x1024xf32, #tpu.memory_space<vmem>>
      %dma_start3A_1431 = tpu.memref_squeeze %dma_start3A_1430 : memref<1x8x1024xf32, #tpu.memory_space<vmem>> -> memref<8x1024xf32, #tpu.memory_space<vmem>>
      tpu.enqueue_dma source(%dma_start3A_1431 : memref<8x1024xf32, #tpu.memory_space<vmem>>) target(%dma_start3A_1427 : memref<8x1024xf32, #tpu.memory_space<hbm>>) target_semaphore(%arg18 : memref<!tpu.dma_semaphore, #tpu.memory_space<semaphore_mem>>)
      %add3A_1432 = arith.constant 16384 : i32
      %add3A_1433 = arith.addi %add3A_1432, %mul3A_2 : i32
      %mul3A_1434 = arith.constant 8 : i32
      %mul3A_1435 = arith.muli %add3A_1215, %mul3A_1434 : i32
      %add3A_1436 = arith.addi %add3A_1433, %mul3A_1435 : i32
      %dma_start3A_1437 = arith.constant 2 : i32
      %dma_start3A_1438 = arith.constant 0 : i32
      %dma_start3A_1439 = arith.constant 0 : i32
      %dma_start3A_1440 = tpu.memref_slice %arg9[%dma_start3A_1437, %dma_start3A_1438, %dma_start3A_1439] : memref<4x8x1024xf32, #tpu.memory_space<vmem>> -> memref<1x8x1024xf32, #tpu.memory_space<vmem>>
      %dma_start3A_1441 = tpu.memref_squeeze %dma_start3A_1440 : memref<1x8x1024xf32, #tpu.memory_space<vmem>> -> memref<8x1024xf32, #tpu.memory_space<vmem>>
      %dma_start3A_1442 = arith.constant 0 : i32
      %dma_start3A_1443 = tpu.memref_slice %arg5[%add3A_1436, %dma_start3A_1442] : memref<32768x1024xf32, #tpu.memory_space<hbm>> -> memref<8x1024xf32, #tpu.memory_space<hbm>>
      %dma_start3A_1444 = arith.constant 0 : i32
      %dma_start3A_1445 = tpu.memref_slice %arg5[%add3A_1436, %dma_start3A_1444] : memref<32768x1024xf32, #tpu.memory_space<hbm>> -> memref<8x1024xf32, #tpu.memory_space<hbm>>
      %dma_start3A_1446 = arith.constant 0 : i32
      %dma_start3A_1447 = arith.constant 0 : i32
      %dma_start3A_1448 = tpu.memref_slice %arg9[%dma_start3A_1437, %dma_start3A_1446, %dma_start3A_1447] : memref<4x8x1024xf32, #tpu.memory_space<vmem>> -> memref<1x8x1024xf32, #tpu.memory_space<vmem>>
      %dma_start3A_1449 = tpu.memref_squeeze %dma_start3A_1448 : memref<1x8x1024xf32, #tpu.memory_space<vmem>> -> memref<8x1024xf32, #tpu.memory_space<vmem>>
      tpu.enqueue_dma source(%dma_start3A_1449 : memref<8x1024xf32, #tpu.memory_space<vmem>>) target(%dma_start3A_1445 : memref<8x1024xf32, #tpu.memory_space<hbm>>) target_semaphore(%arg18 : memref<!tpu.dma_semaphore, #tpu.memory_space<semaphore_mem>>)
      %add3A_1450 = arith.constant 24576 : i32
      %add3A_1451 = arith.addi %add3A_1450, %mul3A_2 : i32
      %mul3A_1452 = arith.constant 8 : i32
      %mul3A_1453 = arith.muli %add3A_1215, %mul3A_1452 : i32
      %add3A_1454 = arith.addi %add3A_1451, %mul3A_1453 : i32
      %dma_start3A_1455 = arith.constant 3 : i32
      %dma_start3A_1456 = arith.constant 0 : i32
      %dma_start3A_1457 = arith.constant 0 : i32
      %dma_start3A_1458 = tpu.memref_slice %arg9[%dma_start3A_1455, %dma_start3A_1456, %dma_start3A_1457] : memref<4x8x1024xf32, #tpu.memory_space<vmem>> -> memref<1x8x1024xf32, #tpu.memory_space<vmem>>
      %dma_start3A_1459 = tpu.memref_squeeze %dma_start3A_1458 : memref<1x8x1024xf32, #tpu.memory_space<vmem>> -> memref<8x1024xf32, #tpu.memory_space<vmem>>
      %dma_start3A_1460 = arith.constant 0 : i32
      %dma_start3A_1461 = tpu.memref_slice %arg5[%add3A_1454, %dma_start3A_1460] : memref<32768x1024xf32, #tpu.memory_space<hbm>> -> memref<8x1024xf32, #tpu.memory_space<hbm>>
      %dma_start3A_1462 = arith.constant 0 : i32
      %dma_start3A_1463 = tpu.memref_slice %arg5[%add3A_1454, %dma_start3A_1462] : memref<32768x1024xf32, #tpu.memory_space<hbm>> -> memref<8x1024xf32, #tpu.memory_space<hbm>>
      %dma_start3A_1464 = arith.constant 0 : i32
      %dma_start3A_1465 = arith.constant 0 : i32
      %dma_start3A_1466 = tpu.memref_slice %arg9[%dma_start3A_1455, %dma_start3A_1464, %dma_start3A_1465] : memref<4x8x1024xf32, #tpu.memory_space<vmem>> -> memref<1x8x1024xf32, #tpu.memory_space<vmem>>
      %dma_start3A_1467 = tpu.memref_squeeze %dma_start3A_1466 : memref<1x8x1024xf32, #tpu.memory_space<vmem>> -> memref<8x1024xf32, #tpu.memory_space<vmem>>
      tpu.enqueue_dma source(%dma_start3A_1467 : memref<8x1024xf32, #tpu.memory_space<vmem>>) target(%dma_start3A_1463 : memref<8x1024xf32, #tpu.memory_space<hbm>>) target_semaphore(%arg18 : memref<!tpu.dma_semaphore, #tpu.memory_space<semaphore_mem>>)
      %add3A_1468 = arith.constant 1 : i32
      %add3A_1469 = arith.addi %add3A_1215, %add3A_1468 : i32
      %dma_wait3A_1470 = arith.constant 0 : i32
      %dma_wait3A_1471 = arith.constant 0 : i32
      %dma_wait3A_1472 = arith.constant 0 : i32
      %dma_wait3A_1473 = tpu.memref_slice %arg8[%dma_wait3A_1470, %dma_wait3A_1471, %dma_wait3A_1472] : memref<4x8x1024xf32, #tpu.memory_space<vmem>> -> memref<1x8x1024xf32, #tpu.memory_space<vmem>>
      %dma_wait3A_1474 = tpu.memref_squeeze %dma_wait3A_1473 : memref<1x8x1024xf32, #tpu.memory_space<vmem>> -> memref<8x1024xf32, #tpu.memory_space<vmem>>
      %dma_wait3A_1475 = arith.constant 0 : i32
      %dma_wait3A_1476 = arith.constant 0 : i32
      %dma_wait3A_1477 = tpu.memref_slice %arg5[%dma_wait3A_1475, %dma_wait3A_1476] : memref<32768x1024xf32, #tpu.memory_space<hbm>> -> memref<8x1024xf32, #tpu.memory_space<hbm>>
      %dma_wait3A_1478 = arith.constant 0 : i32
      %dma_wait3A_1479 = arith.constant 0 : i32
      %dma_wait3A_1480 = tpu.memref_slice %arg5[%dma_wait3A_1478, %dma_wait3A_1479] : memref<32768x1024xf32, #tpu.memory_space<hbm>> -> memref<8x1024xf32, #tpu.memory_space<hbm>>
      %dma_wait3A_1481 = arith.constant 0 : i32
      %dma_wait3A_1482 = arith.constant 0 : i32
      %dma_wait3A_1483 = tpu.memref_slice %arg8[%dma_wait3A_1470, %dma_wait3A_1481, %dma_wait3A_1482] : memref<4x8x1024xf32, #tpu.memory_space<vmem>> -> memref<1x8x1024xf32, #tpu.memory_space<vmem>>
      %dma_wait3A_1484 = tpu.memref_squeeze %dma_wait3A_1483 : memref<1x8x1024xf32, #tpu.memory_space<vmem>> -> memref<8x1024xf32, #tpu.memory_space<vmem>>
      tpu.wait_dma2 semaphore(%arg17 : memref<!tpu.dma_semaphore, #tpu.memory_space<semaphore_mem>>) src(%dma_wait3A_1484 : memref<8x1024xf32, #tpu.memory_space<vmem>>) dst(%dma_wait3A_1480 : memref<8x1024xf32, #tpu.memory_space<hbm>>)
      %dma_wait3A_1485 = arith.constant 1 : i32
      %dma_wait3A_1486 = arith.constant 0 : i32
      %dma_wait3A_1487 = arith.constant 0 : i32
      %dma_wait3A_1488 = tpu.memref_slice %arg8[%dma_wait3A_1485, %dma_wait3A_1486, %dma_wait3A_1487] : memref<4x8x1024xf32, #tpu.memory_space<vmem>> -> memref<1x8x1024xf32, #tpu.memory_space<vmem>>
      %dma_wait3A_1489 = tpu.memref_squeeze %dma_wait3A_1488 : memref<1x8x1024xf32, #tpu.memory_space<vmem>> -> memref<8x1024xf32, #tpu.memory_space<vmem>>
      %dma_wait3A_1490 = arith.constant 0 : i32
      %dma_wait3A_1491 = arith.constant 0 : i32
      %dma_wait3A_1492 = tpu.memref_slice %arg5[%dma_wait3A_1490, %dma_wait3A_1491] : memref<32768x1024xf32, #tpu.memory_space<hbm>> -> memref<8x1024xf32, #tpu.memory_space<hbm>>
      %dma_wait3A_1493 = arith.constant 0 : i32
      %dma_wait3A_1494 = arith.constant 0 : i32
      %dma_wait3A_1495 = tpu.memref_slice %arg5[%dma_wait3A_1493, %dma_wait3A_1494] : memref<32768x1024xf32, #tpu.memory_space<hbm>> -> memref<8x1024xf32, #tpu.memory_space<hbm>>
      %dma_wait3A_1496 = arith.constant 0 : i32
      %dma_wait3A_1497 = arith.constant 0 : i32
      %dma_wait3A_1498 = tpu.memref_slice %arg8[%dma_wait3A_1485, %dma_wait3A_1496, %dma_wait3A_1497] : memref<4x8x1024xf32, #tpu.memory_space<vmem>> -> memref<1x8x1024xf32, #tpu.memory_space<vmem>>
      %dma_wait3A_1499 = tpu.memref_squeeze %dma_wait3A_1498 : memref<1x8x1024xf32, #tpu.memory_space<vmem>> -> memref<8x1024xf32, #tpu.memory_space<vmem>>
      tpu.wait_dma2 semaphore(%arg17 : memref<!tpu.dma_semaphore, #tpu.memory_space<semaphore_mem>>) src(%dma_wait3A_1499 : memref<8x1024xf32, #tpu.memory_space<vmem>>) dst(%dma_wait3A_1495 : memref<8x1024xf32, #tpu.memory_space<hbm>>)
      %dma_wait3A_1500 = arith.constant 2 : i32
      %dma_wait3A_1501 = arith.constant 0 : i32
      %dma_wait3A_1502 = arith.constant 0 : i32
      %dma_wait3A_1503 = tpu.memref_slice %arg8[%dma_wait3A_1500, %dma_wait3A_1501, %dma_wait3A_1502] : memref<4x8x1024xf32, #tpu.memory_space<vmem>> -> memref<1x8x1024xf32, #tpu.memory_space<vmem>>
      %dma_wait3A_1504 = tpu.memref_squeeze %dma_wait3A_1503 : memref<1x8x1024xf32, #tpu.memory_space<vmem>> -> memref<8x1024xf32, #tpu.memory_space<vmem>>
      %dma_wait3A_1505 = arith.constant 0 : i32
      %dma_wait3A_1506 = arith.constant 0 : i32
      %dma_wait3A_1507 = tpu.memref_slice %arg5[%dma_wait3A_1505, %dma_wait3A_1506] : memref<32768x1024xf32, #tpu.memory_space<hbm>> -> memref<8x1024xf32, #tpu.memory_space<hbm>>
      %dma_wait3A_1508 = arith.constant 0 : i32
      %dma_wait3A_1509 = arith.constant 0 : i32
      %dma_wait3A_1510 = tpu.memref_slice %arg5[%dma_wait3A_1508, %dma_wait3A_1509] : memref<32768x1024xf32, #tpu.memory_space<hbm>> -> memref<8x1024xf32, #tpu.memory_space<hbm>>
      %dma_wait3A_1511 = arith.constant 0 : i32
      %dma_wait3A_1512 = arith.constant 0 : i32
      %dma_wait3A_1513 = tpu.memref_slice %arg8[%dma_wait3A_1500, %dma_wait3A_1511, %dma_wait3A_1512] : memref<4x8x1024xf32, #tpu.memory_space<vmem>> -> memref<1x8x1024xf32, #tpu.memory_space<vmem>>
      %dma_wait3A_1514 = tpu.memref_squeeze %dma_wait3A_1513 : memref<1x8x1024xf32, #tpu.memory_space<vmem>> -> memref<8x1024xf32, #tpu.memory_space<vmem>>
      tpu.wait_dma2 semaphore(%arg17 : memref<!tpu.dma_semaphore, #tpu.memory_space<semaphore_mem>>) src(%dma_wait3A_1514 : memref<8x1024xf32, #tpu.memory_space<vmem>>) dst(%dma_wait3A_1510 : memref<8x1024xf32, #tpu.memory_space<hbm>>)
      %dma_wait3A_1515 = arith.constant 3 : i32
      %dma_wait3A_1516 = arith.constant 0 : i32
      %dma_wait3A_1517 = arith.constant 0 : i32
      %dma_wait3A_1518 = tpu.memref_slice %arg8[%dma_wait3A_1515, %dma_wait3A_1516, %dma_wait3A_1517] : memref<4x8x1024xf32, #tpu.memory_space<vmem>> -> memref<1x8x1024xf32, #tpu.memory_space<vmem>>
      %dma_wait3A_1519 = tpu.memref_squeeze %dma_wait3A_1518 : memref<1x8x1024xf32, #tpu.memory_space<vmem>> -> memref<8x1024xf32, #tpu.memory_space<vmem>>
      %dma_wait3A_1520 = arith.constant 0 : i32
      %dma_wait3A_1521 = arith.constant 0 : i32
      %dma_wait3A_1522 = tpu.memref_slice %arg5[%dma_wait3A_1520, %dma_wait3A_1521] : memref<32768x1024xf32, #tpu.memory_space<hbm>> -> memref<8x1024xf32, #tpu.memory_space<hbm>>
      %dma_wait3A_1523 = arith.constant 0 : i32
      %dma_wait3A_1524 = arith.constant 0 : i32
      %dma_wait3A_1525 = tpu.memref_slice %arg5[%dma_wait3A_1523, %dma_wait3A_1524] : memref<32768x1024xf32, #tpu.memory_space<hbm>> -> memref<8x1024xf32, #tpu.memory_space<hbm>>
      %dma_wait3A_1526 = arith.constant 0 : i32
      %dma_wait3A_1527 = arith.constant 0 : i32
      %dma_wait3A_1528 = tpu.memref_slice %arg8[%dma_wait3A_1515, %dma_wait3A_1526, %dma_wait3A_1527] : memref<4x8x1024xf32, #tpu.memory_space<vmem>> -> memref<1x8x1024xf32, #tpu.memory_space<vmem>>
      %dma_wait3A_1529 = tpu.memref_squeeze %dma_wait3A_1528 : memref<1x8x1024xf32, #tpu.memory_space<vmem>> -> memref<8x1024xf32, #tpu.memory_space<vmem>>
      tpu.wait_dma2 semaphore(%arg17 : memref<!tpu.dma_semaphore, #tpu.memory_space<semaphore_mem>>) src(%dma_wait3A_1529 : memref<8x1024xf32, #tpu.memory_space<vmem>>) dst(%dma_wait3A_1525 : memref<8x1024xf32, #tpu.memory_space<hbm>>)
      %add3A_1530 = arith.constant 1 : i32
      %add3A_1531 = arith.addi %add3A_1469, %add3A_1530 : i32
      %mul3A_1532 = arith.constant 8 : i32
      %mul3A_1533 = arith.muli %add3A_1531, %mul3A_1532 : i32
      %dma_start3A_1534 = arith.constant 0 : i32
      %dma_start3A_1535 = arith.constant 0 : i32
      %dma_start3A_1536 = arith.constant 0 : i32
      %dma_start3A_1537 = arith.constant 0 : i32
      %dma_start3A_1538 = tpu.memref_slice %arg8[%dma_start3A_1535, %dma_start3A_1536, %dma_start3A_1537] : memref<4x8x1024xf32, #tpu.memory_space<vmem>> -> memref<1x8x1024xf32, #tpu.memory_space<vmem>>
      %dma_start3A_1539 = tpu.memref_squeeze %dma_start3A_1538 : memref<1x8x1024xf32, #tpu.memory_space<vmem>> -> memref<8x1024xf32, #tpu.memory_space<vmem>>
      %dma_start3A_1540 = tpu.memref_slice %arg6[%dma_start3A_1534, %mul3A_1533] : memref<4x256xi32, #tpu.memory_space<vmem>> -> memref<1x8xi32, #tpu.memory_space<vmem>>
      %dma_start3A_1541 = tpu.memref_squeeze %dma_start3A_1540 : memref<1x8xi32, #tpu.memory_space<vmem>> -> memref<8xi32, #tpu.memory_space<vmem>>
      %dma_start3A_1542 = arith.constant 0 : i32
      %dma_start3A_1543 = arith.constant 0 : i32
      %dma_start3A_1544 = tpu.memref_slice %arg4[%dma_start3A_1542, %dma_start3A_1543] : memref<100000x1024xf32, #tpu.memory_space<hbm>> -> memref<100000x1024xf32, #tpu.memory_space<hbm>>
      tpu.enqueue_indirect_dma source(%dma_start3A_1544 : memref<100000x1024xf32, #tpu.memory_space<hbm>>) target(%dma_start3A_1539 : memref<8x1024xf32, #tpu.memory_space<vmem>>) offsets(%dma_start3A_1541 : memref<8xi32, #tpu.memory_space<vmem>>) semaphore(%arg14 : memref<!tpu.dma_semaphore, #tpu.memory_space<semaphore_mem>>)
      %mul3A_1545 = arith.constant 8 : i32
      %mul3A_1546 = arith.muli %add3A_1531, %mul3A_1545 : i32
      %dma_start3A_1547 = arith.constant 1 : i32
      %dma_start3A_1548 = arith.constant 1 : i32
      %dma_start3A_1549 = arith.constant 0 : i32
      %dma_start3A_1550 = arith.constant 0 : i32
      %dma_start3A_1551 = tpu.memref_slice %arg8[%dma_start3A_1548, %dma_start3A_1549, %dma_start3A_1550] : memref<4x8x1024xf32, #tpu.memory_space<vmem>> -> memref<1x8x1024xf32, #tpu.memory_space<vmem>>
      %dma_start3A_1552 = tpu.memref_squeeze %dma_start3A_1551 : memref<1x8x1024xf32, #tpu.memory_space<vmem>> -> memref<8x1024xf32, #tpu.memory_space<vmem>>
      %dma_start3A_1553 = tpu.memref_slice %arg6[%dma_start3A_1547, %mul3A_1546] : memref<4x256xi32, #tpu.memory_space<vmem>> -> memref<1x8xi32, #tpu.memory_space<vmem>>
      %dma_start3A_1554 = tpu.memref_squeeze %dma_start3A_1553 : memref<1x8xi32, #tpu.memory_space<vmem>> -> memref<8xi32, #tpu.memory_space<vmem>>
      %dma_start3A_1555 = arith.constant 0 : i32
      %dma_start3A_1556 = arith.constant 0 : i32
      %dma_start3A_1557 = tpu.memref_slice %arg4[%dma_start3A_1555, %dma_start3A_1556] : memref<100000x1024xf32, #tpu.memory_space<hbm>> -> memref<100000x1024xf32, #tpu.memory_space<hbm>>
      tpu.enqueue_indirect_dma source(%dma_start3A_1557 : memref<100000x1024xf32, #tpu.memory_space<hbm>>) target(%dma_start3A_1552 : memref<8x1024xf32, #tpu.memory_space<vmem>>) offsets(%dma_start3A_1554 : memref<8xi32, #tpu.memory_space<vmem>>) semaphore(%arg14 : memref<!tpu.dma_semaphore, #tpu.memory_space<semaphore_mem>>)
      %mul3A_1558 = arith.constant 8 : i32
      %mul3A_1559 = arith.muli %add3A_1531, %mul3A_1558 : i32
      %dma_start3A_1560 = arith.constant 2 : i32
      %dma_start3A_1561 = arith.constant 2 : i32
      %dma_start3A_1562 = arith.constant 0 : i32
      %dma_start3A_1563 = arith.constant 0 : i32
      %dma_start3A_1564 = tpu.memref_slice %arg8[%dma_start3A_1561, %dma_start3A_1562, %dma_start3A_1563] : memref<4x8x1024xf32, #tpu.memory_space<vmem>> -> memref<1x8x1024xf32, #tpu.memory_space<vmem>>
      %dma_start3A_1565 = tpu.memref_squeeze %dma_start3A_1564 : memref<1x8x1024xf32, #tpu.memory_space<vmem>> -> memref<8x1024xf32, #tpu.memory_space<vmem>>
      %dma_start3A_1566 = tpu.memref_slice %arg6[%dma_start3A_1560, %mul3A_1559] : memref<4x256xi32, #tpu.memory_space<vmem>> -> memref<1x8xi32, #tpu.memory_space<vmem>>
      %dma_start3A_1567 = tpu.memref_squeeze %dma_start3A_1566 : memref<1x8xi32, #tpu.memory_space<vmem>> -> memref<8xi32, #tpu.memory_space<vmem>>
      %dma_start3A_1568 = arith.constant 0 : i32
      %dma_start3A_1569 = arith.constant 0 : i32
      %dma_start3A_1570 = tpu.memref_slice %arg4[%dma_start3A_1568, %dma_start3A_1569] : memref<100000x1024xf32, #tpu.memory_space<hbm>> -> memref<100000x1024xf32, #tpu.memory_space<hbm>>
      tpu.enqueue_indirect_dma source(%dma_start3A_1570 : memref<100000x1024xf32, #tpu.memory_space<hbm>>) target(%dma_start3A_1565 : memref<8x1024xf32, #tpu.memory_space<vmem>>) offsets(%dma_start3A_1567 : memref<8xi32, #tpu.memory_space<vmem>>) semaphore(%arg14 : memref<!tpu.dma_semaphore, #tpu.memory_space<semaphore_mem>>)
      %mul3A_1571 = arith.constant 8 : i32
      %mul3A_1572 = arith.muli %add3A_1531, %mul3A_1571 : i32
      %dma_start3A_1573 = arith.constant 3 : i32
      %dma_start3A_1574 = arith.constant 3 : i32
      %dma_start3A_1575 = arith.constant 0 : i32
      %dma_start3A_1576 = arith.constant 0 : i32
      %dma_start3A_1577 = tpu.memref_slice %arg8[%dma_start3A_1574, %dma_start3A_1575, %dma_start3A_1576] : memref<4x8x1024xf32, #tpu.memory_space<vmem>> -> memref<1x8x1024xf32, #tpu.memory_space<vmem>>
      %dma_start3A_1578 = tpu.memref_squeeze %dma_start3A_1577 : memref<1x8x1024xf32, #tpu.memory_space<vmem>> -> memref<8x1024xf32, #tpu.memory_space<vmem>>
      %dma_start3A_1579 = tpu.memref_slice %arg6[%dma_start3A_1573, %mul3A_1572] : memref<4x256xi32, #tpu.memory_space<vmem>> -> memref<1x8xi32, #tpu.memory_space<vmem>>
      %dma_start3A_1580 = tpu.memref_squeeze %dma_start3A_1579 : memref<1x8xi32, #tpu.memory_space<vmem>> -> memref<8xi32, #tpu.memory_space<vmem>>
      %dma_start3A_1581 = arith.constant 0 : i32
      %dma_start3A_1582 = arith.constant 0 : i32
      %dma_start3A_1583 = tpu.memref_slice %arg4[%dma_start3A_1581, %dma_start3A_1582] : memref<100000x1024xf32, #tpu.memory_space<hbm>> -> memref<100000x1024xf32, #tpu.memory_space<hbm>>
      tpu.enqueue_indirect_dma source(%dma_start3A_1583 : memref<100000x1024xf32, #tpu.memory_space<hbm>>) target(%dma_start3A_1578 : memref<8x1024xf32, #tpu.memory_space<vmem>>) offsets(%dma_start3A_1580 : memref<8xi32, #tpu.memory_space<vmem>>) semaphore(%arg14 : memref<!tpu.dma_semaphore, #tpu.memory_space<semaphore_mem>>)
      %dma_wait3A_1584 = arith.constant 0 : i32
      %dma_wait3A_1585 = arith.constant 0 : i32
      %dma_wait3A_1586 = tpu.memref_slice %arg3[%dma_wait3A_1584, %dma_wait3A_1585] : memref<8192x1024xf32, #tpu.memory_space<hbm>> -> memref<8x1024xf32, #tpu.memory_space<hbm>>
      %dma_wait3A_1587 = arith.constant 0 : i32
      %dma_wait3A_1588 = arith.constant 0 : i32
      %dma_wait3A_1589 = tpu.memref_slice %arg3[%dma_wait3A_1587, %dma_wait3A_1588] : memref<8192x1024xf32, #tpu.memory_space<hbm>> -> memref<8x1024xf32, #tpu.memory_space<hbm>>
      tpu.wait_dma2 semaphore(%arg19 : memref<!tpu.dma_semaphore, #tpu.memory_space<semaphore_mem>>) src(%dma_wait3A_1589 : memref<8x1024xf32, #tpu.memory_space<hbm>>) dst(%arg10 : memref<8x1024xf32, #tpu.memory_space<vmem>>)
      %dma_wait3A_1590 = arith.constant 0 : i32
      %dma_wait3A_1591 = arith.constant 0 : i32
      %dma_wait3A_1592 = arith.constant 0 : i32
      %dma_wait3A_1593 = arith.constant 0 : i32
      %dma_wait3A_1594 = tpu.memref_slice %arg7[%dma_wait3A_1591, %dma_wait3A_1592, %dma_wait3A_1593] : memref<4x8x1024xf32, #tpu.memory_space<vmem>> -> memref<1x8x1024xf32, #tpu.memory_space<vmem>>
      %dma_wait3A_1595 = tpu.memref_squeeze %dma_wait3A_1594 : memref<1x8x1024xf32, #tpu.memory_space<vmem>> -> memref<8x1024xf32, #tpu.memory_space<vmem>>
      %dma_wait3A_1596 = arith.constant 0 : i32
      %dma_wait3A_1597 = tpu.memref_slice %arg6[%dma_wait3A_1590, %dma_wait3A_1596] : memref<4x256xi32, #tpu.memory_space<vmem>> -> memref<1x8xi32, #tpu.memory_space<vmem>>
      %dma_wait3A_1598 = tpu.memref_squeeze %dma_wait3A_1597 : memref<1x8xi32, #tpu.memory_space<vmem>> -> memref<8xi32, #tpu.memory_space<vmem>>
      %dma_wait3A_1599 = arith.constant 0 : i32
      %dma_wait3A_1600 = arith.constant 0 : i32
      %dma_wait3A_1601 = tpu.memref_slice %arg4[%dma_wait3A_1599, %dma_wait3A_1600] : memref<100000x1024xf32, #tpu.memory_space<hbm>> -> memref<100000x1024xf32, #tpu.memory_space<hbm>>
      tpu.wait_indirect_dma semaphore(%arg13 : memref<!tpu.dma_semaphore, #tpu.memory_space<semaphore_mem>>) src(%dma_wait3A_1601 : memref<100000x1024xf32, #tpu.memory_space<hbm>>) dst(%dma_wait3A_1595 : memref<8x1024xf32, #tpu.memory_space<vmem>>)
      %dma_wait3A_1602 = arith.constant 1 : i32
      %dma_wait3A_1603 = arith.constant 1 : i32
      %dma_wait3A_1604 = arith.constant 0 : i32
      %dma_wait3A_1605 = arith.constant 0 : i32
      %dma_wait3A_1606 = tpu.memref_slice %arg7[%dma_wait3A_1603, %dma_wait3A_1604, %dma_wait3A_1605] : memref<4x8x1024xf32, #tpu.memory_space<vmem>> -> memref<1x8x1024xf32, #tpu.memory_space<vmem>>
      %dma_wait3A_1607 = tpu.memref_squeeze %dma_wait3A_1606 : memref<1x8x1024xf32, #tpu.memory_space<vmem>> -> memref<8x1024xf32, #tpu.memory_space<vmem>>
      %dma_wait3A_1608 = arith.constant 0 : i32
      %dma_wait3A_1609 = tpu.memref_slice %arg6[%dma_wait3A_1602, %dma_wait3A_1608] : memref<4x256xi32, #tpu.memory_space<vmem>> -> memref<1x8xi32, #tpu.memory_space<vmem>>
      %dma_wait3A_1610 = tpu.memref_squeeze %dma_wait3A_1609 : memref<1x8xi32, #tpu.memory_space<vmem>> -> memref<8xi32, #tpu.memory_space<vmem>>
      %dma_wait3A_1611 = arith.constant 0 : i32
      %dma_wait3A_1612 = arith.constant 0 : i32
      %dma_wait3A_1613 = tpu.memref_slice %arg4[%dma_wait3A_1611, %dma_wait3A_1612] : memref<100000x1024xf32, #tpu.memory_space<hbm>> -> memref<100000x1024xf32, #tpu.memory_space<hbm>>
      tpu.wait_indirect_dma semaphore(%arg13 : memref<!tpu.dma_semaphore, #tpu.memory_space<semaphore_mem>>) src(%dma_wait3A_1613 : memref<100000x1024xf32, #tpu.memory_space<hbm>>) dst(%dma_wait3A_1607 : memref<8x1024xf32, #tpu.memory_space<vmem>>)
      %dma_wait3A_1614 = arith.constant 2 : i32
      %dma_wait3A_1615 = arith.constant 2 : i32
      %dma_wait3A_1616 = arith.constant 0 : i32
      %dma_wait3A_1617 = arith.constant 0 : i32
      %dma_wait3A_1618 = tpu.memref_slice %arg7[%dma_wait3A_1615, %dma_wait3A_1616, %dma_wait3A_1617] : memref<4x8x1024xf32, #tpu.memory_space<vmem>> -> memref<1x8x1024xf32, #tpu.memory_space<vmem>>
      %dma_wait3A_1619 = tpu.memref_squeeze %dma_wait3A_1618 : memref<1x8x1024xf32, #tpu.memory_space<vmem>> -> memref<8x1024xf32, #tpu.memory_space<vmem>>
      %dma_wait3A_1620 = arith.constant 0 : i32
      %dma_wait3A_1621 = tpu.memref_slice %arg6[%dma_wait3A_1614, %dma_wait3A_1620] : memref<4x256xi32, #tpu.memory_space<vmem>> -> memref<1x8xi32, #tpu.memory_space<vmem>>
      %dma_wait3A_1622 = tpu.memref_squeeze %dma_wait3A_1621 : memref<1x8xi32, #tpu.memory_space<vmem>> -> memref<8xi32, #tpu.memory_space<vmem>>
      %dma_wait3A_1623 = arith.constant 0 : i32
      %dma_wait3A_1624 = arith.constant 0 : i32
      %dma_wait3A_1625 = tpu.memref_slice %arg4[%dma_wait3A_1623, %dma_wait3A_1624] : memref<100000x1024xf32, #tpu.memory_space<hbm>> -> memref<100000x1024xf32, #tpu.memory_space<hbm>>
      tpu.wait_indirect_dma semaphore(%arg13 : memref<!tpu.dma_semaphore, #tpu.memory_space<semaphore_mem>>) src(%dma_wait3A_1625 : memref<100000x1024xf32, #tpu.memory_space<hbm>>) dst(%dma_wait3A_1619 : memref<8x1024xf32, #tpu.memory_space<vmem>>)
      %dma_wait3A_1626 = arith.constant 3 : i32
      %dma_wait3A_1627 = arith.constant 3 : i32
      %dma_wait3A_1628 = arith.constant 0 : i32
      %dma_wait3A_1629 = arith.constant 0 : i32
      %dma_wait3A_1630 = tpu.memref_slice %arg7[%dma_wait3A_1627, %dma_wait3A_1628, %dma_wait3A_1629] : memref<4x8x1024xf32, #tpu.memory_space<vmem>> -> memref<1x8x1024xf32, #tpu.memory_space<vmem>>
      %dma_wait3A_1631 = tpu.memref_squeeze %dma_wait3A_1630 : memref<1x8x1024xf32, #tpu.memory_space<vmem>> -> memref<8x1024xf32, #tpu.memory_space<vmem>>
      %dma_wait3A_1632 = arith.constant 0 : i32
      %dma_wait3A_1633 = tpu.memref_slice %arg6[%dma_wait3A_1626, %dma_wait3A_1632] : memref<4x256xi32, #tpu.memory_space<vmem>> -> memref<1x8xi32, #tpu.memory_space<vmem>>
      %dma_wait3A_1634 = tpu.memref_squeeze %dma_wait3A_1633 : memref<1x8xi32, #tpu.memory_space<vmem>> -> memref<8xi32, #tpu.memory_space<vmem>>
      %dma_wait3A_1635 = arith.constant 0 : i32
      %dma_wait3A_1636 = arith.constant 0 : i32
      %dma_wait3A_1637 = tpu.memref_slice %arg4[%dma_wait3A_1635, %dma_wait3A_1636] : memref<100000x1024xf32, #tpu.memory_space<hbm>> -> memref<100000x1024xf32, #tpu.memory_space<hbm>>
      tpu.wait_indirect_dma semaphore(%arg13 : memref<!tpu.dma_semaphore, #tpu.memory_space<semaphore_mem>>) src(%dma_wait3A_1637 : memref<100000x1024xf32, #tpu.memory_space<hbm>>) dst(%dma_wait3A_1631 : memref<8x1024xf32, #tpu.memory_space<vmem>>)
      %parallel_loop3A_1638 = arith.constant 0 : i32
      %parallel_loop3A_1639 = arith.constant 512 : i32
      %parallel_loop3A_1640 = arith.constant 1 : i32
      scf.for %parallel_loop3A_1976 = %parallel_loop3A_1638 to %parallel_loop3A_1639 step %parallel_loop3A_1640  : i32 {
        %parallel_loop3A_1977 = arith.constant 6 : i32
        %parallel_loop3A_1978 = arith.shrui %parallel_loop3A_1976, %parallel_loop3A_1977 : i32
        %parallel_loop3A_1979 = arith.constant 63 : i32
        %parallel_loop3A_1980 = arith.andi %parallel_loop3A_1976, %parallel_loop3A_1979 : i32
        %parallel_loop3A_1981 = arith.constant 16 : i32
        %parallel_loop3A_1982 = arith.muli %parallel_loop3A_1980, %parallel_loop3A_1981 : i32
        %parallel_loop3A_1983 = arith.index_cast %parallel_loop3A_1978 : i32 to index
        %parallel_loop3A_1984 = arith.index_cast %parallel_loop3A_1982 : i32 to index
        %parallel_loop3A_1985 = tpu.vector_load %arg10[%parallel_loop3A_1983, %parallel_loop3A_1984] {strides = array<i32>} : memref<8x1024xf32, #tpu.memory_space<vmem>>, vector<1x16xf32>,
        %parallel_loop3A_1986 = vector.shape_cast %parallel_loop3A_1985 : vector<1x16xf32> to vector<16xf32>
        %parallel_loop3A_1987 = arith.constant 0 : i32
        %parallel_loop3A_1988 = arith.index_cast %parallel_loop3A_1987 : i32 to index
        %parallel_loop3A_1989 = arith.index_cast %parallel_loop3A_1978 : i32 to index
        %parallel_loop3A_1990 = arith.index_cast %parallel_loop3A_1982 : i32 to index
        %parallel_loop3A_1991 = tpu.vector_load %arg7[%parallel_loop3A_1988, %parallel_loop3A_1989, %parallel_loop3A_1990] {strides = array<i32>} : memref<4x8x1024xf32, #tpu.memory_space<vmem>>, vector<1x1x16xf32>,
        %parallel_loop3A_1992 = vector.shape_cast %parallel_loop3A_1991 : vector<1x1x16xf32> to vector<16xf32>
        %parallel_loop3A_1993 = vector.shape_cast %parallel_loop3A_1986 : vector<16xf32> to vector<1x1x16xf32>
        tpu.vector_store %arg7[%parallel_loop3A_1988, %parallel_loop3A_1989, %parallel_loop3A_1990], %parallel_loop3A_1993 {add = true, strides = array<i32>} : memref<4x8x1024xf32, #tpu.memory_space<vmem>>, vector<1x1x16xf32>,
        %parallel_loop3A_1994 = arith.constant 1 : i32
        %parallel_loop3A_1995 = arith.index_cast %parallel_loop3A_1994 : i32 to index
        %parallel_loop3A_1996 = arith.index_cast %parallel_loop3A_1978 : i32 to index
        %parallel_loop3A_1997 = arith.index_cast %parallel_loop3A_1982 : i32 to index
        %parallel_loop3A_1998 = tpu.vector_load %arg7[%parallel_loop3A_1995, %parallel_loop3A_1996, %parallel_loop3A_1997] {strides = array<i32>} : memref<4x8x1024xf32, #tpu.memory_space<vmem>>, vector<1x1x16xf32>,
        %parallel_loop3A_1999 = vector.shape_cast %parallel_loop3A_1998 : vector<1x1x16xf32> to vector<16xf32>
        %parallel_loop3A_2000 = vector.shape_cast %parallel_loop3A_1986 : vector<16xf32> to vector<1x1x16xf32>
        tpu.vector_store %arg7[%parallel_loop3A_1995, %parallel_loop3A_1996, %parallel_loop3A_1997], %parallel_loop3A_2000 {add = true, strides = array<i32>} : memref<4x8x1024xf32, #tpu.memory_space<vmem>>, vector<1x1x16xf32>,
        %parallel_loop3A_2001 = arith.constant 2 : i32
        %parallel_loop3A_2002 = arith.index_cast %parallel_loop3A_2001 : i32 to index
        %parallel_loop3A_2003 = arith.index_cast %parallel_loop3A_1978 : i32 to index
        %parallel_loop3A_2004 = arith.index_cast %parallel_loop3A_1982 : i32 to index
        %parallel_loop3A_2005 = tpu.vector_load %arg7[%parallel_loop3A_2002, %parallel_loop3A_2003, %parallel_loop3A_2004] {strides = array<i32>} : memref<4x8x1024xf32, #tpu.memory_space<vmem>>, vector<1x1x16xf32>,
        %parallel_loop3A_2006 = vector.shape_cast %parallel_loop3A_2005 : vector<1x1x16xf32> to vector<16xf32>
        %parallel_loop3A_2007 = vector.shape_cast %parallel_loop3A_1986 : vector<16xf32> to vector<1x1x16xf32>
        tpu.vector_store %arg7[%parallel_loop3A_2002, %parallel_loop3A_2003, %parallel_loop3A_2004], %parallel_loop3A_2007 {add = true, strides = array<i32>} : memref<4x8x1024xf32, #tpu.memory_space<vmem>>, vector<1x1x16xf32>,
        %parallel_loop3A_2008 = arith.constant 3 : i32
        %parallel_loop3A_2009 = arith.index_cast %parallel_loop3A_2008 : i32 to index
        %parallel_loop3A_2010 = arith.index_cast %parallel_loop3A_1978 : i32 to index
        %parallel_loop3A_2011 = arith.index_cast %parallel_loop3A_1982 : i32 to index
        %parallel_loop3A_2012 = tpu.vector_load %arg7[%parallel_loop3A_2009, %parallel_loop3A_2010, %parallel_loop3A_2011] {strides = array<i32>} : memref<4x8x1024xf32, #tpu.memory_space<vmem>>, vector<1x1x16xf32>,
        %parallel_loop3A_2013 = vector.shape_cast %parallel_loop3A_2012 : vector<1x1x16xf32> to vector<16xf32>
        %parallel_loop3A_2014 = vector.shape_cast %parallel_loop3A_1986 : vector<16xf32> to vector<1x1x16xf32>
        tpu.vector_store %arg7[%parallel_loop3A_2009, %parallel_loop3A_2010, %parallel_loop3A_2011], %parallel_loop3A_2014 {add = true, strides = array<i32>} : memref<4x8x1024xf32, #tpu.memory_space<vmem>>, vector<1x1x16xf32>,
      } {sc.loop_unroll_factor = 4 : i64, sc.parallel_access}
      %add3A_1641 = arith.constant 2 : i32
      %add3A_1642 = arith.addi %add3A_1469, %add3A_1641 : i32
      %mul3A_1643 = arith.constant 8 : i32
      %mul3A_1644 = arith.muli %add3A_1642, %mul3A_1643 : i32
      %add3A_1645 = arith.addi %mul3A_2, %mul3A_1644 : i32
      %dma_start3A_1646 = arith.constant 0 : i32
      %dma_start3A_1647 = tpu.memref_slice %arg3[%add3A_1645, %dma_start3A_1646] : memref<8192x1024xf32, #tpu.memory_space<hbm>> -> memref<8x1024xf32, #tpu.memory_space<hbm>>
      %dma_start3A_1648 = arith.constant 0 : i32
      %dma_start3A_1649 = tpu.memref_slice %arg3[%add3A_1645, %dma_start3A_1648] : memref<8192x1024xf32, #tpu.memory_space<hbm>> -> memref<8x1024xf32, #tpu.memory_space<hbm>>
      tpu.enqueue_dma source(%dma_start3A_1649 : memref<8x1024xf32, #tpu.memory_space<hbm>>) target(%arg12 : memref<8x1024xf32, #tpu.memory_space<vmem>>) target_semaphore(%arg21 : memref<!tpu.dma_semaphore, #tpu.memory_space<semaphore_mem>>)
      %add3A_1650 = arith.constant 0 : i32
      %add3A_1651 = arith.addi %add3A_1650, %mul3A_2 : i32
      %mul3A_1652 = arith.constant 8 : i32
      %mul3A_1653 = arith.muli %add3A_1469, %mul3A_1652 : i32
      %add3A_1654 = arith.addi %add3A_1651, %mul3A_1653 : i32
      %dma_start3A_1655 = arith.constant 0 : i32
      %dma_start3A_1656 = arith.constant 0 : i32
      %dma_start3A_1657 = arith.constant 0 : i32
      %dma_start3A_1658 = tpu.memref_slice %arg7[%dma_start3A_1655, %dma_start3A_1656, %dma_start3A_1657] : memref<4x8x1024xf32, #tpu.memory_space<vmem>> -> memref<1x8x1024xf32, #tpu.memory_space<vmem>>
      %dma_start3A_1659 = tpu.memref_squeeze %dma_start3A_1658 : memref<1x8x1024xf32, #tpu.memory_space<vmem>> -> memref<8x1024xf32, #tpu.memory_space<vmem>>
      %dma_start3A_1660 = arith.constant 0 : i32
      %dma_start3A_1661 = tpu.memref_slice %arg5[%add3A_1654, %dma_start3A_1660] : memref<32768x1024xf32, #tpu.memory_space<hbm>> -> memref<8x1024xf32, #tpu.memory_space<hbm>>
      %dma_start3A_1662 = arith.constant 0 : i32
      %dma_start3A_1663 = tpu.memref_slice %arg5[%add3A_1654, %dma_start3A_1662] : memref<32768x1024xf32, #tpu.memory_space<hbm>> -> memref<8x1024xf32, #tpu.memory_space<hbm>>
      %dma_start3A_1664 = arith.constant 0 : i32
      %dma_start3A_1665 = arith.constant 0 : i32
      %dma_start3A_1666 = tpu.memref_slice %arg7[%dma_start3A_1655, %dma_start3A_1664, %dma_start3A_1665] : memref<4x8x1024xf32, #tpu.memory_space<vmem>> -> memref<1x8x1024xf32, #tpu.memory_space<vmem>>
      %dma_start3A_1667 = tpu.memref_squeeze %dma_start3A_1666 : memref<1x8x1024xf32, #tpu.memory_space<vmem>> -> memref<8x1024xf32, #tpu.memory_space<vmem>>
      tpu.enqueue_dma source(%dma_start3A_1667 : memref<8x1024xf32, #tpu.memory_space<vmem>>) target(%dma_start3A_1663 : memref<8x1024xf32, #tpu.memory_space<hbm>>) target_semaphore(%arg16 : memref<!tpu.dma_semaphore, #tpu.memory_space<semaphore_mem>>)
      %add3A_1668 = arith.constant 8192 : i32
      %add3A_1669 = arith.addi %add3A_1668, %mul3A_2 : i32
      %mul3A_1670 = arith.constant 8 : i32
      %mul3A_1671 = arith.muli %add3A_1469, %mul3A_1670 : i32
      %add3A_1672 = arith.addi %add3A_1669, %mul3A_1671 : i32
      %dma_start3A_1673 = arith.constant 1 : i32
      %dma_start3A_1674 = arith.constant 0 : i32
      %dma_start3A_1675 = arith.constant 0 : i32
      %dma_start3A_1676 = tpu.memref_slice %arg7[%dma_start3A_1673, %dma_start3A_1674, %dma_start3A_1675] : memref<4x8x1024xf32, #tpu.memory_space<vmem>> -> memref<1x8x1024xf32, #tpu.memory_space<vmem>>
      %dma_start3A_1677 = tpu.memref_squeeze %dma_start3A_1676 : memref<1x8x1024xf32, #tpu.memory_space<vmem>> -> memref<8x1024xf32, #tpu.memory_space<vmem>>
      %dma_start3A_1678 = arith.constant 0 : i32
      %dma_start3A_1679 = tpu.memref_slice %arg5[%add3A_1672, %dma_start3A_1678] : memref<32768x1024xf32, #tpu.memory_space<hbm>> -> memref<8x1024xf32, #tpu.memory_space<hbm>>
      %dma_start3A_1680 = arith.constant 0 : i32
      %dma_start3A_1681 = tpu.memref_slice %arg5[%add3A_1672, %dma_start3A_1680] : memref<32768x1024xf32, #tpu.memory_space<hbm>> -> memref<8x1024xf32, #tpu.memory_space<hbm>>
      %dma_start3A_1682 = arith.constant 0 : i32
      %dma_start3A_1683 = arith.constant 0 : i32
      %dma_start3A_1684 = tpu.memref_slice %arg7[%dma_start3A_1673, %dma_start3A_1682, %dma_start3A_1683] : memref<4x8x1024xf32, #tpu.memory_space<vmem>> -> memref<1x8x1024xf32, #tpu.memory_space<vmem>>
      %dma_start3A_1685 = tpu.memref_squeeze %dma_start3A_1684 : memref<1x8x1024xf32, #tpu.memory_space<vmem>> -> memref<8x1024xf32, #tpu.memory_space<vmem>>
      tpu.enqueue_dma source(%dma_start3A_1685 : memref<8x1024xf32, #tpu.memory_space<vmem>>) target(%dma_start3A_1681 : memref<8x1024xf32, #tpu.memory_space<hbm>>) target_semaphore(%arg16 : memref<!tpu.dma_semaphore, #tpu.memory_space<semaphore_mem>>)
      %add3A_1686 = arith.constant 16384 : i32
      %add3A_1687 = arith.addi %add3A_1686, %mul3A_2 : i32
      %mul3A_1688 = arith.constant 8 : i32
      %mul3A_1689 = arith.muli %add3A_1469, %mul3A_1688 : i32
      %add3A_1690 = arith.addi %add3A_1687, %mul3A_1689 : i32
      %dma_start3A_1691 = arith.constant 2 : i32
      %dma_start3A_1692 = arith.constant 0 : i32
      %dma_start3A_1693 = arith.constant 0 : i32
      %dma_start3A_1694 = tpu.memref_slice %arg7[%dma_start3A_1691, %dma_start3A_1692, %dma_start3A_1693] : memref<4x8x1024xf32, #tpu.memory_space<vmem>> -> memref<1x8x1024xf32, #tpu.memory_space<vmem>>
      %dma_start3A_1695 = tpu.memref_squeeze %dma_start3A_1694 : memref<1x8x1024xf32, #tpu.memory_space<vmem>> -> memref<8x1024xf32, #tpu.memory_space<vmem>>
      %dma_start3A_1696 = arith.constant 0 : i32
      %dma_start3A_1697 = tpu.memref_slice %arg5[%add3A_1690, %dma_start3A_1696] : memref<32768x1024xf32, #tpu.memory_space<hbm>> -> memref<8x1024xf32, #tpu.memory_space<hbm>>
      %dma_start3A_1698 = arith.constant 0 : i32
      %dma_start3A_1699 = tpu.memref_slice %arg5[%add3A_1690, %dma_start3A_1698] : memref<32768x1024xf32, #tpu.memory_space<hbm>> -> memref<8x1024xf32, #tpu.memory_space<hbm>>
      %dma_start3A_1700 = arith.constant 0 : i32
      %dma_start3A_1701 = arith.constant 0 : i32
      %dma_start3A_1702 = tpu.memref_slice %arg7[%dma_start3A_1691, %dma_start3A_1700, %dma_start3A_1701] : memref<4x8x1024xf32, #tpu.memory_space<vmem>> -> memref<1x8x1024xf32, #tpu.memory_space<vmem>>
      %dma_start3A_1703 = tpu.memref_squeeze %dma_start3A_1702 : memref<1x8x1024xf32, #tpu.memory_space<vmem>> -> memref<8x1024xf32, #tpu.memory_space<vmem>>
      tpu.enqueue_dma source(%dma_start3A_1703 : memref<8x1024xf32, #tpu.memory_space<vmem>>) target(%dma_start3A_1699 : memref<8x1024xf32, #tpu.memory_space<hbm>>) target_semaphore(%arg16 : memref<!tpu.dma_semaphore, #tpu.memory_space<semaphore_mem>>)
      %add3A_1704 = arith.constant 24576 : i32
      %add3A_1705 = arith.addi %add3A_1704, %mul3A_2 : i32
      %mul3A_1706 = arith.constant 8 : i32
      %mul3A_1707 = arith.muli %add3A_1469, %mul3A_1706 : i32
      %add3A_1708 = arith.addi %add3A_1705, %mul3A_1707 : i32
      %dma_start3A_1709 = arith.constant 3 : i32
      %dma_start3A_1710 = arith.constant 0 : i32
      %dma_start3A_1711 = arith.constant 0 : i32
      %dma_start3A_1712 = tpu.memref_slice %arg7[%dma_start3A_1709, %dma_start3A_1710, %dma_start3A_1711] : memref<4x8x1024xf32, #tpu.memory_space<vmem>> -> memref<1x8x1024xf32, #tpu.memory_space<vmem>>
      %dma_start3A_1713 = tpu.memref_squeeze %dma_start3A_1712 : memref<1x8x1024xf32, #tpu.memory_space<vmem>> -> memref<8x1024xf32, #tpu.memory_space<vmem>>
      %dma_start3A_1714 = arith.constant 0 : i32
      %dma_start3A_1715 = tpu.memref_slice %arg5[%add3A_1708, %dma_start3A_1714] : memref<32768x1024xf32, #tpu.memory_space<hbm>> -> memref<8x1024xf32, #tpu.memory_space<hbm>>
      %dma_start3A_1716 = arith.constant 0 : i32
      %dma_start3A_1717 = tpu.memref_slice %arg5[%add3A_1708, %dma_start3A_1716] : memref<32768x1024xf32, #tpu.memory_space<hbm>> -> memref<8x1024xf32, #tpu.memory_space<hbm>>
      %dma_start3A_1718 = arith.constant 0 : i32
      %dma_start3A_1719 = arith.constant 0 : i32
      %dma_start3A_1720 = tpu.memref_slice %arg7[%dma_start3A_1709, %dma_start3A_1718, %dma_start3A_1719] : memref<4x8x1024xf32, #tpu.memory_space<vmem>> -> memref<1x8x1024xf32, #tpu.memory_space<vmem>>
      %dma_start3A_1721 = tpu.memref_squeeze %dma_start3A_1720 : memref<1x8x1024xf32, #tpu.memory_space<vmem>> -> memref<8x1024xf32, #tpu.memory_space<vmem>>
      tpu.enqueue_dma source(%dma_start3A_1721 : memref<8x1024xf32, #tpu.memory_space<vmem>>) target(%dma_start3A_1717 : memref<8x1024xf32, #tpu.memory_space<hbm>>) target_semaphore(%arg16 : memref<!tpu.dma_semaphore, #tpu.memory_space<semaphore_mem>>)
      %add3A_1722 = arith.constant 2 : i32
      %add3A_1723 = arith.addi %add3A_1215, %add3A_1722 : i32
      %dma_wait3A_1724 = arith.constant 0 : i32
      %dma_wait3A_1725 = arith.constant 0 : i32
      %dma_wait3A_1726 = arith.constant 0 : i32
      %dma_wait3A_1727 = tpu.memref_slice %arg9[%dma_wait3A_1724, %dma_wait3A_1725, %dma_wait3A_1726] : memref<4x8x1024xf32, #tpu.memory_space<vmem>> -> memref<1x8x1024xf32, #tpu.memory_space<vmem>>
      %dma_wait3A_1728 = tpu.memref_squeeze %dma_wait3A_1727 : memref<1x8x1024xf32, #tpu.memory_space<vmem>> -> memref<8x1024xf32, #tpu.memory_space<vmem>>
      %dma_wait3A_1729 = arith.constant 0 : i32
      %dma_wait3A_1730 = arith.constant 0 : i32
      %dma_wait3A_1731 = tpu.memref_slice %arg5[%dma_wait3A_1729, %dma_wait3A_1730] : memref<32768x1024xf32, #tpu.memory_space<hbm>> -> memref<8x1024xf32, #tpu.memory_space<hbm>>
      %dma_wait3A_1732 = arith.constant 0 : i32
      %dma_wait3A_1733 = arith.constant 0 : i32
      %dma_wait3A_1734 = tpu.memref_slice %arg5[%dma_wait3A_1732, %dma_wait3A_1733] : memref<32768x1024xf32, #tpu.memory_space<hbm>> -> memref<8x1024xf32, #tpu.memory_space<hbm>>
      %dma_wait3A_1735 = arith.constant 0 : i32
      %dma_wait3A_1736 = arith.constant 0 : i32
      %dma_wait3A_1737 = tpu.memref_slice %arg9[%dma_wait3A_1724, %dma_wait3A_1735, %dma_wait3A_1736] : memref<4x8x1024xf32, #tpu.memory_space<vmem>> -> memref<1x8x1024xf32, #tpu.memory_space<vmem>>
      %dma_wait3A_1738 = tpu.memref_squeeze %dma_wait3A_1737 : memref<1x8x1024xf32, #tpu.memory_space<vmem>> -> memref<8x1024xf32, #tpu.memory_space<vmem>>
      tpu.wait_dma2 semaphore(%arg18 : memref<!tpu.dma_semaphore, #tpu.memory_space<semaphore_mem>>) src(%dma_wait3A_1738 : memref<8x1024xf32, #tpu.memory_space<vmem>>) dst(%dma_wait3A_1734 : memref<8x1024xf32, #tpu.memory_space<hbm>>)
      %dma_wait3A_1739 = arith.constant 1 : i32
      %dma_wait3A_1740 = arith.constant 0 : i32
      %dma_wait3A_1741 = arith.constant 0 : i32
      %dma_wait3A_1742 = tpu.memref_slice %arg9[%dma_wait3A_1739, %dma_wait3A_1740, %dma_wait3A_1741] : memref<4x8x1024xf32, #tpu.memory_space<vmem>> -> memref<1x8x1024xf32, #tpu.memory_space<vmem>>
      %dma_wait3A_1743 = tpu.memref_squeeze %dma_wait3A_1742 : memref<1x8x1024xf32, #tpu.memory_space<vmem>> -> memref<8x1024xf32, #tpu.memory_space<vmem>>
      %dma_wait3A_1744 = arith.constant 0 : i32
      %dma_wait3A_1745 = arith.constant 0 : i32
      %dma_wait3A_1746 = tpu.memref_slice %arg5[%dma_wait3A_1744, %dma_wait3A_1745] : memref<32768x1024xf32, #tpu.memory_space<hbm>> -> memref<8x1024xf32, #tpu.memory_space<hbm>>
      %dma_wait3A_1747 = arith.constant 0 : i32
      %dma_wait3A_1748 = arith.constant 0 : i32
      %dma_wait3A_1749 = tpu.memref_slice %arg5[%dma_wait3A_1747, %dma_wait3A_1748] : memref<32768x1024xf32, #tpu.memory_space<hbm>> -> memref<8x1024xf32, #tpu.memory_space<hbm>>
      %dma_wait3A_1750 = arith.constant 0 : i32
      %dma_wait3A_1751 = arith.constant 0 : i32
      %dma_wait3A_1752 = tpu.memref_slice %arg9[%dma_wait3A_1739, %dma_wait3A_1750, %dma_wait3A_1751] : memref<4x8x1024xf32, #tpu.memory_space<vmem>> -> memref<1x8x1024xf32, #tpu.memory_space<vmem>>
      %dma_wait3A_1753 = tpu.memref_squeeze %dma_wait3A_1752 : memref<1x8x1024xf32, #tpu.memory_space<vmem>> -> memref<8x1024xf32, #tpu.memory_space<vmem>>
      tpu.wait_dma2 semaphore(%arg18 : memref<!tpu.dma_semaphore, #tpu.memory_space<semaphore_mem>>) src(%dma_wait3A_1753 : memref<8x1024xf32, #tpu.memory_space<vmem>>) dst(%dma_wait3A_1749 : memref<8x1024xf32, #tpu.memory_space<hbm>>)
      %dma_wait3A_1754 = arith.constant 2 : i32
      %dma_wait3A_1755 = arith.constant 0 : i32
      %dma_wait3A_1756 = arith.constant 0 : i32
      %dma_wait3A_1757 = tpu.memref_slice %arg9[%dma_wait3A_1754, %dma_wait3A_1755, %dma_wait3A_1756] : memref<4x8x1024xf32, #tpu.memory_space<vmem>> -> memref<1x8x1024xf32, #tpu.memory_space<vmem>>
      %dma_wait3A_1758 = tpu.memref_squeeze %dma_wait3A_1757 : memref<1x8x1024xf32, #tpu.memory_space<vmem>> -> memref<8x1024xf32, #tpu.memory_space<vmem>>
      %dma_wait3A_1759 = arith.constant 0 : i32
      %dma_wait3A_1760 = arith.constant 0 : i32
      %dma_wait3A_1761 = tpu.memref_slice %arg5[%dma_wait3A_1759, %dma_wait3A_1760] : memref<32768x1024xf32, #tpu.memory_space<hbm>> -> memref<8x1024xf32, #tpu.memory_space<hbm>>
      %dma_wait3A_1762 = arith.constant 0 : i32
      %dma_wait3A_1763 = arith.constant 0 : i32
      %dma_wait3A_1764 = tpu.memref_slice %arg5[%dma_wait3A_1762, %dma_wait3A_1763] : memref<32768x1024xf32, #tpu.memory_space<hbm>> -> memref<8x1024xf32, #tpu.memory_space<hbm>>
      %dma_wait3A_1765 = arith.constant 0 : i32
      %dma_wait3A_1766 = arith.constant 0 : i32
      %dma_wait3A_1767 = tpu.memref_slice %arg9[%dma_wait3A_1754, %dma_wait3A_1765, %dma_wait3A_1766] : memref<4x8x1024xf32, #tpu.memory_space<vmem>> -> memref<1x8x1024xf32, #tpu.memory_space<vmem>>
      %dma_wait3A_1768 = tpu.memref_squeeze %dma_wait3A_1767 : memref<1x8x1024xf32, #tpu.memory_space<vmem>> -> memref<8x1024xf32, #tpu.memory_space<vmem>>
      tpu.wait_dma2 semaphore(%arg18 : memref<!tpu.dma_semaphore, #tpu.memory_space<semaphore_mem>>) src(%dma_wait3A_1768 : memref<8x1024xf32, #tpu.memory_space<vmem>>) dst(%dma_wait3A_1764 : memref<8x1024xf32, #tpu.memory_space<hbm>>)
      %dma_wait3A_1769 = arith.constant 3 : i32
      %dma_wait3A_1770 = arith.constant 0 : i32
      %dma_wait3A_1771 = arith.constant 0 : i32
      %dma_wait3A_1772 = tpu.memref_slice %arg9[%dma_wait3A_1769, %dma_wait3A_1770, %dma_wait3A_1771] : memref<4x8x1024xf32, #tpu.memory_space<vmem>> -> memref<1x8x1024xf32, #tpu.memory_space<vmem>>
      %dma_wait3A_1773 = tpu.memref_squeeze %dma_wait3A_1772 : memref<1x8x1024xf32, #tpu.memory_space<vmem>> -> memref<8x1024xf32, #tpu.memory_space<vmem>>
      %dma_wait3A_1774 = arith.constant 0 : i32
      %dma_wait3A_1775 = arith.constant 0 : i32
      %dma_wait3A_1776 = tpu.memref_slice %arg5[%dma_wait3A_1774, %dma_wait3A_1775] : memref<32768x1024xf32, #tpu.memory_space<hbm>> -> memref<8x1024xf32, #tpu.memory_space<hbm>>
      %dma_wait3A_1777 = arith.constant 0 : i32
      %dma_wait3A_1778 = arith.constant 0 : i32
      %dma_wait3A_1779 = tpu.memref_slice %arg5[%dma_wait3A_1777, %dma_wait3A_1778] : memref<32768x1024xf32, #tpu.memory_space<hbm>> -> memref<8x1024xf32, #tpu.memory_space<hbm>>
      %dma_wait3A_1780 = arith.constant 0 : i32
      %dma_wait3A_1781 = arith.constant 0 : i32
      %dma_wait3A_1782 = tpu.memref_slice %arg9[%dma_wait3A_1769, %dma_wait3A_1780, %dma_wait3A_1781] : memref<4x8x1024xf32, #tpu.memory_space<vmem>> -> memref<1x8x1024xf32, #tpu.memory_space<vmem>>
      %dma_wait3A_1783 = tpu.memref_squeeze %dma_wait3A_1782 : memref<1x8x1024xf32, #tpu.memory_space<vmem>> -> memref<8x1024xf32, #tpu.memory_space<vmem>>
      tpu.wait_dma2 semaphore(%arg18 : memref<!tpu.dma_semaphore, #tpu.memory_space<semaphore_mem>>) src(%dma_wait3A_1783 : memref<8x1024xf32, #tpu.memory_space<vmem>>) dst(%dma_wait3A_1779 : memref<8x1024xf32, #tpu.memory_space<hbm>>)
      %add3A_1784 = arith.constant 1 : i32
      %add3A_1785 = arith.addi %add3A_1723, %add3A_1784 : i32
      %mul3A_1786 = arith.constant 8 : i32
      %mul3A_1787 = arith.muli %add3A_1785, %mul3A_1786 : i32
      %dma_start3A_1788 = arith.constant 0 : i32
      %dma_start3A_1789 = arith.constant 0 : i32
      %dma_start3A_1790 = arith.constant 0 : i32
      %dma_start3A_1791 = arith.constant 0 : i32
      %dma_start3A_1792 = tpu.memref_slice %arg9[%dma_start3A_1789, %dma_start3A_1790, %dma_start3A_1791] : memref<4x8x1024xf32, #tpu.memory_space<vmem>> -> memref<1x8x1024xf32, #tpu.memory_space<vmem>>
      %dma_start3A_1793 = tpu.memref_squeeze %dma_start3A_1792 : memref<1x8x1024xf32, #tpu.memory_space<vmem>> -> memref<8x1024xf32, #tpu.memory_space<vmem>>
      %dma_start3A_1794 = tpu.memref_slice %arg6[%dma_start3A_1788, %mul3A_1787] : memref<4x256xi32, #tpu.memory_space<vmem>> -> memref<1x8xi32, #tpu.memory_space<vmem>>
      %dma_start3A_1795 = tpu.memref_squeeze %dma_start3A_1794 : memref<1x8xi32, #tpu.memory_space<vmem>> -> memref<8xi32, #tpu.memory_space<vmem>>
      %dma_start3A_1796 = arith.constant 0 : i32
      %dma_start3A_1797 = arith.constant 0 : i32
      %dma_start3A_1798 = tpu.memref_slice %arg4[%dma_start3A_1796, %dma_start3A_1797] : memref<100000x1024xf32, #tpu.memory_space<hbm>> -> memref<100000x1024xf32, #tpu.memory_space<hbm>>
      tpu.enqueue_indirect_dma source(%dma_start3A_1798 : memref<100000x1024xf32, #tpu.memory_space<hbm>>) target(%dma_start3A_1793 : memref<8x1024xf32, #tpu.memory_space<vmem>>) offsets(%dma_start3A_1795 : memref<8xi32, #tpu.memory_space<vmem>>) semaphore(%arg15 : memref<!tpu.dma_semaphore, #tpu.memory_space<semaphore_mem>>)
      %mul3A_1799 = arith.constant 8 : i32
      %mul3A_1800 = arith.muli %add3A_1785, %mul3A_1799 : i32
      %dma_start3A_1801 = arith.constant 1 : i32
      %dma_start3A_1802 = arith.constant 1 : i32
      %dma_start3A_1803 = arith.constant 0 : i32
      %dma_start3A_1804 = arith.constant 0 : i32
      %dma_start3A_1805 = tpu.memref_slice %arg9[%dma_start3A_1802, %dma_start3A_1803, %dma_start3A_1804] : memref<4x8x1024xf32, #tpu.memory_space<vmem>> -> memref<1x8x1024xf32, #tpu.memory_space<vmem>>
      %dma_start3A_1806 = tpu.memref_squeeze %dma_start3A_1805 : memref<1x8x1024xf32, #tpu.memory_space<vmem>> -> memref<8x1024xf32, #tpu.memory_space<vmem>>
      %dma_start3A_1807 = tpu.memref_slice %arg6[%dma_start3A_1801, %mul3A_1800] : memref<4x256xi32, #tpu.memory_space<vmem>> -> memref<1x8xi32, #tpu.memory_space<vmem>>
      %dma_start3A_1808 = tpu.memref_squeeze %dma_start3A_1807 : memref<1x8xi32, #tpu.memory_space<vmem>> -> memref<8xi32, #tpu.memory_space<vmem>>
      %dma_start3A_1809 = arith.constant 0 : i32
      %dma_start3A_1810 = arith.constant 0 : i32
      %dma_start3A_1811 = tpu.memref_slice %arg4[%dma_start3A_1809, %dma_start3A_1810] : memref<100000x1024xf32, #tpu.memory_space<hbm>> -> memref<100000x1024xf32, #tpu.memory_space<hbm>>
      tpu.enqueue_indirect_dma source(%dma_start3A_1811 : memref<100000x1024xf32, #tpu.memory_space<hbm>>) target(%dma_start3A_1806 : memref<8x1024xf32, #tpu.memory_space<vmem>>) offsets(%dma_start3A_1808 : memref<8xi32, #tpu.memory_space<vmem>>) semaphore(%arg15 : memref<!tpu.dma_semaphore, #tpu.memory_space<semaphore_mem>>)
      %mul3A_1812 = arith.constant 8 : i32
      %mul3A_1813 = arith.muli %add3A_1785, %mul3A_1812 : i32
      %dma_start3A_1814 = arith.constant 2 : i32
      %dma_start3A_1815 = arith.constant 2 : i32
      %dma_start3A_1816 = arith.constant 0 : i32
      %dma_start3A_1817 = arith.constant 0 : i32
      %dma_start3A_1818 = tpu.memref_slice %arg9[%dma_start3A_1815, %dma_start3A_1816, %dma_start3A_1817] : memref<4x8x1024xf32, #tpu.memory_space<vmem>> -> memref<1x8x1024xf32, #tpu.memory_space<vmem>>
      %dma_start3A_1819 = tpu.memref_squeeze %dma_start3A_1818 : memref<1x8x1024xf32, #tpu.memory_space<vmem>> -> memref<8x1024xf32, #tpu.memory_space<vmem>>
      %dma_start3A_1820 = tpu.memref_slice %arg6[%dma_start3A_1814, %mul3A_1813] : memref<4x256xi32, #tpu.memory_space<vmem>> -> memref<1x8xi32, #tpu.memory_space<vmem>>
      %dma_start3A_1821 = tpu.memref_squeeze %dma_start3A_1820 : memref<1x8xi32, #tpu.memory_space<vmem>> -> memref<8xi32, #tpu.memory_space<vmem>>
      %dma_start3A_1822 = arith.constant 0 : i32
      %dma_start3A_1823 = arith.constant 0 : i32
      %dma_start3A_1824 = tpu.memref_slice %arg4[%dma_start3A_1822, %dma_start3A_1823] : memref<100000x1024xf32, #tpu.memory_space<hbm>> -> memref<100000x1024xf32, #tpu.memory_space<hbm>>
      tpu.enqueue_indirect_dma source(%dma_start3A_1824 : memref<100000x1024xf32, #tpu.memory_space<hbm>>) target(%dma_start3A_1819 : memref<8x1024xf32, #tpu.memory_space<vmem>>) offsets(%dma_start3A_1821 : memref<8xi32, #tpu.memory_space<vmem>>) semaphore(%arg15 : memref<!tpu.dma_semaphore, #tpu.memory_space<semaphore_mem>>)
      %mul3A_1825 = arith.constant 8 : i32
      %mul3A_1826 = arith.muli %add3A_1785, %mul3A_1825 : i32
      %dma_start3A_1827 = arith.constant 3 : i32
      %dma_start3A_1828 = arith.constant 3 : i32
      %dma_start3A_1829 = arith.constant 0 : i32
      %dma_start3A_1830 = arith.constant 0 : i32
      %dma_start3A_1831 = tpu.memref_slice %arg9[%dma_start3A_1828, %dma_start3A_1829, %dma_start3A_1830] : memref<4x8x1024xf32, #tpu.memory_space<vmem>> -> memref<1x8x1024xf32, #tpu.memory_space<vmem>>
      %dma_start3A_1832 = tpu.memref_squeeze %dma_start3A_1831 : memref<1x8x1024xf32, #tpu.memory_space<vmem>> -> memref<8x1024xf32, #tpu.memory_space<vmem>>
      %dma_start3A_1833 = tpu.memref_slice %arg6[%dma_start3A_1827, %mul3A_1826] : memref<4x256xi32, #tpu.memory_space<vmem>> -> memref<1x8xi32, #tpu.memory_space<vmem>>
      %dma_start3A_1834 = tpu.memref_squeeze %dma_start3A_1833 : memref<1x8xi32, #tpu.memory_space<vmem>> -> memref<8xi32, #tpu.memory_space<vmem>>
      %dma_start3A_1835 = arith.constant 0 : i32
      %dma_start3A_1836 = arith.constant 0 : i32
      %dma_start3A_1837 = tpu.memref_slice %arg4[%dma_start3A_1835, %dma_start3A_1836] : memref<100000x1024xf32, #tpu.memory_space<hbm>> -> memref<100000x1024xf32, #tpu.memory_space<hbm>>
      tpu.enqueue_indirect_dma source(%dma_start3A_1837 : memref<100000x1024xf32, #tpu.memory_space<hbm>>) target(%dma_start3A_1832 : memref<8x1024xf32, #tpu.memory_space<vmem>>) offsets(%dma_start3A_1834 : memref<8xi32, #tpu.memory_space<vmem>>) semaphore(%arg15 : memref<!tpu.dma_semaphore, #tpu.memory_space<semaphore_mem>>)
      %dma_wait3A_1838 = arith.constant 0 : i32
      %dma_wait3A_1839 = arith.constant 0 : i32
      %dma_wait3A_1840 = tpu.memref_slice %arg3[%dma_wait3A_1838, %dma_wait3A_1839] : memref<8192x1024xf32, #tpu.memory_space<hbm>> -> memref<8x1024xf32, #tpu.memory_space<hbm>>
      %dma_wait3A_1841 = arith.constant 0 : i32
      %dma_wait3A_1842 = arith.constant 0 : i32
      %dma_wait3A_1843 = tpu.memref_slice %arg3[%dma_wait3A_1841, %dma_wait3A_1842] : memref<8192x1024xf32, #tpu.memory_space<hbm>> -> memref<8x1024xf32, #tpu.memory_space<hbm>>
      tpu.wait_dma2 semaphore(%arg20 : memref<!tpu.dma_semaphore, #tpu.memory_space<semaphore_mem>>) src(%dma_wait3A_1843 : memref<8x1024xf32, #tpu.memory_space<hbm>>) dst(%arg11 : memref<8x1024xf32, #tpu.memory_space<vmem>>)
      %dma_wait3A_1844 = arith.constant 0 : i32
      %dma_wait3A_1845 = arith.constant 0 : i32
      %dma_wait3A_1846 = arith.constant 0 : i32
      %dma_wait3A_1847 = arith.constant 0 : i32
      %dma_wait3A_1848 = tpu.memref_slice %arg8[%dma_wait3A_1845, %dma_wait3A_1846, %dma_wait3A_1847] : memref<4x8x1024xf32, #tpu.memory_space<vmem>> -> memref<1x8x1024xf32, #tpu.memory_space<vmem>>
      %dma_wait3A_1849 = tpu.memref_squeeze %dma_wait3A_1848 : memref<1x8x1024xf32, #tpu.memory_space<vmem>> -> memref<8x1024xf32, #tpu.memory_space<vmem>>
      %dma_wait3A_1850 = arith.constant 0 : i32
      %dma_wait3A_1851 = tpu.memref_slice %arg6[%dma_wait3A_1844, %dma_wait3A_1850] : memref<4x256xi32, #tpu.memory_space<vmem>> -> memref<1x8xi32, #tpu.memory_space<vmem>>
      %dma_wait3A_1852 = tpu.memref_squeeze %dma_wait3A_1851 : memref<1x8xi32, #tpu.memory_space<vmem>> -> memref<8xi32, #tpu.memory_space<vmem>>
      %dma_wait3A_1853 = arith.constant 0 : i32
      %dma_wait3A_1854 = arith.constant 0 : i32
      %dma_wait3A_1855 = tpu.memref_slice %arg4[%dma_wait3A_1853, %dma_wait3A_1854] : memref<100000x1024xf32, #tpu.memory_space<hbm>> -> memref<100000x1024xf32, #tpu.memory_space<hbm>>
      tpu.wait_indirect_dma semaphore(%arg14 : memref<!tpu.dma_semaphore, #tpu.memory_space<semaphore_mem>>) src(%dma_wait3A_1855 : memref<100000x1024xf32, #tpu.memory_space<hbm>>) dst(%dma_wait3A_1849 : memref<8x1024xf32, #tpu.memory_space<vmem>>)
      %dma_wait3A_1856 = arith.constant 1 : i32
      %dma_wait3A_1857 = arith.constant 1 : i32
      %dma_wait3A_1858 = arith.constant 0 : i32
      %dma_wait3A_1859 = arith.constant 0 : i32
      %dma_wait3A_1860 = tpu.memref_slice %arg8[%dma_wait3A_1857, %dma_wait3A_1858, %dma_wait3A_1859] : memref<4x8x1024xf32, #tpu.memory_space<vmem>> -> memref<1x8x1024xf32, #tpu.memory_space<vmem>>
      %dma_wait3A_1861 = tpu.memref_squeeze %dma_wait3A_1860 : memref<1x8x1024xf32, #tpu.memory_space<vmem>> -> memref<8x1024xf32, #tpu.memory_space<vmem>>
      %dma_wait3A_1862 = arith.constant 0 : i32
      %dma_wait3A_1863 = tpu.memref_slice %arg6[%dma_wait3A_1856, %dma_wait3A_1862] : memref<4x256xi32, #tpu.memory_space<vmem>> -> memref<1x8xi32, #tpu.memory_space<vmem>>
      %dma_wait3A_1864 = tpu.memref_squeeze %dma_wait3A_1863 : memref<1x8xi32, #tpu.memory_space<vmem>> -> memref<8xi32, #tpu.memory_space<vmem>>
      %dma_wait3A_1865 = arith.constant 0 : i32
      %dma_wait3A_1866 = arith.constant 0 : i32
      %dma_wait3A_1867 = tpu.memref_slice %arg4[%dma_wait3A_1865, %dma_wait3A_1866] : memref<100000x1024xf32, #tpu.memory_space<hbm>> -> memref<100000x1024xf32, #tpu.memory_space<hbm>>
      tpu.wait_indirect_dma semaphore(%arg14 : memref<!tpu.dma_semaphore, #tpu.memory_space<semaphore_mem>>) src(%dma_wait3A_1867 : memref<100000x1024xf32, #tpu.memory_space<hbm>>) dst(%dma_wait3A_1861 : memref<8x1024xf32, #tpu.memory_space<vmem>>)
      %dma_wait3A_1868 = arith.constant 2 : i32
      %dma_wait3A_1869 = arith.constant 2 : i32
      %dma_wait3A_1870 = arith.constant 0 : i32
      %dma_wait3A_1871 = arith.constant 0 : i32
      %dma_wait3A_1872 = tpu.memref_slice %arg8[%dma_wait3A_1869, %dma_wait3A_1870, %dma_wait3A_1871] : memref<4x8x1024xf32, #tpu.memory_space<vmem>> -> memref<1x8x1024xf32, #tpu.memory_space<vmem>>
      %dma_wait3A_1873 = tpu.memref_squeeze %dma_wait3A_1872 : memref<1x8x1024xf32, #tpu.memory_space<vmem>> -> memref<8x1024xf32, #tpu.memory_space<vmem>>
      %dma_wait3A_1874 = arith.constant 0 : i32
      %dma_wait3A_1875 = tpu.memref_slice %arg6[%dma_wait3A_1868, %dma_wait3A_1874] : memref<4x256xi32, #tpu.memory_space<vmem>> -> memref<1x8xi32, #tpu.memory_space<vmem>>
      %dma_wait3A_1876 = tpu.memref_squeeze %dma_wait3A_1875 : memref<1x8xi32, #tpu.memory_space<vmem>> -> memref<8xi32, #tpu.memory_space<vmem>>
      %dma_wait3A_1877 = arith.constant 0 : i32
      %dma_wait3A_1878 = arith.constant 0 : i32
      %dma_wait3A_1879 = tpu.memref_slice %arg4[%dma_wait3A_1877, %dma_wait3A_1878] : memref<100000x1024xf32, #tpu.memory_space<hbm>> -> memref<100000x1024xf32, #tpu.memory_space<hbm>>
      tpu.wait_indirect_dma semaphore(%arg14 : memref<!tpu.dma_semaphore, #tpu.memory_space<semaphore_mem>>) src(%dma_wait3A_1879 : memref<100000x1024xf32, #tpu.memory_space<hbm>>) dst(%dma_wait3A_1873 : memref<8x1024xf32, #tpu.memory_space<vmem>>)
      %dma_wait3A_1880 = arith.constant 3 : i32
      %dma_wait3A_1881 = arith.constant 3 : i32
      %dma_wait3A_1882 = arith.constant 0 : i32
      %dma_wait3A_1883 = arith.constant 0 : i32
      %dma_wait3A_1884 = tpu.memref_slice %arg8[%dma_wait3A_1881, %dma_wait3A_1882, %dma_wait3A_1883] : memref<4x8x1024xf32, #tpu.memory_space<vmem>> -> memref<1x8x1024xf32, #tpu.memory_space<vmem>>
      %dma_wait3A_1885 = tpu.memref_squeeze %dma_wait3A_1884 : memref<1x8x1024xf32, #tpu.memory_space<vmem>> -> memref<8x1024xf32, #tpu.memory_space<vmem>>
      %dma_wait3A_1886 = arith.constant 0 : i32
      %dma_wait3A_1887 = tpu.memref_slice %arg6[%dma_wait3A_1880, %dma_wait3A_1886] : memref<4x256xi32, #tpu.memory_space<vmem>> -> memref<1x8xi32, #tpu.memory_space<vmem>>
      %dma_wait3A_1888 = tpu.memref_squeeze %dma_wait3A_1887 : memref<1x8xi32, #tpu.memory_space<vmem>> -> memref<8xi32, #tpu.memory_space<vmem>>
      %dma_wait3A_1889 = arith.constant 0 : i32
      %dma_wait3A_1890 = arith.constant 0 : i32
      %dma_wait3A_1891 = tpu.memref_slice %arg4[%dma_wait3A_1889, %dma_wait3A_1890] : memref<100000x1024xf32, #tpu.memory_space<hbm>> -> memref<100000x1024xf32, #tpu.memory_space<hbm>>
      tpu.wait_indirect_dma semaphore(%arg14 : memref<!tpu.dma_semaphore, #tpu.memory_space<semaphore_mem>>) src(%dma_wait3A_1891 : memref<100000x1024xf32, #tpu.memory_space<hbm>>) dst(%dma_wait3A_1885 : memref<8x1024xf32, #tpu.memory_space<vmem>>)
      %parallel_loop3A_1892 = arith.constant 0 : i32
      %parallel_loop3A_1893 = arith.constant 512 : i32
      %parallel_loop3A_1894 = arith.constant 1 : i32
      scf.for %parallel_loop3A_1976 = %parallel_loop3A_1892 to %parallel_loop3A_1893 step %parallel_loop3A_1894  : i32 {
        %parallel_loop3A_1977 = arith.constant 6 : i32
        %parallel_loop3A_1978 = arith.shrui %parallel_loop3A_1976, %parallel_loop3A_1977 : i32
        %parallel_loop3A_1979 = arith.constant 63 : i32
        %parallel_loop3A_1980 = arith.andi %parallel_loop3A_1976, %parallel_loop3A_1979 : i32
        %parallel_loop3A_1981 = arith.constant 16 : i32
        %parallel_loop3A_1982 = arith.muli %parallel_loop3A_1980, %parallel_loop3A_1981 : i32
        %parallel_loop3A_1983 = arith.index_cast %parallel_loop3A_1978 : i32 to index
        %parallel_loop3A_1984 = arith.index_cast %parallel_loop3A_1982 : i32 to index
        %parallel_loop3A_1985 = tpu.vector_load %arg11[%parallel_loop3A_1983, %parallel_loop3A_1984] {strides = array<i32>} : memref<8x1024xf32, #tpu.memory_space<vmem>>, vector<1x16xf32>,
        %parallel_loop3A_1986 = vector.shape_cast %parallel_loop3A_1985 : vector<1x16xf32> to vector<16xf32>
        %parallel_loop3A_1987 = arith.constant 0 : i32
        %parallel_loop3A_1988 = arith.index_cast %parallel_loop3A_1987 : i32 to index
        %parallel_loop3A_1989 = arith.index_cast %parallel_loop3A_1978 : i32 to index
        %parallel_loop3A_1990 = arith.index_cast %parallel_loop3A_1982 : i32 to index
        %parallel_loop3A_1991 = tpu.vector_load %arg8[%parallel_loop3A_1988, %parallel_loop3A_1989, %parallel_loop3A_1990] {strides = array<i32>} : memref<4x8x1024xf32, #tpu.memory_space<vmem>>, vector<1x1x16xf32>,
        %parallel_loop3A_1992 = vector.shape_cast %parallel_loop3A_1991 : vector<1x1x16xf32> to vector<16xf32>
        %parallel_loop3A_1993 = vector.shape_cast %parallel_loop3A_1986 : vector<16xf32> to vector<1x1x16xf32>
        tpu.vector_store %arg8[%parallel_loop3A_1988, %parallel_loop3A_1989, %parallel_loop3A_1990], %parallel_loop3A_1993 {add = true, strides = array<i32>} : memref<4x8x1024xf32, #tpu.memory_space<vmem>>, vector<1x1x16xf32>,
        %parallel_loop3A_1994 = arith.constant 1 : i32
        %parallel_loop3A_1995 = arith.index_cast %parallel_loop3A_1994 : i32 to index
        %parallel_loop3A_1996 = arith.index_cast %parallel_loop3A_1978 : i32 to index
        %parallel_loop3A_1997 = arith.index_cast %parallel_loop3A_1982 : i32 to index
        %parallel_loop3A_1998 = tpu.vector_load %arg8[%parallel_loop3A_1995, %parallel_loop3A_1996, %parallel_loop3A_1997] {strides = array<i32>} : memref<4x8x1024xf32, #tpu.memory_space<vmem>>, vector<1x1x16xf32>,
        %parallel_loop3A_1999 = vector.shape_cast %parallel_loop3A_1998 : vector<1x1x16xf32> to vector<16xf32>
        %parallel_loop3A_2000 = vector.shape_cast %parallel_loop3A_1986 : vector<16xf32> to vector<1x1x16xf32>
        tpu.vector_store %arg8[%parallel_loop3A_1995, %parallel_loop3A_1996, %parallel_loop3A_1997], %parallel_loop3A_2000 {add = true, strides = array<i32>} : memref<4x8x1024xf32, #tpu.memory_space<vmem>>, vector<1x1x16xf32>,
        %parallel_loop3A_2001 = arith.constant 2 : i32
        %parallel_loop3A_2002 = arith.index_cast %parallel_loop3A_2001 : i32 to index
        %parallel_loop3A_2003 = arith.index_cast %parallel_loop3A_1978 : i32 to index
        %parallel_loop3A_2004 = arith.index_cast %parallel_loop3A_1982 : i32 to index
        %parallel_loop3A_2005 = tpu.vector_load %arg8[%parallel_loop3A_2002, %parallel_loop3A_2003, %parallel_loop3A_2004] {strides = array<i32>} : memref<4x8x1024xf32, #tpu.memory_space<vmem>>, vector<1x1x16xf32>,
        %parallel_loop3A_2006 = vector.shape_cast %parallel_loop3A_2005 : vector<1x1x16xf32> to vector<16xf32>
        %parallel_loop3A_2007 = vector.shape_cast %parallel_loop3A_1986 : vector<16xf32> to vector<1x1x16xf32>
        tpu.vector_store %arg8[%parallel_loop3A_2002, %parallel_loop3A_2003, %parallel_loop3A_2004], %parallel_loop3A_2007 {add = true, strides = array<i32>} : memref<4x8x1024xf32, #tpu.memory_space<vmem>>, vector<1x1x16xf32>,
        %parallel_loop3A_2008 = arith.constant 3 : i32
        %parallel_loop3A_2009 = arith.index_cast %parallel_loop3A_2008 : i32 to index
        %parallel_loop3A_2010 = arith.index_cast %parallel_loop3A_1978 : i32 to index
        %parallel_loop3A_2011 = arith.index_cast %parallel_loop3A_1982 : i32 to index
        %parallel_loop3A_2012 = tpu.vector_load %arg8[%parallel_loop3A_2009, %parallel_loop3A_2010, %parallel_loop3A_2011] {strides = array<i32>} : memref<4x8x1024xf32, #tpu.memory_space<vmem>>, vector<1x1x16xf32>,
        %parallel_loop3A_2013 = vector.shape_cast %parallel_loop3A_2012 : vector<1x1x16xf32> to vector<16xf32>
        %parallel_loop3A_2014 = vector.shape_cast %parallel_loop3A_1986 : vector<16xf32> to vector<1x1x16xf32>
        tpu.vector_store %arg8[%parallel_loop3A_2009, %parallel_loop3A_2010, %parallel_loop3A_2011], %parallel_loop3A_2014 {add = true, strides = array<i32>} : memref<4x8x1024xf32, #tpu.memory_space<vmem>>, vector<1x1x16xf32>,
      } {sc.loop_unroll_factor = 4 : i64, sc.parallel_access}
      %add3A_1895 = arith.constant 2 : i32
      %add3A_1896 = arith.addi %add3A_1723, %add3A_1895 : i32
      %mul3A_1897 = arith.constant 8 : i32
      %mul3A_1898 = arith.muli %add3A_1896, %mul3A_1897 : i32
      %add3A_1899 = arith.addi %mul3A_2, %mul3A_1898 : i32
      %dma_start3A_1900 = arith.constant 0 : i32
      %dma_start3A_1901 = tpu.memref_slice %arg3[%add3A_1899, %dma_start3A_1900] : memref<8192x1024xf32, #tpu.memory_space<hbm>> -> memref<8x1024xf32, #tpu.memory_space<hbm>>
      %dma_start3A_1902 = arith.constant 0 : i32
      %dma_start3A_1903 = tpu.memref_slice %arg3[%add3A_1899, %dma_start3A_1902] : memref<8192x1024xf32, #tpu.memory_space<hbm>> -> memref<8x1024xf32, #tpu.memory_space<hbm>>
      tpu.enqueue_dma source(%dma_start3A_1903 : memref<8x1024xf32, #tpu.memory_space<hbm>>) target(%arg10 : memref<8x1024xf32, #tpu.memory_space<vmem>>) target_semaphore(%arg19 : memref<!tpu.dma_semaphore, #tpu.memory_space<semaphore_mem>>)
      %add3A_1904 = arith.constant 0 : i32
      %add3A_1905 = arith.addi %add3A_1904, %mul3A_2 : i32
      %mul3A_1906 = arith.constant 8 : i32
      %mul3A_1907 = arith.muli %add3A_1723, %mul3A_1906 : i32
      %add3A_1908 = arith.addi %add3A_1905, %mul3A_1907 : i32
      %dma_start3A_1909 = arith.constant 0 : i32
      %dma_start3A_1910 = arith.constant 0 : i32
      %dma_start3A_1911 = arith.constant 0 : i32
      %dma_start3A_1912 = tpu.memref_slice %arg8[%dma_start3A_1909, %dma_start3A_1910, %dma_start3A_1911] : memref<4x8x1024xf32, #tpu.memory_space<vmem>> -> memref<1x8x1024xf32, #tpu.memory_space<vmem>>
      %dma_start3A_1913 = tpu.memref_squeeze %dma_start3A_1912 : memref<1x8x1024xf32, #tpu.memory_space<vmem>> -> memref<8x1024xf32, #tpu.memory_space<vmem>>
      %dma_start3A_1914 = arith.constant 0 : i32
      %dma_start3A_1915 = tpu.memref_slice %arg5[%add3A_1908, %dma_start3A_1914] : memref<32768x1024xf32, #tpu.memory_space<hbm>> -> memref<8x1024xf32, #tpu.memory_space<hbm>>
      %dma_start3A_1916 = arith.constant 0 : i32
      %dma_start3A_1917 = tpu.memref_slice %arg5[%add3A_1908, %dma_start3A_1916] : memref<32768x1024xf32, #tpu.memory_space<hbm>> -> memref<8x1024xf32, #tpu.memory_space<hbm>>
      %dma_start3A_1918 = arith.constant 0 : i32
      %dma_start3A_1919 = arith.constant 0 : i32
      %dma_start3A_1920 = tpu.memref_slice %arg8[%dma_start3A_1909, %dma_start3A_1918, %dma_start3A_1919] : memref<4x8x1024xf32, #tpu.memory_space<vmem>> -> memref<1x8x1024xf32, #tpu.memory_space<vmem>>
      %dma_start3A_1921 = tpu.memref_squeeze %dma_start3A_1920 : memref<1x8x1024xf32, #tpu.memory_space<vmem>> -> memref<8x1024xf32, #tpu.memory_space<vmem>>
      tpu.enqueue_dma source(%dma_start3A_1921 : memref<8x1024xf32, #tpu.memory_space<vmem>>) target(%dma_start3A_1917 : memref<8x1024xf32, #tpu.memory_space<hbm>>) target_semaphore(%arg17 : memref<!tpu.dma_semaphore, #tpu.memory_space<semaphore_mem>>)
      %add3A_1922 = arith.constant 8192 : i32
      %add3A_1923 = arith.addi %add3A_1922, %mul3A_2 : i32
      %mul3A_1924 = arith.constant 8 : i32
      %mul3A_1925 = arith.muli %add3A_1723, %mul3A_1924 : i32
      %add3A_1926 = arith.addi %add3A_1923, %mul3A_1925 : i32
      %dma_start3A_1927 = arith.constant 1 : i32
      %dma_start3A_1928 = arith.constant 0 : i32
      %dma_start3A_1929 = arith.constant 0 : i32
      %dma_start3A_1930 = tpu.memref_slice %arg8[%dma_start3A_1927, %dma_start3A_1928, %dma_start3A_1929] : memref<4x8x1024xf32, #tpu.memory_space<vmem>> -> memref<1x8x1024xf32, #tpu.memory_space<vmem>>
      %dma_start3A_1931 = tpu.memref_squeeze %dma_start3A_1930 : memref<1x8x1024xf32, #tpu.memory_space<vmem>> -> memref<8x1024xf32, #tpu.memory_space<vmem>>
      %dma_start3A_1932 = arith.constant 0 : i32
      %dma_start3A_1933 = tpu.memref_slice %arg5[%add3A_1926, %dma_start3A_1932] : memref<32768x1024xf32, #tpu.memory_space<hbm>> -> memref<8x1024xf32, #tpu.memory_space<hbm>>
      %dma_start3A_1934 = arith.constant 0 : i32
      %dma_start3A_1935 = tpu.memref_slice %arg5[%add3A_1926, %dma_start3A_1934] : memref<32768x1024xf32, #tpu.memory_space<hbm>> -> memref<8x1024xf32, #tpu.memory_space<hbm>>
      %dma_start3A_1936 = arith.constant 0 : i32
      %dma_start3A_1937 = arith.constant 0 : i32
      %dma_start3A_1938 = tpu.memref_slice %arg8[%dma_start3A_1927, %dma_start3A_1936, %dma_start3A_1937] : memref<4x8x1024xf32, #tpu.memory_space<vmem>> -> memref<1x8x1024xf32, #tpu.memory_space<vmem>>
      %dma_start3A_1939 = tpu.memref_squeeze %dma_start3A_1938 : memref<1x8x1024xf32, #tpu.memory_space<vmem>> -> memref<8x1024xf32, #tpu.memory_space<vmem>>
      tpu.enqueue_dma source(%dma_start3A_1939 : memref<8x1024xf32, #tpu.memory_space<vmem>>) target(%dma_start3A_1935 : memref<8x1024xf32, #tpu.memory_space<hbm>>) target_semaphore(%arg17 : memref<!tpu.dma_semaphore, #tpu.memory_space<semaphore_mem>>)
      %add3A_1940 = arith.constant 16384 : i32
      %add3A_1941 = arith.addi %add3A_1940, %mul3A_2 : i32
      %mul3A_1942 = arith.constant 8 : i32
      %mul3A_1943 = arith.muli %add3A_1723, %mul3A_1942 : i32
      %add3A_1944 = arith.addi %add3A_1941, %mul3A_1943 : i32
      %dma_start3A_1945 = arith.constant 2 : i32
      %dma_start3A_1946 = arith.constant 0 : i32
      %dma_start3A_1947 = arith.constant 0 : i32
      %dma_start3A_1948 = tpu.memref_slice %arg8[%dma_start3A_1945, %dma_start3A_1946, %dma_start3A_1947] : memref<4x8x1024xf32, #tpu.memory_space<vmem>> -> memref<1x8x1024xf32, #tpu.memory_space<vmem>>
      %dma_start3A_1949 = tpu.memref_squeeze %dma_start3A_1948 : memref<1x8x1024xf32, #tpu.memory_space<vmem>> -> memref<8x1024xf32, #tpu.memory_space<vmem>>
      %dma_start3A_1950 = arith.constant 0 : i32
      %dma_start3A_1951 = tpu.memref_slice %arg5[%add3A_1944, %dma_start3A_1950] : memref<32768x1024xf32, #tpu.memory_space<hbm>> -> memref<8x1024xf32, #tpu.memory_space<hbm>>
      %dma_start3A_1952 = arith.constant 0 : i32
      %dma_start3A_1953 = tpu.memref_slice %arg5[%add3A_1944, %dma_start3A_1952] : memref<32768x1024xf32, #tpu.memory_space<hbm>> -> memref<8x1024xf32, #tpu.memory_space<hbm>>
      %dma_start3A_1954 = arith.constant 0 : i32
      %dma_start3A_1955 = arith.constant 0 : i32
      %dma_start3A_1956 = tpu.memref_slice %arg8[%dma_start3A_1945, %dma_start3A_1954, %dma_start3A_1955] : memref<4x8x1024xf32, #tpu.memory_space<vmem>> -> memref<1x8x1024xf32, #tpu.memory_space<vmem>>
      %dma_start3A_1957 = tpu.memref_squeeze %dma_start3A_1956 : memref<1x8x1024xf32, #tpu.memory_space<vmem>> -> memref<8x1024xf32, #tpu.memory_space<vmem>>
      tpu.enqueue_dma source(%dma_start3A_1957 : memref<8x1024xf32, #tpu.memory_space<vmem>>) target(%dma_start3A_1953 : memref<8x1024xf32, #tpu.memory_space<hbm>>) target_semaphore(%arg17 : memref<!tpu.dma_semaphore, #tpu.memory_space<semaphore_mem>>)
      %add3A_1958 = arith.constant 24576 : i32
      %add3A_1959 = arith.addi %add3A_1958, %mul3A_2 : i32
      %mul3A_1960 = arith.constant 8 : i32
      %mul3A_1961 = arith.muli %add3A_1723, %mul3A_1960 : i32
      %add3A_1962 = arith.addi %add3A_1959, %mul3A_1961 : i32
      %dma_start3A_1963 = arith.constant 3 : i32
      %dma_start3A_1964 = arith.constant 0 : i32
      %dma_start3A_1965 = arith.constant 0 : i32
      %dma_start3A_1966 = tpu.memref_slice %arg8[%dma_start3A_1963, %dma_start3A_1964, %dma_start3A_1965] : memref<4x8x1024xf32, #tpu.memory_space<vmem>> -> memref<1x8x1024xf32, #tpu.memory_space<vmem>>
      %dma_start3A_1967 = tpu.memref_squeeze %dma_start3A_1966 : memref<1x8x1024xf32, #tpu.memory_space<vmem>> -> memref<8x1024xf32, #tpu.memory_space<vmem>>
      %dma_start3A_1968 = arith.constant 0 : i32
      %dma_start3A_1969 = tpu.memref_slice %arg5[%add3A_1962, %dma_start3A_1968] : memref<32768x1024xf32, #tpu.memory_space<hbm>> -> memref<8x1024xf32, #tpu.memory_space<hbm>>
      %dma_start3A_1970 = arith.constant 0 : i32
      %dma_start3A_1971 = tpu.memref_slice %arg5[%add3A_1962, %dma_start3A_1970] : memref<32768x1024xf32, #tpu.memory_space<hbm>> -> memref<8x1024xf32, #tpu.memory_space<hbm>>
      %dma_start3A_1972 = arith.constant 0 : i32
      %dma_start3A_1973 = arith.constant 0 : i32
      %dma_start3A_1974 = tpu.memref_slice %arg8[%dma_start3A_1963, %dma_start3A_1972, %dma_start3A_1973] : memref<4x8x1024xf32, #tpu.memory_space<vmem>> -> memref<1x8x1024xf32, #tpu.memory_space<vmem>>
      %dma_start3A_1975 = tpu.memref_squeeze %dma_start3A_1974 : memref<1x8x1024xf32, #tpu.memory_space<vmem>> -> memref<8x1024xf32, #tpu.memory_space<vmem>>
      tpu.enqueue_dma source(%dma_start3A_1975 : memref<8x1024xf32, #tpu.memory_space<vmem>>) target(%dma_start3A_1971 : memref<8x1024xf32, #tpu.memory_space<hbm>>) target_semaphore(%arg17 : memref<!tpu.dma_semaphore, #tpu.memory_space<semaphore_mem>>)
    }
    %scan3A_433 = arith.constant 9 : i32
    %dma_wait3A_434 = arith.constant 0 : i32
    %dma_wait3A_435 = arith.constant 0 : i32
    %dma_wait3A_436 = arith.constant 0 : i32
    %dma_wait3A_437 = tpu.memref_slice %arg7[%dma_wait3A_434, %dma_wait3A_435, %dma_wait3A_436] : memref<4x8x1024xf32, #tpu.memory_space<vmem>> -> memref<1x8x1024xf32, #tpu.memory_space<vmem>>
    %dma_wait3A_438 = tpu.memref_squeeze %dma_wait3A_437 : memref<1x8x1024xf32, #tpu.memory_space<vmem>> -> memref<8x1024xf32, #tpu.memory_space<vmem>>
    %dma_wait3A_439 = arith.constant 0 : i32
    %dma_wait3A_440 = arith.constant 0 : i32
    %dma_wait3A_441 = tpu.memref_slice %arg5[%dma_wait3A_439, %dma_wait3A_440] : memref<32768x1024xf32, #tpu.memory_space<hbm>> -> memref<8x1024xf32, #tpu.memory_space<hbm>>
    %dma_wait3A_442 = arith.constant 0 : i32
    %dma_wait3A_443 = arith.constant 0 : i32
    %dma_wait3A_444 = tpu.memref_slice %arg5[%dma_wait3A_442, %dma_wait3A_443] : memref<32768x1024xf32, #tpu.memory_space<hbm>> -> memref<8x1024xf32, #tpu.memory_space<hbm>>
    %dma_wait3A_445 = arith.constant 0 : i32
    %dma_wait3A_446 = arith.constant 0 : i32
    %dma_wait3A_447 = tpu.memref_slice %arg7[%dma_wait3A_434, %dma_wait3A_445, %dma_wait3A_446] : memref<4x8x1024xf32, #tpu.memory_space<vmem>> -> memref<1x8x1024xf32, #tpu.memory_space<vmem>>
    %dma_wait3A_448 = tpu.memref_squeeze %dma_wait3A_447 : memref<1x8x1024xf32, #tpu.memory_space<vmem>> -> memref<8x1024xf32, #tpu.memory_space<vmem>>
    tpu.wait_dma2 semaphore(%arg16 : memref<!tpu.dma_semaphore, #tpu.memory_space<semaphore_mem>>) src(%dma_wait3A_448 : memref<8x1024xf32, #tpu.memory_space<vmem>>) dst(%dma_wait3A_444 : memref<8x1024xf32, #tpu.memory_space<hbm>>)
    %dma_wait3A_449 = arith.constant 1 : i32
    %dma_wait3A_450 = arith.constant 0 : i32
    %dma_wait3A_451 = arith.constant 0 : i32
    %dma_wait3A_452 = tpu.memref_slice %arg7[%dma_wait3A_449, %dma_wait3A_450, %dma_wait3A_451] : memref<4x8x1024xf32, #tpu.memory_space<vmem>> -> memref<1x8x1024xf32, #tpu.memory_space<vmem>>
    %dma_wait3A_453 = tpu.memref_squeeze %dma_wait3A_452 : memref<1x8x1024xf32, #tpu.memory_space<vmem>> -> memref<8x1024xf32, #tpu.memory_space<vmem>>
    %dma_wait3A_454 = arith.constant 0 : i32
    %dma_wait3A_455 = arith.constant 0 : i32
    %dma_wait3A_456 = tpu.memref_slice %arg5[%dma_wait3A_454, %dma_wait3A_455] : memref<32768x1024xf32, #tpu.memory_space<hbm>> -> memref<8x1024xf32, #tpu.memory_space<hbm>>
    %dma_wait3A_457 = arith.constant 0 : i32
    %dma_wait3A_458 = arith.constant 0 : i32
    %dma_wait3A_459 = tpu.memref_slice %arg5[%dma_wait3A_457, %dma_wait3A_458] : memref<32768x1024xf32, #tpu.memory_space<hbm>> -> memref<8x1024xf32, #tpu.memory_space<hbm>>
    %dma_wait3A_460 = arith.constant 0 : i32
    %dma_wait3A_461 = arith.constant 0 : i32
    %dma_wait3A_462 = tpu.memref_slice %arg7[%dma_wait3A_449, %dma_wait3A_460, %dma_wait3A_461] : memref<4x8x1024xf32, #tpu.memory_space<vmem>> -> memref<1x8x1024xf32, #tpu.memory_space<vmem>>
    %dma_wait3A_463 = tpu.memref_squeeze %dma_wait3A_462 : memref<1x8x1024xf32, #tpu.memory_space<vmem>> -> memref<8x1024xf32, #tpu.memory_space<vmem>>
    tpu.wait_dma2 semaphore(%arg16 : memref<!tpu.dma_semaphore, #tpu.memory_space<semaphore_mem>>) src(%dma_wait3A_463 : memref<8x1024xf32, #tpu.memory_space<vmem>>) dst(%dma_wait3A_459 : memref<8x1024xf32, #tpu.memory_space<hbm>>)
    %dma_wait3A_464 = arith.constant 2 : i32
    %dma_wait3A_465 = arith.constant 0 : i32
    %dma_wait3A_466 = arith.constant 0 : i32
    %dma_wait3A_467 = tpu.memref_slice %arg7[%dma_wait3A_464, %dma_wait3A_465, %dma_wait3A_466] : memref<4x8x1024xf32, #tpu.memory_space<vmem>> -> memref<1x8x1024xf32, #tpu.memory_space<vmem>>
    %dma_wait3A_468 = tpu.memref_squeeze %dma_wait3A_467 : memref<1x8x1024xf32, #tpu.memory_space<vmem>> -> memref<8x1024xf32, #tpu.memory_space<vmem>>
    %dma_wait3A_469 = arith.constant 0 : i32
    %dma_wait3A_470 = arith.constant 0 : i32
    %dma_wait3A_471 = tpu.memref_slice %arg5[%dma_wait3A_469, %dma_wait3A_470] : memref<32768x1024xf32, #tpu.memory_space<hbm>> -> memref<8x1024xf32, #tpu.memory_space<hbm>>
    %dma_wait3A_472 = arith.constant 0 : i32
    %dma_wait3A_473 = arith.constant 0 : i32
    %dma_wait3A_474 = tpu.memref_slice %arg5[%dma_wait3A_472, %dma_wait3A_473] : memref<32768x1024xf32, #tpu.memory_space<hbm>> -> memref<8x1024xf32, #tpu.memory_space<hbm>>
    %dma_wait3A_475 = arith.constant 0 : i32
    %dma_wait3A_476 = arith.constant 0 : i32
    %dma_wait3A_477 = tpu.memref_slice %arg7[%dma_wait3A_464, %dma_wait3A_475, %dma_wait3A_476] : memref<4x8x1024xf32, #tpu.memory_space<vmem>> -> memref<1x8x1024xf32, #tpu.memory_space<vmem>>
    %dma_wait3A_478 = tpu.memref_squeeze %dma_wait3A_477 : memref<1x8x1024xf32, #tpu.memory_space<vmem>> -> memref<8x1024xf32, #tpu.memory_space<vmem>>
    tpu.wait_dma2 semaphore(%arg16 : memref<!tpu.dma_semaphore, #tpu.memory_space<semaphore_mem>>) src(%dma_wait3A_478 : memref<8x1024xf32, #tpu.memory_space<vmem>>) dst(%dma_wait3A_474 : memref<8x1024xf32, #tpu.memory_space<hbm>>)
    %dma_wait3A_479 = arith.constant 3 : i32
    %dma_wait3A_480 = arith.constant 0 : i32
    %dma_wait3A_481 = arith.constant 0 : i32
    %dma_wait3A_482 = tpu.memref_slice %arg7[%dma_wait3A_479, %dma_wait3A_480, %dma_wait3A_481] : memref<4x8x1024xf32, #tpu.memory_space<vmem>> -> memref<1x8x1024xf32, #tpu.memory_space<vmem>>
    %dma_wait3A_483 = tpu.memref_squeeze %dma_wait3A_482 : memref<1x8x1024xf32, #tpu.memory_space<vmem>> -> memref<8x1024xf32, #tpu.memory_space<vmem>>
    %dma_wait3A_484 = arith.constant 0 : i32
    %dma_wait3A_485 = arith.constant 0 : i32
    %dma_wait3A_486 = tpu.memref_slice %arg5[%dma_wait3A_484, %dma_wait3A_485] : memref<32768x1024xf32, #tpu.memory_space<hbm>> -> memref<8x1024xf32, #tpu.memory_space<hbm>>
    %dma_wait3A_487 = arith.constant 0 : i32
    %dma_wait3A_488 = arith.constant 0 : i32
    %dma_wait3A_489 = tpu.memref_slice %arg5[%dma_wait3A_487, %dma_wait3A_488] : memref<32768x1024xf32, #tpu.memory_space<hbm>> -> memref<8x1024xf32, #tpu.memory_space<hbm>>
    %dma_wait3A_490 = arith.constant 0 : i32
    %dma_wait3A_491 = arith.constant 0 : i32
    %dma_wait3A_492 = tpu.memref_slice %arg7[%dma_wait3A_479, %dma_wait3A_490, %dma_wait3A_491] : memref<4x8x1024xf32, #tpu.memory_space<vmem>> -> memref<1x8x1024xf32, #tpu.memory_space<vmem>>
    %dma_wait3A_493 = tpu.memref_squeeze %dma_wait3A_492 : memref<1x8x1024xf32, #tpu.memory_space<vmem>> -> memref<8x1024xf32, #tpu.memory_space<vmem>>
    tpu.wait_dma2 semaphore(%arg16 : memref<!tpu.dma_semaphore, #tpu.memory_space<semaphore_mem>>) src(%dma_wait3A_493 : memref<8x1024xf32, #tpu.memory_space<vmem>>) dst(%dma_wait3A_489 : memref<8x1024xf32, #tpu.memory_space<hbm>>)
    %dma_start3A_494 = arith.constant 0 : i32
    %dma_start3A_495 = arith.constant 0 : i32
    %dma_start3A_496 = arith.constant 0 : i32
    %dma_start3A_497 = arith.constant 0 : i32
    %dma_start3A_498 = tpu.memref_slice %arg7[%dma_start3A_495, %dma_start3A_496, %dma_start3A_497] : memref<4x8x1024xf32, #tpu.memory_space<vmem>> -> memref<1x8x1024xf32, #tpu.memory_space<vmem>>
    %dma_start3A_499 = tpu.memref_squeeze %dma_start3A_498 : memref<1x8x1024xf32, #tpu.memory_space<vmem>> -> memref<8x1024xf32, #tpu.memory_space<vmem>>
    %dma_start3A_500 = arith.constant 240 : i32
    %dma_start3A_501 = tpu.memref_slice %arg6[%dma_start3A_494, %dma_start3A_500] : memref<4x256xi32, #tpu.memory_space<vmem>> -> memref<1x8xi32, #tpu.memory_space<vmem>>
    %dma_start3A_502 = tpu.memref_squeeze %dma_start3A_501 : memref<1x8xi32, #tpu.memory_space<vmem>> -> memref<8xi32, #tpu.memory_space<vmem>>
    %dma_start3A_503 = arith.constant 0 : i32
    %dma_start3A_504 = arith.constant 0 : i32
    %dma_start3A_505 = tpu.memref_slice %arg4[%dma_start3A_503, %dma_start3A_504] : memref<100000x1024xf32, #tpu.memory_space<hbm>> -> memref<100000x1024xf32, #tpu.memory_space<hbm>>
    tpu.enqueue_indirect_dma source(%dma_start3A_505 : memref<100000x1024xf32, #tpu.memory_space<hbm>>) target(%dma_start3A_499 : memref<8x1024xf32, #tpu.memory_space<vmem>>) offsets(%dma_start3A_502 : memref<8xi32, #tpu.memory_space<vmem>>) semaphore(%arg13 : memref<!tpu.dma_semaphore, #tpu.memory_space<semaphore_mem>>)
    %dma_start3A_506 = arith.constant 1 : i32
    %dma_start3A_507 = arith.constant 1 : i32
    %dma_start3A_508 = arith.constant 0 : i32
    %dma_start3A_509 = arith.constant 0 : i32
    %dma_start3A_510 = tpu.memref_slice %arg7[%dma_start3A_507, %dma_start3A_508, %dma_start3A_509] : memref<4x8x1024xf32, #tpu.memory_space<vmem>> -> memref<1x8x1024xf32, #tpu.memory_space<vmem>>
    %dma_start3A_511 = tpu.memref_squeeze %dma_start3A_510 : memref<1x8x1024xf32, #tpu.memory_space<vmem>> -> memref<8x1024xf32, #tpu.memory_space<vmem>>
    %dma_start3A_512 = arith.constant 240 : i32
    %dma_start3A_513 = tpu.memref_slice %arg6[%dma_start3A_506, %dma_start3A_512] : memref<4x256xi32, #tpu.memory_space<vmem>> -> memref<1x8xi32, #tpu.memory_space<vmem>>
    %dma_start3A_514 = tpu.memref_squeeze %dma_start3A_513 : memref<1x8xi32, #tpu.memory_space<vmem>> -> memref<8xi32, #tpu.memory_space<vmem>>
    %dma_start3A_515 = arith.constant 0 : i32
    %dma_start3A_516 = arith.constant 0 : i32
    %dma_start3A_517 = tpu.memref_slice %arg4[%dma_start3A_515, %dma_start3A_516] : memref<100000x1024xf32, #tpu.memory_space<hbm>> -> memref<100000x1024xf32, #tpu.memory_space<hbm>>
    tpu.enqueue_indirect_dma source(%dma_start3A_517 : memref<100000x1024xf32, #tpu.memory_space<hbm>>) target(%dma_start3A_511 : memref<8x1024xf32, #tpu.memory_space<vmem>>) offsets(%dma_start3A_514 : memref<8xi32, #tpu.memory_space<vmem>>) semaphore(%arg13 : memref<!tpu.dma_semaphore, #tpu.memory_space<semaphore_mem>>)
    %dma_start3A_518 = arith.constant 2 : i32
    %dma_start3A_519 = arith.constant 2 : i32
    %dma_start3A_520 = arith.constant 0 : i32
    %dma_start3A_521 = arith.constant 0 : i32
    %dma_start3A_522 = tpu.memref_slice %arg7[%dma_start3A_519, %dma_start3A_520, %dma_start3A_521] : memref<4x8x1024xf32, #tpu.memory_space<vmem>> -> memref<1x8x1024xf32, #tpu.memory_space<vmem>>
    %dma_start3A_523 = tpu.memref_squeeze %dma_start3A_522 : memref<1x8x1024xf32, #tpu.memory_space<vmem>> -> memref<8x1024xf32, #tpu.memory_space<vmem>>
    %dma_start3A_524 = arith.constant 240 : i32
    %dma_start3A_525 = tpu.memref_slice %arg6[%dma_start3A_518, %dma_start3A_524] : memref<4x256xi32, #tpu.memory_space<vmem>> -> memref<1x8xi32, #tpu.memory_space<vmem>>
    %dma_start3A_526 = tpu.memref_squeeze %dma_start3A_525 : memref<1x8xi32, #tpu.memory_space<vmem>> -> memref<8xi32, #tpu.memory_space<vmem>>
    %dma_start3A_527 = arith.constant 0 : i32
    %dma_start3A_528 = arith.constant 0 : i32
    %dma_start3A_529 = tpu.memref_slice %arg4[%dma_start3A_527, %dma_start3A_528] : memref<100000x1024xf32, #tpu.memory_space<hbm>> -> memref<100000x1024xf32, #tpu.memory_space<hbm>>
    tpu.enqueue_indirect_dma source(%dma_start3A_529 : memref<100000x1024xf32, #tpu.memory_space<hbm>>) target(%dma_start3A_523 : memref<8x1024xf32, #tpu.memory_space<vmem>>) offsets(%dma_start3A_526 : memref<8xi32, #tpu.memory_space<vmem>>) semaphore(%arg13 : memref<!tpu.dma_semaphore, #tpu.memory_space<semaphore_mem>>)
    %dma_start3A_530 = arith.constant 3 : i32
    %dma_start3A_531 = arith.constant 3 : i32
    %dma_start3A_532 = arith.constant 0 : i32
    %dma_start3A_533 = arith.constant 0 : i32
    %dma_start3A_534 = tpu.memref_slice %arg7[%dma_start3A_531, %dma_start3A_532, %dma_start3A_533] : memref<4x8x1024xf32, #tpu.memory_space<vmem>> -> memref<1x8x1024xf32, #tpu.memory_space<vmem>>
    %dma_start3A_535 = tpu.memref_squeeze %dma_start3A_534 : memref<1x8x1024xf32, #tpu.memory_space<vmem>> -> memref<8x1024xf32, #tpu.memory_space<vmem>>
    %dma_start3A_536 = arith.constant 240 : i32
    %dma_start3A_537 = tpu.memref_slice %arg6[%dma_start3A_530, %dma_start3A_536] : memref<4x256xi32, #tpu.memory_space<vmem>> -> memref<1x8xi32, #tpu.memory_space<vmem>>
    %dma_start3A_538 = tpu.memref_squeeze %dma_start3A_537 : memref<1x8xi32, #tpu.memory_space<vmem>> -> memref<8xi32, #tpu.memory_space<vmem>>
    %dma_start3A_539 = arith.constant 0 : i32
    %dma_start3A_540 = arith.constant 0 : i32
    %dma_start3A_541 = tpu.memref_slice %arg4[%dma_start3A_539, %dma_start3A_540] : memref<100000x1024xf32, #tpu.memory_space<hbm>> -> memref<100000x1024xf32, #tpu.memory_space<hbm>>
    tpu.enqueue_indirect_dma source(%dma_start3A_541 : memref<100000x1024xf32, #tpu.memory_space<hbm>>) target(%dma_start3A_535 : memref<8x1024xf32, #tpu.memory_space<vmem>>) offsets(%dma_start3A_538 : memref<8xi32, #tpu.memory_space<vmem>>) semaphore(%arg13 : memref<!tpu.dma_semaphore, #tpu.memory_space<semaphore_mem>>)
    %dma_wait3A_542 = arith.constant 0 : i32
    %dma_wait3A_543 = arith.constant 0 : i32
    %dma_wait3A_544 = tpu.memref_slice %arg3[%dma_wait3A_542, %dma_wait3A_543] : memref<8192x1024xf32, #tpu.memory_space<hbm>> -> memref<8x1024xf32, #tpu.memory_space<hbm>>
    %dma_wait3A_545 = arith.constant 0 : i32
    %dma_wait3A_546 = arith.constant 0 : i32
    %dma_wait3A_547 = tpu.memref_slice %arg3[%dma_wait3A_545, %dma_wait3A_546] : memref<8192x1024xf32, #tpu.memory_space<hbm>> -> memref<8x1024xf32, #tpu.memory_space<hbm>>
    tpu.wait_dma2 semaphore(%arg21 : memref<!tpu.dma_semaphore, #tpu.memory_space<semaphore_mem>>) src(%dma_wait3A_547 : memref<8x1024xf32, #tpu.memory_space<hbm>>) dst(%arg12 : memref<8x1024xf32, #tpu.memory_space<vmem>>)
    %dma_wait3A_548 = arith.constant 0 : i32
    %dma_wait3A_549 = arith.constant 0 : i32
    %dma_wait3A_550 = arith.constant 0 : i32
    %dma_wait3A_551 = arith.constant 0 : i32
    %dma_wait3A_552 = tpu.memref_slice %arg9[%dma_wait3A_549, %dma_wait3A_550, %dma_wait3A_551] : memref<4x8x1024xf32, #tpu.memory_space<vmem>> -> memref<1x8x1024xf32, #tpu.memory_space<vmem>>
    %dma_wait3A_553 = tpu.memref_squeeze %dma_wait3A_552 : memref<1x8x1024xf32, #tpu.memory_space<vmem>> -> memref<8x1024xf32, #tpu.memory_space<vmem>>
    %dma_wait3A_554 = arith.constant 0 : i32
    %dma_wait3A_555 = tpu.memref_slice %arg6[%dma_wait3A_548, %dma_wait3A_554] : memref<4x256xi32, #tpu.memory_space<vmem>> -> memref<1x8xi32, #tpu.memory_space<vmem>>
    %dma_wait3A_556 = tpu.memref_squeeze %dma_wait3A_555 : memref<1x8xi32, #tpu.memory_space<vmem>> -> memref<8xi32, #tpu.memory_space<vmem>>
    %dma_wait3A_557 = arith.constant 0 : i32
    %dma_wait3A_558 = arith.constant 0 : i32
    %dma_wait3A_559 = tpu.memref_slice %arg4[%dma_wait3A_557, %dma_wait3A_558] : memref<100000x1024xf32, #tpu.memory_space<hbm>> -> memref<100000x1024xf32, #tpu.memory_space<hbm>>
    tpu.wait_indirect_dma semaphore(%arg15 : memref<!tpu.dma_semaphore, #tpu.memory_space<semaphore_mem>>) src(%dma_wait3A_559 : memref<100000x1024xf32, #tpu.memory_space<hbm>>) dst(%dma_wait3A_553 : memref<8x1024xf32, #tpu.memory_space<vmem>>)
    %dma_wait3A_560 = arith.constant 1 : i32
    %dma_wait3A_561 = arith.constant 1 : i32
    %dma_wait3A_562 = arith.constant 0 : i32
    %dma_wait3A_563 = arith.constant 0 : i32
    %dma_wait3A_564 = tpu.memref_slice %arg9[%dma_wait3A_561, %dma_wait3A_562, %dma_wait3A_563] : memref<4x8x1024xf32, #tpu.memory_space<vmem>> -> memref<1x8x1024xf32, #tpu.memory_space<vmem>>
    %dma_wait3A_565 = tpu.memref_squeeze %dma_wait3A_564 : memref<1x8x1024xf32, #tpu.memory_space<vmem>> -> memref<8x1024xf32, #tpu.memory_space<vmem>>
    %dma_wait3A_566 = arith.constant 0 : i32
    %dma_wait3A_567 = tpu.memref_slice %arg6[%dma_wait3A_560, %dma_wait3A_566] : memref<4x256xi32, #tpu.memory_space<vmem>> -> memref<1x8xi32, #tpu.memory_space<vmem>>
    %dma_wait3A_568 = tpu.memref_squeeze %dma_wait3A_567 : memref<1x8xi32, #tpu.memory_space<vmem>> -> memref<8xi32, #tpu.memory_space<vmem>>
    %dma_wait3A_569 = arith.constant 0 : i32
    %dma_wait3A_570 = arith.constant 0 : i32
    %dma_wait3A_571 = tpu.memref_slice %arg4[%dma_wait3A_569, %dma_wait3A_570] : memref<100000x1024xf32, #tpu.memory_space<hbm>> -> memref<100000x1024xf32, #tpu.memory_space<hbm>>
    tpu.wait_indirect_dma semaphore(%arg15 : memref<!tpu.dma_semaphore, #tpu.memory_space<semaphore_mem>>) src(%dma_wait3A_571 : memref<100000x1024xf32, #tpu.memory_space<hbm>>) dst(%dma_wait3A_565 : memref<8x1024xf32, #tpu.memory_space<vmem>>)
    %dma_wait3A_572 = arith.constant 2 : i32
    %dma_wait3A_573 = arith.constant 2 : i32
    %dma_wait3A_574 = arith.constant 0 : i32
    %dma_wait3A_575 = arith.constant 0 : i32
    %dma_wait3A_576 = tpu.memref_slice %arg9[%dma_wait3A_573, %dma_wait3A_574, %dma_wait3A_575] : memref<4x8x1024xf32, #tpu.memory_space<vmem>> -> memref<1x8x1024xf32, #tpu.memory_space<vmem>>
    %dma_wait3A_577 = tpu.memref_squeeze %dma_wait3A_576 : memref<1x8x1024xf32, #tpu.memory_space<vmem>> -> memref<8x1024xf32, #tpu.memory_space<vmem>>
    %dma_wait3A_578 = arith.constant 0 : i32
    %dma_wait3A_579 = tpu.memref_slice %arg6[%dma_wait3A_572, %dma_wait3A_578] : memref<4x256xi32, #tpu.memory_space<vmem>> -> memref<1x8xi32, #tpu.memory_space<vmem>>
    %dma_wait3A_580 = tpu.memref_squeeze %dma_wait3A_579 : memref<1x8xi32, #tpu.memory_space<vmem>> -> memref<8xi32, #tpu.memory_space<vmem>>
    %dma_wait3A_581 = arith.constant 0 : i32
    %dma_wait3A_582 = arith.constant 0 : i32
    %dma_wait3A_583 = tpu.memref_slice %arg4[%dma_wait3A_581, %dma_wait3A_582] : memref<100000x1024xf32, #tpu.memory_space<hbm>> -> memref<100000x1024xf32, #tpu.memory_space<hbm>>
    tpu.wait_indirect_dma semaphore(%arg15 : memref<!tpu.dma_semaphore, #tpu.memory_space<semaphore_mem>>) src(%dma_wait3A_583 : memref<100000x1024xf32, #tpu.memory_space<hbm>>) dst(%dma_wait3A_577 : memref<8x1024xf32, #tpu.memory_space<vmem>>)
    %dma_wait3A_584 = arith.constant 3 : i32
    %dma_wait3A_585 = arith.constant 3 : i32
    %dma_wait3A_586 = arith.constant 0 : i32
    %dma_wait3A_587 = arith.constant 0 : i32
    %dma_wait3A_588 = tpu.memref_slice %arg9[%dma_wait3A_585, %dma_wait3A_586, %dma_wait3A_587] : memref<4x8x1024xf32, #tpu.memory_space<vmem>> -> memref<1x8x1024xf32, #tpu.memory_space<vmem>>
    %dma_wait3A_589 = tpu.memref_squeeze %dma_wait3A_588 : memref<1x8x1024xf32, #tpu.memory_space<vmem>> -> memref<8x1024xf32, #tpu.memory_space<vmem>>
    %dma_wait3A_590 = arith.constant 0 : i32
    %dma_wait3A_591 = tpu.memref_slice %arg6[%dma_wait3A_584, %dma_wait3A_590] : memref<4x256xi32, #tpu.memory_space<vmem>> -> memref<1x8xi32, #tpu.memory_space<vmem>>
    %dma_wait3A_592 = tpu.memref_squeeze %dma_wait3A_591 : memref<1x8xi32, #tpu.memory_space<vmem>> -> memref<8xi32, #tpu.memory_space<vmem>>
    %dma_wait3A_593 = arith.constant 0 : i32
    %dma_wait3A_594 = arith.constant 0 : i32
    %dma_wait3A_595 = tpu.memref_slice %arg4[%dma_wait3A_593, %dma_wait3A_594] : memref<100000x1024xf32, #tpu.memory_space<hbm>> -> memref<100000x1024xf32, #tpu.memory_space<hbm>>
    tpu.wait_indirect_dma semaphore(%arg15 : memref<!tpu.dma_semaphore, #tpu.memory_space<semaphore_mem>>) src(%dma_wait3A_595 : memref<100000x1024xf32, #tpu.memory_space<hbm>>) dst(%dma_wait3A_589 : memref<8x1024xf32, #tpu.memory_space<vmem>>)
    %parallel_loop3A_596 = arith.constant 0 : i32
    %parallel_loop3A_597 = arith.constant 512 : i32
    %parallel_loop3A_598 = arith.constant 1 : i32
    scf.for %parallel_loop3A_1211 = %parallel_loop3A_596 to %parallel_loop3A_597 step %parallel_loop3A_598  : i32 {
      %parallel_loop3A_1212 = arith.constant 6 : i32
      %parallel_loop3A_1213 = arith.shrui %parallel_loop3A_1211, %parallel_loop3A_1212 : i32
      %parallel_loop3A_1214 = arith.constant 63 : i32
      %parallel_loop3A_1215 = arith.andi %parallel_loop3A_1211, %parallel_loop3A_1214 : i32
      %parallel_loop3A_1216 = arith.constant 16 : i32
      %parallel_loop3A_1217 = arith.muli %parallel_loop3A_1215, %parallel_loop3A_1216 : i32
      %parallel_loop3A_1218 = arith.index_cast %parallel_loop3A_1213 : i32 to index
      %parallel_loop3A_1219 = arith.index_cast %parallel_loop3A_1217 : i32 to index
      %parallel_loop3A_1220 = tpu.vector_load %arg12[%parallel_loop3A_1218, %parallel_loop3A_1219] {strides = array<i32>} : memref<8x1024xf32, #tpu.memory_space<vmem>>, vector<1x16xf32>,
      %parallel_loop3A_1221 = vector.shape_cast %parallel_loop3A_1220 : vector<1x16xf32> to vector<16xf32>
      %parallel_loop3A_1222 = arith.constant 0 : i32
      %parallel_loop3A_1223 = arith.index_cast %parallel_loop3A_1222 : i32 to index
      %parallel_loop3A_1224 = arith.index_cast %parallel_loop3A_1213 : i32 to index
      %parallel_loop3A_1225 = arith.index_cast %parallel_loop3A_1217 : i32 to index
      %parallel_loop3A_1226 = tpu.vector_load %arg9[%parallel_loop3A_1223, %parallel_loop3A_1224, %parallel_loop3A_1225] {strides = array<i32>} : memref<4x8x1024xf32, #tpu.memory_space<vmem>>, vector<1x1x16xf32>,
      %parallel_loop3A_1227 = vector.shape_cast %parallel_loop3A_1226 : vector<1x1x16xf32> to vector<16xf32>
      %parallel_loop3A_1228 = vector.shape_cast %parallel_loop3A_1221 : vector<16xf32> to vector<1x1x16xf32>
      tpu.vector_store %arg9[%parallel_loop3A_1223, %parallel_loop3A_1224, %parallel_loop3A_1225], %parallel_loop3A_1228 {add = true, strides = array<i32>} : memref<4x8x1024xf32, #tpu.memory_space<vmem>>, vector<1x1x16xf32>,
      %parallel_loop3A_1229 = arith.constant 1 : i32
      %parallel_loop3A_1230 = arith.index_cast %parallel_loop3A_1229 : i32 to index
      %parallel_loop3A_1231 = arith.index_cast %parallel_loop3A_1213 : i32 to index
      %parallel_loop3A_1232 = arith.index_cast %parallel_loop3A_1217 : i32 to index
      %parallel_loop3A_1233 = tpu.vector_load %arg9[%parallel_loop3A_1230, %parallel_loop3A_1231, %parallel_loop3A_1232] {strides = array<i32>} : memref<4x8x1024xf32, #tpu.memory_space<vmem>>, vector<1x1x16xf32>,
      %parallel_loop3A_1234 = vector.shape_cast %parallel_loop3A_1233 : vector<1x1x16xf32> to vector<16xf32>
      %parallel_loop3A_1235 = vector.shape_cast %parallel_loop3A_1221 : vector<16xf32> to vector<1x1x16xf32>
      tpu.vector_store %arg9[%parallel_loop3A_1230, %parallel_loop3A_1231, %parallel_loop3A_1232], %parallel_loop3A_1235 {add = true, strides = array<i32>} : memref<4x8x1024xf32, #tpu.memory_space<vmem>>, vector<1x1x16xf32>,
      %parallel_loop3A_1236 = arith.constant 2 : i32
      %parallel_loop3A_1237 = arith.index_cast %parallel_loop3A_1236 : i32 to index
      %parallel_loop3A_1238 = arith.index_cast %parallel_loop3A_1213 : i32 to index
      %parallel_loop3A_1239 = arith.index_cast %parallel_loop3A_1217 : i32 to index
      %parallel_loop3A_1240 = tpu.vector_load %arg9[%parallel_loop3A_1237, %parallel_loop3A_1238, %parallel_loop3A_1239] {strides = array<i32>} : memref<4x8x1024xf32, #tpu.memory_space<vmem>>, vector<1x1x16xf32>,
      %parallel_loop3A_1241 = vector.shape_cast %parallel_loop3A_1240 : vector<1x1x16xf32> to vector<16xf32>
      %parallel_loop3A_1242 = vector.shape_cast %parallel_loop3A_1221 : vector<16xf32> to vector<1x1x16xf32>
      tpu.vector_store %arg9[%parallel_loop3A_1237, %parallel_loop3A_1238, %parallel_loop3A_1239], %parallel_loop3A_1242 {add = true, strides = array<i32>} : memref<4x8x1024xf32, #tpu.memory_space<vmem>>, vector<1x1x16xf32>,
      %parallel_loop3A_1243 = arith.constant 3 : i32
      %parallel_loop3A_1244 = arith.index_cast %parallel_loop3A_1243 : i32 to index
      %parallel_loop3A_1245 = arith.index_cast %parallel_loop3A_1213 : i32 to index
      %parallel_loop3A_1246 = arith.index_cast %parallel_loop3A_1217 : i32 to index
      %parallel_loop3A_1247 = tpu.vector_load %arg9[%parallel_loop3A_1244, %parallel_loop3A_1245, %parallel_loop3A_1246] {strides = array<i32>} : memref<4x8x1024xf32, #tpu.memory_space<vmem>>, vector<1x1x16xf32>,
      %parallel_loop3A_1248 = vector.shape_cast %parallel_loop3A_1247 : vector<1x1x16xf32> to vector<16xf32>
      %parallel_loop3A_1249 = vector.shape_cast %parallel_loop3A_1221 : vector<16xf32> to vector<1x1x16xf32>
      tpu.vector_store %arg9[%parallel_loop3A_1244, %parallel_loop3A_1245, %parallel_loop3A_1246], %parallel_loop3A_1249 {add = true, strides = array<i32>} : memref<4x8x1024xf32, #tpu.memory_space<vmem>>, vector<1x1x16xf32>,
    } {sc.loop_unroll_factor = 4 : i64, sc.parallel_access}
    %add3A_599 = arith.constant 248 : i32
    %add3A_600 = arith.addi %mul3A_2, %add3A_599 : i32
    %dma_start3A_601 = arith.constant 0 : i32
    %dma_start3A_602 = tpu.memref_slice %arg3[%add3A_600, %dma_start3A_601] : memref<8192x1024xf32, #tpu.memory_space<hbm>> -> memref<8x1024xf32, #tpu.memory_space<hbm>>
    %dma_start3A_603 = arith.constant 0 : i32
    %dma_start3A_604 = tpu.memref_slice %arg3[%add3A_600, %dma_start3A_603] : memref<8192x1024xf32, #tpu.memory_space<hbm>> -> memref<8x1024xf32, #tpu.memory_space<hbm>>
    tpu.enqueue_dma source(%dma_start3A_604 : memref<8x1024xf32, #tpu.memory_space<hbm>>) target(%arg11 : memref<8x1024xf32, #tpu.memory_space<vmem>>) target_semaphore(%arg20 : memref<!tpu.dma_semaphore, #tpu.memory_space<semaphore_mem>>)
    %add3A_605 = arith.constant 0 : i32
    %add3A_606 = arith.addi %add3A_605, %mul3A_2 : i32
    %add3A_607 = arith.constant 232 : i32
    %add3A_608 = arith.addi %add3A_606, %add3A_607 : i32
    %dma_start3A_609 = arith.constant 0 : i32
    %dma_start3A_610 = arith.constant 0 : i32
    %dma_start3A_611 = arith.constant 0 : i32
    %dma_start3A_612 = tpu.memref_slice %arg9[%dma_start3A_609, %dma_start3A_610, %dma_start3A_611] : memref<4x8x1024xf32, #tpu.memory_space<vmem>> -> memref<1x8x1024xf32, #tpu.memory_space<vmem>>
    %dma_start3A_613 = tpu.memref_squeeze %dma_start3A_612 : memref<1x8x1024xf32, #tpu.memory_space<vmem>> -> memref<8x1024xf32, #tpu.memory_space<vmem>>
    %dma_start3A_614 = arith.constant 0 : i32
    %dma_start3A_615 = tpu.memref_slice %arg5[%add3A_608, %dma_start3A_614] : memref<32768x1024xf32, #tpu.memory_space<hbm>> -> memref<8x1024xf32, #tpu.memory_space<hbm>>
    %dma_start3A_616 = arith.constant 0 : i32
    %dma_start3A_617 = tpu.memref_slice %arg5[%add3A_608, %dma_start3A_616] : memref<32768x1024xf32, #tpu.memory_space<hbm>> -> memref<8x1024xf32, #tpu.memory_space<hbm>>
    %dma_start3A_618 = arith.constant 0 : i32
    %dma_start3A_619 = arith.constant 0 : i32
    %dma_start3A_620 = tpu.memref_slice %arg9[%dma_start3A_609, %dma_start3A_618, %dma_start3A_619] : memref<4x8x1024xf32, #tpu.memory_space<vmem>> -> memref<1x8x1024xf32, #tpu.memory_space<vmem>>
    %dma_start3A_621 = tpu.memref_squeeze %dma_start3A_620 : memref<1x8x1024xf32, #tpu.memory_space<vmem>> -> memref<8x1024xf32, #tpu.memory_space<vmem>>
    tpu.enqueue_dma source(%dma_start3A_621 : memref<8x1024xf32, #tpu.memory_space<vmem>>) target(%dma_start3A_617 : memref<8x1024xf32, #tpu.memory_space<hbm>>) target_semaphore(%arg18 : memref<!tpu.dma_semaphore, #tpu.memory_space<semaphore_mem>>)
    %add3A_622 = arith.constant 8192 : i32
    %add3A_623 = arith.addi %add3A_622, %mul3A_2 : i32
    %add3A_624 = arith.constant 232 : i32
    %add3A_625 = arith.addi %add3A_623, %add3A_624 : i32
    %dma_start3A_626 = arith.constant 1 : i32
    %dma_start3A_627 = arith.constant 0 : i32
    %dma_start3A_628 = arith.constant 0 : i32
    %dma_start3A_629 = tpu.memref_slice %arg9[%dma_start3A_626, %dma_start3A_627, %dma_start3A_628] : memref<4x8x1024xf32, #tpu.memory_space<vmem>> -> memref<1x8x1024xf32, #tpu.memory_space<vmem>>
    %dma_start3A_630 = tpu.memref_squeeze %dma_start3A_629 : memref<1x8x1024xf32, #tpu.memory_space<vmem>> -> memref<8x1024xf32, #tpu.memory_space<vmem>>
    %dma_start3A_631 = arith.constant 0 : i32
    %dma_start3A_632 = tpu.memref_slice %arg5[%add3A_625, %dma_start3A_631] : memref<32768x1024xf32, #tpu.memory_space<hbm>> -> memref<8x1024xf32, #tpu.memory_space<hbm>>
    %dma_start3A_633 = arith.constant 0 : i32
    %dma_start3A_634 = tpu.memref_slice %arg5[%add3A_625, %dma_start3A_633] : memref<32768x1024xf32, #tpu.memory_space<hbm>> -> memref<8x1024xf32, #tpu.memory_space<hbm>>
    %dma_start3A_635 = arith.constant 0 : i32
    %dma_start3A_636 = arith.constant 0 : i32
    %dma_start3A_637 = tpu.memref_slice %arg9[%dma_start3A_626, %dma_start3A_635, %dma_start3A_636] : memref<4x8x1024xf32, #tpu.memory_space<vmem>> -> memref<1x8x1024xf32, #tpu.memory_space<vmem>>
    %dma_start3A_638 = tpu.memref_squeeze %dma_start3A_637 : memref<1x8x1024xf32, #tpu.memory_space<vmem>> -> memref<8x1024xf32, #tpu.memory_space<vmem>>
    tpu.enqueue_dma source(%dma_start3A_638 : memref<8x1024xf32, #tpu.memory_space<vmem>>) target(%dma_start3A_634 : memref<8x1024xf32, #tpu.memory_space<hbm>>) target_semaphore(%arg18 : memref<!tpu.dma_semaphore, #tpu.memory_space<semaphore_mem>>)
    %add3A_639 = arith.constant 16384 : i32
    %add3A_640 = arith.addi %add3A_639, %mul3A_2 : i32
    %add3A_641 = arith.constant 232 : i32
    %add3A_642 = arith.addi %add3A_640, %add3A_641 : i32
    %dma_start3A_643 = arith.constant 2 : i32
    %dma_start3A_644 = arith.constant 0 : i32
    %dma_start3A_645 = arith.constant 0 : i32
    %dma_start3A_646 = tpu.memref_slice %arg9[%dma_start3A_643, %dma_start3A_644, %dma_start3A_645] : memref<4x8x1024xf32, #tpu.memory_space<vmem>> -> memref<1x8x1024xf32, #tpu.memory_space<vmem>>
    %dma_start3A_647 = tpu.memref_squeeze %dma_start3A_646 : memref<1x8x1024xf32, #tpu.memory_space<vmem>> -> memref<8x1024xf32, #tpu.memory_space<vmem>>
    %dma_start3A_648 = arith.constant 0 : i32
    %dma_start3A_649 = tpu.memref_slice %arg5[%add3A_642, %dma_start3A_648] : memref<32768x1024xf32, #tpu.memory_space<hbm>> -> memref<8x1024xf32, #tpu.memory_space<hbm>>
    %dma_start3A_650 = arith.constant 0 : i32
    %dma_start3A_651 = tpu.memref_slice %arg5[%add3A_642, %dma_start3A_650] : memref<32768x1024xf32, #tpu.memory_space<hbm>> -> memref<8x1024xf32, #tpu.memory_space<hbm>>
    %dma_start3A_652 = arith.constant 0 : i32
    %dma_start3A_653 = arith.constant 0 : i32
    %dma_start3A_654 = tpu.memref_slice %arg9[%dma_start3A_643, %dma_start3A_652, %dma_start3A_653] : memref<4x8x1024xf32, #tpu.memory_space<vmem>> -> memref<1x8x1024xf32, #tpu.memory_space<vmem>>
    %dma_start3A_655 = tpu.memref_squeeze %dma_start3A_654 : memref<1x8x1024xf32, #tpu.memory_space<vmem>> -> memref<8x1024xf32, #tpu.memory_space<vmem>>
    tpu.enqueue_dma source(%dma_start3A_655 : memref<8x1024xf32, #tpu.memory_space<vmem>>) target(%dma_start3A_651 : memref<8x1024xf32, #tpu.memory_space<hbm>>) target_semaphore(%arg18 : memref<!tpu.dma_semaphore, #tpu.memory_space<semaphore_mem>>)
    %add3A_656 = arith.constant 24576 : i32
    %add3A_657 = arith.addi %add3A_656, %mul3A_2 : i32
    %add3A_658 = arith.constant 232 : i32
    %add3A_659 = arith.addi %add3A_657, %add3A_658 : i32
    %dma_start3A_660 = arith.constant 3 : i32
    %dma_start3A_661 = arith.constant 0 : i32
    %dma_start3A_662 = arith.constant 0 : i32
    %dma_start3A_663 = tpu.memref_slice %arg9[%dma_start3A_660, %dma_start3A_661, %dma_start3A_662] : memref<4x8x1024xf32, #tpu.memory_space<vmem>> -> memref<1x8x1024xf32, #tpu.memory_space<vmem>>
    %dma_start3A_664 = tpu.memref_squeeze %dma_start3A_663 : memref<1x8x1024xf32, #tpu.memory_space<vmem>> -> memref<8x1024xf32, #tpu.memory_space<vmem>>
    %dma_start3A_665 = arith.constant 0 : i32
    %dma_start3A_666 = tpu.memref_slice %arg5[%add3A_659, %dma_start3A_665] : memref<32768x1024xf32, #tpu.memory_space<hbm>> -> memref<8x1024xf32, #tpu.memory_space<hbm>>
    %dma_start3A_667 = arith.constant 0 : i32
    %dma_start3A_668 = tpu.memref_slice %arg5[%add3A_659, %dma_start3A_667] : memref<32768x1024xf32, #tpu.memory_space<hbm>> -> memref<8x1024xf32, #tpu.memory_space<hbm>>
    %dma_start3A_669 = arith.constant 0 : i32
    %dma_start3A_670 = arith.constant 0 : i32
    %dma_start3A_671 = tpu.memref_slice %arg9[%dma_start3A_660, %dma_start3A_669, %dma_start3A_670] : memref<4x8x1024xf32, #tpu.memory_space<vmem>> -> memref<1x8x1024xf32, #tpu.memory_space<vmem>>
    %dma_start3A_672 = tpu.memref_squeeze %dma_start3A_671 : memref<1x8x1024xf32, #tpu.memory_space<vmem>> -> memref<8x1024xf32, #tpu.memory_space<vmem>>
    tpu.enqueue_dma source(%dma_start3A_672 : memref<8x1024xf32, #tpu.memory_space<vmem>>) target(%dma_start3A_668 : memref<8x1024xf32, #tpu.memory_space<hbm>>) target_semaphore(%arg18 : memref<!tpu.dma_semaphore, #tpu.memory_space<semaphore_mem>>)
    %dma_wait3A_673 = arith.constant 0 : i32
    %dma_wait3A_674 = arith.constant 0 : i32
    %dma_wait3A_675 = arith.constant 0 : i32
    %dma_wait3A_676 = tpu.memref_slice %arg8[%dma_wait3A_673, %dma_wait3A_674, %dma_wait3A_675] : memref<4x8x1024xf32, #tpu.memory_space<vmem>> -> memref<1x8x1024xf32, #tpu.memory_space<vmem>>
    %dma_wait3A_677 = tpu.memref_squeeze %dma_wait3A_676 : memref<1x8x1024xf32, #tpu.memory_space<vmem>> -> memref<8x1024xf32, #tpu.memory_space<vmem>>
    %dma_wait3A_678 = arith.constant 0 : i32
    %dma_wait3A_679 = arith.constant 0 : i32
    %dma_wait3A_680 = tpu.memref_slice %arg5[%dma_wait3A_678, %dma_wait3A_679] : memref<32768x1024xf32, #tpu.memory_space<hbm>> -> memref<8x1024xf32, #tpu.memory_space<hbm>>
    %dma_wait3A_681 = arith.constant 0 : i32
    %dma_wait3A_682 = arith.constant 0 : i32
    %dma_wait3A_683 = tpu.memref_slice %arg5[%dma_wait3A_681, %dma_wait3A_682] : memref<32768x1024xf32, #tpu.memory_space<hbm>> -> memref<8x1024xf32, #tpu.memory_space<hbm>>
    %dma_wait3A_684 = arith.constant 0 : i32
    %dma_wait3A_685 = arith.constant 0 : i32
    %dma_wait3A_686 = tpu.memref_slice %arg8[%dma_wait3A_673, %dma_wait3A_684, %dma_wait3A_685] : memref<4x8x1024xf32, #tpu.memory_space<vmem>> -> memref<1x8x1024xf32, #tpu.memory_space<vmem>>
    %dma_wait3A_687 = tpu.memref_squeeze %dma_wait3A_686 : memref<1x8x1024xf32, #tpu.memory_space<vmem>> -> memref<8x1024xf32, #tpu.memory_space<vmem>>
    tpu.wait_dma2 semaphore(%arg17 : memref<!tpu.dma_semaphore, #tpu.memory_space<semaphore_mem>>) src(%dma_wait3A_687 : memref<8x1024xf32, #tpu.memory_space<vmem>>) dst(%dma_wait3A_683 : memref<8x1024xf32, #tpu.memory_space<hbm>>)
    %dma_wait3A_688 = arith.constant 1 : i32
    %dma_wait3A_689 = arith.constant 0 : i32
    %dma_wait3A_690 = arith.constant 0 : i32
    %dma_wait3A_691 = tpu.memref_slice %arg8[%dma_wait3A_688, %dma_wait3A_689, %dma_wait3A_690] : memref<4x8x1024xf32, #tpu.memory_space<vmem>> -> memref<1x8x1024xf32, #tpu.memory_space<vmem>>
    %dma_wait3A_692 = tpu.memref_squeeze %dma_wait3A_691 : memref<1x8x1024xf32, #tpu.memory_space<vmem>> -> memref<8x1024xf32, #tpu.memory_space<vmem>>
    %dma_wait3A_693 = arith.constant 0 : i32
    %dma_wait3A_694 = arith.constant 0 : i32
    %dma_wait3A_695 = tpu.memref_slice %arg5[%dma_wait3A_693, %dma_wait3A_694] : memref<32768x1024xf32, #tpu.memory_space<hbm>> -> memref<8x1024xf32, #tpu.memory_space<hbm>>
    %dma_wait3A_696 = arith.constant 0 : i32
    %dma_wait3A_697 = arith.constant 0 : i32
    %dma_wait3A_698 = tpu.memref_slice %arg5[%dma_wait3A_696, %dma_wait3A_697] : memref<32768x1024xf32, #tpu.memory_space<hbm>> -> memref<8x1024xf32, #tpu.memory_space<hbm>>
    %dma_wait3A_699 = arith.constant 0 : i32
    %dma_wait3A_700 = arith.constant 0 : i32
    %dma_wait3A_701 = tpu.memref_slice %arg8[%dma_wait3A_688, %dma_wait3A_699, %dma_wait3A_700] : memref<4x8x1024xf32, #tpu.memory_space<vmem>> -> memref<1x8x1024xf32, #tpu.memory_space<vmem>>
    %dma_wait3A_702 = tpu.memref_squeeze %dma_wait3A_701 : memref<1x8x1024xf32, #tpu.memory_space<vmem>> -> memref<8x1024xf32, #tpu.memory_space<vmem>>
    tpu.wait_dma2 semaphore(%arg17 : memref<!tpu.dma_semaphore, #tpu.memory_space<semaphore_mem>>) src(%dma_wait3A_702 : memref<8x1024xf32, #tpu.memory_space<vmem>>) dst(%dma_wait3A_698 : memref<8x1024xf32, #tpu.memory_space<hbm>>)
    %dma_wait3A_703 = arith.constant 2 : i32
    %dma_wait3A_704 = arith.constant 0 : i32
    %dma_wait3A_705 = arith.constant 0 : i32
    %dma_wait3A_706 = tpu.memref_slice %arg8[%dma_wait3A_703, %dma_wait3A_704, %dma_wait3A_705] : memref<4x8x1024xf32, #tpu.memory_space<vmem>> -> memref<1x8x1024xf32, #tpu.memory_space<vmem>>
    %dma_wait3A_707 = tpu.memref_squeeze %dma_wait3A_706 : memref<1x8x1024xf32, #tpu.memory_space<vmem>> -> memref<8x1024xf32, #tpu.memory_space<vmem>>
    %dma_wait3A_708 = arith.constant 0 : i32
    %dma_wait3A_709 = arith.constant 0 : i32
    %dma_wait3A_710 = tpu.memref_slice %arg5[%dma_wait3A_708, %dma_wait3A_709] : memref<32768x1024xf32, #tpu.memory_space<hbm>> -> memref<8x1024xf32, #tpu.memory_space<hbm>>
    %dma_wait3A_711 = arith.constant 0 : i32
    %dma_wait3A_712 = arith.constant 0 : i32
    %dma_wait3A_713 = tpu.memref_slice %arg5[%dma_wait3A_711, %dma_wait3A_712] : memref<32768x1024xf32, #tpu.memory_space<hbm>> -> memref<8x1024xf32, #tpu.memory_space<hbm>>
    %dma_wait3A_714 = arith.constant 0 : i32
    %dma_wait3A_715 = arith.constant 0 : i32
    %dma_wait3A_716 = tpu.memref_slice %arg8[%dma_wait3A_703, %dma_wait3A_714, %dma_wait3A_715] : memref<4x8x1024xf32, #tpu.memory_space<vmem>> -> memref<1x8x1024xf32, #tpu.memory_space<vmem>>
    %dma_wait3A_717 = tpu.memref_squeeze %dma_wait3A_716 : memref<1x8x1024xf32, #tpu.memory_space<vmem>> -> memref<8x1024xf32, #tpu.memory_space<vmem>>
    tpu.wait_dma2 semaphore(%arg17 : memref<!tpu.dma_semaphore, #tpu.memory_space<semaphore_mem>>) src(%dma_wait3A_717 : memref<8x1024xf32, #tpu.memory_space<vmem>>) dst(%dma_wait3A_713 : memref<8x1024xf32, #tpu.memory_space<hbm>>)
    %dma_wait3A_718 = arith.constant 3 : i32
    %dma_wait3A_719 = arith.constant 0 : i32
    %dma_wait3A_720 = arith.constant 0 : i32
    %dma_wait3A_721 = tpu.memref_slice %arg8[%dma_wait3A_718, %dma_wait3A_719, %dma_wait3A_720] : memref<4x8x1024xf32, #tpu.memory_space<vmem>> -> memref<1x8x1024xf32, #tpu.memory_space<vmem>>
    %dma_wait3A_722 = tpu.memref_squeeze %dma_wait3A_721 : memref<1x8x1024xf32, #tpu.memory_space<vmem>> -> memref<8x1024xf32, #tpu.memory_space<vmem>>
    %dma_wait3A_723 = arith.constant 0 : i32
    %dma_wait3A_724 = arith.constant 0 : i32
    %dma_wait3A_725 = tpu.memref_slice %arg5[%dma_wait3A_723, %dma_wait3A_724] : memref<32768x1024xf32, #tpu.memory_space<hbm>> -> memref<8x1024xf32, #tpu.memory_space<hbm>>
    %dma_wait3A_726 = arith.constant 0 : i32
    %dma_wait3A_727 = arith.constant 0 : i32
    %dma_wait3A_728 = tpu.memref_slice %arg5[%dma_wait3A_726, %dma_wait3A_727] : memref<32768x1024xf32, #tpu.memory_space<hbm>> -> memref<8x1024xf32, #tpu.memory_space<hbm>>
    %dma_wait3A_729 = arith.constant 0 : i32
    %dma_wait3A_730 = arith.constant 0 : i32
    %dma_wait3A_731 = tpu.memref_slice %arg8[%dma_wait3A_718, %dma_wait3A_729, %dma_wait3A_730] : memref<4x8x1024xf32, #tpu.memory_space<vmem>> -> memref<1x8x1024xf32, #tpu.memory_space<vmem>>
    %dma_wait3A_732 = tpu.memref_squeeze %dma_wait3A_731 : memref<1x8x1024xf32, #tpu.memory_space<vmem>> -> memref<8x1024xf32, #tpu.memory_space<vmem>>
    tpu.wait_dma2 semaphore(%arg17 : memref<!tpu.dma_semaphore, #tpu.memory_space<semaphore_mem>>) src(%dma_wait3A_732 : memref<8x1024xf32, #tpu.memory_space<vmem>>) dst(%dma_wait3A_728 : memref<8x1024xf32, #tpu.memory_space<hbm>>)
    %dma_start3A_733 = arith.constant 0 : i32
    %dma_start3A_734 = arith.constant 0 : i32
    %dma_start3A_735 = arith.constant 0 : i32
    %dma_start3A_736 = arith.constant 0 : i32
    %dma_start3A_737 = tpu.memref_slice %arg8[%dma_start3A_734, %dma_start3A_735, %dma_start3A_736] : memref<4x8x1024xf32, #tpu.memory_space<vmem>> -> memref<1x8x1024xf32, #tpu.memory_space<vmem>>
    %dma_start3A_738 = tpu.memref_squeeze %dma_start3A_737 : memref<1x8x1024xf32, #tpu.memory_space<vmem>> -> memref<8x1024xf32, #tpu.memory_space<vmem>>
    %dma_start3A_739 = arith.constant 248 : i32
    %dma_start3A_740 = tpu.memref_slice %arg6[%dma_start3A_733, %dma_start3A_739] : memref<4x256xi32, #tpu.memory_space<vmem>> -> memref<1x8xi32, #tpu.memory_space<vmem>>
    %dma_start3A_741 = tpu.memref_squeeze %dma_start3A_740 : memref<1x8xi32, #tpu.memory_space<vmem>> -> memref<8xi32, #tpu.memory_space<vmem>>
    %dma_start3A_742 = arith.constant 0 : i32
    %dma_start3A_743 = arith.constant 0 : i32
    %dma_start3A_744 = tpu.memref_slice %arg4[%dma_start3A_742, %dma_start3A_743] : memref<100000x1024xf32, #tpu.memory_space<hbm>> -> memref<100000x1024xf32, #tpu.memory_space<hbm>>
    tpu.enqueue_indirect_dma source(%dma_start3A_744 : memref<100000x1024xf32, #tpu.memory_space<hbm>>) target(%dma_start3A_738 : memref<8x1024xf32, #tpu.memory_space<vmem>>) offsets(%dma_start3A_741 : memref<8xi32, #tpu.memory_space<vmem>>) semaphore(%arg14 : memref<!tpu.dma_semaphore, #tpu.memory_space<semaphore_mem>>)
    %dma_start3A_745 = arith.constant 1 : i32
    %dma_start3A_746 = arith.constant 1 : i32
    %dma_start3A_747 = arith.constant 0 : i32
    %dma_start3A_748 = arith.constant 0 : i32
    %dma_start3A_749 = tpu.memref_slice %arg8[%dma_start3A_746, %dma_start3A_747, %dma_start3A_748] : memref<4x8x1024xf32, #tpu.memory_space<vmem>> -> memref<1x8x1024xf32, #tpu.memory_space<vmem>>
    %dma_start3A_750 = tpu.memref_squeeze %dma_start3A_749 : memref<1x8x1024xf32, #tpu.memory_space<vmem>> -> memref<8x1024xf32, #tpu.memory_space<vmem>>
    %dma_start3A_751 = arith.constant 248 : i32
    %dma_start3A_752 = tpu.memref_slice %arg6[%dma_start3A_745, %dma_start3A_751] : memref<4x256xi32, #tpu.memory_space<vmem>> -> memref<1x8xi32, #tpu.memory_space<vmem>>
    %dma_start3A_753 = tpu.memref_squeeze %dma_start3A_752 : memref<1x8xi32, #tpu.memory_space<vmem>> -> memref<8xi32, #tpu.memory_space<vmem>>
    %dma_start3A_754 = arith.constant 0 : i32
    %dma_start3A_755 = arith.constant 0 : i32
    %dma_start3A_756 = tpu.memref_slice %arg4[%dma_start3A_754, %dma_start3A_755] : memref<100000x1024xf32, #tpu.memory_space<hbm>> -> memref<100000x1024xf32, #tpu.memory_space<hbm>>
    tpu.enqueue_indirect_dma source(%dma_start3A_756 : memref<100000x1024xf32, #tpu.memory_space<hbm>>) target(%dma_start3A_750 : memref<8x1024xf32, #tpu.memory_space<vmem>>) offsets(%dma_start3A_753 : memref<8xi32, #tpu.memory_space<vmem>>) semaphore(%arg14 : memref<!tpu.dma_semaphore, #tpu.memory_space<semaphore_mem>>)
    %dma_start3A_757 = arith.constant 2 : i32
    %dma_start3A_758 = arith.constant 2 : i32
    %dma_start3A_759 = arith.constant 0 : i32
    %dma_start3A_760 = arith.constant 0 : i32
    %dma_start3A_761 = tpu.memref_slice %arg8[%dma_start3A_758, %dma_start3A_759, %dma_start3A_760] : memref<4x8x1024xf32, #tpu.memory_space<vmem>> -> memref<1x8x1024xf32, #tpu.memory_space<vmem>>
    %dma_start3A_762 = tpu.memref_squeeze %dma_start3A_761 : memref<1x8x1024xf32, #tpu.memory_space<vmem>> -> memref<8x1024xf32, #tpu.memory_space<vmem>>
    %dma_start3A_763 = arith.constant 248 : i32
    %dma_start3A_764 = tpu.memref_slice %arg6[%dma_start3A_757, %dma_start3A_763] : memref<4x256xi32, #tpu.memory_space<vmem>> -> memref<1x8xi32, #tpu.memory_space<vmem>>
    %dma_start3A_765 = tpu.memref_squeeze %dma_start3A_764 : memref<1x8xi32, #tpu.memory_space<vmem>> -> memref<8xi32, #tpu.memory_space<vmem>>
    %dma_start3A_766 = arith.constant 0 : i32
    %dma_start3A_767 = arith.constant 0 : i32
    %dma_start3A_768 = tpu.memref_slice %arg4[%dma_start3A_766, %dma_start3A_767] : memref<100000x1024xf32, #tpu.memory_space<hbm>> -> memref<100000x1024xf32, #tpu.memory_space<hbm>>
    tpu.enqueue_indirect_dma source(%dma_start3A_768 : memref<100000x1024xf32, #tpu.memory_space<hbm>>) target(%dma_start3A_762 : memref<8x1024xf32, #tpu.memory_space<vmem>>) offsets(%dma_start3A_765 : memref<8xi32, #tpu.memory_space<vmem>>) semaphore(%arg14 : memref<!tpu.dma_semaphore, #tpu.memory_space<semaphore_mem>>)
    %dma_start3A_769 = arith.constant 3 : i32
    %dma_start3A_770 = arith.constant 3 : i32
    %dma_start3A_771 = arith.constant 0 : i32
    %dma_start3A_772 = arith.constant 0 : i32
    %dma_start3A_773 = tpu.memref_slice %arg8[%dma_start3A_770, %dma_start3A_771, %dma_start3A_772] : memref<4x8x1024xf32, #tpu.memory_space<vmem>> -> memref<1x8x1024xf32, #tpu.memory_space<vmem>>
    %dma_start3A_774 = tpu.memref_squeeze %dma_start3A_773 : memref<1x8x1024xf32, #tpu.memory_space<vmem>> -> memref<8x1024xf32, #tpu.memory_space<vmem>>
    %dma_start3A_775 = arith.constant 248 : i32
    %dma_start3A_776 = tpu.memref_slice %arg6[%dma_start3A_769, %dma_start3A_775] : memref<4x256xi32, #tpu.memory_space<vmem>> -> memref<1x8xi32, #tpu.memory_space<vmem>>
    %dma_start3A_777 = tpu.memref_squeeze %dma_start3A_776 : memref<1x8xi32, #tpu.memory_space<vmem>> -> memref<8xi32, #tpu.memory_space<vmem>>
    %dma_start3A_778 = arith.constant 0 : i32
    %dma_start3A_779 = arith.constant 0 : i32
    %dma_start3A_780 = tpu.memref_slice %arg4[%dma_start3A_778, %dma_start3A_779] : memref<100000x1024xf32, #tpu.memory_space<hbm>> -> memref<100000x1024xf32, #tpu.memory_space<hbm>>
    tpu.enqueue_indirect_dma source(%dma_start3A_780 : memref<100000x1024xf32, #tpu.memory_space<hbm>>) target(%dma_start3A_774 : memref<8x1024xf32, #tpu.memory_space<vmem>>) offsets(%dma_start3A_777 : memref<8xi32, #tpu.memory_space<vmem>>) semaphore(%arg14 : memref<!tpu.dma_semaphore, #tpu.memory_space<semaphore_mem>>)
    %dma_wait3A_781 = arith.constant 0 : i32
    %dma_wait3A_782 = arith.constant 0 : i32
    %dma_wait3A_783 = tpu.memref_slice %arg3[%dma_wait3A_781, %dma_wait3A_782] : memref<8192x1024xf32, #tpu.memory_space<hbm>> -> memref<8x1024xf32, #tpu.memory_space<hbm>>
    %dma_wait3A_784 = arith.constant 0 : i32
    %dma_wait3A_785 = arith.constant 0 : i32
    %dma_wait3A_786 = tpu.memref_slice %arg3[%dma_wait3A_784, %dma_wait3A_785] : memref<8192x1024xf32, #tpu.memory_space<hbm>> -> memref<8x1024xf32, #tpu.memory_space<hbm>>
    tpu.wait_dma2 semaphore(%arg19 : memref<!tpu.dma_semaphore, #tpu.memory_space<semaphore_mem>>) src(%dma_wait3A_786 : memref<8x1024xf32, #tpu.memory_space<hbm>>) dst(%arg10 : memref<8x1024xf32, #tpu.memory_space<vmem>>)
    %dma_wait3A_787 = arith.constant 0 : i32
    %dma_wait3A_788 = arith.constant 0 : i32
    %dma_wait3A_789 = arith.constant 0 : i32
    %dma_wait3A_790 = arith.constant 0 : i32
    %dma_wait3A_791 = tpu.memref_slice %arg7[%dma_wait3A_788, %dma_wait3A_789, %dma_wait3A_790] : memref<4x8x1024xf32, #tpu.memory_space<vmem>> -> memref<1x8x1024xf32, #tpu.memory_space<vmem>>
    %dma_wait3A_792 = tpu.memref_squeeze %dma_wait3A_791 : memref<1x8x1024xf32, #tpu.memory_space<vmem>> -> memref<8x1024xf32, #tpu.memory_space<vmem>>
    %dma_wait3A_793 = arith.constant 0 : i32
    %dma_wait3A_794 = tpu.memref_slice %arg6[%dma_wait3A_787, %dma_wait3A_793] : memref<4x256xi32, #tpu.memory_space<vmem>> -> memref<1x8xi32, #tpu.memory_space<vmem>>
    %dma_wait3A_795 = tpu.memref_squeeze %dma_wait3A_794 : memref<1x8xi32, #tpu.memory_space<vmem>> -> memref<8xi32, #tpu.memory_space<vmem>>
    %dma_wait3A_796 = arith.constant 0 : i32
    %dma_wait3A_797 = arith.constant 0 : i32
    %dma_wait3A_798 = tpu.memref_slice %arg4[%dma_wait3A_796, %dma_wait3A_797] : memref<100000x1024xf32, #tpu.memory_space<hbm>> -> memref<100000x1024xf32, #tpu.memory_space<hbm>>
    tpu.wait_indirect_dma semaphore(%arg13 : memref<!tpu.dma_semaphore, #tpu.memory_space<semaphore_mem>>) src(%dma_wait3A_798 : memref<100000x1024xf32, #tpu.memory_space<hbm>>) dst(%dma_wait3A_792 : memref<8x1024xf32, #tpu.memory_space<vmem>>)
    %dma_wait3A_799 = arith.constant 1 : i32
    %dma_wait3A_800 = arith.constant 1 : i32
    %dma_wait3A_801 = arith.constant 0 : i32
    %dma_wait3A_802 = arith.constant 0 : i32
    %dma_wait3A_803 = tpu.memref_slice %arg7[%dma_wait3A_800, %dma_wait3A_801, %dma_wait3A_802] : memref<4x8x1024xf32, #tpu.memory_space<vmem>> -> memref<1x8x1024xf32, #tpu.memory_space<vmem>>
    %dma_wait3A_804 = tpu.memref_squeeze %dma_wait3A_803 : memref<1x8x1024xf32, #tpu.memory_space<vmem>> -> memref<8x1024xf32, #tpu.memory_space<vmem>>
    %dma_wait3A_805 = arith.constant 0 : i32
    %dma_wait3A_806 = tpu.memref_slice %arg6[%dma_wait3A_799, %dma_wait3A_805] : memref<4x256xi32, #tpu.memory_space<vmem>> -> memref<1x8xi32, #tpu.memory_space<vmem>>
    %dma_wait3A_807 = tpu.memref_squeeze %dma_wait3A_806 : memref<1x8xi32, #tpu.memory_space<vmem>> -> memref<8xi32, #tpu.memory_space<vmem>>
    %dma_wait3A_808 = arith.constant 0 : i32
    %dma_wait3A_809 = arith.constant 0 : i32
    %dma_wait3A_810 = tpu.memref_slice %arg4[%dma_wait3A_808, %dma_wait3A_809] : memref<100000x1024xf32, #tpu.memory_space<hbm>> -> memref<100000x1024xf32, #tpu.memory_space<hbm>>
    tpu.wait_indirect_dma semaphore(%arg13 : memref<!tpu.dma_semaphore, #tpu.memory_space<semaphore_mem>>) src(%dma_wait3A_810 : memref<100000x1024xf32, #tpu.memory_space<hbm>>) dst(%dma_wait3A_804 : memref<8x1024xf32, #tpu.memory_space<vmem>>)
    %dma_wait3A_811 = arith.constant 2 : i32
    %dma_wait3A_812 = arith.constant 2 : i32
    %dma_wait3A_813 = arith.constant 0 : i32
    %dma_wait3A_814 = arith.constant 0 : i32
    %dma_wait3A_815 = tpu.memref_slice %arg7[%dma_wait3A_812, %dma_wait3A_813, %dma_wait3A_814] : memref<4x8x1024xf32, #tpu.memory_space<vmem>> -> memref<1x8x1024xf32, #tpu.memory_space<vmem>>
    %dma_wait3A_816 = tpu.memref_squeeze %dma_wait3A_815 : memref<1x8x1024xf32, #tpu.memory_space<vmem>> -> memref<8x1024xf32, #tpu.memory_space<vmem>>
    %dma_wait3A_817 = arith.constant 0 : i32
    %dma_wait3A_818 = tpu.memref_slice %arg6[%dma_wait3A_811, %dma_wait3A_817] : memref<4x256xi32, #tpu.memory_space<vmem>> -> memref<1x8xi32, #tpu.memory_space<vmem>>
    %dma_wait3A_819 = tpu.memref_squeeze %dma_wait3A_818 : memref<1x8xi32, #tpu.memory_space<vmem>> -> memref<8xi32, #tpu.memory_space<vmem>>
    %dma_wait3A_820 = arith.constant 0 : i32
    %dma_wait3A_821 = arith.constant 0 : i32
    %dma_wait3A_822 = tpu.memref_slice %arg4[%dma_wait3A_820, %dma_wait3A_821] : memref<100000x1024xf32, #tpu.memory_space<hbm>> -> memref<100000x1024xf32, #tpu.memory_space<hbm>>
    tpu.wait_indirect_dma semaphore(%arg13 : memref<!tpu.dma_semaphore, #tpu.memory_space<semaphore_mem>>) src(%dma_wait3A_822 : memref<100000x1024xf32, #tpu.memory_space<hbm>>) dst(%dma_wait3A_816 : memref<8x1024xf32, #tpu.memory_space<vmem>>)
    %dma_wait3A_823 = arith.constant 3 : i32
    %dma_wait3A_824 = arith.constant 3 : i32
    %dma_wait3A_825 = arith.constant 0 : i32
    %dma_wait3A_826 = arith.constant 0 : i32
    %dma_wait3A_827 = tpu.memref_slice %arg7[%dma_wait3A_824, %dma_wait3A_825, %dma_wait3A_826] : memref<4x8x1024xf32, #tpu.memory_space<vmem>> -> memref<1x8x1024xf32, #tpu.memory_space<vmem>>
    %dma_wait3A_828 = tpu.memref_squeeze %dma_wait3A_827 : memref<1x8x1024xf32, #tpu.memory_space<vmem>> -> memref<8x1024xf32, #tpu.memory_space<vmem>>
    %dma_wait3A_829 = arith.constant 0 : i32
    %dma_wait3A_830 = tpu.memref_slice %arg6[%dma_wait3A_823, %dma_wait3A_829] : memref<4x256xi32, #tpu.memory_space<vmem>> -> memref<1x8xi32, #tpu.memory_space<vmem>>
    %dma_wait3A_831 = tpu.memref_squeeze %dma_wait3A_830 : memref<1x8xi32, #tpu.memory_space<vmem>> -> memref<8xi32, #tpu.memory_space<vmem>>
    %dma_wait3A_832 = arith.constant 0 : i32
    %dma_wait3A_833 = arith.constant 0 : i32
    %dma_wait3A_834 = tpu.memref_slice %arg4[%dma_wait3A_832, %dma_wait3A_833] : memref<100000x1024xf32, #tpu.memory_space<hbm>> -> memref<100000x1024xf32, #tpu.memory_space<hbm>>
    tpu.wait_indirect_dma semaphore(%arg13 : memref<!tpu.dma_semaphore, #tpu.memory_space<semaphore_mem>>) src(%dma_wait3A_834 : memref<100000x1024xf32, #tpu.memory_space<hbm>>) dst(%dma_wait3A_828 : memref<8x1024xf32, #tpu.memory_space<vmem>>)
    %parallel_loop3A_835 = arith.constant 0 : i32
    %parallel_loop3A_836 = arith.constant 512 : i32
    %parallel_loop3A_837 = arith.constant 1 : i32
    scf.for %parallel_loop3A_1211 = %parallel_loop3A_835 to %parallel_loop3A_836 step %parallel_loop3A_837  : i32 {
      %parallel_loop3A_1212 = arith.constant 6 : i32
      %parallel_loop3A_1213 = arith.shrui %parallel_loop3A_1211, %parallel_loop3A_1212 : i32
      %parallel_loop3A_1214 = arith.constant 63 : i32
      %parallel_loop3A_1215 = arith.andi %parallel_loop3A_1211, %parallel_loop3A_1214 : i32
      %parallel_loop3A_1216 = arith.constant 16 : i32
      %parallel_loop3A_1217 = arith.muli %parallel_loop3A_1215, %parallel_loop3A_1216 : i32
      %parallel_loop3A_1218 = arith.index_cast %parallel_loop3A_1213 : i32 to index
      %parallel_loop3A_1219 = arith.index_cast %parallel_loop3A_1217 : i32 to index
      %parallel_loop3A_1220 = tpu.vector_load %arg10[%parallel_loop3A_1218, %parallel_loop3A_1219] {strides = array<i32>} : memref<8x1024xf32, #tpu.memory_space<vmem>>, vector<1x16xf32>,
      %parallel_loop3A_1221 = vector.shape_cast %parallel_loop3A_1220 : vector<1x16xf32> to vector<16xf32>
      %parallel_loop3A_1222 = arith.constant 0 : i32
      %parallel_loop3A_1223 = arith.index_cast %parallel_loop3A_1222 : i32 to index
      %parallel_loop3A_1224 = arith.index_cast %parallel_loop3A_1213 : i32 to index
      %parallel_loop3A_1225 = arith.index_cast %parallel_loop3A_1217 : i32 to index
      %parallel_loop3A_1226 = tpu.vector_load %arg7[%parallel_loop3A_1223, %parallel_loop3A_1224, %parallel_loop3A_1225] {strides = array<i32>} : memref<4x8x1024xf32, #tpu.memory_space<vmem>>, vector<1x1x16xf32>,
      %parallel_loop3A_1227 = vector.shape_cast %parallel_loop3A_1226 : vector<1x1x16xf32> to vector<16xf32>
      %parallel_loop3A_1228 = vector.shape_cast %parallel_loop3A_1221 : vector<16xf32> to vector<1x1x16xf32>
      tpu.vector_store %arg7[%parallel_loop3A_1223, %parallel_loop3A_1224, %parallel_loop3A_1225], %parallel_loop3A_1228 {add = true, strides = array<i32>} : memref<4x8x1024xf32, #tpu.memory_space<vmem>>, vector<1x1x16xf32>,
      %parallel_loop3A_1229 = arith.constant 1 : i32
      %parallel_loop3A_1230 = arith.index_cast %parallel_loop3A_1229 : i32 to index
      %parallel_loop3A_1231 = arith.index_cast %parallel_loop3A_1213 : i32 to index
      %parallel_loop3A_1232 = arith.index_cast %parallel_loop3A_1217 : i32 to index
      %parallel_loop3A_1233 = tpu.vector_load %arg7[%parallel_loop3A_1230, %parallel_loop3A_1231, %parallel_loop3A_1232] {strides = array<i32>} : memref<4x8x1024xf32, #tpu.memory_space<vmem>>, vector<1x1x16xf32>,
      %parallel_loop3A_1234 = vector.shape_cast %parallel_loop3A_1233 : vector<1x1x16xf32> to vector<16xf32>
      %parallel_loop3A_1235 = vector.shape_cast %parallel_loop3A_1221 : vector<16xf32> to vector<1x1x16xf32>
      tpu.vector_store %arg7[%parallel_loop3A_1230, %parallel_loop3A_1231, %parallel_loop3A_1232], %parallel_loop3A_1235 {add = true, strides = array<i32>} : memref<4x8x1024xf32, #tpu.memory_space<vmem>>, vector<1x1x16xf32>,
      %parallel_loop3A_1236 = arith.constant 2 : i32
      %parallel_loop3A_1237 = arith.index_cast %parallel_loop3A_1236 : i32 to index
      %parallel_loop3A_1238 = arith.index_cast %parallel_loop3A_1213 : i32 to index
      %parallel_loop3A_1239 = arith.index_cast %parallel_loop3A_1217 : i32 to index
      %parallel_loop3A_1240 = tpu.vector_load %arg7[%parallel_loop3A_1237, %parallel_loop3A_1238, %parallel_loop3A_1239] {strides = array<i32>} : memref<4x8x1024xf32, #tpu.memory_space<vmem>>, vector<1x1x16xf32>,
      %parallel_loop3A_1241 = vector.shape_cast %parallel_loop3A_1240 : vector<1x1x16xf32> to vector<16xf32>
      %parallel_loop3A_1242 = vector.shape_cast %parallel_loop3A_1221 : vector<16xf32> to vector<1x1x16xf32>
      tpu.vector_store %arg7[%parallel_loop3A_1237, %parallel_loop3A_1238, %parallel_loop3A_1239], %parallel_loop3A_1242 {add = true, strides = array<i32>} : memref<4x8x1024xf32, #tpu.memory_space<vmem>>, vector<1x1x16xf32>,
      %parallel_loop3A_1243 = arith.constant 3 : i32
      %parallel_loop3A_1244 = arith.index_cast %parallel_loop3A_1243 : i32 to index
      %parallel_loop3A_1245 = arith.index_cast %parallel_loop3A_1213 : i32 to index
      %parallel_loop3A_1246 = arith.index_cast %parallel_loop3A_1217 : i32 to index
      %parallel_loop3A_1247 = tpu.vector_load %arg7[%parallel_loop3A_1244, %parallel_loop3A_1245, %parallel_loop3A_1246] {strides = array<i32>} : memref<4x8x1024xf32, #tpu.memory_space<vmem>>, vector<1x1x16xf32>,
      %parallel_loop3A_1248 = vector.shape_cast %parallel_loop3A_1247 : vector<1x1x16xf32> to vector<16xf32>
      %parallel_loop3A_1249 = vector.shape_cast %parallel_loop3A_1221 : vector<16xf32> to vector<1x1x16xf32>
      tpu.vector_store %arg7[%parallel_loop3A_1244, %parallel_loop3A_1245, %parallel_loop3A_1246], %parallel_loop3A_1249 {add = true, strides = array<i32>} : memref<4x8x1024xf32, #tpu.memory_space<vmem>>, vector<1x1x16xf32>,
    } {sc.loop_unroll_factor = 4 : i64, sc.parallel_access}
    %add3A_838 = arith.constant 0 : i32
    %add3A_839 = arith.addi %add3A_838, %mul3A_2 : i32
    %add3A_840 = arith.constant 240 : i32
    %add3A_841 = arith.addi %add3A_839, %add3A_840 : i32
    %dma_start3A_842 = arith.constant 0 : i32
    %dma_start3A_843 = arith.constant 0 : i32
    %dma_start3A_844 = arith.constant 0 : i32
    %dma_start3A_845 = tpu.memref_slice %arg7[%dma_start3A_842, %dma_start3A_843, %dma_start3A_844] : memref<4x8x1024xf32, #tpu.memory_space<vmem>> -> memref<1x8x1024xf32, #tpu.memory_space<vmem>>
    %dma_start3A_846 = tpu.memref_squeeze %dma_start3A_845 : memref<1x8x1024xf32, #tpu.memory_space<vmem>> -> memref<8x1024xf32, #tpu.memory_space<vmem>>
    %dma_start3A_847 = arith.constant 0 : i32
    %dma_start3A_848 = tpu.memref_slice %arg5[%add3A_841, %dma_start3A_847] : memref<32768x1024xf32, #tpu.memory_space<hbm>> -> memref<8x1024xf32, #tpu.memory_space<hbm>>
    %dma_start3A_849 = arith.constant 0 : i32
    %dma_start3A_850 = tpu.memref_slice %arg5[%add3A_841, %dma_start3A_849] : memref<32768x1024xf32, #tpu.memory_space<hbm>> -> memref<8x1024xf32, #tpu.memory_space<hbm>>
    %dma_start3A_851 = arith.constant 0 : i32
    %dma_start3A_852 = arith.constant 0 : i32
    %dma_start3A_853 = tpu.memref_slice %arg7[%dma_start3A_842, %dma_start3A_851, %dma_start3A_852] : memref<4x8x1024xf32, #tpu.memory_space<vmem>> -> memref<1x8x1024xf32, #tpu.memory_space<vmem>>
    %dma_start3A_854 = tpu.memref_squeeze %dma_start3A_853 : memref<1x8x1024xf32, #tpu.memory_space<vmem>> -> memref<8x1024xf32, #tpu.memory_space<vmem>>
    tpu.enqueue_dma source(%dma_start3A_854 : memref<8x1024xf32, #tpu.memory_space<vmem>>) target(%dma_start3A_850 : memref<8x1024xf32, #tpu.memory_space<hbm>>) target_semaphore(%arg16 : memref<!tpu.dma_semaphore, #tpu.memory_space<semaphore_mem>>)
    %add3A_855 = arith.constant 8192 : i32
    %add3A_856 = arith.addi %add3A_855, %mul3A_2 : i32
    %add3A_857 = arith.constant 240 : i32
    %add3A_858 = arith.addi %add3A_856, %add3A_857 : i32
    %dma_start3A_859 = arith.constant 1 : i32
    %dma_start3A_860 = arith.constant 0 : i32
    %dma_start3A_861 = arith.constant 0 : i32
    %dma_start3A_862 = tpu.memref_slice %arg7[%dma_start3A_859, %dma_start3A_860, %dma_start3A_861] : memref<4x8x1024xf32, #tpu.memory_space<vmem>> -> memref<1x8x1024xf32, #tpu.memory_space<vmem>>
    %dma_start3A_863 = tpu.memref_squeeze %dma_start3A_862 : memref<1x8x1024xf32, #tpu.memory_space<vmem>> -> memref<8x1024xf32, #tpu.memory_space<vmem>>
    %dma_start3A_864 = arith.constant 0 : i32
    %dma_start3A_865 = tpu.memref_slice %arg5[%add3A_858, %dma_start3A_864] : memref<32768x1024xf32, #tpu.memory_space<hbm>> -> memref<8x1024xf32, #tpu.memory_space<hbm>>
    %dma_start3A_866 = arith.constant 0 : i32
    %dma_start3A_867 = tpu.memref_slice %arg5[%add3A_858, %dma_start3A_866] : memref<32768x1024xf32, #tpu.memory_space<hbm>> -> memref<8x1024xf32, #tpu.memory_space<hbm>>
    %dma_start3A_868 = arith.constant 0 : i32
    %dma_start3A_869 = arith.constant 0 : i32
    %dma_start3A_870 = tpu.memref_slice %arg7[%dma_start3A_859, %dma_start3A_868, %dma_start3A_869] : memref<4x8x1024xf32, #tpu.memory_space<vmem>> -> memref<1x8x1024xf32, #tpu.memory_space<vmem>>
    %dma_start3A_871 = tpu.memref_squeeze %dma_start3A_870 : memref<1x8x1024xf32, #tpu.memory_space<vmem>> -> memref<8x1024xf32, #tpu.memory_space<vmem>>
    tpu.enqueue_dma source(%dma_start3A_871 : memref<8x1024xf32, #tpu.memory_space<vmem>>) target(%dma_start3A_867 : memref<8x1024xf32, #tpu.memory_space<hbm>>) target_semaphore(%arg16 : memref<!tpu.dma_semaphore, #tpu.memory_space<semaphore_mem>>)
    %add3A_872 = arith.constant 16384 : i32
    %add3A_873 = arith.addi %add3A_872, %mul3A_2 : i32
    %add3A_874 = arith.constant 240 : i32
    %add3A_875 = arith.addi %add3A_873, %add3A_874 : i32
    %dma_start3A_876 = arith.constant 2 : i32
    %dma_start3A_877 = arith.constant 0 : i32
    %dma_start3A_878 = arith.constant 0 : i32
    %dma_start3A_879 = tpu.memref_slice %arg7[%dma_start3A_876, %dma_start3A_877, %dma_start3A_878] : memref<4x8x1024xf32, #tpu.memory_space<vmem>> -> memref<1x8x1024xf32, #tpu.memory_space<vmem>>
    %dma_start3A_880 = tpu.memref_squeeze %dma_start3A_879 : memref<1x8x1024xf32, #tpu.memory_space<vmem>> -> memref<8x1024xf32, #tpu.memory_space<vmem>>
    %dma_start3A_881 = arith.constant 0 : i32
    %dma_start3A_882 = tpu.memref_slice %arg5[%add3A_875, %dma_start3A_881] : memref<32768x1024xf32, #tpu.memory_space<hbm>> -> memref<8x1024xf32, #tpu.memory_space<hbm>>
    %dma_start3A_883 = arith.constant 0 : i32
    %dma_start3A_884 = tpu.memref_slice %arg5[%add3A_875, %dma_start3A_883] : memref<32768x1024xf32, #tpu.memory_space<hbm>> -> memref<8x1024xf32, #tpu.memory_space<hbm>>
    %dma_start3A_885 = arith.constant 0 : i32
    %dma_start3A_886 = arith.constant 0 : i32
    %dma_start3A_887 = tpu.memref_slice %arg7[%dma_start3A_876, %dma_start3A_885, %dma_start3A_886] : memref<4x8x1024xf32, #tpu.memory_space<vmem>> -> memref<1x8x1024xf32, #tpu.memory_space<vmem>>
    %dma_start3A_888 = tpu.memref_squeeze %dma_start3A_887 : memref<1x8x1024xf32, #tpu.memory_space<vmem>> -> memref<8x1024xf32, #tpu.memory_space<vmem>>
    tpu.enqueue_dma source(%dma_start3A_888 : memref<8x1024xf32, #tpu.memory_space<vmem>>) target(%dma_start3A_884 : memref<8x1024xf32, #tpu.memory_space<hbm>>) target_semaphore(%arg16 : memref<!tpu.dma_semaphore, #tpu.memory_space<semaphore_mem>>)
    %add3A_889 = arith.constant 24576 : i32
    %add3A_890 = arith.addi %add3A_889, %mul3A_2 : i32
    %add3A_891 = arith.constant 240 : i32
    %add3A_892 = arith.addi %add3A_890, %add3A_891 : i32
    %dma_start3A_893 = arith.constant 3 : i32
    %dma_start3A_894 = arith.constant 0 : i32
    %dma_start3A_895 = arith.constant 0 : i32
    %dma_start3A_896 = tpu.memref_slice %arg7[%dma_start3A_893, %dma_start3A_894, %dma_start3A_895] : memref<4x8x1024xf32, #tpu.memory_space<vmem>> -> memref<1x8x1024xf32, #tpu.memory_space<vmem>>
    %dma_start3A_897 = tpu.memref_squeeze %dma_start3A_896 : memref<1x8x1024xf32, #tpu.memory_space<vmem>> -> memref<8x1024xf32, #tpu.memory_space<vmem>>
    %dma_start3A_898 = arith.constant 0 : i32
    %dma_start3A_899 = tpu.memref_slice %arg5[%add3A_892, %dma_start3A_898] : memref<32768x1024xf32, #tpu.memory_space<hbm>> -> memref<8x1024xf32, #tpu.memory_space<hbm>>
    %dma_start3A_900 = arith.constant 0 : i32
    %dma_start3A_901 = tpu.memref_slice %arg5[%add3A_892, %dma_start3A_900] : memref<32768x1024xf32, #tpu.memory_space<hbm>> -> memref<8x1024xf32, #tpu.memory_space<hbm>>
    %dma_start3A_902 = arith.constant 0 : i32
    %dma_start3A_903 = arith.constant 0 : i32
    %dma_start3A_904 = tpu.memref_slice %arg7[%dma_start3A_893, %dma_start3A_902, %dma_start3A_903] : memref<4x8x1024xf32, #tpu.memory_space<vmem>> -> memref<1x8x1024xf32, #tpu.memory_space<vmem>>
    %dma_start3A_905 = tpu.memref_squeeze %dma_start3A_904 : memref<1x8x1024xf32, #tpu.memory_space<vmem>> -> memref<8x1024xf32, #tpu.memory_space<vmem>>
    tpu.enqueue_dma source(%dma_start3A_905 : memref<8x1024xf32, #tpu.memory_space<vmem>>) target(%dma_start3A_901 : memref<8x1024xf32, #tpu.memory_space<hbm>>) target_semaphore(%arg16 : memref<!tpu.dma_semaphore, #tpu.memory_space<semaphore_mem>>)
    %dma_wait3A_906 = arith.constant 0 : i32
    %dma_wait3A_907 = arith.constant 0 : i32
    %dma_wait3A_908 = arith.constant 0 : i32
    %dma_wait3A_909 = tpu.memref_slice %arg9[%dma_wait3A_906, %dma_wait3A_907, %dma_wait3A_908] : memref<4x8x1024xf32, #tpu.memory_space<vmem>> -> memref<1x8x1024xf32, #tpu.memory_space<vmem>>
    %dma_wait3A_910 = tpu.memref_squeeze %dma_wait3A_909 : memref<1x8x1024xf32, #tpu.memory_space<vmem>> -> memref<8x1024xf32, #tpu.memory_space<vmem>>
    %dma_wait3A_911 = arith.constant 0 : i32
    %dma_wait3A_912 = arith.constant 0 : i32
    %dma_wait3A_913 = tpu.memref_slice %arg5[%dma_wait3A_911, %dma_wait3A_912] : memref<32768x1024xf32, #tpu.memory_space<hbm>> -> memref<8x1024xf32, #tpu.memory_space<hbm>>
    %dma_wait3A_914 = arith.constant 0 : i32
    %dma_wait3A_915 = arith.constant 0 : i32
    %dma_wait3A_916 = tpu.memref_slice %arg5[%dma_wait3A_914, %dma_wait3A_915] : memref<32768x1024xf32, #tpu.memory_space<hbm>> -> memref<8x1024xf32, #tpu.memory_space<hbm>>
    %dma_wait3A_917 = arith.constant 0 : i32
    %dma_wait3A_918 = arith.constant 0 : i32
    %dma_wait3A_919 = tpu.memref_slice %arg9[%dma_wait3A_906, %dma_wait3A_917, %dma_wait3A_918] : memref<4x8x1024xf32, #tpu.memory_space<vmem>> -> memref<1x8x1024xf32, #tpu.memory_space<vmem>>
    %dma_wait3A_920 = tpu.memref_squeeze %dma_wait3A_919 : memref<1x8x1024xf32, #tpu.memory_space<vmem>> -> memref<8x1024xf32, #tpu.memory_space<vmem>>
    tpu.wait_dma2 semaphore(%arg18 : memref<!tpu.dma_semaphore, #tpu.memory_space<semaphore_mem>>) src(%dma_wait3A_920 : memref<8x1024xf32, #tpu.memory_space<vmem>>) dst(%dma_wait3A_916 : memref<8x1024xf32, #tpu.memory_space<hbm>>)
    %dma_wait3A_921 = arith.constant 1 : i32
    %dma_wait3A_922 = arith.constant 0 : i32
    %dma_wait3A_923 = arith.constant 0 : i32
    %dma_wait3A_924 = tpu.memref_slice %arg9[%dma_wait3A_921, %dma_wait3A_922, %dma_wait3A_923] : memref<4x8x1024xf32, #tpu.memory_space<vmem>> -> memref<1x8x1024xf32, #tpu.memory_space<vmem>>
    %dma_wait3A_925 = tpu.memref_squeeze %dma_wait3A_924 : memref<1x8x1024xf32, #tpu.memory_space<vmem>> -> memref<8x1024xf32, #tpu.memory_space<vmem>>
    %dma_wait3A_926 = arith.constant 0 : i32
    %dma_wait3A_927 = arith.constant 0 : i32
    %dma_wait3A_928 = tpu.memref_slice %arg5[%dma_wait3A_926, %dma_wait3A_927] : memref<32768x1024xf32, #tpu.memory_space<hbm>> -> memref<8x1024xf32, #tpu.memory_space<hbm>>
    %dma_wait3A_929 = arith.constant 0 : i32
    %dma_wait3A_930 = arith.constant 0 : i32
    %dma_wait3A_931 = tpu.memref_slice %arg5[%dma_wait3A_929, %dma_wait3A_930] : memref<32768x1024xf32, #tpu.memory_space<hbm>> -> memref<8x1024xf32, #tpu.memory_space<hbm>>
    %dma_wait3A_932 = arith.constant 0 : i32
    %dma_wait3A_933 = arith.constant 0 : i32
    %dma_wait3A_934 = tpu.memref_slice %arg9[%dma_wait3A_921, %dma_wait3A_932, %dma_wait3A_933] : memref<4x8x1024xf32, #tpu.memory_space<vmem>> -> memref<1x8x1024xf32, #tpu.memory_space<vmem>>
    %dma_wait3A_935 = tpu.memref_squeeze %dma_wait3A_934 : memref<1x8x1024xf32, #tpu.memory_space<vmem>> -> memref<8x1024xf32, #tpu.memory_space<vmem>>
    tpu.wait_dma2 semaphore(%arg18 : memref<!tpu.dma_semaphore, #tpu.memory_space<semaphore_mem>>) src(%dma_wait3A_935 : memref<8x1024xf32, #tpu.memory_space<vmem>>) dst(%dma_wait3A_931 : memref<8x1024xf32, #tpu.memory_space<hbm>>)
    %dma_wait3A_936 = arith.constant 2 : i32
    %dma_wait3A_937 = arith.constant 0 : i32
    %dma_wait3A_938 = arith.constant 0 : i32
    %dma_wait3A_939 = tpu.memref_slice %arg9[%dma_wait3A_936, %dma_wait3A_937, %dma_wait3A_938] : memref<4x8x1024xf32, #tpu.memory_space<vmem>> -> memref<1x8x1024xf32, #tpu.memory_space<vmem>>
    %dma_wait3A_940 = tpu.memref_squeeze %dma_wait3A_939 : memref<1x8x1024xf32, #tpu.memory_space<vmem>> -> memref<8x1024xf32, #tpu.memory_space<vmem>>
    %dma_wait3A_941 = arith.constant 0 : i32
    %dma_wait3A_942 = arith.constant 0 : i32
    %dma_wait3A_943 = tpu.memref_slice %arg5[%dma_wait3A_941, %dma_wait3A_942] : memref<32768x1024xf32, #tpu.memory_space<hbm>> -> memref<8x1024xf32, #tpu.memory_space<hbm>>
    %dma_wait3A_944 = arith.constant 0 : i32
    %dma_wait3A_945 = arith.constant 0 : i32
    %dma_wait3A_946 = tpu.memref_slice %arg5[%dma_wait3A_944, %dma_wait3A_945] : memref<32768x1024xf32, #tpu.memory_space<hbm>> -> memref<8x1024xf32, #tpu.memory_space<hbm>>
    %dma_wait3A_947 = arith.constant 0 : i32
    %dma_wait3A_948 = arith.constant 0 : i32
    %dma_wait3A_949 = tpu.memref_slice %arg9[%dma_wait3A_936, %dma_wait3A_947, %dma_wait3A_948] : memref<4x8x1024xf32, #tpu.memory_space<vmem>> -> memref<1x8x1024xf32, #tpu.memory_space<vmem>>
    %dma_wait3A_950 = tpu.memref_squeeze %dma_wait3A_949 : memref<1x8x1024xf32, #tpu.memory_space<vmem>> -> memref<8x1024xf32, #tpu.memory_space<vmem>>
    tpu.wait_dma2 semaphore(%arg18 : memref<!tpu.dma_semaphore, #tpu.memory_space<semaphore_mem>>) src(%dma_wait3A_950 : memref<8x1024xf32, #tpu.memory_space<vmem>>) dst(%dma_wait3A_946 : memref<8x1024xf32, #tpu.memory_space<hbm>>)
    %dma_wait3A_951 = arith.constant 3 : i32
    %dma_wait3A_952 = arith.constant 0 : i32
    %dma_wait3A_953 = arith.constant 0 : i32
    %dma_wait3A_954 = tpu.memref_slice %arg9[%dma_wait3A_951, %dma_wait3A_952, %dma_wait3A_953] : memref<4x8x1024xf32, #tpu.memory_space<vmem>> -> memref<1x8x1024xf32, #tpu.memory_space<vmem>>
    %dma_wait3A_955 = tpu.memref_squeeze %dma_wait3A_954 : memref<1x8x1024xf32, #tpu.memory_space<vmem>> -> memref<8x1024xf32, #tpu.memory_space<vmem>>
    %dma_wait3A_956 = arith.constant 0 : i32
    %dma_wait3A_957 = arith.constant 0 : i32
    %dma_wait3A_958 = tpu.memref_slice %arg5[%dma_wait3A_956, %dma_wait3A_957] : memref<32768x1024xf32, #tpu.memory_space<hbm>> -> memref<8x1024xf32, #tpu.memory_space<hbm>>
    %dma_wait3A_959 = arith.constant 0 : i32
    %dma_wait3A_960 = arith.constant 0 : i32
    %dma_wait3A_961 = tpu.memref_slice %arg5[%dma_wait3A_959, %dma_wait3A_960] : memref<32768x1024xf32, #tpu.memory_space<hbm>> -> memref<8x1024xf32, #tpu.memory_space<hbm>>
    %dma_wait3A_962 = arith.constant 0 : i32
    %dma_wait3A_963 = arith.constant 0 : i32
    %dma_wait3A_964 = tpu.memref_slice %arg9[%dma_wait3A_951, %dma_wait3A_962, %dma_wait3A_963] : memref<4x8x1024xf32, #tpu.memory_space<vmem>> -> memref<1x8x1024xf32, #tpu.memory_space<vmem>>
    %dma_wait3A_965 = tpu.memref_squeeze %dma_wait3A_964 : memref<1x8x1024xf32, #tpu.memory_space<vmem>> -> memref<8x1024xf32, #tpu.memory_space<vmem>>
    tpu.wait_dma2 semaphore(%arg18 : memref<!tpu.dma_semaphore, #tpu.memory_space<semaphore_mem>>) src(%dma_wait3A_965 : memref<8x1024xf32, #tpu.memory_space<vmem>>) dst(%dma_wait3A_961 : memref<8x1024xf32, #tpu.memory_space<hbm>>)
    %dma_wait3A_966 = arith.constant 0 : i32
    %dma_wait3A_967 = arith.constant 0 : i32
    %dma_wait3A_968 = tpu.memref_slice %arg3[%dma_wait3A_966, %dma_wait3A_967] : memref<8192x1024xf32, #tpu.memory_space<hbm>> -> memref<8x1024xf32, #tpu.memory_space<hbm>>
    %dma_wait3A_969 = arith.constant 0 : i32
    %dma_wait3A_970 = arith.constant 0 : i32
    %dma_wait3A_971 = tpu.memref_slice %arg3[%dma_wait3A_969, %dma_wait3A_970] : memref<8192x1024xf32, #tpu.memory_space<hbm>> -> memref<8x1024xf32, #tpu.memory_space<hbm>>
    tpu.wait_dma2 semaphore(%arg20 : memref<!tpu.dma_semaphore, #tpu.memory_space<semaphore_mem>>) src(%dma_wait3A_971 : memref<8x1024xf32, #tpu.memory_space<hbm>>) dst(%arg11 : memref<8x1024xf32, #tpu.memory_space<vmem>>)
    %dma_wait3A_972 = arith.constant 0 : i32
    %dma_wait3A_973 = arith.constant 0 : i32
    %dma_wait3A_974 = arith.constant 0 : i32
    %dma_wait3A_975 = arith.constant 0 : i32
    %dma_wait3A_976 = tpu.memref_slice %arg8[%dma_wait3A_973, %dma_wait3A_974, %dma_wait3A_975] : memref<4x8x1024xf32, #tpu.memory_space<vmem>> -> memref<1x8x1024xf32, #tpu.memory_space<vmem>>
    %dma_wait3A_977 = tpu.memref_squeeze %dma_wait3A_976 : memref<1x8x1024xf32, #tpu.memory_space<vmem>> -> memref<8x1024xf32, #tpu.memory_space<vmem>>
    %dma_wait3A_978 = arith.constant 0 : i32
    %dma_wait3A_979 = tpu.memref_slice %arg6[%dma_wait3A_972, %dma_wait3A_978] : memref<4x256xi32, #tpu.memory_space<vmem>> -> memref<1x8xi32, #tpu.memory_space<vmem>>
    %dma_wait3A_980 = tpu.memref_squeeze %dma_wait3A_979 : memref<1x8xi32, #tpu.memory_space<vmem>> -> memref<8xi32, #tpu.memory_space<vmem>>
    %dma_wait3A_981 = arith.constant 0 : i32
    %dma_wait3A_982 = arith.constant 0 : i32
    %dma_wait3A_983 = tpu.memref_slice %arg4[%dma_wait3A_981, %dma_wait3A_982] : memref<100000x1024xf32, #tpu.memory_space<hbm>> -> memref<100000x1024xf32, #tpu.memory_space<hbm>>
    tpu.wait_indirect_dma semaphore(%arg14 : memref<!tpu.dma_semaphore, #tpu.memory_space<semaphore_mem>>) src(%dma_wait3A_983 : memref<100000x1024xf32, #tpu.memory_space<hbm>>) dst(%dma_wait3A_977 : memref<8x1024xf32, #tpu.memory_space<vmem>>)
    %dma_wait3A_984 = arith.constant 1 : i32
    %dma_wait3A_985 = arith.constant 1 : i32
    %dma_wait3A_986 = arith.constant 0 : i32
    %dma_wait3A_987 = arith.constant 0 : i32
    %dma_wait3A_988 = tpu.memref_slice %arg8[%dma_wait3A_985, %dma_wait3A_986, %dma_wait3A_987] : memref<4x8x1024xf32, #tpu.memory_space<vmem>> -> memref<1x8x1024xf32, #tpu.memory_space<vmem>>
    %dma_wait3A_989 = tpu.memref_squeeze %dma_wait3A_988 : memref<1x8x1024xf32, #tpu.memory_space<vmem>> -> memref<8x1024xf32, #tpu.memory_space<vmem>>
    %dma_wait3A_990 = arith.constant 0 : i32
    %dma_wait3A_991 = tpu.memref_slice %arg6[%dma_wait3A_984, %dma_wait3A_990] : memref<4x256xi32, #tpu.memory_space<vmem>> -> memref<1x8xi32, #tpu.memory_space<vmem>>
    %dma_wait3A_992 = tpu.memref_squeeze %dma_wait3A_991 : memref<1x8xi32, #tpu.memory_space<vmem>> -> memref<8xi32, #tpu.memory_space<vmem>>
    %dma_wait3A_993 = arith.constant 0 : i32
    %dma_wait3A_994 = arith.constant 0 : i32
    %dma_wait3A_995 = tpu.memref_slice %arg4[%dma_wait3A_993, %dma_wait3A_994] : memref<100000x1024xf32, #tpu.memory_space<hbm>> -> memref<100000x1024xf32, #tpu.memory_space<hbm>>
    tpu.wait_indirect_dma semaphore(%arg14 : memref<!tpu.dma_semaphore, #tpu.memory_space<semaphore_mem>>) src(%dma_wait3A_995 : memref<100000x1024xf32, #tpu.memory_space<hbm>>) dst(%dma_wait3A_989 : memref<8x1024xf32, #tpu.memory_space<vmem>>)
    %dma_wait3A_996 = arith.constant 2 : i32
    %dma_wait3A_997 = arith.constant 2 : i32
    %dma_wait3A_998 = arith.constant 0 : i32
    %dma_wait3A_999 = arith.constant 0 : i32
    %dma_wait3A_1000 = tpu.memref_slice %arg8[%dma_wait3A_997, %dma_wait3A_998, %dma_wait3A_999] : memref<4x8x1024xf32, #tpu.memory_space<vmem>> -> memref<1x8x1024xf32, #tpu.memory_space<vmem>>
    %dma_wait3A_1001 = tpu.memref_squeeze %dma_wait3A_1000 : memref<1x8x1024xf32, #tpu.memory_space<vmem>> -> memref<8x1024xf32, #tpu.memory_space<vmem>>
    %dma_wait3A_1002 = arith.constant 0 : i32
    %dma_wait3A_1003 = tpu.memref_slice %arg6[%dma_wait3A_996, %dma_wait3A_1002] : memref<4x256xi32, #tpu.memory_space<vmem>> -> memref<1x8xi32, #tpu.memory_space<vmem>>
    %dma_wait3A_1004 = tpu.memref_squeeze %dma_wait3A_1003 : memref<1x8xi32, #tpu.memory_space<vmem>> -> memref<8xi32, #tpu.memory_space<vmem>>
    %dma_wait3A_1005 = arith.constant 0 : i32
    %dma_wait3A_1006 = arith.constant 0 : i32
    %dma_wait3A_1007 = tpu.memref_slice %arg4[%dma_wait3A_1005, %dma_wait3A_1006] : memref<100000x1024xf32, #tpu.memory_space<hbm>> -> memref<100000x1024xf32, #tpu.memory_space<hbm>>
    tpu.wait_indirect_dma semaphore(%arg14 : memref<!tpu.dma_semaphore, #tpu.memory_space<semaphore_mem>>) src(%dma_wait3A_1007 : memref<100000x1024xf32, #tpu.memory_space<hbm>>) dst(%dma_wait3A_1001 : memref<8x1024xf32, #tpu.memory_space<vmem>>)
    %dma_wait3A_1008 = arith.constant 3 : i32
    %dma_wait3A_1009 = arith.constant 3 : i32
    %dma_wait3A_1010 = arith.constant 0 : i32
    %dma_wait3A_1011 = arith.constant 0 : i32
    %dma_wait3A_1012 = tpu.memref_slice %arg8[%dma_wait3A_1009, %dma_wait3A_1010, %dma_wait3A_1011] : memref<4x8x1024xf32, #tpu.memory_space<vmem>> -> memref<1x8x1024xf32, #tpu.memory_space<vmem>>
    %dma_wait3A_1013 = tpu.memref_squeeze %dma_wait3A_1012 : memref<1x8x1024xf32, #tpu.memory_space<vmem>> -> memref<8x1024xf32, #tpu.memory_space<vmem>>
    %dma_wait3A_1014 = arith.constant 0 : i32
    %dma_wait3A_1015 = tpu.memref_slice %arg6[%dma_wait3A_1008, %dma_wait3A_1014] : memref<4x256xi32, #tpu.memory_space<vmem>> -> memref<1x8xi32, #tpu.memory_space<vmem>>
    %dma_wait3A_1016 = tpu.memref_squeeze %dma_wait3A_1015 : memref<1x8xi32, #tpu.memory_space<vmem>> -> memref<8xi32, #tpu.memory_space<vmem>>
    %dma_wait3A_1017 = arith.constant 0 : i32
    %dma_wait3A_1018 = arith.constant 0 : i32
    %dma_wait3A_1019 = tpu.memref_slice %arg4[%dma_wait3A_1017, %dma_wait3A_1018] : memref<100000x1024xf32, #tpu.memory_space<hbm>> -> memref<100000x1024xf32, #tpu.memory_space<hbm>>
    tpu.wait_indirect_dma semaphore(%arg14 : memref<!tpu.dma_semaphore, #tpu.memory_space<semaphore_mem>>) src(%dma_wait3A_1019 : memref<100000x1024xf32, #tpu.memory_space<hbm>>) dst(%dma_wait3A_1013 : memref<8x1024xf32, #tpu.memory_space<vmem>>)
    %parallel_loop3A_1020 = arith.constant 0 : i32
    %parallel_loop3A_1021 = arith.constant 512 : i32
    %parallel_loop3A_1022 = arith.constant 1 : i32
    scf.for %parallel_loop3A_1211 = %parallel_loop3A_1020 to %parallel_loop3A_1021 step %parallel_loop3A_1022  : i32 {
      %parallel_loop3A_1212 = arith.constant 6 : i32
      %parallel_loop3A_1213 = arith.shrui %parallel_loop3A_1211, %parallel_loop3A_1212 : i32
      %parallel_loop3A_1214 = arith.constant 63 : i32
      %parallel_loop3A_1215 = arith.andi %parallel_loop3A_1211, %parallel_loop3A_1214 : i32
      %parallel_loop3A_1216 = arith.constant 16 : i32
      %parallel_loop3A_1217 = arith.muli %parallel_loop3A_1215, %parallel_loop3A_1216 : i32
      %parallel_loop3A_1218 = arith.index_cast %parallel_loop3A_1213 : i32 to index
      %parallel_loop3A_1219 = arith.index_cast %parallel_loop3A_1217 : i32 to index
      %parallel_loop3A_1220 = tpu.vector_load %arg11[%parallel_loop3A_1218, %parallel_loop3A_1219] {strides = array<i32>} : memref<8x1024xf32, #tpu.memory_space<vmem>>, vector<1x16xf32>,
      %parallel_loop3A_1221 = vector.shape_cast %parallel_loop3A_1220 : vector<1x16xf32> to vector<16xf32>
      %parallel_loop3A_1222 = arith.constant 0 : i32
      %parallel_loop3A_1223 = arith.index_cast %parallel_loop3A_1222 : i32 to index
      %parallel_loop3A_1224 = arith.index_cast %parallel_loop3A_1213 : i32 to index
      %parallel_loop3A_1225 = arith.index_cast %parallel_loop3A_1217 : i32 to index
      %parallel_loop3A_1226 = tpu.vector_load %arg8[%parallel_loop3A_1223, %parallel_loop3A_1224, %parallel_loop3A_1225] {strides = array<i32>} : memref<4x8x1024xf32, #tpu.memory_space<vmem>>, vector<1x1x16xf32>,
      %parallel_loop3A_1227 = vector.shape_cast %parallel_loop3A_1226 : vector<1x1x16xf32> to vector<16xf32>
      %parallel_loop3A_1228 = vector.shape_cast %parallel_loop3A_1221 : vector<16xf32> to vector<1x1x16xf32>
      tpu.vector_store %arg8[%parallel_loop3A_1223, %parallel_loop3A_1224, %parallel_loop3A_1225], %parallel_loop3A_1228 {add = true, strides = array<i32>} : memref<4x8x1024xf32, #tpu.memory_space<vmem>>, vector<1x1x16xf32>,
      %parallel_loop3A_1229 = arith.constant 1 : i32
      %parallel_loop3A_1230 = arith.index_cast %parallel_loop3A_1229 : i32 to index
      %parallel_loop3A_1231 = arith.index_cast %parallel_loop3A_1213 : i32 to index
      %parallel_loop3A_1232 = arith.index_cast %parallel_loop3A_1217 : i32 to index
      %parallel_loop3A_1233 = tpu.vector_load %arg8[%parallel_loop3A_1230, %parallel_loop3A_1231, %parallel_loop3A_1232] {strides = array<i32>} : memref<4x8x1024xf32, #tpu.memory_space<vmem>>, vector<1x1x16xf32>,
      %parallel_loop3A_1234 = vector.shape_cast %parallel_loop3A_1233 : vector<1x1x16xf32> to vector<16xf32>
      %parallel_loop3A_1235 = vector.shape_cast %parallel_loop3A_1221 : vector<16xf32> to vector<1x1x16xf32>
      tpu.vector_store %arg8[%parallel_loop3A_1230, %parallel_loop3A_1231, %parallel_loop3A_1232], %parallel_loop3A_1235 {add = true, strides = array<i32>} : memref<4x8x1024xf32, #tpu.memory_space<vmem>>, vector<1x1x16xf32>,
      %parallel_loop3A_1236 = arith.constant 2 : i32
      %parallel_loop3A_1237 = arith.index_cast %parallel_loop3A_1236 : i32 to index
      %parallel_loop3A_1238 = arith.index_cast %parallel_loop3A_1213 : i32 to index
      %parallel_loop3A_1239 = arith.index_cast %parallel_loop3A_1217 : i32 to index
      %parallel_loop3A_1240 = tpu.vector_load %arg8[%parallel_loop3A_1237, %parallel_loop3A_1238, %parallel_loop3A_1239] {strides = array<i32>} : memref<4x8x1024xf32, #tpu.memory_space<vmem>>, vector<1x1x16xf32>,
      %parallel_loop3A_1241 = vector.shape_cast %parallel_loop3A_1240 : vector<1x1x16xf32> to vector<16xf32>
      %parallel_loop3A_1242 = vector.shape_cast %parallel_loop3A_1221 : vector<16xf32> to vector<1x1x16xf32>
      tpu.vector_store %arg8[%parallel_loop3A_1237, %parallel_loop3A_1238, %parallel_loop3A_1239], %parallel_loop3A_1242 {add = true, strides = array<i32>} : memref<4x8x1024xf32, #tpu.memory_space<vmem>>, vector<1x1x16xf32>,
      %parallel_loop3A_1243 = arith.constant 3 : i32
      %parallel_loop3A_1244 = arith.index_cast %parallel_loop3A_1243 : i32 to index
      %parallel_loop3A_1245 = arith.index_cast %parallel_loop3A_1213 : i32 to index
      %parallel_loop3A_1246 = arith.index_cast %parallel_loop3A_1217 : i32 to index
      %parallel_loop3A_1247 = tpu.vector_load %arg8[%parallel_loop3A_1244, %parallel_loop3A_1245, %parallel_loop3A_1246] {strides = array<i32>} : memref<4x8x1024xf32, #tpu.memory_space<vmem>>, vector<1x1x16xf32>,
      %parallel_loop3A_1248 = vector.shape_cast %parallel_loop3A_1247 : vector<1x1x16xf32> to vector<16xf32>
      %parallel_loop3A_1249 = vector.shape_cast %parallel_loop3A_1221 : vector<16xf32> to vector<1x1x16xf32>
      tpu.vector_store %arg8[%parallel_loop3A_1244, %parallel_loop3A_1245, %parallel_loop3A_1246], %parallel_loop3A_1249 {add = true, strides = array<i32>} : memref<4x8x1024xf32, #tpu.memory_space<vmem>>, vector<1x1x16xf32>,
    } {sc.loop_unroll_factor = 4 : i64, sc.parallel_access}
    %add3A_1023 = arith.constant 0 : i32
    %add3A_1024 = arith.addi %add3A_1023, %mul3A_2 : i32
    %add3A_1025 = arith.constant 248 : i32
    %add3A_1026 = arith.addi %add3A_1024, %add3A_1025 : i32
    %dma_start3A_1027 = arith.constant 0 : i32
    %dma_start3A_1028 = arith.constant 0 : i32
    %dma_start3A_1029 = arith.constant 0 : i32
    %dma_start3A_1030 = tpu.memref_slice %arg8[%dma_start3A_1027, %dma_start3A_1028, %dma_start3A_1029] : memref<4x8x1024xf32, #tpu.memory_space<vmem>> -> memref<1x8x1024xf32, #tpu.memory_space<vmem>>
    %dma_start3A_1031 = tpu.memref_squeeze %dma_start3A_1030 : memref<1x8x1024xf32, #tpu.memory_space<vmem>> -> memref<8x1024xf32, #tpu.memory_space<vmem>>
    %dma_start3A_1032 = arith.constant 0 : i32
    %dma_start3A_1033 = tpu.memref_slice %arg5[%add3A_1026, %dma_start3A_1032] : memref<32768x1024xf32, #tpu.memory_space<hbm>> -> memref<8x1024xf32, #tpu.memory_space<hbm>>
    %dma_start3A_1034 = arith.constant 0 : i32
    %dma_start3A_1035 = tpu.memref_slice %arg5[%add3A_1026, %dma_start3A_1034] : memref<32768x1024xf32, #tpu.memory_space<hbm>> -> memref<8x1024xf32, #tpu.memory_space<hbm>>
    %dma_start3A_1036 = arith.constant 0 : i32
    %dma_start3A_1037 = arith.constant 0 : i32
    %dma_start3A_1038 = tpu.memref_slice %arg8[%dma_start3A_1027, %dma_start3A_1036, %dma_start3A_1037] : memref<4x8x1024xf32, #tpu.memory_space<vmem>> -> memref<1x8x1024xf32, #tpu.memory_space<vmem>>
    %dma_start3A_1039 = tpu.memref_squeeze %dma_start3A_1038 : memref<1x8x1024xf32, #tpu.memory_space<vmem>> -> memref<8x1024xf32, #tpu.memory_space<vmem>>
    tpu.enqueue_dma source(%dma_start3A_1039 : memref<8x1024xf32, #tpu.memory_space<vmem>>) target(%dma_start3A_1035 : memref<8x1024xf32, #tpu.memory_space<hbm>>) target_semaphore(%arg17 : memref<!tpu.dma_semaphore, #tpu.memory_space<semaphore_mem>>)
    %add3A_1040 = arith.constant 8192 : i32
    %add3A_1041 = arith.addi %add3A_1040, %mul3A_2 : i32
    %add3A_1042 = arith.constant 248 : i32
    %add3A_1043 = arith.addi %add3A_1041, %add3A_1042 : i32
    %dma_start3A_1044 = arith.constant 1 : i32
    %dma_start3A_1045 = arith.constant 0 : i32
    %dma_start3A_1046 = arith.constant 0 : i32
    %dma_start3A_1047 = tpu.memref_slice %arg8[%dma_start3A_1044, %dma_start3A_1045, %dma_start3A_1046] : memref<4x8x1024xf32, #tpu.memory_space<vmem>> -> memref<1x8x1024xf32, #tpu.memory_space<vmem>>
    %dma_start3A_1048 = tpu.memref_squeeze %dma_start3A_1047 : memref<1x8x1024xf32, #tpu.memory_space<vmem>> -> memref<8x1024xf32, #tpu.memory_space<vmem>>
    %dma_start3A_1049 = arith.constant 0 : i32
    %dma_start3A_1050 = tpu.memref_slice %arg5[%add3A_1043, %dma_start3A_1049] : memref<32768x1024xf32, #tpu.memory_space<hbm>> -> memref<8x1024xf32, #tpu.memory_space<hbm>>
    %dma_start3A_1051 = arith.constant 0 : i32
    %dma_start3A_1052 = tpu.memref_slice %arg5[%add3A_1043, %dma_start3A_1051] : memref<32768x1024xf32, #tpu.memory_space<hbm>> -> memref<8x1024xf32, #tpu.memory_space<hbm>>
    %dma_start3A_1053 = arith.constant 0 : i32
    %dma_start3A_1054 = arith.constant 0 : i32
    %dma_start3A_1055 = tpu.memref_slice %arg8[%dma_start3A_1044, %dma_start3A_1053, %dma_start3A_1054] : memref<4x8x1024xf32, #tpu.memory_space<vmem>> -> memref<1x8x1024xf32, #tpu.memory_space<vmem>>
    %dma_start3A_1056 = tpu.memref_squeeze %dma_start3A_1055 : memref<1x8x1024xf32, #tpu.memory_space<vmem>> -> memref<8x1024xf32, #tpu.memory_space<vmem>>
    tpu.enqueue_dma source(%dma_start3A_1056 : memref<8x1024xf32, #tpu.memory_space<vmem>>) target(%dma_start3A_1052 : memref<8x1024xf32, #tpu.memory_space<hbm>>) target_semaphore(%arg17 : memref<!tpu.dma_semaphore, #tpu.memory_space<semaphore_mem>>)
    %add3A_1057 = arith.constant 16384 : i32
    %add3A_1058 = arith.addi %add3A_1057, %mul3A_2 : i32
    %add3A_1059 = arith.constant 248 : i32
    %add3A_1060 = arith.addi %add3A_1058, %add3A_1059 : i32
    %dma_start3A_1061 = arith.constant 2 : i32
    %dma_start3A_1062 = arith.constant 0 : i32
    %dma_start3A_1063 = arith.constant 0 : i32
    %dma_start3A_1064 = tpu.memref_slice %arg8[%dma_start3A_1061, %dma_start3A_1062, %dma_start3A_1063] : memref<4x8x1024xf32, #tpu.memory_space<vmem>> -> memref<1x8x1024xf32, #tpu.memory_space<vmem>>
    %dma_start3A_1065 = tpu.memref_squeeze %dma_start3A_1064 : memref<1x8x1024xf32, #tpu.memory_space<vmem>> -> memref<8x1024xf32, #tpu.memory_space<vmem>>
    %dma_start3A_1066 = arith.constant 0 : i32
    %dma_start3A_1067 = tpu.memref_slice %arg5[%add3A_1060, %dma_start3A_1066] : memref<32768x1024xf32, #tpu.memory_space<hbm>> -> memref<8x1024xf32, #tpu.memory_space<hbm>>
    %dma_start3A_1068 = arith.constant 0 : i32
    %dma_start3A_1069 = tpu.memref_slice %arg5[%add3A_1060, %dma_start3A_1068] : memref<32768x1024xf32, #tpu.memory_space<hbm>> -> memref<8x1024xf32, #tpu.memory_space<hbm>>
    %dma_start3A_1070 = arith.constant 0 : i32
    %dma_start3A_1071 = arith.constant 0 : i32
    %dma_start3A_1072 = tpu.memref_slice %arg8[%dma_start3A_1061, %dma_start3A_1070, %dma_start3A_1071] : memref<4x8x1024xf32, #tpu.memory_space<vmem>> -> memref<1x8x1024xf32, #tpu.memory_space<vmem>>
    %dma_start3A_1073 = tpu.memref_squeeze %dma_start3A_1072 : memref<1x8x1024xf32, #tpu.memory_space<vmem>> -> memref<8x1024xf32, #tpu.memory_space<vmem>>
    tpu.enqueue_dma source(%dma_start3A_1073 : memref<8x1024xf32, #tpu.memory_space<vmem>>) target(%dma_start3A_1069 : memref<8x1024xf32, #tpu.memory_space<hbm>>) target_semaphore(%arg17 : memref<!tpu.dma_semaphore, #tpu.memory_space<semaphore_mem>>)
    %add3A_1074 = arith.constant 24576 : i32
    %add3A_1075 = arith.addi %add3A_1074, %mul3A_2 : i32
    %add3A_1076 = arith.constant 248 : i32
    %add3A_1077 = arith.addi %add3A_1075, %add3A_1076 : i32
    %dma_start3A_1078 = arith.constant 3 : i32
    %dma_start3A_1079 = arith.constant 0 : i32
    %dma_start3A_1080 = arith.constant 0 : i32
    %dma_start3A_1081 = tpu.memref_slice %arg8[%dma_start3A_1078, %dma_start3A_1079, %dma_start3A_1080] : memref<4x8x1024xf32, #tpu.memory_space<vmem>> -> memref<1x8x1024xf32, #tpu.memory_space<vmem>>
    %dma_start3A_1082 = tpu.memref_squeeze %dma_start3A_1081 : memref<1x8x1024xf32, #tpu.memory_space<vmem>> -> memref<8x1024xf32, #tpu.memory_space<vmem>>
    %dma_start3A_1083 = arith.constant 0 : i32
    %dma_start3A_1084 = tpu.memref_slice %arg5[%add3A_1077, %dma_start3A_1083] : memref<32768x1024xf32, #tpu.memory_space<hbm>> -> memref<8x1024xf32, #tpu.memory_space<hbm>>
    %dma_start3A_1085 = arith.constant 0 : i32
    %dma_start3A_1086 = tpu.memref_slice %arg5[%add3A_1077, %dma_start3A_1085] : memref<32768x1024xf32, #tpu.memory_space<hbm>> -> memref<8x1024xf32, #tpu.memory_space<hbm>>
    %dma_start3A_1087 = arith.constant 0 : i32
    %dma_start3A_1088 = arith.constant 0 : i32
    %dma_start3A_1089 = tpu.memref_slice %arg8[%dma_start3A_1078, %dma_start3A_1087, %dma_start3A_1088] : memref<4x8x1024xf32, #tpu.memory_space<vmem>> -> memref<1x8x1024xf32, #tpu.memory_space<vmem>>
    %dma_start3A_1090 = tpu.memref_squeeze %dma_start3A_1089 : memref<1x8x1024xf32, #tpu.memory_space<vmem>> -> memref<8x1024xf32, #tpu.memory_space<vmem>>
    tpu.enqueue_dma source(%dma_start3A_1090 : memref<8x1024xf32, #tpu.memory_space<vmem>>) target(%dma_start3A_1086 : memref<8x1024xf32, #tpu.memory_space<hbm>>) target_semaphore(%arg17 : memref<!tpu.dma_semaphore, #tpu.memory_space<semaphore_mem>>)
    %dma_wait3A_1091 = arith.constant 0 : i32
    %dma_wait3A_1092 = arith.constant 0 : i32
    %dma_wait3A_1093 = arith.constant 0 : i32
    %dma_wait3A_1094 = tpu.memref_slice %arg7[%dma_wait3A_1091, %dma_wait3A_1092, %dma_wait3A_1093] : memref<4x8x1024xf32, #tpu.memory_space<vmem>> -> memref<1x8x1024xf32, #tpu.memory_space<vmem>>
    %dma_wait3A_1095 = tpu.memref_squeeze %dma_wait3A_1094 : memref<1x8x1024xf32, #tpu.memory_space<vmem>> -> memref<8x1024xf32, #tpu.memory_space<vmem>>
    %dma_wait3A_1096 = arith.constant 0 : i32
    %dma_wait3A_1097 = arith.constant 0 : i32
    %dma_wait3A_1098 = tpu.memref_slice %arg5[%dma_wait3A_1096, %dma_wait3A_1097] : memref<32768x1024xf32, #tpu.memory_space<hbm>> -> memref<8x1024xf32, #tpu.memory_space<hbm>>
    %dma_wait3A_1099 = arith.constant 0 : i32
    %dma_wait3A_1100 = arith.constant 0 : i32
    %dma_wait3A_1101 = tpu.memref_slice %arg5[%dma_wait3A_1099, %dma_wait3A_1100] : memref<32768x1024xf32, #tpu.memory_space<hbm>> -> memref<8x1024xf32, #tpu.memory_space<hbm>>
    %dma_wait3A_1102 = arith.constant 0 : i32
    %dma_wait3A_1103 = arith.constant 0 : i32
    %dma_wait3A_1104 = tpu.memref_slice %arg7[%dma_wait3A_1091, %dma_wait3A_1102, %dma_wait3A_1103] : memref<4x8x1024xf32, #tpu.memory_space<vmem>> -> memref<1x8x1024xf32, #tpu.memory_space<vmem>>
    %dma_wait3A_1105 = tpu.memref_squeeze %dma_wait3A_1104 : memref<1x8x1024xf32, #tpu.memory_space<vmem>> -> memref<8x1024xf32, #tpu.memory_space<vmem>>
    tpu.wait_dma2 semaphore(%arg16 : memref<!tpu.dma_semaphore, #tpu.memory_space<semaphore_mem>>) src(%dma_wait3A_1105 : memref<8x1024xf32, #tpu.memory_space<vmem>>) dst(%dma_wait3A_1101 : memref<8x1024xf32, #tpu.memory_space<hbm>>)
    %dma_wait3A_1106 = arith.constant 1 : i32
    %dma_wait3A_1107 = arith.constant 0 : i32
    %dma_wait3A_1108 = arith.constant 0 : i32
    %dma_wait3A_1109 = tpu.memref_slice %arg7[%dma_wait3A_1106, %dma_wait3A_1107, %dma_wait3A_1108] : memref<4x8x1024xf32, #tpu.memory_space<vmem>> -> memref<1x8x1024xf32, #tpu.memory_space<vmem>>
    %dma_wait3A_1110 = tpu.memref_squeeze %dma_wait3A_1109 : memref<1x8x1024xf32, #tpu.memory_space<vmem>> -> memref<8x1024xf32, #tpu.memory_space<vmem>>
    %dma_wait3A_1111 = arith.constant 0 : i32
    %dma_wait3A_1112 = arith.constant 0 : i32
    %dma_wait3A_1113 = tpu.memref_slice %arg5[%dma_wait3A_1111, %dma_wait3A_1112] : memref<32768x1024xf32, #tpu.memory_space<hbm>> -> memref<8x1024xf32, #tpu.memory_space<hbm>>
    %dma_wait3A_1114 = arith.constant 0 : i32
    %dma_wait3A_1115 = arith.constant 0 : i32
    %dma_wait3A_1116 = tpu.memref_slice %arg5[%dma_wait3A_1114, %dma_wait3A_1115] : memref<32768x1024xf32, #tpu.memory_space<hbm>> -> memref<8x1024xf32, #tpu.memory_space<hbm>>
    %dma_wait3A_1117 = arith.constant 0 : i32
    %dma_wait3A_1118 = arith.constant 0 : i32
    %dma_wait3A_1119 = tpu.memref_slice %arg7[%dma_wait3A_1106, %dma_wait3A_1117, %dma_wait3A_1118] : memref<4x8x1024xf32, #tpu.memory_space<vmem>> -> memref<1x8x1024xf32, #tpu.memory_space<vmem>>
    %dma_wait3A_1120 = tpu.memref_squeeze %dma_wait3A_1119 : memref<1x8x1024xf32, #tpu.memory_space<vmem>> -> memref<8x1024xf32, #tpu.memory_space<vmem>>
    tpu.wait_dma2 semaphore(%arg16 : memref<!tpu.dma_semaphore, #tpu.memory_space<semaphore_mem>>) src(%dma_wait3A_1120 : memref<8x1024xf32, #tpu.memory_space<vmem>>) dst(%dma_wait3A_1116 : memref<8x1024xf32, #tpu.memory_space<hbm>>)
    %dma_wait3A_1121 = arith.constant 2 : i32
    %dma_wait3A_1122 = arith.constant 0 : i32
    %dma_wait3A_1123 = arith.constant 0 : i32
    %dma_wait3A_1124 = tpu.memref_slice %arg7[%dma_wait3A_1121, %dma_wait3A_1122, %dma_wait3A_1123] : memref<4x8x1024xf32, #tpu.memory_space<vmem>> -> memref<1x8x1024xf32, #tpu.memory_space<vmem>>
    %dma_wait3A_1125 = tpu.memref_squeeze %dma_wait3A_1124 : memref<1x8x1024xf32, #tpu.memory_space<vmem>> -> memref<8x1024xf32, #tpu.memory_space<vmem>>
    %dma_wait3A_1126 = arith.constant 0 : i32
    %dma_wait3A_1127 = arith.constant 0 : i32
    %dma_wait3A_1128 = tpu.memref_slice %arg5[%dma_wait3A_1126, %dma_wait3A_1127] : memref<32768x1024xf32, #tpu.memory_space<hbm>> -> memref<8x1024xf32, #tpu.memory_space<hbm>>
    %dma_wait3A_1129 = arith.constant 0 : i32
    %dma_wait3A_1130 = arith.constant 0 : i32
    %dma_wait3A_1131 = tpu.memref_slice %arg5[%dma_wait3A_1129, %dma_wait3A_1130] : memref<32768x1024xf32, #tpu.memory_space<hbm>> -> memref<8x1024xf32, #tpu.memory_space<hbm>>
    %dma_wait3A_1132 = arith.constant 0 : i32
    %dma_wait3A_1133 = arith.constant 0 : i32
    %dma_wait3A_1134 = tpu.memref_slice %arg7[%dma_wait3A_1121, %dma_wait3A_1132, %dma_wait3A_1133] : memref<4x8x1024xf32, #tpu.memory_space<vmem>> -> memref<1x8x1024xf32, #tpu.memory_space<vmem>>
    %dma_wait3A_1135 = tpu.memref_squeeze %dma_wait3A_1134 : memref<1x8x1024xf32, #tpu.memory_space<vmem>> -> memref<8x1024xf32, #tpu.memory_space<vmem>>
    tpu.wait_dma2 semaphore(%arg16 : memref<!tpu.dma_semaphore, #tpu.memory_space<semaphore_mem>>) src(%dma_wait3A_1135 : memref<8x1024xf32, #tpu.memory_space<vmem>>) dst(%dma_wait3A_1131 : memref<8x1024xf32, #tpu.memory_space<hbm>>)
    %dma_wait3A_1136 = arith.constant 3 : i32
    %dma_wait3A_1137 = arith.constant 0 : i32
    %dma_wait3A_1138 = arith.constant 0 : i32
    %dma_wait3A_1139 = tpu.memref_slice %arg7[%dma_wait3A_1136, %dma_wait3A_1137, %dma_wait3A_1138] : memref<4x8x1024xf32, #tpu.memory_space<vmem>> -> memref<1x8x1024xf32, #tpu.memory_space<vmem>>
    %dma_wait3A_1140 = tpu.memref_squeeze %dma_wait3A_1139 : memref<1x8x1024xf32, #tpu.memory_space<vmem>> -> memref<8x1024xf32, #tpu.memory_space<vmem>>
    %dma_wait3A_1141 = arith.constant 0 : i32
    %dma_wait3A_1142 = arith.constant 0 : i32
    %dma_wait3A_1143 = tpu.memref_slice %arg5[%dma_wait3A_1141, %dma_wait3A_1142] : memref<32768x1024xf32, #tpu.memory_space<hbm>> -> memref<8x1024xf32, #tpu.memory_space<hbm>>
    %dma_wait3A_1144 = arith.constant 0 : i32
    %dma_wait3A_1145 = arith.constant 0 : i32
    %dma_wait3A_1146 = tpu.memref_slice %arg5[%dma_wait3A_1144, %dma_wait3A_1145] : memref<32768x1024xf32, #tpu.memory_space<hbm>> -> memref<8x1024xf32, #tpu.memory_space<hbm>>
    %dma_wait3A_1147 = arith.constant 0 : i32
    %dma_wait3A_1148 = arith.constant 0 : i32
    %dma_wait3A_1149 = tpu.memref_slice %arg7[%dma_wait3A_1136, %dma_wait3A_1147, %dma_wait3A_1148] : memref<4x8x1024xf32, #tpu.memory_space<vmem>> -> memref<1x8x1024xf32, #tpu.memory_space<vmem>>
    %dma_wait3A_1150 = tpu.memref_squeeze %dma_wait3A_1149 : memref<1x8x1024xf32, #tpu.memory_space<vmem>> -> memref<8x1024xf32, #tpu.memory_space<vmem>>
    tpu.wait_dma2 semaphore(%arg16 : memref<!tpu.dma_semaphore, #tpu.memory_space<semaphore_mem>>) src(%dma_wait3A_1150 : memref<8x1024xf32, #tpu.memory_space<vmem>>) dst(%dma_wait3A_1146 : memref<8x1024xf32, #tpu.memory_space<hbm>>)
    %dma_wait3A_1151 = arith.constant 0 : i32
    %dma_wait3A_1152 = arith.constant 0 : i32
    %dma_wait3A_1153 = arith.constant 0 : i32
    %dma_wait3A_1154 = tpu.memref_slice %arg8[%dma_wait3A_1151, %dma_wait3A_1152, %dma_wait3A_1153] : memref<4x8x1024xf32, #tpu.memory_space<vmem>> -> memref<1x8x1024xf32, #tpu.memory_space<vmem>>
    %dma_wait3A_1155 = tpu.memref_squeeze %dma_wait3A_1154 : memref<1x8x1024xf32, #tpu.memory_space<vmem>> -> memref<8x1024xf32, #tpu.memory_space<vmem>>
    %dma_wait3A_1156 = arith.constant 0 : i32
    %dma_wait3A_1157 = arith.constant 0 : i32
    %dma_wait3A_1158 = tpu.memref_slice %arg5[%dma_wait3A_1156, %dma_wait3A_1157] : memref<32768x1024xf32, #tpu.memory_space<hbm>> -> memref<8x1024xf32, #tpu.memory_space<hbm>>
    %dma_wait3A_1159 = arith.constant 0 : i32
    %dma_wait3A_1160 = arith.constant 0 : i32
    %dma_wait3A_1161 = tpu.memref_slice %arg5[%dma_wait3A_1159, %dma_wait3A_1160] : memref<32768x1024xf32, #tpu.memory_space<hbm>> -> memref<8x1024xf32, #tpu.memory_space<hbm>>
    %dma_wait3A_1162 = arith.constant 0 : i32
    %dma_wait3A_1163 = arith.constant 0 : i32
    %dma_wait3A_1164 = tpu.memref_slice %arg8[%dma_wait3A_1151, %dma_wait3A_1162, %dma_wait3A_1163] : memref<4x8x1024xf32, #tpu.memory_space<vmem>> -> memref<1x8x1024xf32, #tpu.memory_space<vmem>>
    %dma_wait3A_1165 = tpu.memref_squeeze %dma_wait3A_1164 : memref<1x8x1024xf32, #tpu.memory_space<vmem>> -> memref<8x1024xf32, #tpu.memory_space<vmem>>
    tpu.wait_dma2 semaphore(%arg17 : memref<!tpu.dma_semaphore, #tpu.memory_space<semaphore_mem>>) src(%dma_wait3A_1165 : memref<8x1024xf32, #tpu.memory_space<vmem>>) dst(%dma_wait3A_1161 : memref<8x1024xf32, #tpu.memory_space<hbm>>)
    %dma_wait3A_1166 = arith.constant 1 : i32
    %dma_wait3A_1167 = arith.constant 0 : i32
    %dma_wait3A_1168 = arith.constant 0 : i32
    %dma_wait3A_1169 = tpu.memref_slice %arg8[%dma_wait3A_1166, %dma_wait3A_1167, %dma_wait3A_1168] : memref<4x8x1024xf32, #tpu.memory_space<vmem>> -> memref<1x8x1024xf32, #tpu.memory_space<vmem>>
    %dma_wait3A_1170 = tpu.memref_squeeze %dma_wait3A_1169 : memref<1x8x1024xf32, #tpu.memory_space<vmem>> -> memref<8x1024xf32, #tpu.memory_space<vmem>>
    %dma_wait3A_1171 = arith.constant 0 : i32
    %dma_wait3A_1172 = arith.constant 0 : i32
    %dma_wait3A_1173 = tpu.memref_slice %arg5[%dma_wait3A_1171, %dma_wait3A_1172] : memref<32768x1024xf32, #tpu.memory_space<hbm>> -> memref<8x1024xf32, #tpu.memory_space<hbm>>
    %dma_wait3A_1174 = arith.constant 0 : i32
    %dma_wait3A_1175 = arith.constant 0 : i32
    %dma_wait3A_1176 = tpu.memref_slice %arg5[%dma_wait3A_1174, %dma_wait3A_1175] : memref<32768x1024xf32, #tpu.memory_space<hbm>> -> memref<8x1024xf32, #tpu.memory_space<hbm>>
    %dma_wait3A_1177 = arith.constant 0 : i32
    %dma_wait3A_1178 = arith.constant 0 : i32
    %dma_wait3A_1179 = tpu.memref_slice %arg8[%dma_wait3A_1166, %dma_wait3A_1177, %dma_wait3A_1178] : memref<4x8x1024xf32, #tpu.memory_space<vmem>> -> memref<1x8x1024xf32, #tpu.memory_space<vmem>>
    %dma_wait3A_1180 = tpu.memref_squeeze %dma_wait3A_1179 : memref<1x8x1024xf32, #tpu.memory_space<vmem>> -> memref<8x1024xf32, #tpu.memory_space<vmem>>
    tpu.wait_dma2 semaphore(%arg17 : memref<!tpu.dma_semaphore, #tpu.memory_space<semaphore_mem>>) src(%dma_wait3A_1180 : memref<8x1024xf32, #tpu.memory_space<vmem>>) dst(%dma_wait3A_1176 : memref<8x1024xf32, #tpu.memory_space<hbm>>)
    %dma_wait3A_1181 = arith.constant 2 : i32
    %dma_wait3A_1182 = arith.constant 0 : i32
    %dma_wait3A_1183 = arith.constant 0 : i32
    %dma_wait3A_1184 = tpu.memref_slice %arg8[%dma_wait3A_1181, %dma_wait3A_1182, %dma_wait3A_1183] : memref<4x8x1024xf32, #tpu.memory_space<vmem>> -> memref<1x8x1024xf32, #tpu.memory_space<vmem>>
    %dma_wait3A_1185 = tpu.memref_squeeze %dma_wait3A_1184 : memref<1x8x1024xf32, #tpu.memory_space<vmem>> -> memref<8x1024xf32, #tpu.memory_space<vmem>>
    %dma_wait3A_1186 = arith.constant 0 : i32
    %dma_wait3A_1187 = arith.constant 0 : i32
    %dma_wait3A_1188 = tpu.memref_slice %arg5[%dma_wait3A_1186, %dma_wait3A_1187] : memref<32768x1024xf32, #tpu.memory_space<hbm>> -> memref<8x1024xf32, #tpu.memory_space<hbm>>
    %dma_wait3A_1189 = arith.constant 0 : i32
    %dma_wait3A_1190 = arith.constant 0 : i32
    %dma_wait3A_1191 = tpu.memref_slice %arg5[%dma_wait3A_1189, %dma_wait3A_1190] : memref<32768x1024xf32, #tpu.memory_space<hbm>> -> memref<8x1024xf32, #tpu.memory_space<hbm>>
    %dma_wait3A_1192 = arith.constant 0 : i32
    %dma_wait3A_1193 = arith.constant 0 : i32
    %dma_wait3A_1194 = tpu.memref_slice %arg8[%dma_wait3A_1181, %dma_wait3A_1192, %dma_wait3A_1193] : memref<4x8x1024xf32, #tpu.memory_space<vmem>> -> memref<1x8x1024xf32, #tpu.memory_space<vmem>>
    %dma_wait3A_1195 = tpu.memref_squeeze %dma_wait3A_1194 : memref<1x8x1024xf32, #tpu.memory_space<vmem>> -> memref<8x1024xf32, #tpu.memory_space<vmem>>
    tpu.wait_dma2 semaphore(%arg17 : memref<!tpu.dma_semaphore, #tpu.memory_space<semaphore_mem>>) src(%dma_wait3A_1195 : memref<8x1024xf32, #tpu.memory_space<vmem>>) dst(%dma_wait3A_1191 : memref<8x1024xf32, #tpu.memory_space<hbm>>)
    %dma_wait3A_1196 = arith.constant 3 : i32
    %dma_wait3A_1197 = arith.constant 0 : i32
    %dma_wait3A_1198 = arith.constant 0 : i32
    %dma_wait3A_1199 = tpu.memref_slice %arg8[%dma_wait3A_1196, %dma_wait3A_1197, %dma_wait3A_1198] : memref<4x8x1024xf32, #tpu.memory_space<vmem>> -> memref<1x8x1024xf32, #tpu.memory_space<vmem>>
    %dma_wait3A_1200 = tpu.memref_squeeze %dma_wait3A_1199 : memref<1x8x1024xf32, #tpu.memory_space<vmem>> -> memref<8x1024xf32, #tpu.memory_space<vmem>>
    %dma_wait3A_1201 = arith.constant 0 : i32
    %dma_wait3A_1202 = arith.constant 0 : i32
    %dma_wait3A_1203 = tpu.memref_slice %arg5[%dma_wait3A_1201, %dma_wait3A_1202] : memref<32768x1024xf32, #tpu.memory_space<hbm>> -> memref<8x1024xf32, #tpu.memory_space<hbm>>
    %dma_wait3A_1204 = arith.constant 0 : i32
    %dma_wait3A_1205 = arith.constant 0 : i32
    %dma_wait3A_1206 = tpu.memref_slice %arg5[%dma_wait3A_1204, %dma_wait3A_1205] : memref<32768x1024xf32, #tpu.memory_space<hbm>> -> memref<8x1024xf32, #tpu.memory_space<hbm>>
    %dma_wait3A_1207 = arith.constant 0 : i32
    %dma_wait3A_1208 = arith.constant 0 : i32
    %dma_wait3A_1209 = tpu.memref_slice %arg8[%dma_wait3A_1196, %dma_wait3A_1207, %dma_wait3A_1208] : memref<4x8x1024xf32, #tpu.memory_space<vmem>> -> memref<1x8x1024xf32, #tpu.memory_space<vmem>>
    %dma_wait3A_1210 = tpu.memref_squeeze %dma_wait3A_1209 : memref<1x8x1024xf32, #tpu.memory_space<vmem>> -> memref<8x1024xf32, #tpu.memory_space<vmem>>
    tpu.wait_dma2 semaphore(%arg17 : memref<!tpu.dma_semaphore, #tpu.memory_space<semaphore_mem>>) src(%dma_wait3A_1210 : memref<8x1024xf32, #tpu.memory_space<vmem>>) dst(%dma_wait3A_1206 : memref<8x1024xf32, #tpu.memory_space<hbm>>)
    return
  }
}

</mosaic_0001>

<sc_bundles>
// kernel: kernel.3.cloned.1.call-start
scs
__scs_entry_jumppad:
0x0: {  	(pc) =	sbr.rel $0x88, $3  }
0x1: {  	(tag) =	ssettag $0x0;
	lr =	simm.s32 $0x1  }
0x2: {  	[smem:$0x3F9F] =	sst lr;
	_ =	strace $0xD0000000  }
0x3: {  	_ = 	snop  }
0x4: {  	_ = 	snop  }
0x5: {  	_ = 	snop  }
0x6: {  	_ = 	snop  }
0x7: {  	_ = 	snop  }
__scs_overlays_trampoline_lowered:
0x8: {  	[smem:$0x3FAE] =	sst s0  }
0x9: {  	[smem:$0x3FAF] =	sst s1  }
0xa: {  	[smem:$0x3FB0] =	sst s2  }
0xb: {  	[smem:$0x3FB1] =	sst s3  }
0xc: {  	[smem:$0x3FB2] =	sst s4  }
0xd: {  	[smem:$0x3FB3] =	sst s5  }
0xe: {  	[smem:$0x3FB4] =	sst s6  }
0xf: {  	[smem:$0x3FB5] =	sst s7  }
0x10: {  	[smem:$0x3FB6] =	sst s8  }
0x11: {  	[smem:$0x3FB7] =	sst s9;
	s0 =	simm.s32 @!p0 $0x0  }
0x12: {  	s1 =	sld [smem:$0x3F9D];
	s0 =	simm.s32 @p0 $0x1  }
0x13: {  	[smem:$0x3FB8] =	sst s0;
	s0 =	simm.s32 @!p1 $0x0  }
0x14: {  	s2 =	sld [smem:$0x3F9C];
	s0 =	simm.s32 @p1 $0x1  }
0x15: {  	[smem:$0x3FB9] =	sst s0;
	s0 =	simm.s32 @!p2 $0x0  }
0x16: {  	s3 =	sld [smem:$0x3FDB];
	s0 =	simm.s32 @p2 $0x1  }
0x17: {  	s4 =	simm.s32 $0x1BF5;
	[smem:$0x3FBB] =	sst s0  }
0x18: {  	s0 =	sld [smem:$0x3F9E];
	_ =	swait.ge [sflag:s4], $0x0  }
0x19: {  	s7 =	sld [smem:$0x3F9F]  }
0x1a: {  	s8 =	sadd.s32 $0xFFFFE003, lr  }
0x1b: {  	s9 =	sadd.s32 $0xFFFFFEF7, lr;
	s5 =	simm.s32 $0xFFFFFFFF;
	p2 =	slt.u32 s8, $0xFFFFF086  }
0x1c: {  	p1 =	slt.u32 s9, $0xF7A;
	s5 =	simm.s32 @!p2 $0x0  }
0x1d: {  	s5 =	simm.s32 @p1 $0x1;
	p0 =	seq.s32 s7, s2  }
0x1e: {  	s7 =	smul.u32 @!p0 $0xF7A, s2;
	p2 =	seq.s32 @!p0 s5, $0x0  }
0x1f: {  	s9 =	smul.u32 $0xF7A, s1;
	s8 =	simm.s32 @!p0 $0x1BF5;
	p2 =	por !p2, p0  }
0x20: {  	[sflag:s8] =	ssyncset.s32 @!p0 $0xFFFFF086;
	s6 =	sadd.s32 @!p0 s3, s7;
	s7 =	simm.s32 @!p0 $0x108  }
0x21: {  	s3 =	sadd.s32 s3, s9;
	s6 =	sadd.s32 @!p0 $0x88, s6;
	s7 =	simm.s32 @p2 $0x1082  }
0x22: {  	[simem:s7], [sflag:s8] =	dma.local @!p0 [hbm:s6], $0xF7A  }
0x23: {  	s9 =	sor.u32 $0xD0000000, s2;
	s6 =	simm.s32 $0x108;
	_ =	swait.ge @!p0 [sflag:s8], $0x0  }
0x24: {  	s3 =	sadd.s32 $0x88, s3;
	s6 =	simm.s32 @!p1 $0x1082;
	[sflag:s4] =	ssyncset.s32 $0xFFFFF086  }
0x25: {  	[simem:s6], [sflag:s4] =	dma.local [hbm:s3], $0xF7A  }
0x26: {  	[smem:$0x3F9F] =	sst s1;
	(tag) =	ssettag s2;
	_ =	strace s9  }
0x27: {  	s1 =	sld [smem:$0x3FAF]  }
0x28: {  	s2 =	sld [smem:$0x3FB0]  }
0x29: {  	s4 =	sld [smem:$0x3FB2]  }
0x2a: {  	p0 =	seq.s32 s5, $0x0;
	s5 =	sld [smem:$0x3FB3]  }
0x2b: {  	s6 =	sld [smem:$0x3FB4]  }
0x2c: {  	s7 =	sld [smem:$0x3FB5]  }
0x2d: {  	s3 =	simm.s32 $0x108;
	s8 =	sld [smem:$0x3FB6]  }
0x2e: {  	s3 =	simm.s32 @!p0 $0x1082;
	s9 =	sld [smem:$0x3FB7]  }
0x2f: {  	lr =	sadd.s32 s0, s3;
	s0 =	sld [smem:$0x3FAE]  }
0x30: {  	s3 =	sld [smem:$0x3FB1]  }
0x31: {  	[smem:$0x3FBA] =	sst s10  }
0x32: {  	s10 =	sld [smem:$0x3FB8];
	_ =	sdelay $0x3  }
0x33: {  	p0 =	seq.s32 s10, $0x1;
	s10 =	sld [smem:$0x3FBA];
	_ =	sdelay $0x3  }
0x34: {  	[smem:$0x3FBA] =	sst s10  }
0x35: {  	s10 =	sld [smem:$0x3FB9];
	_ =	sdelay $0x3  }
0x36: {  	p1 =	seq.s32 s10, $0x1;
	s10 =	sld [smem:$0x3FBA];
	_ =	sdelay $0x3  }
0x37: {  	[smem:$0x3FBA] =	sst s10  }
0x38: {  	s10 =	sld [smem:$0x3FBB]  }
0x39: {  	_ = 	snop;
	(pc) =	sbr.ind lr, $3  }
0x3a: {  	_ = 	snop  }
0x3b: {  	_ = 	snop  }
0x3c: {  	p2 =	seq.s32 s10, $0x1;
	s10 =	sld [smem:$0x3FBA]  }
0x3d: {  	_ =	shalt  }
0x3e: {  	_ =	shalt  }
0x3f: {  	_ =	shalt  }
0x40: {  	_ =	shalt  }
0x41: {  	_ =	shalt  }
0x42: {  	_ =	shalt  }
0x43: {  	_ =	shalt  }
0x44: {  	_ =	shalt  }
0x45: {  	_ =	shalt  }
0x46: {  	_ =	shalt  }
0x47: {  	_ =	shalt  }
0x48: {  	_ =	shalt  }
0x49: {  	_ =	shalt  }
0x4a: {  	_ =	shalt  }
0x4b: {  	_ =	shalt  }
0x4c: {  	_ =	shalt  }
0x4d: {  	_ =	shalt  }
0x4e: {  	_ =	shalt  }
0x4f: {  	_ =	shalt  }
0x50: {  	_ =	shalt  }
0x51: {  	_ =	shalt  }
0x52: {  	_ =	shalt  }
0x53: {  	_ =	shalt  }
0x54: {  	_ =	shalt  }
0x55: {  	_ =	shalt  }
0x56: {  	_ =	shalt  }
0x57: {  	_ =	shalt  }
0x58: {  	_ =	shalt  }
0x59: {  	_ =	shalt  }
0x5a: {  	_ =	shalt  }
0x5b: {  	_ =	shalt  }
0x5c: {  	_ =	shalt  }
0x5d: {  	_ =	shalt  }
0x5e: {  	_ =	shalt  }
0x5f: {  	_ =	shalt  }
0x60: {  	_ =	shalt  }
0x61: {  	_ =	shalt  }
0x62: {  	_ =	shalt  }
0x63: {  	_ =	shalt  }
0x64: {  	_ =	shalt  }
0x65: {  	_ =	shalt  }
0x66: {  	_ =	shalt  }
0x67: {  	_ =	shalt  }
0x68: {  	_ =	shalt  }
0x69: {  	_ =	shalt  }
0x6a: {  	_ =	shalt  }
0x6b: {  	_ =	shalt  }
0x6c: {  	_ =	shalt  }
0x6d: {  	_ =	shalt  }
0x6e: {  	_ =	shalt  }
0x6f: {  	_ =	shalt  }
0x70: {  	_ =	shalt  }
0x71: {  	_ =	shalt  }
0x72: {  	_ =	shalt  }
0x73: {  	_ =	shalt  }
0x74: {  	_ =	shalt  }
0x75: {  	_ =	shalt  }
0x76: {  	_ =	shalt  }
0x77: {  	_ =	shalt  }
0x78: {  	_ =	shalt  }
0x79: {  	_ =	shalt  }
0x7a: {  	_ =	shalt  }
0x7b: {  	_ =	shalt  }
0x7c: {  	_ =	shalt  }
0x7d: {  	_ =	shalt  }
0x7e: {  	_ =	shalt  }
0x7f: {  	_ =	shalt  }
0x80: {  	_ =	shalt  }
0x81: {  	_ =	shalt  }
0x82: {  	_ =	shalt  }
0x83: {  	_ =	shalt  }
0x84: {  	_ =	shalt  }
0x85: {  	_ =	shalt  }
0x86: {  	_ =	shalt  }
0x87: {  	_ =	shalt  }
.Lfunc_end0:
.L_simem_size_0:
called_computation_lowered:
.L_overlay_start_0:
0x88: {  	s2 =	sld [smem:$0x3FD9]  }
0x89: {  	s3 =	sld [smem:$0x3FFE];
	_ =	sdelay $0x1  }
0x8a: {  	s1 =	srdreg.scid  }
0x8b: {  	s0 =	sand.u32 $0x1, s1  }
0x8c: {  	s17 =	sshll.u32 s0, $0xA;
	s2 =	sadd.s32 s3, s2  }
0x8d: {  	s2 =	sadd.s32 s2, s17  }
0x8e: {  	[smem:$0x3FC6] =	sst s2  }
0x8f: {  	_ = 	snop  }
0x90: {  	s2 =	sld [smem:$0x3FC8]  }
0x91: {  	s18 =	sld [smem:$0x3FD0];
	(tm) =	ssettm $0x1  }
0x92: {  	s4 =	sld [smem:$0x3FFB];
	_ =	sdelay $0x3  }
0x93: {  	_ =	strace s4  }
0x94: {  	s4 =	sld [smem:$0x3FFC];
	_ =	sdelay $0x3  }
0x95: {  	_ =	strace s4  }
0x96: {  	s4 =	sld [smem:$0x3FFD];
	_ =	sdelay $0x3  }
0x97: {  	_ =	strace s4  }
0x98: {  	_ =	strace $0x8FFFFFFF  }
0x99: {  	s19 =	sld [smem:$0x3FDB];
	_ =	sdelay $0x1  }
0x9a: {  	s5 =	simm.s32 $_scs_section_size  }
0x9b: {  	s6 =	simm.s32 $_size__tile_overlayer_lowered;
	s7 =	simm.s32 $_tile_overlayer_lowered  }
0x9c: {  	s22 =	simm.s32 $0x1BFF;
	s21 =	sshll.u32 s7, $0x1;
	s4 =	sadd.s32 s5, s19  }
0x9d: {  	s8 =	simm.s32 $0x0;
	s20 =	sshll.u32 s6, $0x1;
	s6 =	sadd.s32 s21, s4  }
0x9e: {  	[timem:s8], [sflag:s22] =	dma.local [hbm:s6], s20  }
0x9f: {  	_ =	swait.ge [sflag:s22], s20  }
0xa0: {  	s5 =	ssub.s32 $0x0, s20;
	[sflag:s22] =	ssyncset.done $0x0  }
0xa1: {  	[sflag:s22] =	ssyncadd.s32 s5;
	_ =	sdelay $0x1  }
0xa2: {  	s23 =	simm.s32 $0x1B8B  }
0xa3: {  	_ =	swait.ge [sflag:s23], $0x1  }
0xa4: {  	[sflag:s23] =	ssyncset.done $0x0  }
0xa5: {  	s25 =	simm.s32 $0x1B8E;
	s24 =	sld [smem:$0x3FFE];
	[sflag:s23] =	ssyncadd.s32 $0xFFFFFFFF  }
0xa6: {  	s26 =	simm.s32 $execute0_lowered;
	[smem:$0x3FD2] =	sst s25  }
0xa7: {  	s6 =	sshll.u32 s26, $0x1;
	_ =	strace $0x80000046;
	[dreg:$0x1] =	wrdreg $0xFFFFFFFF  }
0xa8: {  	s28 =	simm.s32 $_size_execute0_lowered;
	s4 =	sadd.s32 s4, s6;
	[dreg:$0x0] =	wrdreg $0x0  }
0xa9: {  	s6 =	sshll.u32 s28, $0x1;
	[dreg:$0x2] =	wrdreg s4  }
0xaa: {  	[dreg:$0x3] =	wrdreg s6  }
0xab: {  	[dreg:$0x4] =	wrdreg $0xC0  }
0xac: {  	_ =	task [dreg:s8], $0x5FFFF  }
0xad: {  	[dreg:$0x1] =	wrdreg $0xFFFFFFFF  }
0xae: {  	[dreg:$0x0] =	wrdreg $0x60  }
0xaf: {  	[dreg:$0x2] =	wrdreg s24  }
0xb0: {  	[dreg:$0x3] =	wrdreg s2  }
0xb1: {  	[dreg:$0x4] =	wrdreg s18  }
0xb2: {  	[dreg:$0x5] =	wrdreg $0x9  }
0xb3: {  	_ =	task.clear_ibuf [dreg:s8], $0x6FFFF;
	_ =	strace $0x90000046  }
0xb4: {  	s29 =	simm.s32 $0x9;
	_ =	strace $0x80000048  }
0xb5: {  	_ =	swait.ge [sflag:s29], $0x1  }
0xb6: {  	[sflag:s29] =	ssyncadd.s32 $0xFFFFFFFF  }
0xb7: {  	_ =	strace $0x90000048  }
0xb8: {  	_ =	sfence  }
0xb9: {  	s30 =	sld [smem:$0x0];
	_ =	sdelay $0x2  }
0xba: {  	s31 =	sshll.u32 s1, $0xD;
	s1 =	sshrl.u32 s1, $0x2  }
0xbb: {  	s3 =	sand.u32 $0x4000, s31;
	s1 =	sadd.s32 s1, s30  }
0xbc: {  	s0 =	sor.u32 s3, s0;
	s1 =	sshll.u32 s1, $0x11  }
0xbd: {  	s0 =	sor.u32 s1, s0  }
0xbe: {  	s0 =	sadd.s32 $0x8F2B, s0  }
0xbf: {  	[sflag:s0] =	ssyncadd.remote.s32 $0x1  }
0xc0: {  	_ =	sfence.sel $0xFFFF  }
0xc1: {  	[dreg:$0x0] =	wrdreg $0xFFFFFFFF;
	(pc) =	sbr.abs _section_cstart, $3  }
0xc2: {  	[dreg:$0x1] =	wrdreg $0xFFFFFFFF  }
0xc3: {  	_ =	task.clear_ibuf [dreg:s8], $0x2FFFF;
	_ =	strace $0x9FFFFFFF  }
0xc4: {  	(tm) =	ssettm $0x7FFFFFFF  }
0xc5: {  	_ =	shalt  }
tec
execute0_lowered:
.L_overlay_start_1:
0x0: {  	(tag) =	ssettag $0x1  }
0x1: {  	s0 =	rddreg [dreg:$0x0]  }
0x2: {  	s1 =	rddreg [dreg:$0x1]  }
0x3: {  	s2 =	rddreg [dreg:$0x2]  }
0x4: {  	s7 =	simm.s32 $0x0;
	s3 =	srdreg.scid;
	s4 =	stileid.u32  }
0x5: {  	[smem:$0x7FF] =	sst s7;
	s3 =	sand.u32 $0x1, s3;
	s5 =	sshll.u32 s4, $0x9  }
0x6: {  	s8 =	sadd.s32 $0x400, s0;
	s30 =	sadd.s32 $0x1400, s0;
	s6 =	sshll.u32 s3, $0x8  }
0x7: {  	_ =	strace $0x80000047;
	s3 =	ssub.s32 $0x2, s3;
	s4 =	sor.u32 s6, s5  }
0x8: {  	[dreg:$0x5] =	wrdreg s30;
	s15 =	sshrl.u32 s3, $0x1;
	s6 =	sor.u32 $0x2000, s4  }
0x9: {  	s0 =	ssub.s32 s3, s15;
	s11 =	sor.u32 $0x4000, s4;
	[dreg:$0x4] =	wrdreg s4  }
0xa: {  	s13 =	sor.u32 $0x6000, s4;
	s19 =	sshll.u32 s4, $0x7;
	[dreg:$0x6] =	wrdreg s6  }
0xb: {  	s9 =	sshrl.u32 s6, $0x3;
	s12 =	sor.u32 $0x400, s19;
	[dreg:$0x9] =	wrdreg s11  }
0xc: {  	s14 =	sadd.s32 s30, s19;
	s22 =	sshll.u32 s6, $0x7;
	[dreg:$0xa] =	wrdreg s13  }
0xd: {  	s6 =	sadd.s32 s2, s19;
	s0 =	smax.u32 s0, $0x1;
	[dreg:$0xd] =	wrdreg s14  }
0xe: {  	s25 =	sor.u32 $0x7C00, s19;
	s19 =	sor.u32 $0x30, s4;
	[dreg:$0x18] =	wrdreg s0  }
0xf: {  	s16 =	sshrl.u32 s4, $0x3;
	[smem:$0x7F5] =	sst s19  }
0x10: {  	s10 =	sadd.s32 s8, s16;
	[dreg:$0xf] =	wrdreg s6  }
0x11: {  	s18 =	sshrl.u32 s11, $0x3;
	s17 =	sadd.s32 s8, s9;
	[dreg:$0x7] =	wrdreg s10  }
0x12: {  	s3 =	sadd.s32 s8, s18;
	[dreg:$0x8] =	wrdreg s17  }
0x13: {  	s21 =	sadd.s32 s30, s12;
	[dreg:$0xb] =	wrdreg s3  }
0x14: {  	s26 =	sadd.s32 s2, s12;
	[dreg:$0xe] =	wrdreg s21  }
0x15: {  	s30 =	sadd.s32 s30, s25;
	[dreg:$0x13] =	wrdreg s26  }
0x16: {  	s5 =	sadd.s32 $0x800, s14;
	[dreg:$0x14] =	wrdreg s30  }
0x17: {  	s9 =	sadd.s32 $0x100400, s6;
	[dreg:$0x16] =	wrdreg s5  }
0x18: {  	s23 =	sshll.u32 s11, $0x7;
	s11 =	sadd.s32 $0x200400, s6;
	[dreg:$0x19] =	wrdreg s9  }
0x19: {  	s20 =	sshrl.u32 s13, $0x3;
	s12 =	sadd.s32 $0x300400, s6;
	[dreg:$0x1a] =	wrdreg s11  }
0x1a: {  	s24 =	sshll.u32 s13, $0x7;
	s13 =	sadd.s32 $0x107400, s6;
	[dreg:$0x1b] =	wrdreg s12  }
0x1b: {  	s15 =	sadd.s32 $0x207400, s6;
	[dreg:$0x1c] =	wrdreg s13  }
0x1c: {  	s18 =	sadd.s32 $0x307400, s6;
	[dreg:$0x1e] =	wrdreg s15  }
0x1d: {  	s3 =	sadd.s32 s8, s20;
	[dreg:$0x1f] =	wrdreg s18  }
0x1e: {  	s8 =	sadd.s32 $0xC00, s14;
	[dreg:$0xc] =	wrdreg s3  }
0x1f: {  	s14 =	sadd.s32 $0x7400, s6;
	[dreg:$0x17] =	wrdreg s8  }
0x20: {  	s20 =	sadd.s32 $0x107800, s6;
	[dreg:$0x1d] =	wrdreg s14  }
0x21: {  	s21 =	sadd.s32 $0x207800, s6;
	[smem:$0x7F6] =	sst s20  }
0x22: {  	s26 =	sadd.s32 $0x307C00, s6;
	[smem:$0x7F7] =	sst s21  }
0x23: {  	s28 =	simm.s32 $0xC400;
	s30 =	sadd.s32 $0x10, s10;
	[smem:$0x7FC] =	sst s26  }
0x24: {  	s29 =	simm.s32 $0xE400;
	s3 =	sadd.s32 s2, s22;
	[smem:$0x7FD] =	sst s30  }
0x25: {  	s31 =	sadd.s32 $0x100, s1;
	s22 =	sadd.s32 $0x7800, s6;
	[dreg:$0x10] =	wrdreg s3  }
0x26: {  	s16 =	sadd.s32 $0x200, s1;
	s3 =	sadd.s32 s2, s23;
	[smem:$0x7F8] =	sst s22  }
0x27: {  	s17 =	sadd.s32 $0x300, s1;
	s23 =	sadd.s32 $0x307800, s6;
	[dreg:$0x11] =	wrdreg s3  }
0x28: {  	s12 =	simm.s32 $0x4;
	s3 =	sadd.s32 s2, s24;
	[smem:$0x7F9] =	sst s23  }
0x29: {  	s1 =	simm.s32 $0x0;
	s2 =	sadd.s32 s2, s25;
	[dreg:$0x12] =	wrdreg s3  }
0x2a: {  	v0 =	vlaneseq.u32;
	s20 =	simm.s32 $0x8400;
	s24 =	sadd.s32 $0x107C00, s6;
	[dreg:$0x15] =	wrdreg s2  }
0x2b: {  	v1 =	vshrl.u32 v0, $0x3;
	s14 =	simm.s32 $0x2;
	s25 =	sadd.s32 $0x207C00, s6;
	[smem:$0x7FA] =	sst s24  }
0x2c: {  	vm0 =	vmmov $0xffff;
	v0 =	vand.u32 $0x7, v0;
	v1 =	vmul.u32 $0x8, v1;
	s21 =	simm.s32 $0x5;
	s23 =	simm.s32 $0xA400;
	[smem:$0x7FB] =	sst s25  }
.LBB2_1:
0x2d: {  	s0 =	rddreg [dreg:$0x7]  }
0x2e: {  	s22 =	sld [smem:$0x7FD]  }
0x2f: {  	[tilespmem:s7], [sflag:$0xA] =	stream.linear.gather [hbm4b:s0+s7], $0x80, $0x38;
	[tilespmem:$0x1E400] =	vst v63  }
0x30: {  	[smem:$0x7F4] =	sst s1;
	s24 =	simm.s32 $0x200;
	s25 =	simm.s32 $0xA  }
0x31: {  	[tilespmem:s24], [sflag:$0xA] =	stream.linear.gather [hbm4b:s22+s7], $0x80, $0x38;
	[tilespmem:$0x1E400] =	vst v63  }
0x32: {  	_ =	swait.ge [sflag:s25], $0x100  }
0x33: {  	[sflag:s25] =	ssyncset.done $0x0  }
0x34: {  	s2 =	simm.s32 $0x80;
	s26 =	rddreg [dreg:$0x8];
	[sflag:s25] =	ssyncadd.s32 $0xFFFFFF00  }
0x35: {  	[tilespmem:s2], [sflag:$0xA] =	stream.linear.gather [hbm4b:s26+s7], $0x80, $0x38;
	[tilespmem:$0x1E400] =	vst v63  }
0x36: {  	s30 =	simm.s32 $0x280;
	s0 =	sadd.s32 $0x10, s26  }
0x37: {  	[tilespmem:s30], [sflag:$0xA] =	stream.linear.gather [hbm4b:s0+s7], $0x80, $0x38;
	[tilespmem:$0x1E400] =	vst v63  }
0x38: {  	_ =	swait.ge [sflag:s25], $0x100  }
0x39: {  	[sflag:s25] =	ssyncset.done $0x0  }
0x3a: {  	s4 =	simm.s32 $0x100;
	s3 =	rddreg [dreg:$0xb];
	[sflag:s25] =	ssyncadd.s32 $0xFFFFFF00  }
0x3b: {  	[tilespmem:s4], [sflag:$0xA] =	stream.linear.gather [hbm4b:s3+s7], $0x80, $0x38;
	[tilespmem:$0x1E400] =	vst v63  }
0x3c: {  	s5 =	simm.s32 $0x300;
	s0 =	sadd.s32 $0x10, s3  }
0x3d: {  	[tilespmem:s5], [sflag:$0xA] =	stream.linear.gather [hbm4b:s0+s7], $0x80, $0x38;
	[tilespmem:$0x1E400] =	vst v63  }
0x3e: {  	_ =	swait.ge [sflag:s25], $0x100  }
0x3f: {  	[sflag:s25] =	ssyncset.done $0x0  }
0x40: {  	s8 =	simm.s32 $0x180;
	s6 =	rddreg [dreg:$0xc];
	[sflag:s25] =	ssyncadd.s32 $0xFFFFFF00  }
0x41: {  	[tilespmem:s8], [sflag:$0xA] =	stream.linear.gather [hbm4b:s6+s7], $0x80, $0x38;
	[tilespmem:$0x1E400] =	vst v63  }
0x42: {  	s9 =	simm.s32 $0x380;
	s0 =	sadd.s32 $0x10, s6  }
0x43: {  	[tilespmem:s9], [sflag:$0xA] =	stream.linear.gather [hbm4b:s0+s7], $0x80, $0x38;
	[tilespmem:$0x1E400] =	vst v63  }
0x44: {  	_ =	swait.ge [sflag:s25], $0x100  }
0x45: {  	[sflag:s25] =	ssyncset.done $0x0  }
0x46: {  	s11 =	simm.s32 $0x18400;
	s10 =	rddreg [dreg:$0xd];
	[sflag:s25] =	ssyncadd.s32 $0xFFFFFF00  }
0x47: {  	[tilespmem:s11], [sflag:$0x7] =	stream.linear.gather [hbm4b:s10+s7], $0x2000, $0x38;
	[tilespmem:$0x1E400] =	vst v63  }
0x48: {  	s15 =	simm.s32 $0x1A400;
	s13 =	rddreg [dreg:$0xe]  }
0x49: {  	[tilespmem:s15], [sflag:$0x8] =	stream.linear.gather [hbm4b:s13+s7], $0x2000, $0x38;
	[tilespmem:$0x1E400] =	vst v63  }
0x4a: {  	v2 =	vld.msk [tilespmem:$0x0], $0xff;
	_ =	sdelay $0x4  }
0x4b: {  	v3 =	vshll.u32 v2, $0x3  }
0x4c: {  	v2 =	vand.u32 $0x7, v2;
	v3 =	vand.u32 $0xFFFFFFC0, v3  }
0x4d: {  	v2 =	vor.u32 v2, v3  }
0x4e: {  	v2 =	vperm.xlane v2, v0;
	_ =	sdelay $0x1  }
0x4f: {  	v2 =	vadd.s32 v1, v2;
	_ =	sdelay $0x3  }
0x50: {  	s18 =	simm.s32 $0x400;
	s0 =	rddreg [dreg:$0x1]  }
0x51: {  	[tilespmem:s18], [sflag:$0x1] =	stream.indirect_vreg.gather [hbm4b:s0+s7], $0x80, v2, vm0, $0xb8;
	[tilespmem:$0x1E400] =	vst v63  }
0x52: {  	s19 =	simm.s32 $0xC00  }
0x53: {  	[tilespmem:s19], [sflag:$0x1] =	stream.indirect_vreg.gather [hbm4b:s31+s7], $0x80, v2, vm0, $0xb8;
	[tilespmem:$0x1E400] =	vst v63  }
0x54: {  	s22 =	simm.s32 $0x1400  }
0x55: {  	[tilespmem:s22], [sflag:$0x1] =	stream.indirect_vreg.gather [hbm4b:s16+s7], $0x80, v2, vm0, $0xb8;
	[tilespmem:$0x1E400] =	vst v63  }
0x56: {  	s24 =	simm.s32 $0x1C00  }
0x57: {  	[tilespmem:s24], [sflag:$0x1] =	stream.indirect_vreg.gather [hbm4b:s17+s7], $0x80, v2, vm0, $0xb8;
	[tilespmem:$0x1E400] =	vst v63  }
0x58: {  	v2 =	vld.msk [tilespmem:$0x80], $0xff;
	_ =	sdelay $0x4  }
0x59: {  	v3 =	vshll.u32 v2, $0x3  }
0x5a: {  	v2 =	vand.u32 $0x7, v2;
	v3 =	vand.u32 $0xFFFFFFC0, v3  }
0x5b: {  	v2 =	vor.u32 v2, v3  }
0x5c: {  	v2 =	vperm.xlane v2, v0;
	_ =	sdelay $0x1  }
0x5d: {  	v2 =	vadd.s32 v1, v2;
	_ =	sdelay $0x3  }
0x5e: {  	s25 =	simm.s32 $0x2400  }
0x5f: {  	[tilespmem:s25], [sflag:$0x1] =	stream.indirect_vreg.gather [hbm4b:s0+s7], $0x80, v2, vm0, $0xb8;
	[tilespmem:$0x1E400] =	vst v63  }
0x60: {  	s26 =	simm.s32 $0x2C00  }
0x61: {  	[tilespmem:s26], [sflag:$0x1] =	stream.indirect_vreg.gather [hbm4b:s31+s7], $0x80, v2, vm0, $0xb8;
	[tilespmem:$0x1E400] =	vst v63  }
0x62: {  	s30 =	simm.s32 $0x3400  }
0x63: {  	[tilespmem:s30], [sflag:$0x1] =	stream.indirect_vreg.gather [hbm4b:s16+s7], $0x80, v2, vm0, $0xb8;
	[tilespmem:$0x1E400] =	vst v63  }
0x64: {  	s2 =	simm.s32 $0x3C00  }
0x65: {  	[tilespmem:s2], [sflag:$0x1] =	stream.indirect_vreg.gather [hbm4b:s17+s7], $0x80, v2, vm0, $0xb8;
	[tilespmem:$0x1E400] =	vst v63  }
0x66: {  	v2 =	vld.msk [tilespmem:$0x100], $0xff;
	_ =	sdelay $0x4  }
0x67: {  	v3 =	vshll.u32 v2, $0x3  }
0x68: {  	v2 =	vand.u32 $0x7, v2;
	v3 =	vand.u32 $0xFFFFFFC0, v3  }
0x69: {  	v2 =	vor.u32 v2, v3  }
0x6a: {  	v2 =	vperm.xlane v2, v0;
	_ =	sdelay $0x1  }
0x6b: {  	v2 =	vadd.s32 v1, v2;
	_ =	sdelay $0x3  }
0x6c: {  	s3 =	simm.s32 $0x4400  }
0x6d: {  	[tilespmem:s3], [sflag:$0x1] =	stream.indirect_vreg.gather [hbm4b:s0+s7], $0x80, v2, vm0, $0xb8;
	[tilespmem:$0x1E400] =	vst v63  }
0x6e: {  	s4 =	simm.s32 $0x4C00  }
0x6f: {  	[tilespmem:s4], [sflag:$0x1] =	stream.indirect_vreg.gather [hbm4b:s31+s7], $0x80, v2, vm0, $0xb8;
	[tilespmem:$0x1E400] =	vst v63  }
0x70: {  	s5 =	simm.s32 $0x5400  }
0x71: {  	[tilespmem:s5], [sflag:$0x1] =	stream.indirect_vreg.gather [hbm4b:s16+s7], $0x80, v2, vm0, $0xb8;
	[tilespmem:$0x1E400] =	vst v63  }
0x72: {  	s6 =	simm.s32 $0x5C00  }
0x73: {  	[tilespmem:s6], [sflag:$0x1] =	stream.indirect_vreg.gather [hbm4b:s17+s7], $0x80, v2, vm0, $0xb8;
	[tilespmem:$0x1E400] =	vst v63  }
0x74: {  	v2 =	vld.msk [tilespmem:$0x180], $0xff;
	_ =	sdelay $0x4  }
0x75: {  	v3 =	vshll.u32 v2, $0x3  }
0x76: {  	v2 =	vand.u32 $0x7, v2;
	v3 =	vand.u32 $0xFFFFFFC0, v3  }
0x77: {  	v2 =	vor.u32 v2, v3  }
0x78: {  	v2 =	vperm.xlane v2, v0;
	_ =	sdelay $0x1  }
0x79: {  	v2 =	vadd.s32 v1, v2;
	_ =	sdelay $0x3  }
0x7a: {  	s8 =	simm.s32 $0x6400  }
0x7b: {  	[tilespmem:s8], [sflag:$0x1] =	stream.indirect_vreg.gather [hbm4b:s0+s7], $0x80, v2, vm0, $0xb8;
	[tilespmem:$0x1E400] =	vst v63  }
0x7c: {  	s9 =	simm.s32 $0x6C00  }
0x7d: {  	[tilespmem:s9], [sflag:$0x1] =	stream.indirect_vreg.gather [hbm4b:s31+s7], $0x80, v2, vm0, $0xb8;
	[tilespmem:$0x1E400] =	vst v63  }
0x7e: {  	s10 =	simm.s32 $0x7400  }
0x7f: {  	[tilespmem:s10], [sflag:$0x1] =	stream.indirect_vreg.gather [hbm4b:s16+s7], $0x80, v2, vm0, $0xb8;
	[tilespmem:$0x1E400] =	vst v63  }
0x80: {  	s11 =	simm.s32 $0x7C00  }
0x81: {  	[tilespmem:s11], [sflag:$0x1] =	stream.indirect_vreg.gather [hbm4b:s17+s7], $0x80, v2, vm0, $0xb8;
	[tilespmem:$0x1E400] =	vst v63  }
0x82: {  	v2 =	vld.msk [tilespmem:$0x8], $0xff;
	_ =	sdelay $0x4  }
0x83: {  	v3 =	vshll.u32 v2, $0x3  }
0x84: {  	v2 =	vand.u32 $0x7, v2;
	v3 =	vand.u32 $0xFFFFFFC0, v3  }
0x85: {  	v2 =	vor.u32 v2, v3  }
0x86: {  	v2 =	vperm.xlane v2, v0;
	_ =	sdelay $0x1  }
0x87: {  	v2 =	vadd.s32 v1, v2;
	_ =	sdelay $0x4  }
0x88: {  	[tilespmem:s20], [sflag:$0x2] =	stream.indirect_vreg.gather [hbm4b:s0+s7], $0x80, v2, vm0, $0xb8;
	[tilespmem:$0x1E400] =	vst v63  }
0x89: {  	s13 =	simm.s32 $0x8C00  }
0x8a: {  	[tilespmem:s13], [sflag:$0x2] =	stream.indirect_vreg.gather [hbm4b:s31+s7], $0x80, v2, vm0, $0xb8;
	[tilespmem:$0x1E400] =	vst v63  }
0x8b: {  	s15 =	simm.s32 $0x9400  }
0x8c: {  	[tilespmem:s15], [sflag:$0x2] =	stream.indirect_vreg.gather [hbm4b:s16+s7], $0x80, v2, vm0, $0xb8;
	[tilespmem:$0x1E400] =	vst v63  }
0x8d: {  	s18 =	simm.s32 $0x9C00  }
0x8e: {  	[tilespmem:s18], [sflag:$0x2] =	stream.indirect_vreg.gather [hbm4b:s17+s7], $0x80, v2, vm0, $0xb8;
	[tilespmem:$0x1E400] =	vst v63  }
0x8f: {  	v2 =	vld.msk [tilespmem:$0x88], $0xff;
	_ =	sdelay $0x4  }
0x90: {  	v3 =	vshll.u32 v2, $0x3  }
0x91: {  	v2 =	vand.u32 $0x7, v2;
	v3 =	vand.u32 $0xFFFFFFC0, v3  }
0x92: {  	v2 =	vor.u32 v2, v3  }
0x93: {  	v2 =	vperm.xlane v2, v0;
	_ =	sdelay $0x1  }
0x94: {  	v2 =	vadd.s32 v1, v2;
	_ =	sdelay $0x4  }
0x95: {  	[tilespmem:s23], [sflag:$0x2] =	stream.indirect_vreg.gather [hbm4b:s0+s7], $0x80, v2, vm0, $0xb8;
	[tilespmem:$0x1E400] =	vst v63  }
0x96: {  	s19 =	simm.s32 $0xAC00  }
0x97: {  	[tilespmem:s19], [sflag:$0x2] =	stream.indirect_vreg.gather [hbm4b:s31+s7], $0x80, v2, vm0, $0xb8;
	[tilespmem:$0x1E400] =	vst v63  }
0x98: {  	s22 =	simm.s32 $0xB400  }
0x99: {  	[tilespmem:s22], [sflag:$0x2] =	stream.indirect_vreg.gather [hbm4b:s16+s7], $0x80, v2, vm0, $0xb8;
	[tilespmem:$0x1E400] =	vst v63  }
0x9a: {  	s24 =	simm.s32 $0xBC00  }
0x9b: {  	[tilespmem:s24], [sflag:$0x2] =	stream.indirect_vreg.gather [hbm4b:s17+s7], $0x80, v2, vm0, $0xb8;
	[tilespmem:$0x1E400] =	vst v63  }
0x9c: {  	v2 =	vld.msk [tilespmem:$0x108], $0xff;
	_ =	sdelay $0x4  }
0x9d: {  	v3 =	vshll.u32 v2, $0x3  }
0x9e: {  	v2 =	vand.u32 $0x7, v2;
	v3 =	vand.u32 $0xFFFFFFC0, v3  }
0x9f: {  	v2 =	vor.u32 v2, v3  }
0xa0: {  	v2 =	vperm.xlane v2, v0;
	_ =	sdelay $0x1  }
0xa1: {  	v2 =	vadd.s32 v1, v2;
	_ =	sdelay $0x4  }
0xa2: {  	[tilespmem:s28], [sflag:$0x2] =	stream.indirect_vreg.gather [hbm4b:s0+s7], $0x80, v2, vm0, $0xb8;
	[tilespmem:$0x1E400] =	vst v63  }
0xa3: {  	s25 =	simm.s32 $0xCC00  }
0xa4: {  	[tilespmem:s25], [sflag:$0x2] =	stream.indirect_vreg.gather [hbm4b:s31+s7], $0x80, v2, vm0, $0xb8;
	[tilespmem:$0x1E400] =	vst v63  }
0xa5: {  	s26 =	simm.s32 $0xD400  }
0xa6: {  	[tilespmem:s26], [sflag:$0x2] =	stream.indirect_vreg.gather [hbm4b:s16+s7], $0x80, v2, vm0, $0xb8;
	[tilespmem:$0x1E400] =	vst v63  }
0xa7: {  	s28 =	simm.s32 $0xDC00  }
0xa8: {  	[tilespmem:s28], [sflag:$0x2] =	stream.indirect_vreg.gather [hbm4b:s17+s7], $0x80, v2, vm0, $0xb8;
	[tilespmem:$0x1E400] =	vst v63  }
0xa9: {  	v2 =	vld.msk [tilespmem:$0x188], $0xff;
	_ =	sdelay $0x4  }
0xaa: {  	v3 =	vshll.u32 v2, $0x3  }
0xab: {  	v2 =	vand.u32 $0x7, v2;
	v3 =	vand.u32 $0xFFFFFFC0, v3  }
0xac: {  	v2 =	vor.u32 v2, v3  }
0xad: {  	v2 =	vperm.xlane v2, v0;
	_ =	sdelay $0x1  }
0xae: {  	v2 =	vadd.s32 v1, v2;
	_ =	sdelay $0x4  }
0xaf: {  	[tilespmem:s29], [sflag:$0x2] =	stream.indirect_vreg.gather [hbm4b:s0+s7], $0x80, v2, vm0, $0xb8;
	[tilespmem:$0x1E400] =	vst v63  }
0xb0: {  	s29 =	simm.s32 $0xEC00  }
0xb1: {  	[tilespmem:s29], [sflag:$0x2] =	stream.indirect_vreg.gather [hbm4b:s31+s7], $0x80, v2, vm0, $0xb8;
	[tilespmem:$0x1E400] =	vst v63  }
0xb2: {  	s30 =	simm.s32 $0xF400  }
0xb3: {  	[tilespmem:s30], [sflag:$0x2] =	stream.indirect_vreg.gather [hbm4b:s16+s7], $0x80, v2, vm0, $0xb8;
	[tilespmem:$0x1E400] =	vst v63  }
0xb4: {  	s1 =	simm.s32 $0xFC00;
	s2 =	simm.s32 $0x7  }
0xb5: {  	[tilespmem:s1], [sflag:$0x2] =	stream.indirect_vreg.gather [hbm4b:s17+s7], $0x80, v2, vm0, $0xb8;
	[tilespmem:$0x1E400] =	vst v63  }
0xb6: {  	_ =	swait.ge [sflag:s2], $0x2000  }
0xb7: {  	[sflag:s2] =	ssyncset.done $0x0  }
0xb8: {  	s3 =	simm.s32 $0x1;
	[sflag:s2] =	ssyncadd.s32 $0xFFFFE000  }
0xb9: {  	_ =	swait.ge [sflag:s3], $0x2000  }
0xba: {  	[sflag:s3] =	ssyncset.done $0x0  }
0xbb: {  	[sflag:s3] =	ssyncadd.s32 $0xFFFFE000  }
0xbc: {  	_ =	swait.ge [sflag:s3], $0x2000  }
0xbd: {  	[sflag:s3] =	ssyncset.done $0x0  }
0xbe: {  	[sflag:s3] =	ssyncadd.s32 $0xFFFFE000  }
0xbf: {  	_ =	swait.ge [sflag:s3], $0x2000  }
0xc0: {  	[sflag:s3] =	ssyncset.done $0x0  }
0xc1: {  	s4 =	sand.u32 $0x40, s7;
	[sflag:s3] =	ssyncadd.s32 $0xFFFFE000  }
0xc2: {  	s8 =	sand.u32 $0x1C00, s7;
	s9 =	sand.u32 $0x380, s7;
	_ =	swait.ge [sflag:s3], $0x2000  }
0xc3: {  	s5 =	sor.u32 $0x30, s4;
	s8 =	sor.u32 s9, s8;
	[sflag:s3] =	ssyncset.done $0x0  }
0xc4: {  	s13 =	sor.u32 s5, s8;
	[sflag:s3] =	ssyncadd.s32 $0xFFFFE000  }
0xc5: {  	s15 =	sor.u32 s4, s8;
	s25 =	sor.u32 $0x10, s4;
	v2 =	vld [tilespmem:s13+$0x18400]  }
0xc6: {  	s18 =	sor.u32 s25, s8;
	v3 =	vld [tilespmem:s15+$0x18400]  }
0xc7: {  	v4 =	vld [tilespmem:s18+$0x18400];
	_ =	sdelay $0x2  }
0xc8: {  	[tilespmem:s13+$0x400] =	vst.add.f32.msk $0xffff, v2  }
0xc9: {  	s22 =	sadd.s32 $0x2400, s8;
	[tilespmem:s15+$0x400] =	vst.add.f32.msk $0xffff, v3  }
0xca: {  	s6 =	sor.u32 s5, s22;
	[tilespmem:s18+$0x400] =	vst.add.f32.msk $0xffff, v4  }
0xcb: {  	s10 =	sor.u32 s4, s22;
	[tilespmem:s6+$0x0] =	vst.add.f32.msk $0xffff, v2  }
0xcc: {  	s24 =	sadd.s32 $0x4400, s8;
	s29 =	sor.u32 s25, s22;
	[tilespmem:s10+$0x0] =	vst.add.f32.msk $0xffff, v3  }
0xcd: {  	s26 =	sadd.s32 $0x6400, s8;
	s7 =	sor.u32 s5, s24;
	[tilespmem:s29+$0x0] =	vst.add.f32.msk $0xffff, v4  }
0xce: {  	s11 =	sor.u32 $0x20, s4;
	s9 =	sor.u32 s5, s26;
	[tilespmem:s7+$0x0] =	vst.add.f32.msk $0xffff, v2  }
0xcf: {  	s19 =	sor.u32 s11, s8;
	[tilespmem:s9+$0x0] =	vst.add.f32.msk $0xffff, v2  }
0xd0: {  	s28 =	sor.u32 s4, s24;
	v2 =	vld [tilespmem:s19+$0x18400]  }
0xd1: {  	s30 =	sor.u32 s25, s24;
	[tilespmem:s28+$0x0] =	vst.add.f32.msk $0xffff, v3  }
0xd2: {  	s8 =	sor.u32 s11, s22;
	s0 =	sor.u32 s4, s26;
	s22 =	simm.s32 $0x200;
	[tilespmem:s30+$0x0] =	vst.add.f32.msk $0xffff, v4  }
0xd3: {  	s25 =	sor.u32 s25, s26;
	s18 =	simm.s32 $0x0;
	s13 =	sor.u32 s11, s24;
	[tilespmem:s0+$0x0] =	vst.add.f32.msk $0xffff, v3  }
0xd4: {  	s24 =	simm.s32 $0x40;
	s9 =	sor.u32 s11, s26;
	[tilespmem:s25+$0x0] =	vst.add.f32.msk $0xffff, v4;
	s0 =	simm.s32 $0x8  }
.LBB2_2:
0xd5: {  	s15 =	sand.u32 $0x40, s24;
	s25 =	sand.u32 $0x1C00, s22;
	s26 =	sand.u32 $0x380, s0;
	[tilespmem:s19+$0x400] =	vst.add.f32.msk $0xffff, v2  }
0xd6: {  	s25 =	sor.u32 s26, s25;
	s26 =	sor.u32 $0x10, s15;
	s28 =	sor.u32 $0x30, s15;
	[tilespmem:s8+$0x0] =	vst.add.f32.msk $0xffff, v2  }
0xd7: {  	s30 =	sor.u32 $0x20, s15;
	s29 =	sor.u32 s15, s25;
	s8 =	sor.u32 s28, s25;
	[tilespmem:s13+$0x0] =	vst.add.f32.msk $0xffff, v2  }
0xd8: {  	s18 =	sadd.s32 $0x4, s18;
	s6 =	sor.u32 s26, s25;
	s19 =	sor.u32 s30, s25;
	v3 =	vld [tilespmem:s8+$0x18400]  }
0xd9: {  	p0 =	slt.u32 s18, $0x1FC;
	v4 =	vld [tilespmem:s29+$0x18400]  }
0xda: {  	v5 =	vld [tilespmem:s6+$0x18400]  }
0xdb: {  	v6 =	vld [tilespmem:s19+$0x18400]  }
0xdc: {  	s13 =	sadd.s32 $0x2400, s25;
	[tilespmem:s9+$0x0] =	vst.add.f32.msk $0xffff, v2  }
0xdd: {  	s7 =	sor.u32 s15, s13;
	s9 =	sadd.s32 $0x4400, s25;
	[tilespmem:s8+$0x400] =	vst.add.f32.msk $0xffff, v3;
	s8 =	sor.u32 s28, s13  }
0xde: {  	s25 =	sadd.s32 $0x6400, s25;
	s10 =	sor.u32 s15, s9;
	[tilespmem:s8+$0x0] =	vst.add.f32.msk $0xffff, v3;
	s8 =	sor.u32 s28, s9  }
0xdf: {  	s11 =	sor.u32 s26, s13;
	s15 =	sor.u32 s15, s25;
	s28 =	sor.u32 s28, s25;
	[tilespmem:s8+$0x0] =	vst.add.f32.msk $0xffff, v3  }
0xe0: {  	s4 =	sor.u32 s26, s9;
	s26 =	sor.u32 s26, s25;
	s8 =	sor.u32 s30, s13;
	[tilespmem:s28+$0x0] =	vst.add.f32.msk $0xffff, v3;
	v2 =	vmov v6  }
0xe1: {  	s13 =	sor.u32 s30, s9;
	s9 =	sor.u32 s30, s25;
	[tilespmem:s29+$0x400] =	vst.add.f32.msk $0xffff, v4  }
0xe2: {  	[tilespmem:s7+$0x0] =	vst.add.f32.msk $0xffff, v4  }
0xe3: {  	[tilespmem:s10+$0x0] =	vst.add.f32.msk $0xffff, v4  }
.Ltmp0:
0xe4: {  	[tilespmem:s15+$0x0] =	vst.add.f32.msk $0xffff, v4;
	(pc) =	sbr.rel @p0 .LBB2_2-.Ltmp0, $4  }
0xe5: {  	[tilespmem:s6+$0x400] =	vst.add.f32.msk $0xffff, v5  }
0xe6: {  	[tilespmem:s11+$0x0] =	vst.add.f32.msk $0xffff, v5  }
0xe7: {  	[tilespmem:s4+$0x0] =	vst.add.f32.msk $0xffff, v5  }
0xe8: {  	s0 =	sadd.s32 $0x8, s0;
	s22 =	sadd.s32 $0x200, s22;
	s24 =	sadd.s32 $0x40, s24;
	[tilespmem:s26+$0x0] =	vst.add.f32.msk $0xffff, v5  }
0xe9: {  	[tilespmem:s19+$0x400] =	vst.add.f32.msk $0xffff, v2  }
0xea: {  	[tilespmem:s8+$0x0] =	vst.add.f32.msk $0xffff, v2  }
0xeb: {  	[tilespmem:s13+$0x0] =	vst.add.f32.msk $0xffff, v2  }
0xec: {  	[tilespmem:s9+$0x0] =	vst.add.f32.msk $0xffff, v2  }
0xed: {  	s0 =	simm.s32 $0x0;
	s2 =	simm.s32 $0x1C400;
	s1 =	rddreg [dreg:$0x16]  }
0xee: {  	[tilespmem:s2], [sflag:$0x9] =	stream.linear.gather [hbm4b:s1+s0], $0x2000, $0x38;
	[tilespmem:$0x1E400] =	vst v63  }
0xef: {  	s25 =	simm.s32 $0x400;
	s24 =	rddreg [dreg:$0xf]  }
0xf0: {  	[hbm4b:s24+s0] =	stream.linear.scatter [tilespmem:s25], [sflag:$0x4], $0x2000, $0x38;
	[tilespmem:$0x1E400] =	vst v63  }
0xf1: {  	s28 =	simm.s32 $0x2400;
	s26 =	rddreg [dreg:$0x10]  }
0xf2: {  	[hbm4b:s26+s0] =	stream.linear.scatter [tilespmem:s28], [sflag:$0x4], $0x2000, $0x38;
	[tilespmem:$0x1E400] =	vst v63  }
0xf3: {  	s30 =	simm.s32 $0x4400;
	s29 =	rddreg [dreg:$0x11]  }
0xf4: {  	[hbm4b:s29+s0] =	stream.linear.scatter [tilespmem:s30], [sflag:$0x4], $0x2000, $0x38;
	[tilespmem:$0x1E400] =	vst v63  }
0xf5: {  	s4 =	simm.s32 $0x6400;
	s3 =	rddreg [dreg:$0x12]  }
0xf6: {  	[hbm4b:s3+s0] =	stream.linear.scatter [tilespmem:s4], [sflag:$0x4], $0x2000, $0x38;
	[tilespmem:$0x1E400] =	vst v63  }
0xf7: {  	v2 =	vld.msk [tilespmem:$0x10], $0xff;
	_ =	sdelay $0x4  }
0xf8: {  	v3 =	vshll.u32 v2, $0x3  }
0xf9: {  	v2 =	vand.u32 $0x7, v2;
	v3 =	vand.u32 $0xFFFFFFC0, v3  }
0xfa: {  	v2 =	vor.u32 v2, v3  }
0xfb: {  	v2 =	vperm.xlane v2, v0;
	_ =	sdelay $0x1  }
0xfc: {  	v2 =	vadd.s32 v1, v2;
	_ =	sdelay $0x3  }
0xfd: {  	s5 =	rddreg [dreg:$0x1];
	s6 =	simm.s32 $0x10400  }
0xfe: {  	[tilespmem:s6], [sflag:$0x3] =	stream.indirect_vreg.gather [hbm4b:s5+s0], $0x80, v2, vm0, $0xb8;
	[tilespmem:$0x1E400] =	vst v63  }
0xff: {  	s7 =	simm.s32 $0x10C00  }
0x100: {  	[tilespmem:s7], [sflag:$0x3] =	stream.indirect_vreg.gather [hbm4b:s31+s0], $0x80, v2, vm0, $0xb8;
	[tilespmem:$0x1E400] =	vst v63  }
0x101: {  	s8 =	simm.s32 $0x11400  }
0x102: {  	[tilespmem:s8], [sflag:$0x3] =	stream.indirect_vreg.gather [hbm4b:s16+s0], $0x80, v2, vm0, $0xb8;
	[tilespmem:$0x1E400] =	vst v63  }
0x103: {  	s9 =	simm.s32 $0x11C00  }
0x104: {  	[tilespmem:s9], [sflag:$0x3] =	stream.indirect_vreg.gather [hbm4b:s17+s0], $0x80, v2, vm0, $0xb8;
	[tilespmem:$0x1E400] =	vst v63  }
0x105: {  	v2 =	vld.msk [tilespmem:$0x90], $0xff;
	_ =	sdelay $0x4  }
0x106: {  	v3 =	vshll.u32 v2, $0x3  }
0x107: {  	v2 =	vand.u32 $0x7, v2;
	v3 =	vand.u32 $0xFFFFFFC0, v3  }
0x108: {  	v2 =	vor.u32 v2, v3  }
0x109: {  	v2 =	vperm.xlane v2, v0;
	_ =	sdelay $0x1  }
0x10a: {  	v2 =	vadd.s32 v1, v2;
	_ =	sdelay $0x3  }
0x10b: {  	s10 =	simm.s32 $0x12400  }
0x10c: {  	[tilespmem:s10], [sflag:$0x3] =	stream.indirect_vreg.gather [hbm4b:s5+s0], $0x80, v2, vm0, $0xb8;
	[tilespmem:$0x1E400] =	vst v63  }
0x10d: {  	s11 =	simm.s32 $0x12C00  }
0x10e: {  	[tilespmem:s11], [sflag:$0x3] =	stream.indirect_vreg.gather [hbm4b:s31+s0], $0x80, v2, vm0, $0xb8;
	[tilespmem:$0x1E400] =	vst v63  }
0x10f: {  	s13 =	simm.s32 $0x13400  }
0x110: {  	[tilespmem:s13], [sflag:$0x3] =	stream.indirect_vreg.gather [hbm4b:s16+s0], $0x80, v2, vm0, $0xb8;
	[tilespmem:$0x1E400] =	vst v63  }
0x111: {  	s15 =	simm.s32 $0x13C00  }
0x112: {  	[tilespmem:s15], [sflag:$0x3] =	stream.indirect_vreg.gather [hbm4b:s17+s0], $0x80, v2, vm0, $0xb8;
	[tilespmem:$0x1E400] =	vst v63  }
0x113: {  	v2 =	vld.msk [tilespmem:$0x110], $0xff;
	_ =	sdelay $0x4  }
0x114: {  	v3 =	vshll.u32 v2, $0x3  }
0x115: {  	v2 =	vand.u32 $0x7, v2;
	v3 =	vand.u32 $0xFFFFFFC0, v3  }
0x116: {  	v2 =	vor.u32 v2, v3  }
0x117: {  	v2 =	vperm.xlane v2, v0;
	_ =	sdelay $0x1  }
0x118: {  	v2 =	vadd.s32 v1, v2;
	_ =	sdelay $0x3  }
0x119: {  	s18 =	simm.s32 $0x14400  }
0x11a: {  	[tilespmem:s18], [sflag:$0x3] =	stream.indirect_vreg.gather [hbm4b:s5+s0], $0x80, v2, vm0, $0xb8;
	[tilespmem:$0x1E400] =	vst v63  }
0x11b: {  	s19 =	simm.s32 $0x14C00  }
0x11c: {  	[tilespmem:s19], [sflag:$0x3] =	stream.indirect_vreg.gather [hbm4b:s31+s0], $0x80, v2, vm0, $0xb8;
	[tilespmem:$0x1E400] =	vst v63  }
0x11d: {  	s22 =	simm.s32 $0x15400  }
0x11e: {  	[tilespmem:s22], [sflag:$0x3] =	stream.indirect_vreg.gather [hbm4b:s16+s0], $0x80, v2, vm0, $0xb8;
	[tilespmem:$0x1E400] =	vst v63  }
0x11f: {  	s24 =	simm.s32 $0x15C00  }
0x120: {  	[tilespmem:s24], [sflag:$0x3] =	stream.indirect_vreg.gather [hbm4b:s17+s0], $0x80, v2, vm0, $0xb8;
	[tilespmem:$0x1E400] =	vst v63  }
0x121: {  	v2 =	vld.msk [tilespmem:$0x190], $0xff;
	_ =	sdelay $0x4  }
0x122: {  	v3 =	vshll.u32 v2, $0x3  }
0x123: {  	v2 =	vand.u32 $0x7, v2;
	v3 =	vand.u32 $0xFFFFFFC0, v3  }
0x124: {  	v2 =	vor.u32 v2, v3  }
0x125: {  	v2 =	vperm.xlane v2, v0;
	_ =	sdelay $0x1  }
0x126: {  	v2 =	vadd.s32 v1, v2;
	_ =	sdelay $0x3  }
0x127: {  	s25 =	simm.s32 $0x16400  }
0x128: {  	[tilespmem:s25], [sflag:$0x3] =	stream.indirect_vreg.gather [hbm4b:s5+s0], $0x80, v2, vm0, $0xb8;
	[tilespmem:$0x1E400] =	vst v63  }
0x129: {  	s26 =	simm.s32 $0x16C00  }
0x12a: {  	[tilespmem:s26], [sflag:$0x3] =	stream.indirect_vreg.gather [hbm4b:s31+s0], $0x80, v2, vm0, $0xb8;
	[tilespmem:$0x1E400] =	vst v63  }
0x12b: {  	s28 =	simm.s32 $0x17400  }
0x12c: {  	[tilespmem:s28], [sflag:$0x3] =	stream.indirect_vreg.gather [hbm4b:s16+s0], $0x80, v2, vm0, $0xb8;
	[tilespmem:$0x1E400] =	vst v63  }
0x12d: {  	s29 =	simm.s32 $0x17C00;
	s30 =	simm.s32 $0x8  }
0x12e: {  	[tilespmem:s29], [sflag:$0x3] =	stream.indirect_vreg.gather [hbm4b:s17+s0], $0x80, v2, vm0, $0xb8;
	[tilespmem:$0x1E400] =	vst v63  }
0x12f: {  	_ =	swait.ge [sflag:s30], $0x2000  }
0x130: {  	[sflag:s30] =	ssyncset.done $0x0  }
0x131: {  	[sflag:s30] =	ssyncadd.s32 $0xFFFFE000  }
0x132: {  	_ =	swait.ge [sflag:s14], $0x2000  }
0x133: {  	[sflag:s14] =	ssyncset.done $0x0  }
0x134: {  	[sflag:s14] =	ssyncadd.s32 $0xFFFFE000  }
0x135: {  	_ =	swait.ge [sflag:s14], $0x2000  }
0x136: {  	[sflag:s14] =	ssyncset.done $0x0  }
0x137: {  	[sflag:s14] =	ssyncadd.s32 $0xFFFFE000  }
0x138: {  	_ =	swait.ge [sflag:s14], $0x2000  }
0x139: {  	[sflag:s14] =	ssyncset.done $0x0  }
0x13a: {  	s4 =	sand.u32 $0x40, s0;
	[sflag:s14] =	ssyncadd.s32 $0xFFFFE000  }
0x13b: {  	s6 =	sand.u32 $0x1C00, s0;
	s0 =	sand.u32 $0x380, s0;
	_ =	swait.ge [sflag:s14], $0x2000  }
0x13c: {  	s2 =	sor.u32 $0x30, s4;
	s0 =	sor.u32 s0, s6;
	[sflag:s14] =	ssyncset.done $0x0  }
0x13d: {  	s7 =	sor.u32 s2, s0;
	[sflag:s14] =	ssyncadd.s32 $0xFFFFE000  }
0x13e: {  	s11 =	sor.u32 $0x10, s4;
	s3 =	sor.u32 s4, s0;
	v2 =	vld [tilespmem:s7+$0x1A400]  }
0x13f: {  	s18 =	sor.u32 s11, s0;
	v3 =	vld [tilespmem:s3+$0x1A400]  }
0x140: {  	v4 =	vld [tilespmem:s18+$0x1A400];
	_ =	sdelay $0x2  }
0x141: {  	[tilespmem:s7+$0x8400] =	vst.add.f32.msk $0xffff, v2  }
0x142: {  	s5 =	sadd.s32 $0xA400, s0;
	[tilespmem:s3+$0x8400] =	vst.add.f32.msk $0xffff, v3  }
0x143: {  	s13 =	sor.u32 s2, s5;
	[tilespmem:s18+$0x8400] =	vst.add.f32.msk $0xffff, v4  }
0x144: {  	s24 =	sor.u32 s4, s5;
	[tilespmem:s13+$0x0] =	vst.add.f32.msk $0xffff, v2  }
0x145: {  	s10 =	sadd.s32 $0xC400, s0;
	s28 =	sor.u32 s11, s5;
	[tilespmem:s24+$0x0] =	vst.add.f32.msk $0xffff, v3  }
0x146: {  	s22 =	sadd.s32 $0xE400, s0;
	s15 =	sor.u32 s2, s10;
	[tilespmem:s28+$0x0] =	vst.add.f32.msk $0xffff, v4  }
0x147: {  	s6 =	sor.u32 s2, s22;
	[tilespmem:s15+$0x0] =	vst.add.f32.msk $0xffff, v2;
	s15 =	sor.u32 $0x20, s4  }
0x148: {  	[tilespmem:s6+$0x0] =	vst.add.f32.msk $0xffff, v2;
	s19 =	sor.u32 s15, s0  }
0x149: {  	s25 =	sor.u32 s4, s10;
	v2 =	vld [tilespmem:s19+$0x1A400]  }
0x14a: {  	s29 =	sor.u32 s11, s10;
	[tilespmem:s25+$0x0] =	vst.add.f32.msk $0xffff, v3  }
0x14b: {  	s26 =	sor.u32 s4, s22;
	s30 =	sor.u32 s11, s22;
	s18 =	simm.s32 $0x0;
	[tilespmem:s29+$0x0] =	vst.add.f32.msk $0xffff, v4  }
0x14c: {  	s24 =	simm.s32 $0x40;
	[tilespmem:s26+$0x0] =	vst.add.f32.msk $0xffff, v3;
	s8 =	sor.u32 s15, s5;
	s13 =	sor.u32 s15, s10  }
0x14d: {  	s9 =	sor.u32 s15, s22;
	[tilespmem:s30+$0x0] =	vst.add.f32.msk $0xffff, v4;
	s0 =	simm.s32 $0x8;
	s22 =	simm.s32 $0x200  }
.LBB2_4:
0x14e: {  	s4 =	sand.u32 $0x40, s24;
	s6 =	sand.u32 $0x1C00, s22;
	s7 =	sand.u32 $0x380, s0;
	[tilespmem:s19+$0x8400] =	vst.add.f32.msk $0xffff, v2  }
0x14f: {  	s6 =	sor.u32 s7, s6;
	s7 =	sor.u32 $0x10, s4;
	s10 =	sor.u32 $0x30, s4;
	[tilespmem:s8+$0x0] =	vst.add.f32.msk $0xffff, v2  }
0x150: {  	s15 =	sor.u32 $0x20, s4;
	s11 =	sor.u32 s4, s6;
	s8 =	sor.u32 s10, s6;
	[tilespmem:s13+$0x0] =	vst.add.f32.msk $0xffff, v2  }
0x151: {  	s18 =	sadd.s32 $0x4, s18;
	s25 =	sor.u32 s7, s6;
	s19 =	sor.u32 s15, s6;
	v3 =	vld [tilespmem:s8+$0x1A400]  }
0x152: {  	p0 =	slt.u32 s18, $0x1FC;
	v4 =	vld [tilespmem:s11+$0x1A400]  }
0x153: {  	v5 =	vld [tilespmem:s25+$0x1A400]  }
0x154: {  	v6 =	vld [tilespmem:s19+$0x1A400]  }
0x155: {  	s13 =	sadd.s32 $0xA400, s6;
	[tilespmem:s9+$0x0] =	vst.add.f32.msk $0xffff, v2  }
0x156: {  	s26 =	sor.u32 s4, s13;
	s9 =	sadd.s32 $0xC400, s6;
	[tilespmem:s8+$0x8400] =	vst.add.f32.msk $0xffff, v3;
	s8 =	sor.u32 s10, s13  }
0x157: {  	s6 =	sadd.s32 $0xE400, s6;
	s28 =	sor.u32 s4, s9;
	[tilespmem:s8+$0x0] =	vst.add.f32.msk $0xffff, v3;
	s8 =	sor.u32 s10, s9  }
0x158: {  	s29 =	sor.u32 s7, s13;
	s4 =	sor.u32 s4, s6;
	s10 =	sor.u32 s10, s6;
	[tilespmem:s8+$0x0] =	vst.add.f32.msk $0xffff, v3  }
0x159: {  	s30 =	sor.u32 s7, s9;
	s7 =	sor.u32 s7, s6;
	s8 =	sor.u32 s15, s13;
	[tilespmem:s10+$0x0] =	vst.add.f32.msk $0xffff, v3;
	v2 =	vmov v6  }
0x15a: {  	s13 =	sor.u32 s15, s9;
	s9 =	sor.u32 s15, s6;
	[tilespmem:s11+$0x8400] =	vst.add.f32.msk $0xffff, v4  }
0x15b: {  	[tilespmem:s26+$0x0] =	vst.add.f32.msk $0xffff, v4  }
0x15c: {  	[tilespmem:s28+$0x0] =	vst.add.f32.msk $0xffff, v4  }
.Ltmp1:
0x15d: {  	[tilespmem:s4+$0x0] =	vst.add.f32.msk $0xffff, v4;
	(pc) =	sbr.rel @p0 .LBB2_4-.Ltmp1, $4  }
0x15e: {  	[tilespmem:s25+$0x8400] =	vst.add.f32.msk $0xffff, v5  }
0x15f: {  	[tilespmem:s29+$0x0] =	vst.add.f32.msk $0xffff, v5  }
0x160: {  	[tilespmem:s30+$0x0] =	vst.add.f32.msk $0xffff, v5  }
0x161: {  	s0 =	sadd.s32 $0x8, s0;
	s22 =	sadd.s32 $0x200, s22;
	s24 =	sadd.s32 $0x40, s24;
	[tilespmem:s7+$0x0] =	vst.add.f32.msk $0xffff, v5  }
0x162: {  	[tilespmem:s19+$0x8400] =	vst.add.f32.msk $0xffff, v2  }
0x163: {  	[tilespmem:s8+$0x0] =	vst.add.f32.msk $0xffff, v2  }
0x164: {  	[tilespmem:s13+$0x0] =	vst.add.f32.msk $0xffff, v2  }
0x165: {  	[tilespmem:s9+$0x0] =	vst.add.f32.msk $0xffff, v2  }
0x166: {  	s25 =	simm.s32 $0x0;
	s1 =	simm.s32 $0x18400;
	s0 =	rddreg [dreg:$0x17]  }
0x167: {  	[tilespmem:s1], [sflag:$0x7] =	stream.linear.gather [hbm4b:s0+s25], $0x2000, $0x38;
	[tilespmem:$0x1E400] =	vst v63  }
0x168: {  	s22 =	rddreg [dreg:$0x13]  }
0x169: {  	[hbm4b:s22+s25] =	stream.linear.scatter [tilespmem:s20], [sflag:$0x5], $0x2000, $0x38;
	[tilespmem:$0x1E400] =	vst v63  }
0x16a: {  	s24 =	rddreg [dreg:$0x19]  }
0x16b: {  	[hbm4b:s24+s25] =	stream.linear.scatter [tilespmem:s23], [sflag:$0x5], $0x2000, $0x38;
	[tilespmem:$0x1E400] =	vst v63  }
0x16c: {  	s28 =	simm.s32 $0xC400;
	s26 =	rddreg [dreg:$0x1a]  }
0x16d: {  	[hbm4b:s26+s25] =	stream.linear.scatter [tilespmem:s28], [sflag:$0x5], $0x2000, $0x38;
	[tilespmem:$0x1E400] =	vst v63  }
0x16e: {  	s30 =	simm.s32 $0xE400;
	s29 =	rddreg [dreg:$0x1b];
	s26 =	simm.s32 $0x0  }
0x16f: {  	[hbm4b:s29+s25] =	stream.linear.scatter [tilespmem:s30], [sflag:$0x5], $0x2000, $0x38;
	[tilespmem:$0x1E400] =	vst v63  }
.LBB2_6:
0x170: {  	_ =	swait.ge [sflag:s12], $0x2000  }
0x171: {  	[sflag:s12] =	ssyncset.done $0x0  }
0x172: {  	[sflag:s12] =	ssyncadd.s32 $0xFFFFE000  }
0x173: {  	_ =	swait.ge [sflag:s12], $0x2000  }
0x174: {  	[sflag:s12] =	ssyncset.done $0x0  }
0x175: {  	[sflag:s12] =	ssyncadd.s32 $0xFFFFE000  }
0x176: {  	s30 =	smul.u32 $0x18, s26;
	_ =	swait.ge [sflag:s12], $0x2000  }
0x177: {  	[sflag:s12] =	ssyncset.done $0x0  }
0x178: {  	s29 =	sadd.s32 $0x18, s30;
	[sflag:s12] =	ssyncadd.s32 $0xFFFFE000  }
0x179: {  	s0 =	sshll.u32 s29, $0x2;
	_ =	swait.ge [sflag:s12], $0x2000  }
0x17a: {  	s4 =	sand.u32 $0x78, s29;
	s0 =	sand.u32 $0xE00, s0;
	[sflag:s12] =	ssyncset.done $0x0  }
0x17b: {  	s0 =	sor.u32 s4, s0;
	[sflag:s12] =	ssyncadd.s32 $0xFFFFE000  }
0x17c: {  	v2 =	vld.msk [tilespmem:s0+$0x0], $0xff;
	_ =	sdelay $0x4  }
0x17d: {  	v3 =	vshll.u32 v2, $0x3  }
0x17e: {  	v2 =	vand.u32 $0x7, v2;
	v3 =	vand.u32 $0xFFFFFFC0, v3  }
0x17f: {  	v2 =	vor.u32 v2, v3  }
0x180: {  	v2 =	vperm.xlane v2, v0;
	_ =	sdelay $0x1  }
0x181: {  	v2 =	vadd.s32 v1, v2;
	_ =	sdelay $0x3  }
0x182: {  	s2 =	simm.s32 $0x400;
	s1 =	rddreg [dreg:$0x1]  }
0x183: {  	[tilespmem:s2], [sflag:$0x1] =	stream.indirect_vreg.gather [hbm4b:s1+s25], $0x80, v2, vm0, $0xb8;
	[tilespmem:$0x1E400] =	vst v63  }
0x184: {  	s13 =	simm.s32 $0xC00  }
0x185: {  	[tilespmem:s13], [sflag:$0x1] =	stream.indirect_vreg.gather [hbm4b:s31+s25], $0x80, v2, vm0, $0xb8;
	[tilespmem:$0x1E400] =	vst v63  }
0x186: {  	s15 =	simm.s32 $0x1400  }
0x187: {  	[tilespmem:s15], [sflag:$0x1] =	stream.indirect_vreg.gather [hbm4b:s16+s25], $0x80, v2, vm0, $0xb8;
	[tilespmem:$0x1E400] =	vst v63  }
0x188: {  	s18 =	simm.s32 $0x1C00;
	s4 =	sor.u32 $0x80, s0  }
0x189: {  	[tilespmem:s18], [sflag:$0x1] =	stream.indirect_vreg.gather [hbm4b:s17+s25], $0x80, v2, vm0, $0xb8;
	[tilespmem:$0x1E400] =	vst v63  }
0x18a: {  	v2 =	vld.msk [tilespmem:s4+$0x0], $0xff;
	_ =	sdelay $0x4  }
0x18b: {  	v3 =	vshll.u32 v2, $0x3  }
0x18c: {  	v2 =	vand.u32 $0x7, v2;
	v3 =	vand.u32 $0xFFFFFFC0, v3  }
0x18d: {  	v2 =	vor.u32 v2, v3  }
0x18e: {  	v2 =	vperm.xlane v2, v0;
	_ =	sdelay $0x1  }
0x18f: {  	v2 =	vadd.s32 v1, v2;
	_ =	sdelay $0x3  }
0x190: {  	s19 =	simm.s32 $0x2400  }
0x191: {  	[tilespmem:s19], [sflag:$0x1] =	stream.indirect_vreg.gather [hbm4b:s1+s25], $0x80, v2, vm0, $0xb8;
	[tilespmem:$0x1E400] =	vst v63  }
0x192: {  	s22 =	simm.s32 $0x2C00  }
0x193: {  	[tilespmem:s22], [sflag:$0x1] =	stream.indirect_vreg.gather [hbm4b:s31+s25], $0x80, v2, vm0, $0xb8;
	[tilespmem:$0x1E400] =	vst v63  }
0x194: {  	s24 =	simm.s32 $0x3400  }
0x195: {  	[tilespmem:s24], [sflag:$0x1] =	stream.indirect_vreg.gather [hbm4b:s16+s25], $0x80, v2, vm0, $0xb8;
	[tilespmem:$0x1E400] =	vst v63  }
0x196: {  	s28 =	simm.s32 $0x3C00;
	s3 =	sor.u32 $0x100, s0  }
0x197: {  	[tilespmem:s28], [sflag:$0x1] =	stream.indirect_vreg.gather [hbm4b:s17+s25], $0x80, v2, vm0, $0xb8;
	[tilespmem:$0x1E400] =	vst v63  }
0x198: {  	v2 =	vld.msk [tilespmem:s3+$0x0], $0xff;
	_ =	sdelay $0x4  }
0x199: {  	v3 =	vshll.u32 v2, $0x3  }
0x19a: {  	v2 =	vand.u32 $0x7, v2;
	v3 =	vand.u32 $0xFFFFFFC0, v3  }
0x19b: {  	v2 =	vor.u32 v2, v3  }
0x19c: {  	v2 =	vperm.xlane v2, v0;
	_ =	sdelay $0x1  }
0x19d: {  	v2 =	vadd.s32 v1, v2;
	_ =	sdelay $0x3  }
0x19e: {  	s4 =	simm.s32 $0x4400  }
0x19f: {  	[tilespmem:s4], [sflag:$0x1] =	stream.indirect_vreg.gather [hbm4b:s1+s25], $0x80, v2, vm0, $0xb8;
	[tilespmem:$0x1E400] =	vst v63  }
0x1a0: {  	s5 =	simm.s32 $0x4C00  }
0x1a1: {  	[tilespmem:s5], [sflag:$0x1] =	stream.indirect_vreg.gather [hbm4b:s31+s25], $0x80, v2, vm0, $0xb8;
	[tilespmem:$0x1E400] =	vst v63  }
0x1a2: {  	s6 =	simm.s32 $0x5400  }
0x1a3: {  	[tilespmem:s6], [sflag:$0x1] =	stream.indirect_vreg.gather [hbm4b:s16+s25], $0x80, v2, vm0, $0xb8;
	[tilespmem:$0x1E400] =	vst v63  }
0x1a4: {  	s7 =	simm.s32 $0x5C00;
	s0 =	sor.u32 $0x180, s0  }
0x1a5: {  	[tilespmem:s7], [sflag:$0x1] =	stream.indirect_vreg.gather [hbm4b:s17+s25], $0x80, v2, vm0, $0xb8;
	[tilespmem:$0x1E400] =	vst v63  }
0x1a6: {  	v2 =	vld.msk [tilespmem:s0+$0x0], $0xff;
	_ =	sdelay $0x4  }
0x1a7: {  	v3 =	vshll.u32 v2, $0x3  }
0x1a8: {  	v2 =	vand.u32 $0x7, v2;
	v3 =	vand.u32 $0xFFFFFFC0, v3  }
0x1a9: {  	v2 =	vor.u32 v2, v3  }
0x1aa: {  	v2 =	vperm.xlane v2, v0;
	_ =	sdelay $0x1  }
0x1ab: {  	v2 =	vadd.s32 v1, v2;
	_ =	sdelay $0x3  }
0x1ac: {  	s8 =	simm.s32 $0x6400  }
0x1ad: {  	[tilespmem:s8], [sflag:$0x1] =	stream.indirect_vreg.gather [hbm4b:s1+s25], $0x80, v2, vm0, $0xb8;
	[tilespmem:$0x1E400] =	vst v63  }
0x1ae: {  	s9 =	simm.s32 $0x6C00  }
0x1af: {  	[tilespmem:s9], [sflag:$0x1] =	stream.indirect_vreg.gather [hbm4b:s31+s25], $0x80, v2, vm0, $0xb8;
	[tilespmem:$0x1E400] =	vst v63  }
0x1b0: {  	s10 =	simm.s32 $0x7400  }
0x1b1: {  	[tilespmem:s10], [sflag:$0x1] =	stream.indirect_vreg.gather [hbm4b:s16+s25], $0x80, v2, vm0, $0xb8;
	[tilespmem:$0x1E400] =	vst v63  }
0x1b2: {  	s11 =	simm.s32 $0x7C00;
	s13 =	simm.s32 $0x9  }
0x1b3: {  	[tilespmem:s11], [sflag:$0x1] =	stream.indirect_vreg.gather [hbm4b:s17+s25], $0x80, v2, vm0, $0xb8;
	[tilespmem:$0x1E400] =	vst v63  }
0x1b4: {  	_ =	swait.ge [sflag:s13], $0x2000  }
0x1b5: {  	[sflag:s13] =	ssyncset.done $0x0  }
0x1b6: {  	s15 =	simm.s32 $0x3;
	[sflag:s13] =	ssyncadd.s32 $0xFFFFE000  }
0x1b7: {  	_ =	swait.ge [sflag:s15], $0x2000  }
0x1b8: {  	[sflag:s15] =	ssyncset.done $0x0  }
0x1b9: {  	[sflag:s15] =	ssyncadd.s32 $0xFFFFE000  }
0x1ba: {  	_ =	swait.ge [sflag:s15], $0x2000  }
0x1bb: {  	[sflag:s15] =	ssyncset.done $0x0  }
0x1bc: {  	[sflag:s15] =	ssyncadd.s32 $0xFFFFE000  }
0x1bd: {  	_ =	swait.ge [sflag:s15], $0x2000  }
0x1be: {  	[sflag:s15] =	ssyncset.done $0x0  }
0x1bf: {  	s18 =	sand.u32 $0x40, s25;
	[sflag:s15] =	ssyncadd.s32 $0xFFFFE000  }
0x1c0: {  	s22 =	sand.u32 $0x1C00, s25;
	s6 =	sand.u32 $0x380, s25;
	_ =	swait.ge [sflag:s15], $0x2000  }
0x1c1: {  	s24 =	sor.u32 $0x30, s18;
	s4 =	sor.u32 s6, s22;
	[sflag:s15] =	ssyncset.done $0x0  }
0x1c2: {  	s7 =	sor.u32 s24, s4;
	[sflag:s15] =	ssyncadd.s32 $0xFFFFE000  }
0x1c3: {  	s8 =	sor.u32 s18, s4;
	s11 =	sor.u32 $0x10, s18;
	v2 =	vld [tilespmem:s7+$0x1C400]  }
0x1c4: {  	s13 =	sor.u32 s11, s4;
	v3 =	vld [tilespmem:s8+$0x1C400]  }
0x1c5: {  	v4 =	vld [tilespmem:s13+$0x1C400];
	_ =	sdelay $0x2  }
0x1c6: {  	[tilespmem:s7+$0x10400] =	vst.add.f32.msk $0xffff, v2  }
0x1c7: {  	s9 =	sadd.s32 $0x12400, s4;
	[tilespmem:s8+$0x10400] =	vst.add.f32.msk $0xffff, v3  }
0x1c8: {  	s28 =	sor.u32 s24, s9;
	[tilespmem:s13+$0x10400] =	vst.add.f32.msk $0xffff, v4  }
0x1c9: {  	s3 =	sor.u32 s18, s9;
	s10 =	sadd.s32 $0x14400, s4;
	[tilespmem:s28+$0x0] =	vst.add.f32.msk $0xffff, v2  }
0x1ca: {  	s1 =	sor.u32 s24, s10;
	[tilespmem:s3+$0x0] =	vst.add.f32.msk $0xffff, v3  }
0x1cb: {  	s2 =	sadd.s32 $0x16400, s4;
	s19 =	sor.u32 s18, s10;
	[tilespmem:s1+$0x0] =	vst.add.f32.msk $0xffff, v2  }
0x1cc: {  	s5 =	sor.u32 $0x20, s18;
	s6 =	sor.u32 s24, s2;
	[tilespmem:s19+$0x0] =	vst.add.f32.msk $0xffff, v3  }
0x1cd: {  	s19 =	sor.u32 s5, s4;
	[tilespmem:s6+$0x0] =	vst.add.f32.msk $0xffff, v2  }
0x1ce: {  	s22 =	sor.u32 s11, s9;
	v2 =	vld [tilespmem:s19+$0x1C400]  }
0x1cf: {  	s24 =	sor.u32 s11, s10;
	[tilespmem:s22+$0x0] =	vst.add.f32.msk $0xffff, v4  }
0x1d0: {  	s0 =	sor.u32 s18, s2;
	s18 =	simm.s32 $0x0;
	s15 =	sor.u32 s5, s9;
	[tilespmem:s24+$0x0] =	vst.add.f32.msk $0xffff, v4  }
0x1d1: {  	s9 =	sor.u32 s5, s2;
	s13 =	sor.u32 s5, s10;
	s28 =	sor.u32 s11, s2;
	[tilespmem:s0+$0x0] =	vst.add.f32.msk $0xffff, v3  }
0x1d2: {  	s22 =	simm.s32 $0x200;
	s24 =	simm.s32 $0x40;
	[tilespmem:s28+$0x0] =	vst.add.f32.msk $0xffff, v4;
	s0 =	simm.s32 $0x8  }
.LBB2_7:
0x1d3: {  	s4 =	sand.u32 $0x40, s24;
	s6 =	sand.u32 $0x1C00, s22;
	s7 =	sand.u32 $0x380, s0;
	[tilespmem:s19+$0x10400] =	vst.add.f32.msk $0xffff, v2  }
0x1d4: {  	s6 =	sor.u32 s7, s6;
	s7 =	sor.u32 $0x10, s4;
	s8 =	sor.u32 $0x30, s4;
	[tilespmem:s15+$0x0] =	vst.add.f32.msk $0xffff, v2  }
0x1d5: {  	s11 =	sor.u32 $0x20, s4;
	s10 =	sor.u32 s4, s6;
	s15 =	sor.u32 s8, s6;
	[tilespmem:s13+$0x0] =	vst.add.f32.msk $0xffff, v2  }
0x1d6: {  	s18 =	sadd.s32 $0x4, s18;
	s28 =	sor.u32 s7, s6;
	s19 =	sor.u32 s11, s6;
	v3 =	vld [tilespmem:s15+$0x1C400]  }
0x1d7: {  	p0 =	slt.u32 s18, $0x1FC;
	v4 =	vld [tilespmem:s10+$0x1C400]  }
0x1d8: {  	v5 =	vld [tilespmem:s28+$0x1C400]  }
0x1d9: {  	v6 =	vld [tilespmem:s19+$0x1C400]  }
0x1da: {  	s13 =	sadd.s32 $0x12400, s6;
	[tilespmem:s9+$0x0] =	vst.add.f32.msk $0xffff, v2  }
0x1db: {  	s5 =	sor.u32 s4, s13;
	s9 =	sadd.s32 $0x14400, s6;
	[tilespmem:s15+$0x10400] =	vst.add.f32.msk $0xffff, v3;
	s15 =	sor.u32 s8, s13  }
0x1dc: {  	s6 =	sadd.s32 $0x16400, s6;
	s2 =	sor.u32 s4, s9;
	[tilespmem:s15+$0x0] =	vst.add.f32.msk $0xffff, v3;
	s15 =	sor.u32 s8, s9  }
0x1dd: {  	s1 =	sor.u32 s7, s13;
	s4 =	sor.u32 s4, s6;
	s8 =	sor.u32 s8, s6;
	[tilespmem:s15+$0x0] =	vst.add.f32.msk $0xffff, v3  }
0x1de: {  	s3 =	sor.u32 s7, s9;
	s7 =	sor.u32 s7, s6;
	s15 =	sor.u32 s11, s13;
	[tilespmem:s8+$0x0] =	vst.add.f32.msk $0xffff, v3;
	v2 =	vmov v6  }
0x1df: {  	s13 =	sor.u32 s11, s9;
	s9 =	sor.u32 s11, s6;
	[tilespmem:s10+$0x10400] =	vst.add.f32.msk $0xffff, v4  }
0x1e0: {  	[tilespmem:s5+$0x0] =	vst.add.f32.msk $0xffff, v4  }
0x1e1: {  	[tilespmem:s2+$0x0] =	vst.add.f32.msk $0xffff, v4  }
.Ltmp2:
0x1e2: {  	[tilespmem:s4+$0x0] =	vst.add.f32.msk $0xffff, v4;
	(pc) =	sbr.rel @p0 .LBB2_7-.Ltmp2, $4  }
0x1e3: {  	[tilespmem:s28+$0x10400] =	vst.add.f32.msk $0xffff, v5  }
0x1e4: {  	[tilespmem:s1+$0x0] =	vst.add.f32.msk $0xffff, v5  }
0x1e5: {  	[tilespmem:s3+$0x0] =	vst.add.f32.msk $0xffff, v5  }
0x1e6: {  	s0 =	sadd.s32 $0x8, s0;
	s22 =	sadd.s32 $0x200, s22;
	s24 =	sadd.s32 $0x40, s24;
	[tilespmem:s7+$0x0] =	vst.add.f32.msk $0xffff, v5  }
0x1e7: {  	[tilespmem:s19+$0x10400] =	vst.add.f32.msk $0xffff, v2  }
0x1e8: {  	[tilespmem:s15+$0x0] =	vst.add.f32.msk $0xffff, v2  }
0x1e9: {  	s19 =	sadd.s32 $0x20, s30;
	s18 =	simm.s32 $0x0;
	s1 =	rddreg [dreg:$0x4];
	[tilespmem:s13+$0x0] =	vst.add.f32.msk $0xffff, v2  }
0x1ea: {  	s2 =	simm.s32 $0x1A400;
	s0 =	sadd.s32 s1, s19;
	[tilespmem:s9+$0x0] =	vst.add.f32.msk $0xffff, v2;
	s9 =	sadd.s32 $0x10, s30  }
0x1eb: {  	s24 =	sshll.u32 s0, $0x7;
	s8 =	rddreg [dreg:$0x5];
	s1 =	sadd.s32 s1, s9  }
0x1ec: {  	s10 =	rddreg [dreg:$0x2];
	s0 =	sadd.s32 s8, s24;
	s1 =	sshll.u32 s1, $0x7  }
0x1ed: {  	[tilespmem:s2], [sflag:$0x8] =	stream.linear.gather [hbm4b:s0+s18], $0x2000, $0x38;
	[tilespmem:$0x1E400] =	vst v63  }
0x1ee: {  	s3 =	simm.s32 $0x10400;
	s11 =	rddreg [dreg:$0x6];
	s1 =	sadd.s32 s10, s1  }
0x1ef: {  	[hbm4b:s1+s18] =	stream.linear.scatter [tilespmem:s3], [sflag:$0x6], $0x2000, $0x38;
	[tilespmem:$0x1E400] =	vst v63  }
0x1f0: {  	s1 =	sadd.s32 s11, s9  }
0x1f1: {  	s1 =	sshll.u32 s1, $0x7  }
0x1f2: {  	s13 =	simm.s32 $0x12400;
	s15 =	rddreg [dreg:$0x9];
	s1 =	sadd.s32 s10, s1  }
0x1f3: {  	[hbm4b:s1+s18] =	stream.linear.scatter [tilespmem:s13], [sflag:$0x6], $0x2000, $0x38;
	[tilespmem:$0x1E400] =	vst v63  }
0x1f4: {  	s4 =	rddreg [dreg:$0xa];
	s1 =	sadd.s32 s15, s9  }
0x1f5: {  	s0 =	sadd.s32 s4, s9;
	s1 =	sshll.u32 s1, $0x7  }
0x1f6: {  	s22 =	simm.s32 $0x14400;
	s0 =	sshll.u32 s0, $0x7;
	s1 =	sadd.s32 s10, s1  }
0x1f7: {  	[hbm4b:s1+s18] =	stream.linear.scatter [tilespmem:s22], [sflag:$0x6], $0x2000, $0x38;
	[tilespmem:$0x1E400] =	vst v63  }
0x1f8: {  	s5 =	simm.s32 $0x16400;
	s0 =	sadd.s32 s10, s0  }
0x1f9: {  	[hbm4b:s0+s18] =	stream.linear.scatter [tilespmem:s5], [sflag:$0x6], $0x2000, $0x38;
	[tilespmem:$0x1E400] =	vst v63  }
0x1fa: {  	_ =	swait.ge [sflag:s21], $0x2000  }
0x1fb: {  	[sflag:s21] =	ssyncset.done $0x0  }
0x1fc: {  	[sflag:s21] =	ssyncadd.s32 $0xFFFFE000  }
0x1fd: {  	_ =	swait.ge [sflag:s21], $0x2000  }
0x1fe: {  	[sflag:s21] =	ssyncset.done $0x0  }
0x1ff: {  	[sflag:s21] =	ssyncadd.s32 $0xFFFFE000  }
0x200: {  	_ =	swait.ge [sflag:s21], $0x2000  }
0x201: {  	[sflag:s21] =	ssyncset.done $0x0  }
0x202: {  	[sflag:s21] =	ssyncadd.s32 $0xFFFFE000  }
0x203: {  	s6 =	sshll.u32 s19, $0x2;
	_ =	swait.ge [sflag:s21], $0x2000  }
0x204: {  	s7 =	sand.u32 $0x78, s19;
	s0 =	sand.u32 $0xE00, s6;
	[sflag:s21] =	ssyncset.done $0x0  }
0x205: {  	s0 =	sor.u32 s7, s0;
	[sflag:s21] =	ssyncadd.s32 $0xFFFFE000  }
0x206: {  	v2 =	vld.msk [tilespmem:s0+$0x0], $0xff;
	_ =	sdelay $0x4  }
0x207: {  	v3 =	vshll.u32 v2, $0x3  }
0x208: {  	v2 =	vand.u32 $0x7, v2;
	v3 =	vand.u32 $0xFFFFFFC0, v3  }
0x209: {  	v2 =	vor.u32 v2, v3  }
0x20a: {  	v2 =	vperm.xlane v2, v0;
	_ =	sdelay $0x1  }
0x20b: {  	v2 =	vadd.s32 v1, v2;
	_ =	sdelay $0x3  }
0x20c: {  	s8 =	rddreg [dreg:$0x1]  }
0x20d: {  	[tilespmem:s20], [sflag:$0x2] =	stream.indirect_vreg.gather [hbm4b:s8+s18], $0x80, v2, vm0, $0xb8;
	[tilespmem:$0x1E400] =	vst v63  }
0x20e: {  	s9 =	simm.s32 $0x8C00  }
0x20f: {  	[tilespmem:s9], [sflag:$0x2] =	stream.indirect_vreg.gather [hbm4b:s31+s18], $0x80, v2, vm0, $0xb8;
	[tilespmem:$0x1E400] =	vst v63  }
0x210: {  	s10 =	simm.s32 $0x9400  }
0x211: {  	[tilespmem:s10], [sflag:$0x2] =	stream.indirect_vreg.gather [hbm4b:s16+s18], $0x80, v2, vm0, $0xb8;
	[tilespmem:$0x1E400] =	vst v63  }
0x212: {  	s11 =	simm.s32 $0x9C00;
	s13 =	sor.u32 $0x80, s0  }
0x213: {  	[tilespmem:s11], [sflag:$0x2] =	stream.indirect_vreg.gather [hbm4b:s17+s18], $0x80, v2, vm0, $0xb8;
	[tilespmem:$0x1E400] =	vst v63  }
0x214: {  	v2 =	vld.msk [tilespmem:s13+$0x0], $0xff;
	_ =	sdelay $0x4  }
0x215: {  	v3 =	vshll.u32 v2, $0x3  }
0x216: {  	v2 =	vand.u32 $0x7, v2;
	v3 =	vand.u32 $0xFFFFFFC0, v3  }
0x217: {  	v2 =	vor.u32 v2, v3  }
0x218: {  	v2 =	vperm.xlane v2, v0;
	_ =	sdelay $0x1  }
0x219: {  	v2 =	vadd.s32 v1, v2;
	_ =	sdelay $0x4  }
0x21a: {  	[tilespmem:s23], [sflag:$0x2] =	stream.indirect_vreg.gather [hbm4b:s8+s18], $0x80, v2, vm0, $0xb8;
	[tilespmem:$0x1E400] =	vst v63  }
0x21b: {  	s15 =	simm.s32 $0xAC00  }
0x21c: {  	[tilespmem:s15], [sflag:$0x2] =	stream.indirect_vreg.gather [hbm4b:s31+s18], $0x80, v2, vm0, $0xb8;
	[tilespmem:$0x1E400] =	vst v63  }
0x21d: {  	s20 =	simm.s32 $0xB400  }
0x21e: {  	[tilespmem:s20], [sflag:$0x2] =	stream.indirect_vreg.gather [hbm4b:s16+s18], $0x80, v2, vm0, $0xb8;
	[tilespmem:$0x1E400] =	vst v63  }
0x21f: {  	s22 =	simm.s32 $0xBC00;
	s23 =	sor.u32 $0x100, s0  }
0x220: {  	[tilespmem:s22], [sflag:$0x2] =	stream.indirect_vreg.gather [hbm4b:s17+s18], $0x80, v2, vm0, $0xb8;
	[tilespmem:$0x1E400] =	vst v63  }
0x221: {  	v2 =	vld.msk [tilespmem:s23+$0x0], $0xff;
	_ =	sdelay $0x4  }
0x222: {  	v3 =	vshll.u32 v2, $0x3  }
0x223: {  	v2 =	vand.u32 $0x7, v2;
	v3 =	vand.u32 $0xFFFFFFC0, v3  }
0x224: {  	v2 =	vor.u32 v2, v3  }
0x225: {  	v2 =	vperm.xlane v2, v0;
	_ =	sdelay $0x1  }
0x226: {  	v2 =	vadd.s32 v1, v2;
	_ =	sdelay $0x3  }
0x227: {  	s3 =	simm.s32 $0xC400  }
0x228: {  	[tilespmem:s3], [sflag:$0x2] =	stream.indirect_vreg.gather [hbm4b:s8+s18], $0x80, v2, vm0, $0xb8;
	[tilespmem:$0x1E400] =	vst v63  }
0x229: {  	s4 =	simm.s32 $0xCC00  }
0x22a: {  	[tilespmem:s4], [sflag:$0x2] =	stream.indirect_vreg.gather [hbm4b:s31+s18], $0x80, v2, vm0, $0xb8;
	[tilespmem:$0x1E400] =	vst v63  }
0x22b: {  	s5 =	simm.s32 $0xD400  }
0x22c: {  	[tilespmem:s5], [sflag:$0x2] =	stream.indirect_vreg.gather [hbm4b:s16+s18], $0x80, v2, vm0, $0xb8;
	[tilespmem:$0x1E400] =	vst v63  }
0x22d: {  	s6 =	simm.s32 $0xDC00;
	s0 =	sor.u32 $0x180, s0  }
0x22e: {  	[tilespmem:s6], [sflag:$0x2] =	stream.indirect_vreg.gather [hbm4b:s17+s18], $0x80, v2, vm0, $0xb8;
	[tilespmem:$0x1E400] =	vst v63  }
0x22f: {  	v2 =	vld.msk [tilespmem:s0+$0x0], $0xff;
	_ =	sdelay $0x4  }
0x230: {  	v3 =	vshll.u32 v2, $0x3  }
0x231: {  	v2 =	vand.u32 $0x7, v2;
	v3 =	vand.u32 $0xFFFFFFC0, v3  }
0x232: {  	v2 =	vor.u32 v2, v3  }
0x233: {  	v2 =	vperm.xlane v2, v0;
	_ =	sdelay $0x1  }
0x234: {  	v2 =	vadd.s32 v1, v2;
	_ =	sdelay $0x3  }
0x235: {  	s7 =	simm.s32 $0xE400  }
0x236: {  	[tilespmem:s7], [sflag:$0x2] =	stream.indirect_vreg.gather [hbm4b:s8+s18], $0x80, v2, vm0, $0xb8;
	[tilespmem:$0x1E400] =	vst v63  }
0x237: {  	s8 =	simm.s32 $0xEC00  }
0x238: {  	[tilespmem:s8], [sflag:$0x2] =	stream.indirect_vreg.gather [hbm4b:s31+s18], $0x80, v2, vm0, $0xb8;
	[tilespmem:$0x1E400] =	vst v63  }
0x239: {  	s9 =	simm.s32 $0xF400  }
0x23a: {  	[tilespmem:s9], [sflag:$0x2] =	stream.indirect_vreg.gather [hbm4b:s16+s18], $0x80, v2, vm0, $0xb8;
	[tilespmem:$0x1E400] =	vst v63  }
0x23b: {  	s10 =	simm.s32 $0xFC00;
	s11 =	simm.s32 $0x7  }
0x23c: {  	[tilespmem:s10], [sflag:$0x2] =	stream.indirect_vreg.gather [hbm4b:s17+s18], $0x80, v2, vm0, $0xb8;
	[tilespmem:$0x1E400] =	vst v63  }
0x23d: {  	_ =	swait.ge [sflag:s11], $0x2000  }
0x23e: {  	[sflag:s11] =	ssyncset.done $0x0  }
0x23f: {  	s13 =	simm.s32 $0x1;
	[sflag:s11] =	ssyncadd.s32 $0xFFFFE000  }
0x240: {  	_ =	swait.ge [sflag:s13], $0x2000  }
0x241: {  	[sflag:s13] =	ssyncset.done $0x0  }
0x242: {  	[sflag:s13] =	ssyncadd.s32 $0xFFFFE000  }
0x243: {  	_ =	swait.ge [sflag:s13], $0x2000  }
0x244: {  	[sflag:s13] =	ssyncset.done $0x0  }
0x245: {  	[sflag:s13] =	ssyncadd.s32 $0xFFFFE000  }
0x246: {  	_ =	swait.ge [sflag:s13], $0x2000  }
0x247: {  	[sflag:s13] =	ssyncset.done $0x0  }
0x248: {  	s15 =	sand.u32 $0x40, s18;
	[sflag:s13] =	ssyncadd.s32 $0xFFFFE000  }
0x249: {  	s20 =	sand.u32 $0x1C00, s18;
	s22 =	sand.u32 $0x380, s18;
	_ =	swait.ge [sflag:s13], $0x2000  }
0x24a: {  	s23 =	sor.u32 $0x30, s15;
	s0 =	sor.u32 s22, s20;
	[sflag:s13] =	ssyncset.done $0x0  }
0x24b: {  	s7 =	sor.u32 s23, s0;
	[sflag:s13] =	ssyncadd.s32 $0xFFFFE000  }
0x24c: {  	s4 =	sor.u32 s15, s0;
	v2 =	vld [tilespmem:s7+$0x18400]  }
0x24d: {  	v3 =	vld [tilespmem:s4+$0x18400];
	_ =	sdelay $0x3  }
0x24e: {  	s5 =	sadd.s32 $0x2400, s0;
	[tilespmem:s7+$0x400] =	vst.add.f32.msk $0xffff, v2  }
0x24f: {  	s8 =	sor.u32 s23, s5;
	[tilespmem:s4+$0x400] =	vst.add.f32.msk $0xffff, v3  }
0x250: {  	s6 =	sadd.s32 $0x4400, s0;
	s11 =	sor.u32 s15, s5;
	[tilespmem:s8+$0x0] =	vst.add.f32.msk $0xffff, v2  }
0x251: {  	s9 =	sor.u32 s23, s6;
	s7 =	sor.u32 $0x10, s15;
	[tilespmem:s11+$0x0] =	vst.add.f32.msk $0xffff, v3  }
0x252: {  	s8 =	sor.u32 s7, s0;
	[tilespmem:s9+$0x0] =	vst.add.f32.msk $0xffff, v2  }
0x253: {  	s10 =	sadd.s32 $0x6400, s0;
	s18 =	sor.u32 s15, s6;
	v4 =	vld [tilespmem:s8+$0x18400]  }
0x254: {  	s2 =	sor.u32 s23, s10;
	s13 =	sor.u32 $0x20, s15;
	[tilespmem:s18+$0x0] =	vst.add.f32.msk $0xffff, v3  }
0x255: {  	s0 =	sor.u32 s13, s0;
	[tilespmem:s2+$0x0] =	vst.add.f32.msk $0xffff, v2  }
0x256: {  	s1 =	sor.u32 s15, s10;
	v2 =	vld [tilespmem:s0+$0x18400]  }
0x257: {  	[tilespmem:s1+$0x0] =	vst.add.f32.msk $0xffff, v3  }
0x258: {  	s20 =	sor.u32 s7, s5;
	[tilespmem:s8+$0x400] =	vst.add.f32.msk $0xffff, v4  }
0x259: {  	s28 =	simm.s32 $0x200;
	s15 =	sor.u32 s13, s6;
	s22 =	sor.u32 s7, s6;
	[tilespmem:s20+$0x0] =	vst.add.f32.msk $0xffff, v4  }
0x25a: {  	s23 =	sor.u32 s7, s10;
	s18 =	simm.s32 $0x0;
	s9 =	simm.s32 $0x40;
	[tilespmem:s22+$0x0] =	vst.add.f32.msk $0xffff, v4  }
0x25b: {  	s8 =	sor.u32 s13, s5;
	s13 =	sor.u32 s13, s10;
	s22 =	simm.s32 $0x8;
	[tilespmem:s23+$0x0] =	vst.add.f32.msk $0xffff, v4  }
.LBB2_9:
0x25c: {  	s1 =	sand.u32 $0x40, s9;
	s2 =	sand.u32 $0x1C00, s28;
	s3 =	sand.u32 $0x380, s22;
	[tilespmem:s0+$0x400] =	vst.add.f32.msk $0xffff, v2  }
0x25d: {  	s2 =	sor.u32 s3, s2;
	s3 =	sor.u32 $0x10, s1;
	s4 =	sor.u32 $0x30, s1;
	[tilespmem:s8+$0x0] =	vst.add.f32.msk $0xffff, v2  }
0x25e: {  	s6 =	sor.u32 $0x20, s1;
	s5 =	sor.u32 s1, s2;
	s7 =	sor.u32 s4, s2;
	[tilespmem:s15+$0x0] =	vst.add.f32.msk $0xffff, v2  }
0x25f: {  	s18 =	sadd.s32 $0x4, s18;
	s10 =	sor.u32 s3, s2;
	s0 =	sor.u32 s6, s2;
	v3 =	vld [tilespmem:s7+$0x18400]  }
0x260: {  	p0 =	slt.u32 s18, $0x1FC;
	v4 =	vld [tilespmem:s5+$0x18400]  }
0x261: {  	v5 =	vld [tilespmem:s10+$0x18400]  }
0x262: {  	v6 =	vld [tilespmem:s0+$0x18400]  }
0x263: {  	s8 =	sadd.s32 $0x2400, s2;
	[tilespmem:s13+$0x0] =	vst.add.f32.msk $0xffff, v2  }
0x264: {  	s11 =	sor.u32 s1, s8;
	s13 =	sadd.s32 $0x4400, s2;
	[tilespmem:s7+$0x400] =	vst.add.f32.msk $0xffff, v3;
	s7 =	sor.u32 s4, s8  }
0x265: {  	s2 =	sadd.s32 $0x6400, s2;
	s23 =	sor.u32 s1, s13;
	[tilespmem:s7+$0x0] =	vst.add.f32.msk $0xffff, v3;
	s7 =	sor.u32 s4, s13  }
0x266: {  	s20 =	sor.u32 s3, s8;
	s1 =	sor.u32 s1, s2;
	s4 =	sor.u32 s4, s2;
	[tilespmem:s7+$0x0] =	vst.add.f32.msk $0xffff, v3  }
0x267: {  	s8 =	sor.u32 s6, s8;
	s7 =	sor.u32 s3, s13;
	s3 =	sor.u32 s3, s2;
	[tilespmem:s4+$0x0] =	vst.add.f32.msk $0xffff, v3;
	v2 =	vmov v6  }
0x268: {  	s15 =	sor.u32 s6, s13;
	s13 =	sor.u32 s6, s2;
	[tilespmem:s5+$0x400] =	vst.add.f32.msk $0xffff, v4  }
0x269: {  	[tilespmem:s11+$0x0] =	vst.add.f32.msk $0xffff, v4  }
0x26a: {  	[tilespmem:s23+$0x0] =	vst.add.f32.msk $0xffff, v4  }
.Ltmp3:
0x26b: {  	[tilespmem:s1+$0x0] =	vst.add.f32.msk $0xffff, v4;
	(pc) =	sbr.rel @p0 .LBB2_9-.Ltmp3, $4  }
0x26c: {  	[tilespmem:s10+$0x400] =	vst.add.f32.msk $0xffff, v5  }
0x26d: {  	[tilespmem:s20+$0x0] =	vst.add.f32.msk $0xffff, v5  }
0x26e: {  	[tilespmem:s7+$0x0] =	vst.add.f32.msk $0xffff, v5  }
0x26f: {  	s22 =	sadd.s32 $0x8, s22;
	s28 =	sadd.s32 $0x200, s28;
	s9 =	sadd.s32 $0x40, s9;
	[tilespmem:s3+$0x0] =	vst.add.f32.msk $0xffff, v5  }
0x270: {  	[tilespmem:s0+$0x400] =	vst.add.f32.msk $0xffff, v2  }
0x271: {  	[tilespmem:s8+$0x0] =	vst.add.f32.msk $0xffff, v2  }
0x272: {  	s10 =	sadd.s32 $0x28, s30;
	s2 =	rddreg [dreg:$0x4];
	[tilespmem:s15+$0x0] =	vst.add.f32.msk $0xffff, v2  }
0x273: {  	s1 =	sadd.s32 s2, s10;
	[tilespmem:s13+$0x0] =	vst.add.f32.msk $0xffff, v2  }
0x274: {  	s18 =	simm.s32 $0x0;
	s1 =	sshll.u32 s1, $0x7;
	s3 =	rddreg [dreg:$0x5]  }
0x275: {  	s11 =	simm.s32 $0x1C400;
	s13 =	sadd.s32 s2, s29;
	s1 =	sadd.s32 s3, s1  }
0x276: {  	[tilespmem:s11], [sflag:$0x9] =	stream.linear.gather [hbm4b:s1+s18], $0x2000, $0x38;
	[tilespmem:$0x1E400] =	vst v63  }
0x277: {  	s15 =	rddreg [dreg:$0x2];
	s1 =	sshll.u32 s13, $0x7  }
0x278: {  	s20 =	simm.s32 $0x400;
	s22 =	rddreg [dreg:$0x6];
	s1 =	sadd.s32 s15, s1  }
0x279: {  	[hbm4b:s1+s18] =	stream.linear.scatter [tilespmem:s20], [sflag:$0x4], $0x2000, $0x38;
	[tilespmem:$0x1E400] =	vst v63  }
0x27a: {  	s1 =	sadd.s32 s22, s29  }
0x27b: {  	s1 =	sshll.u32 s1, $0x7  }
0x27c: {  	s23 =	simm.s32 $0x2400;
	s3 =	rddreg [dreg:$0x9];
	s1 =	sadd.s32 s15, s1  }
0x27d: {  	[hbm4b:s1+s18] =	stream.linear.scatter [tilespmem:s23], [sflag:$0x4], $0x2000, $0x38;
	[tilespmem:$0x1E400] =	vst v63  }
0x27e: {  	s1 =	sadd.s32 s3, s29  }
0x27f: {  	s1 =	sshll.u32 s1, $0x7  }
0x280: {  	s4 =	simm.s32 $0x4400;
	s5 =	rddreg [dreg:$0xa];
	s1 =	sadd.s32 s15, s1  }
0x281: {  	[hbm4b:s1+s18] =	stream.linear.scatter [tilespmem:s4], [sflag:$0x4], $0x2000, $0x38;
	[tilespmem:$0x1E400] =	vst v63  }
0x282: {  	s1 =	sadd.s32 s5, s29  }
0x283: {  	s1 =	sshll.u32 s1, $0x7  }
0x284: {  	s6 =	simm.s32 $0x6400;
	s7 =	simm.s32 $0x6;
	s1 =	sadd.s32 s15, s1  }
0x285: {  	[hbm4b:s1+s18] =	stream.linear.scatter [tilespmem:s6], [sflag:$0x4], $0x2000, $0x38;
	[tilespmem:$0x1E400] =	vst v63  }
0x286: {  	_ =	swait.ge [sflag:s7], $0x2000  }
0x287: {  	[sflag:s7] =	ssyncset.done $0x0  }
0x288: {  	[sflag:s7] =	ssyncadd.s32 $0xFFFFE000  }
0x289: {  	_ =	swait.ge [sflag:s7], $0x2000  }
0x28a: {  	[sflag:s7] =	ssyncset.done $0x0  }
0x28b: {  	[sflag:s7] =	ssyncadd.s32 $0xFFFFE000  }
0x28c: {  	_ =	swait.ge [sflag:s7], $0x2000  }
0x28d: {  	[sflag:s7] =	ssyncset.done $0x0  }
0x28e: {  	[sflag:s7] =	ssyncadd.s32 $0xFFFFE000  }
0x28f: {  	s8 =	sshll.u32 s10, $0x2;
	_ =	swait.ge [sflag:s7], $0x2000  }
0x290: {  	s0 =	sand.u32 $0x78, s10;
	s1 =	sand.u32 $0xE00, s8;
	[sflag:s7] =	ssyncset.done $0x0  }
0x291: {  	s0 =	sor.u32 s0, s1;
	[sflag:s7] =	ssyncadd.s32 $0xFFFFE000  }
0x292: {  	v2 =	vld.msk [tilespmem:s0+$0x0], $0xff;
	_ =	sdelay $0x4  }
0x293: {  	v3 =	vshll.u32 v2, $0x3  }
0x294: {  	v2 =	vand.u32 $0x7, v2;
	v3 =	vand.u32 $0xFFFFFFC0, v3  }
0x295: {  	v2 =	vor.u32 v2, v3  }
0x296: {  	v2 =	vperm.xlane v2, v0;
	_ =	sdelay $0x1  }
0x297: {  	v2 =	vadd.s32 v1, v2;
	_ =	sdelay $0x3  }
0x298: {  	s9 =	simm.s32 $0x10400;
	s2 =	rddreg [dreg:$0x1]  }
0x299: {  	[tilespmem:s9], [sflag:$0x3] =	stream.indirect_vreg.gather [hbm4b:s2+s18], $0x80, v2, vm0, $0xb8;
	[tilespmem:$0x1E400] =	vst v63  }
0x29a: {  	s10 =	simm.s32 $0x10C00  }
0x29b: {  	[tilespmem:s10], [sflag:$0x3] =	stream.indirect_vreg.gather [hbm4b:s31+s18], $0x80, v2, vm0, $0xb8;
	[tilespmem:$0x1E400] =	vst v63  }
0x29c: {  	s11 =	simm.s32 $0x11400  }
0x29d: {  	[tilespmem:s11], [sflag:$0x3] =	stream.indirect_vreg.gather [hbm4b:s16+s18], $0x80, v2, vm0, $0xb8;
	[tilespmem:$0x1E400] =	vst v63  }
0x29e: {  	s13 =	simm.s32 $0x11C00;
	s15 =	sor.u32 $0x80, s0  }
0x29f: {  	[tilespmem:s13], [sflag:$0x3] =	stream.indirect_vreg.gather [hbm4b:s17+s18], $0x80, v2, vm0, $0xb8;
	[tilespmem:$0x1E400] =	vst v63  }
0x2a0: {  	v2 =	vld.msk [tilespmem:s15+$0x0], $0xff;
	_ =	sdelay $0x4  }
0x2a1: {  	v3 =	vshll.u32 v2, $0x3  }
0x2a2: {  	v2 =	vand.u32 $0x7, v2;
	v3 =	vand.u32 $0xFFFFFFC0, v3  }
0x2a3: {  	v2 =	vor.u32 v2, v3  }
0x2a4: {  	v2 =	vperm.xlane v2, v0;
	_ =	sdelay $0x1  }
0x2a5: {  	v2 =	vadd.s32 v1, v2;
	_ =	sdelay $0x3  }
0x2a6: {  	s20 =	simm.s32 $0x12400  }
0x2a7: {  	[tilespmem:s20], [sflag:$0x3] =	stream.indirect_vreg.gather [hbm4b:s2+s18], $0x80, v2, vm0, $0xb8;
	[tilespmem:$0x1E400] =	vst v63  }
0x2a8: {  	s22 =	simm.s32 $0x12C00  }
0x2a9: {  	[tilespmem:s22], [sflag:$0x3] =	stream.indirect_vreg.gather [hbm4b:s31+s18], $0x80, v2, vm0, $0xb8;
	[tilespmem:$0x1E400] =	vst v63  }
0x2aa: {  	s23 =	simm.s32 $0x13400  }
0x2ab: {  	[tilespmem:s23], [sflag:$0x3] =	stream.indirect_vreg.gather [hbm4b:s16+s18], $0x80, v2, vm0, $0xb8;
	[tilespmem:$0x1E400] =	vst v63  }
0x2ac: {  	s29 =	simm.s32 $0x13C00;
	s3 =	sor.u32 $0x100, s0  }
0x2ad: {  	[tilespmem:s29], [sflag:$0x3] =	stream.indirect_vreg.gather [hbm4b:s17+s18], $0x80, v2, vm0, $0xb8;
	[tilespmem:$0x1E400] =	vst v63  }
0x2ae: {  	v2 =	vld.msk [tilespmem:s3+$0x0], $0xff;
	_ =	sdelay $0x4  }
0x2af: {  	v3 =	vshll.u32 v2, $0x3  }
0x2b0: {  	v2 =	vand.u32 $0x7, v2;
	v3 =	vand.u32 $0xFFFFFFC0, v3  }
0x2b1: {  	v2 =	vor.u32 v2, v3  }
0x2b2: {  	v2 =	vperm.xlane v2, v0;
	_ =	sdelay $0x1  }
0x2b3: {  	v2 =	vadd.s32 v1, v2;
	_ =	sdelay $0x3  }
0x2b4: {  	s4 =	simm.s32 $0x14400  }
0x2b5: {  	[tilespmem:s4], [sflag:$0x3] =	stream.indirect_vreg.gather [hbm4b:s2+s18], $0x80, v2, vm0, $0xb8;
	[tilespmem:$0x1E400] =	vst v63  }
0x2b6: {  	s5 =	simm.s32 $0x14C00  }
0x2b7: {  	[tilespmem:s5], [sflag:$0x3] =	stream.indirect_vreg.gather [hbm4b:s31+s18], $0x80, v2, vm0, $0xb8;
	[tilespmem:$0x1E400] =	vst v63  }
0x2b8: {  	s6 =	simm.s32 $0x15400  }
0x2b9: {  	[tilespmem:s6], [sflag:$0x3] =	stream.indirect_vreg.gather [hbm4b:s16+s18], $0x80, v2, vm0, $0xb8;
	[tilespmem:$0x1E400] =	vst v63  }
0x2ba: {  	s7 =	simm.s32 $0x15C00;
	s0 =	sor.u32 $0x180, s0  }
0x2bb: {  	[tilespmem:s7], [sflag:$0x3] =	stream.indirect_vreg.gather [hbm4b:s17+s18], $0x80, v2, vm0, $0xb8;
	[tilespmem:$0x1E400] =	vst v63  }
0x2bc: {  	v2 =	vld.msk [tilespmem:s0+$0x0], $0xff;
	_ =	sdelay $0x4  }
0x2bd: {  	v3 =	vshll.u32 v2, $0x3  }
0x2be: {  	v2 =	vand.u32 $0x7, v2;
	v3 =	vand.u32 $0xFFFFFFC0, v3  }
0x2bf: {  	v2 =	vor.u32 v2, v3  }
0x2c0: {  	v2 =	vperm.xlane v2, v0;
	_ =	sdelay $0x1  }
0x2c1: {  	v2 =	vadd.s32 v1, v2;
	_ =	sdelay $0x3  }
0x2c2: {  	s8 =	simm.s32 $0x16400  }
0x2c3: {  	[tilespmem:s8], [sflag:$0x3] =	stream.indirect_vreg.gather [hbm4b:s2+s18], $0x80, v2, vm0, $0xb8;
	[tilespmem:$0x1E400] =	vst v63  }
0x2c4: {  	s9 =	simm.s32 $0x16C00  }
0x2c5: {  	[tilespmem:s9], [sflag:$0x3] =	stream.indirect_vreg.gather [hbm4b:s31+s18], $0x80, v2, vm0, $0xb8;
	[tilespmem:$0x1E400] =	vst v63  }
0x2c6: {  	s10 =	simm.s32 $0x17400  }
0x2c7: {  	[tilespmem:s10], [sflag:$0x3] =	stream.indirect_vreg.gather [hbm4b:s16+s18], $0x80, v2, vm0, $0xb8;
	[tilespmem:$0x1E400] =	vst v63  }
0x2c8: {  	s11 =	simm.s32 $0x17C00;
	s13 =	simm.s32 $0x8  }
0x2c9: {  	[tilespmem:s11], [sflag:$0x3] =	stream.indirect_vreg.gather [hbm4b:s17+s18], $0x80, v2, vm0, $0xb8;
	[tilespmem:$0x1E400] =	vst v63  }
0x2ca: {  	_ =	swait.ge [sflag:s13], $0x2000  }
0x2cb: {  	[sflag:s13] =	ssyncset.done $0x0  }
0x2cc: {  	[sflag:s13] =	ssyncadd.s32 $0xFFFFE000  }
0x2cd: {  	_ =	swait.ge [sflag:s14], $0x2000  }
0x2ce: {  	[sflag:s14] =	ssyncset.done $0x0  }
0x2cf: {  	[sflag:s14] =	ssyncadd.s32 $0xFFFFE000  }
0x2d0: {  	_ =	swait.ge [sflag:s14], $0x2000  }
0x2d1: {  	[sflag:s14] =	ssyncset.done $0x0  }
0x2d2: {  	[sflag:s14] =	ssyncadd.s32 $0xFFFFE000  }
0x2d3: {  	_ =	swait.ge [sflag:s14], $0x2000  }
0x2d4: {  	[sflag:s14] =	ssyncset.done $0x0  }
0x2d5: {  	s1 =	sand.u32 $0x40, s18;
	[sflag:s14] =	ssyncadd.s32 $0xFFFFE000  }
0x2d6: {  	s15 =	sand.u32 $0x1C00, s18;
	s20 =	sand.u32 $0x380, s18;
	_ =	swait.ge [sflag:s14], $0x2000  }
0x2d7: {  	s22 =	sor.u32 $0x30, s1;
	s0 =	sor.u32 s20, s15;
	[sflag:s14] =	ssyncset.done $0x0  }
0x2d8: {  	s23 =	sor.u32 s22, s0;
	[sflag:s14] =	ssyncadd.s32 $0xFFFFE000  }
0x2d9: {  	s7 =	sor.u32 $0x10, s1;
	s4 =	sor.u32 s1, s0;
	v2 =	vld [tilespmem:s23+$0x1A400]  }
0x2da: {  	s9 =	sor.u32 s7, s0;
	v3 =	vld [tilespmem:s4+$0x1A400]  }
0x2db: {  	v4 =	vld [tilespmem:s9+$0x1A400];
	_ =	sdelay $0x2  }
0x2dc: {  	[tilespmem:s23+$0x8400] =	vst.add.f32.msk $0xffff, v2  }
0x2dd: {  	s5 =	sadd.s32 $0xA400, s0;
	[tilespmem:s4+$0x8400] =	vst.add.f32.msk $0xffff, v3  }
0x2de: {  	s29 =	sor.u32 s22, s5;
	[tilespmem:s9+$0x8400] =	vst.add.f32.msk $0xffff, v4  }
0x2df: {  	s6 =	sadd.s32 $0xC400, s0;
	s10 =	sadd.s32 $0xE400, s0;
	s11 =	sor.u32 s1, s5;
	[tilespmem:s29+$0x0] =	vst.add.f32.msk $0xffff, v2  }
0x2e0: {  	s8 =	sor.u32 s22, s6;
	s2 =	sor.u32 s22, s10;
	s22 =	sor.u32 s7, s5;
	[tilespmem:s11+$0x0] =	vst.add.f32.msk $0xffff, v3  }
0x2e1: {  	[tilespmem:s22+$0x0] =	vst.add.f32.msk $0xffff, v4  }
0x2e2: {  	s13 =	sor.u32 $0x20, s1;
	[tilespmem:s8+$0x0] =	vst.add.f32.msk $0xffff, v2  }
0x2e3: {  	s0 =	sor.u32 s13, s0;
	[tilespmem:s2+$0x0] =	vst.add.f32.msk $0xffff, v2  }
0x2e4: {  	s20 =	sor.u32 s1, s6;
	v2 =	vld [tilespmem:s0+$0x1A400]  }
0x2e5: {  	s23 =	sor.u32 s7, s6;
	[tilespmem:s20+$0x0] =	vst.add.f32.msk $0xffff, v3  }
0x2e6: {  	s28 =	simm.s32 $0x200;
	s18 =	simm.s32 $0x0;
	s1 =	sor.u32 s1, s10;
	[tilespmem:s23+$0x0] =	vst.add.f32.msk $0xffff, v4  }
0x2e7: {  	s15 =	sor.u32 s13, s5;
	s9 =	simm.s32 $0x40;
	s29 =	sor.u32 s7, s10;
	[tilespmem:s1+$0x0] =	vst.add.f32.msk $0xffff, v3  }
0x2e8: {  	s22 =	simm.s32 $0x8;
	s8 =	sor.u32 s13, s6;
	s13 =	sor.u32 s13, s10;
	[tilespmem:s29+$0x0] =	vst.add.f32.msk $0xffff, v4  }
.LBB2_11:
0x2e9: {  	s1 =	sand.u32 $0x40, s9;
	s2 =	sand.u32 $0x1C00, s28;
	s3 =	sand.u32 $0x380, s22;
	[tilespmem:s0+$0x8400] =	vst.add.f32.msk $0xffff, v2  }
0x2ea: {  	s2 =	sor.u32 s3, s2;
	s3 =	sor.u32 $0x10, s1;
	s4 =	sor.u32 $0x30, s1;
	[tilespmem:s15+$0x0] =	vst.add.f32.msk $0xffff, v2  }
0x2eb: {  	s6 =	sor.u32 $0x20, s1;
	s5 =	sor.u32 s1, s2;
	s7 =	sor.u32 s4, s2;
	[tilespmem:s8+$0x0] =	vst.add.f32.msk $0xffff, v2  }
0x2ec: {  	s18 =	sadd.s32 $0x4, s18;
	s10 =	sor.u32 s3, s2;
	s0 =	sor.u32 s6, s2;
	v3 =	vld [tilespmem:s7+$0x1A400]  }
0x2ed: {  	p0 =	slt.u32 s18, $0x1FC;
	v4 =	vld [tilespmem:s5+$0x1A400]  }
0x2ee: {  	v5 =	vld [tilespmem:s10+$0x1A400]  }
0x2ef: {  	v6 =	vld [tilespmem:s0+$0x1A400]  }
0x2f0: {  	s8 =	sadd.s32 $0xA400, s2;
	[tilespmem:s13+$0x0] =	vst.add.f32.msk $0xffff, v2  }
0x2f1: {  	s11 =	sor.u32 s1, s8;
	s13 =	sadd.s32 $0xC400, s2;
	[tilespmem:s7+$0x8400] =	vst.add.f32.msk $0xffff, v3;
	s7 =	sor.u32 s4, s8  }
0x2f2: {  	s2 =	sadd.s32 $0xE400, s2;
	s20 =	sor.u32 s1, s13;
	[tilespmem:s7+$0x0] =	vst.add.f32.msk $0xffff, v3;
	s7 =	sor.u32 s4, s13  }
0x2f3: {  	s23 =	sor.u32 s3, s8;
	s1 =	sor.u32 s1, s2;
	s4 =	sor.u32 s4, s2;
	[tilespmem:s7+$0x0] =	vst.add.f32.msk $0xffff, v3  }
0x2f4: {  	s15 =	sor.u32 s6, s8;
	s7 =	sor.u32 s3, s13;
	s3 =	sor.u32 s3, s2;
	[tilespmem:s4+$0x0] =	vst.add.f32.msk $0xffff, v3;
	v2 =	vmov v6  }
0x2f5: {  	s8 =	sor.u32 s6, s13;
	s13 =	sor.u32 s6, s2;
	[tilespmem:s5+$0x8400] =	vst.add.f32.msk $0xffff, v4  }
0x2f6: {  	[tilespmem:s11+$0x0] =	vst.add.f32.msk $0xffff, v4  }
0x2f7: {  	[tilespmem:s20+$0x0] =	vst.add.f32.msk $0xffff, v4  }
.Ltmp4:
0x2f8: {  	[tilespmem:s1+$0x0] =	vst.add.f32.msk $0xffff, v4;
	(pc) =	sbr.rel @p0 .LBB2_11-.Ltmp4, $4  }
0x2f9: {  	[tilespmem:s10+$0x8400] =	vst.add.f32.msk $0xffff, v5  }
0x2fa: {  	[tilespmem:s23+$0x0] =	vst.add.f32.msk $0xffff, v5  }
0x2fb: {  	[tilespmem:s7+$0x0] =	vst.add.f32.msk $0xffff, v5  }
0x2fc: {  	s22 =	sadd.s32 $0x8, s22;
	s28 =	sadd.s32 $0x200, s28;
	s9 =	sadd.s32 $0x40, s9;
	[tilespmem:s3+$0x0] =	vst.add.f32.msk $0xffff, v5  }
0x2fd: {  	[tilespmem:s0+$0x8400] =	vst.add.f32.msk $0xffff, v2  }
0x2fe: {  	[tilespmem:s15+$0x0] =	vst.add.f32.msk $0xffff, v2  }
0x2ff: {  	s0 =	sld [smem:$0x7F5];
	_ =	sdelay $0x1  }
0x300: {  	[tilespmem:s8+$0x0] =	vst.add.f32.msk $0xffff, v2  }
0x301: {  	[tilespmem:s13+$0x0] =	vst.add.f32.msk $0xffff, v2;
	s0 =	sadd.s32 s30, s0  }
0x302: {  	s2 =	simm.s32 $0x0;
	s1 =	rddreg [dreg:$0x5];
	s0 =	sshll.u32 s0, $0x7  }
0x303: {  	s15 =	simm.s32 $0x18400;
	s23 =	rddreg [dreg:$0x6];
	s0 =	sadd.s32 s1, s0  }
0x304: {  	[tilespmem:s15], [sflag:$0x7] =	stream.linear.gather [hbm4b:s0+s2], $0x2000, $0x38;
	[tilespmem:$0x1E400] =	vst v63  }
0x305: {  	s18 =	rddreg [dreg:$0x2];
	s0 =	sadd.s32 s23, s19  }
0x306: {  	s20 =	simm.s32 $0x8400;
	s22 =	sadd.s32 s18, s24;
	s0 =	sshll.u32 s0, $0x7  }
0x307: {  	[hbm4b:s22+s2] =	stream.linear.scatter [tilespmem:s20], [sflag:$0x5], $0x2000, $0x38;
	[tilespmem:$0x1E400] =	vst v63  }
0x308: {  	s24 =	rddreg [dreg:$0x9];
	s23 =	simm.s32 $0xA400;
	s0 =	sadd.s32 s18, s0  }
0x309: {  	[hbm4b:s0+s2] =	stream.linear.scatter [tilespmem:s23], [sflag:$0x5], $0x2000, $0x38;
	[tilespmem:$0x1E400] =	vst v63  }
0x30a: {  	s0 =	sadd.s32 s24, s19  }
0x30b: {  	s26 =	sadd.s32 $0x1, s26;
	s0 =	sshll.u32 s0, $0x7  }
0x30c: {  	s28 =	simm.s32 $0xC400;
	p0 =	sne.s32 s26, $0x9;
	s0 =	sadd.s32 s18, s0  }
0x30d: {  	[hbm4b:s0+s2] =	stream.linear.scatter [tilespmem:s28], [sflag:$0x5], $0x2000, $0x38;
	[tilespmem:$0x1E400] =	vst v63  }
.Ltmp5:
0x30e: {  	s30 =	rddreg [dreg:$0xa];
	(pc) =	sbr.rel @p0 .LBB2_6-.Ltmp5, $4  }
0x30f: {  	s0 =	sadd.s32 s30, s19  }
0x310: {  	s0 =	sshll.u32 s0, $0x7  }
0x311: {  	s29 =	simm.s32 $0xE400;
	s0 =	sadd.s32 s18, s0  }
0x312: {  	[hbm4b:s0+s2] =	stream.linear.scatter [tilespmem:s29], [sflag:$0x5], $0x2000, $0x38;
	[tilespmem:$0x1E400] =	vst v63  }
0x313: {  	_ =	swait.ge [sflag:s12], $0x2000  }
0x314: {  	[sflag:s12] =	ssyncset.done $0x0  }
0x315: {  	[sflag:s12] =	ssyncadd.s32 $0xFFFFE000  }
0x316: {  	_ =	swait.ge [sflag:s12], $0x2000  }
0x317: {  	[sflag:s12] =	ssyncset.done $0x0  }
0x318: {  	[sflag:s12] =	ssyncadd.s32 $0xFFFFE000  }
0x319: {  	_ =	swait.ge [sflag:s12], $0x2000  }
0x31a: {  	[sflag:s12] =	ssyncset.done $0x0  }
0x31b: {  	[sflag:s12] =	ssyncadd.s32 $0xFFFFE000  }
0x31c: {  	_ =	swait.ge [sflag:s12], $0x2000  }
0x31d: {  	[sflag:s12] =	ssyncset.done $0x0  }
0x31e: {  	[sflag:s12] =	ssyncadd.s32 $0xFFFFE000  }
0x31f: {  	v2 =	vld.msk [tilespmem:$0x270], $0xff;
	_ =	sdelay $0x4  }
0x320: {  	v3 =	vshll.u32 v2, $0x3  }
0x321: {  	v2 =	vand.u32 $0x7, v2;
	v3 =	vand.u32 $0xFFFFFFC0, v3  }
0x322: {  	v2 =	vor.u32 v2, v3  }
0x323: {  	v2 =	vperm.xlane v2, v0;
	_ =	sdelay $0x1  }
0x324: {  	v2 =	vadd.s32 v1, v2;
	_ =	sdelay $0x3  }
0x325: {  	s0 =	simm.s32 $0x0;
	s2 =	simm.s32 $0x400;
	s1 =	rddreg [dreg:$0x1]  }
0x326: {  	[tilespmem:s2], [sflag:$0x1] =	stream.indirect_vreg.gather [hbm4b:s1+s0], $0x80, v2, vm0, $0xb8;
	[tilespmem:$0x1E400] =	vst v63  }
0x327: {  	s30 =	simm.s32 $0xC00  }
0x328: {  	[tilespmem:s30], [sflag:$0x1] =	stream.indirect_vreg.gather [hbm4b:s31+s0], $0x80, v2, vm0, $0xb8;
	[tilespmem:$0x1E400] =	vst v63  }
0x329: {  	s3 =	simm.s32 $0x1400  }
0x32a: {  	[tilespmem:s3], [sflag:$0x1] =	stream.indirect_vreg.gather [hbm4b:s16+s0], $0x80, v2, vm0, $0xb8;
	[tilespmem:$0x1E400] =	vst v63  }
0x32b: {  	s4 =	simm.s32 $0x1C00  }
0x32c: {  	[tilespmem:s4], [sflag:$0x1] =	stream.indirect_vreg.gather [hbm4b:s17+s0], $0x80, v2, vm0, $0xb8;
	[tilespmem:$0x1E400] =	vst v63  }
0x32d: {  	v2 =	vld.msk [tilespmem:$0x2F0], $0xff;
	_ =	sdelay $0x4  }
0x32e: {  	v3 =	vshll.u32 v2, $0x3  }
0x32f: {  	v2 =	vand.u32 $0x7, v2;
	v3 =	vand.u32 $0xFFFFFFC0, v3  }
0x330: {  	v2 =	vor.u32 v2, v3  }
0x331: {  	v2 =	vperm.xlane v2, v0;
	_ =	sdelay $0x1  }
0x332: {  	v2 =	vadd.s32 v1, v2;
	_ =	sdelay $0x3  }
0x333: {  	s5 =	simm.s32 $0x2400  }
0x334: {  	[tilespmem:s5], [sflag:$0x1] =	stream.indirect_vreg.gather [hbm4b:s1+s0], $0x80, v2, vm0, $0xb8;
	[tilespmem:$0x1E400] =	vst v63  }
0x335: {  	s6 =	simm.s32 $0x2C00  }
0x336: {  	[tilespmem:s6], [sflag:$0x1] =	stream.indirect_vreg.gather [hbm4b:s31+s0], $0x80, v2, vm0, $0xb8;
	[tilespmem:$0x1E400] =	vst v63  }
0x337: {  	s7 =	simm.s32 $0x3400  }
0x338: {  	[tilespmem:s7], [sflag:$0x1] =	stream.indirect_vreg.gather [hbm4b:s16+s0], $0x80, v2, vm0, $0xb8;
	[tilespmem:$0x1E400] =	vst v63  }
0x339: {  	s8 =	simm.s32 $0x3C00  }
0x33a: {  	[tilespmem:s8], [sflag:$0x1] =	stream.indirect_vreg.gather [hbm4b:s17+s0], $0x80, v2, vm0, $0xb8;
	[tilespmem:$0x1E400] =	vst v63  }
0x33b: {  	v2 =	vld.msk [tilespmem:$0x370], $0xff;
	_ =	sdelay $0x4  }
0x33c: {  	v3 =	vshll.u32 v2, $0x3  }
0x33d: {  	v2 =	vand.u32 $0x7, v2;
	v3 =	vand.u32 $0xFFFFFFC0, v3  }
0x33e: {  	v2 =	vor.u32 v2, v3  }
0x33f: {  	v2 =	vperm.xlane v2, v0;
	_ =	sdelay $0x1  }
0x340: {  	v2 =	vadd.s32 v1, v2;
	_ =	sdelay $0x3  }
0x341: {  	s9 =	simm.s32 $0x4400  }
0x342: {  	[tilespmem:s9], [sflag:$0x1] =	stream.indirect_vreg.gather [hbm4b:s1+s0], $0x80, v2, vm0, $0xb8;
	[tilespmem:$0x1E400] =	vst v63  }
0x343: {  	s10 =	simm.s32 $0x4C00  }
0x344: {  	[tilespmem:s10], [sflag:$0x1] =	stream.indirect_vreg.gather [hbm4b:s31+s0], $0x80, v2, vm0, $0xb8;
	[tilespmem:$0x1E400] =	vst v63  }
0x345: {  	s11 =	simm.s32 $0x5400  }
0x346: {  	[tilespmem:s11], [sflag:$0x1] =	stream.indirect_vreg.gather [hbm4b:s16+s0], $0x80, v2, vm0, $0xb8;
	[tilespmem:$0x1E400] =	vst v63  }
0x347: {  	s13 =	simm.s32 $0x5C00  }
0x348: {  	[tilespmem:s13], [sflag:$0x1] =	stream.indirect_vreg.gather [hbm4b:s17+s0], $0x80, v2, vm0, $0xb8;
	[tilespmem:$0x1E400] =	vst v63  }
0x349: {  	v2 =	vld.msk [tilespmem:$0x3F0], $0xff;
	_ =	sdelay $0x4  }
0x34a: {  	v3 =	vshll.u32 v2, $0x3  }
0x34b: {  	v2 =	vand.u32 $0x7, v2;
	v3 =	vand.u32 $0xFFFFFFC0, v3  }
0x34c: {  	v2 =	vor.u32 v2, v3  }
0x34d: {  	v2 =	vperm.xlane v2, v0;
	_ =	sdelay $0x1  }
0x34e: {  	v2 =	vadd.s32 v1, v2;
	_ =	sdelay $0x3  }
0x34f: {  	s15 =	simm.s32 $0x6400  }
0x350: {  	[tilespmem:s15], [sflag:$0x1] =	stream.indirect_vreg.gather [hbm4b:s1+s0], $0x80, v2, vm0, $0xb8;
	[tilespmem:$0x1E400] =	vst v63  }
0x351: {  	s18 =	simm.s32 $0x6C00  }
0x352: {  	[tilespmem:s18], [sflag:$0x1] =	stream.indirect_vreg.gather [hbm4b:s31+s0], $0x80, v2, vm0, $0xb8;
	[tilespmem:$0x1E400] =	vst v63  }
0x353: {  	s19 =	simm.s32 $0x7400  }
0x354: {  	[tilespmem:s19], [sflag:$0x1] =	stream.indirect_vreg.gather [hbm4b:s16+s0], $0x80, v2, vm0, $0xb8;
	[tilespmem:$0x1E400] =	vst v63  }
0x355: {  	s20 =	simm.s32 $0x7C00;
	s22 =	simm.s32 $0x9  }
0x356: {  	[tilespmem:s20], [sflag:$0x1] =	stream.indirect_vreg.gather [hbm4b:s17+s0], $0x80, v2, vm0, $0xb8;
	[tilespmem:$0x1E400] =	vst v63  }
0x357: {  	_ =	swait.ge [sflag:s22], $0x2000  }
0x358: {  	[sflag:s22] =	ssyncset.done $0x0  }
0x359: {  	s3 =	simm.s32 $0x3;
	[sflag:s22] =	ssyncadd.s32 $0xFFFFE000  }
0x35a: {  	_ =	swait.ge [sflag:s3], $0x2000  }
0x35b: {  	[sflag:s3] =	ssyncset.done $0x0  }
0x35c: {  	[sflag:s3] =	ssyncadd.s32 $0xFFFFE000  }
0x35d: {  	_ =	swait.ge [sflag:s3], $0x2000  }
0x35e: {  	[sflag:s3] =	ssyncset.done $0x0  }
0x35f: {  	[sflag:s3] =	ssyncadd.s32 $0xFFFFE000  }
0x360: {  	_ =	swait.ge [sflag:s3], $0x2000  }
0x361: {  	[sflag:s3] =	ssyncset.done $0x0  }
0x362: {  	s23 =	sand.u32 $0x40, s0;
	[sflag:s3] =	ssyncadd.s32 $0xFFFFE000  }
0x363: {  	s26 =	sand.u32 $0x1C00, s0;
	s0 =	sand.u32 $0x380, s0;
	_ =	swait.ge [sflag:s3], $0x2000  }
0x364: {  	s30 =	sor.u32 $0x30, s23;
	s0 =	sor.u32 s0, s26;
	[sflag:s3] =	ssyncset.done $0x0  }
0x365: {  	s9 =	sor.u32 s30, s0;
	[sflag:s3] =	ssyncadd.s32 $0xFFFFE000  }
0x366: {  	s7 =	sor.u32 $0x10, s23;
	s4 =	sor.u32 s23, s0;
	v2 =	vld [tilespmem:s9+$0x1C400]  }
0x367: {  	s8 =	sor.u32 s7, s0;
	v3 =	vld [tilespmem:s4+$0x1C400]  }
0x368: {  	v4 =	vld [tilespmem:s8+$0x1C400];
	_ =	sdelay $0x2  }
0x369: {  	[tilespmem:s9+$0x10400] =	vst.add.f32.msk $0xffff, v2  }
0x36a: {  	s5 =	sadd.s32 $0x12400, s0;
	[tilespmem:s4+$0x10400] =	vst.add.f32.msk $0xffff, v3  }
0x36b: {  	s20 =	sor.u32 $0x20, s23;
	s10 =	sor.u32 s30, s5;
	[tilespmem:s8+$0x10400] =	vst.add.f32.msk $0xffff, v4  }
0x36c: {  	s6 =	sadd.s32 $0x14400, s0;
	s13 =	sadd.s32 $0x16400, s0;
	s19 =	sor.u32 s23, s5;
	[tilespmem:s10+$0x0] =	vst.add.f32.msk $0xffff, v2  }
0x36d: {  	s22 =	sor.u32 s23, s6;
	s1 =	sor.u32 s23, s13;
	s23 =	sor.u32 s7, s5;
	[tilespmem:s19+$0x0] =	vst.add.f32.msk $0xffff, v3  }
0x36e: {  	s11 =	sor.u32 s30, s6;
	[tilespmem:s23+$0x0] =	vst.add.f32.msk $0xffff, v4  }
0x36f: {  	s2 =	sor.u32 s30, s13;
	[tilespmem:s11+$0x0] =	vst.add.f32.msk $0xffff, v2  }
0x370: {  	s0 =	sor.u32 s20, s0;
	[tilespmem:s2+$0x0] =	vst.add.f32.msk $0xffff, v2  }
0x371: {  	v2 =	vld [tilespmem:s0+$0x1C400]  }
0x372: {  	s25 =	simm.s32 $0xA400;
	s26 =	sor.u32 s7, s6;
	[tilespmem:s22+$0x0] =	vst.add.f32.msk $0xffff, v3  }
0x373: {  	s24 =	simm.s32 $0x8400;
	s18 =	simm.s32 $0x0;
	s30 =	sor.u32 s7, s13;
	[tilespmem:s26+$0x0] =	vst.add.f32.msk $0xffff, v4  }
0x374: {  	s15 =	sor.u32 s20, s6;
	s13 =	sor.u32 s20, s13;
	s8 =	sor.u32 s20, s5;
	[tilespmem:s1+$0x0] =	vst.add.f32.msk $0xffff, v3  }
0x375: {  	s9 =	simm.s32 $0x40;
	s19 =	simm.s32 $0x8;
	s22 =	simm.s32 $0x200;
	[tilespmem:s30+$0x0] =	vst.add.f32.msk $0xffff, v4  }
.LBB2_14:
0x376: {  	s1 =	sand.u32 $0x40, s9;
	s2 =	sand.u32 $0x1C00, s22;
	s3 =	sand.u32 $0x380, s19;
	[tilespmem:s0+$0x10400] =	vst.add.f32.msk $0xffff, v2  }
0x377: {  	s2 =	sor.u32 s3, s2;
	s3 =	sor.u32 $0x10, s1;
	s4 =	sor.u32 $0x30, s1;
	[tilespmem:s8+$0x0] =	vst.add.f32.msk $0xffff, v2  }
0x378: {  	s6 =	sor.u32 $0x20, s1;
	s5 =	sor.u32 s1, s2;
	s7 =	sor.u32 s4, s2;
	[tilespmem:s15+$0x0] =	vst.add.f32.msk $0xffff, v2  }
0x379: {  	s18 =	sadd.s32 $0x4, s18;
	s10 =	sor.u32 s3, s2;
	s0 =	sor.u32 s6, s2;
	v3 =	vld [tilespmem:s7+$0x1C400]  }
0x37a: {  	p0 =	slt.u32 s18, $0x1FC;
	v4 =	vld [tilespmem:s5+$0x1C400]  }
0x37b: {  	v5 =	vld [tilespmem:s10+$0x1C400]  }
0x37c: {  	v6 =	vld [tilespmem:s0+$0x1C400]  }
0x37d: {  	s8 =	sadd.s32 $0x12400, s2;
	[tilespmem:s13+$0x0] =	vst.add.f32.msk $0xffff, v2  }
0x37e: {  	s11 =	sor.u32 s1, s8;
	s13 =	sadd.s32 $0x14400, s2;
	[tilespmem:s7+$0x10400] =	vst.add.f32.msk $0xffff, v3;
	s7 =	sor.u32 s4, s8  }
0x37f: {  	s2 =	sadd.s32 $0x16400, s2;
	s20 =	sor.u32 s1, s13;
	[tilespmem:s7+$0x0] =	vst.add.f32.msk $0xffff, v3;
	s7 =	sor.u32 s4, s13  }
0x380: {  	s23 =	sor.u32 s3, s8;
	s1 =	sor.u32 s1, s2;
	s4 =	sor.u32 s4, s2;
	[tilespmem:s7+$0x0] =	vst.add.f32.msk $0xffff, v3  }
0x381: {  	s8 =	sor.u32 s6, s8;
	s7 =	sor.u32 s3, s13;
	s3 =	sor.u32 s3, s2;
	[tilespmem:s4+$0x0] =	vst.add.f32.msk $0xffff, v3;
	v2 =	vmov v6  }
0x382: {  	s15 =	sor.u32 s6, s13;
	s13 =	sor.u32 s6, s2;
	[tilespmem:s5+$0x10400] =	vst.add.f32.msk $0xffff, v4  }
0x383: {  	[tilespmem:s11+$0x0] =	vst.add.f32.msk $0xffff, v4  }
0x384: {  	[tilespmem:s20+$0x0] =	vst.add.f32.msk $0xffff, v4  }
.Ltmp6:
0x385: {  	[tilespmem:s1+$0x0] =	vst.add.f32.msk $0xffff, v4;
	(pc) =	sbr.rel @p0 .LBB2_14-.Ltmp6, $4  }
0x386: {  	[tilespmem:s10+$0x10400] =	vst.add.f32.msk $0xffff, v5  }
0x387: {  	[tilespmem:s23+$0x0] =	vst.add.f32.msk $0xffff, v5  }
0x388: {  	[tilespmem:s7+$0x0] =	vst.add.f32.msk $0xffff, v5  }
0x389: {  	s19 =	sadd.s32 $0x8, s19;
	s22 =	sadd.s32 $0x200, s22;
	s9 =	sadd.s32 $0x40, s9;
	[tilespmem:s3+$0x0] =	vst.add.f32.msk $0xffff, v5  }
0x38a: {  	[tilespmem:s0+$0x10400] =	vst.add.f32.msk $0xffff, v2  }
0x38b: {  	[tilespmem:s8+$0x0] =	vst.add.f32.msk $0xffff, v2  }
0x38c: {  	[tilespmem:s15+$0x0] =	vst.add.f32.msk $0xffff, v2  }
0x38d: {  	[tilespmem:s13+$0x0] =	vst.add.f32.msk $0xffff, v2  }
0x38e: {  	s0 =	simm.s32 $0x0;
	s2 =	simm.s32 $0x1A400;
	s1 =	rddreg [dreg:$0x14]  }
0x38f: {  	[tilespmem:s2], [sflag:$0x8] =	stream.linear.gather [hbm4b:s1+s0], $0x2000, $0x38;
	[tilespmem:$0x1E400] =	vst v63  }
0x390: {  	s8 =	simm.s32 $0x10400;
	s7 =	rddreg [dreg:$0x1d]  }
0x391: {  	[hbm4b:s7+s0] =	stream.linear.scatter [tilespmem:s8], [sflag:$0x6], $0x2000, $0x38;
	[tilespmem:$0x1E400] =	vst v63  }
0x392: {  	s10 =	simm.s32 $0x12400;
	s9 =	rddreg [dreg:$0x1c]  }
0x393: {  	[hbm4b:s9+s0] =	stream.linear.scatter [tilespmem:s10], [sflag:$0x6], $0x2000, $0x38;
	[tilespmem:$0x1E400] =	vst v63  }
0x394: {  	s13 =	simm.s32 $0x14400;
	s11 =	rddreg [dreg:$0x1e]  }
0x395: {  	[hbm4b:s11+s0] =	stream.linear.scatter [tilespmem:s13], [sflag:$0x6], $0x2000, $0x38;
	[tilespmem:$0x1E400] =	vst v63  }
0x396: {  	s18 =	simm.s32 $0x16400;
	s15 =	rddreg [dreg:$0x1f]  }
0x397: {  	[hbm4b:s15+s0] =	stream.linear.scatter [tilespmem:s18], [sflag:$0x6], $0x2000, $0x38;
	[tilespmem:$0x1E400] =	vst v63  }
0x398: {  	_ =	swait.ge [sflag:s21], $0x2000  }
0x399: {  	[sflag:s21] =	ssyncset.done $0x0  }
0x39a: {  	[sflag:s21] =	ssyncadd.s32 $0xFFFFE000  }
0x39b: {  	_ =	swait.ge [sflag:s21], $0x2000  }
0x39c: {  	[sflag:s21] =	ssyncset.done $0x0  }
0x39d: {  	[sflag:s21] =	ssyncadd.s32 $0xFFFFE000  }
0x39e: {  	_ =	swait.ge [sflag:s21], $0x2000  }
0x39f: {  	[sflag:s21] =	ssyncset.done $0x0  }
0x3a0: {  	[sflag:s21] =	ssyncadd.s32 $0xFFFFE000  }
0x3a1: {  	_ =	swait.ge [sflag:s21], $0x2000  }
0x3a2: {  	[sflag:s21] =	ssyncset.done $0x0  }
0x3a3: {  	[sflag:s21] =	ssyncadd.s32 $0xFFFFE000  }
0x3a4: {  	v2 =	vld.msk [tilespmem:$0x278], $0xff;
	_ =	sdelay $0x4  }
0x3a5: {  	v3 =	vshll.u32 v2, $0x3  }
0x3a6: {  	v2 =	vand.u32 $0x7, v2;
	v3 =	vand.u32 $0xFFFFFFC0, v3  }
0x3a7: {  	v2 =	vor.u32 v2, v3  }
0x3a8: {  	v2 =	vperm.xlane v2, v0;
	_ =	sdelay $0x1  }
0x3a9: {  	v2 =	vadd.s32 v1, v2;
	_ =	sdelay $0x3  }
0x3aa: {  	s19 =	rddreg [dreg:$0x1]  }
0x3ab: {  	[tilespmem:s24], [sflag:$0x2] =	stream.indirect_vreg.gather [hbm4b:s19+s0], $0x80, v2, vm0, $0xb8;
	[tilespmem:$0x1E400] =	vst v63  }
0x3ac: {  	s20 =	simm.s32 $0x8C00  }
0x3ad: {  	[tilespmem:s20], [sflag:$0x2] =	stream.indirect_vreg.gather [hbm4b:s31+s0], $0x80, v2, vm0, $0xb8;
	[tilespmem:$0x1E400] =	vst v63  }
0x3ae: {  	s22 =	simm.s32 $0x9400  }
0x3af: {  	[tilespmem:s22], [sflag:$0x2] =	stream.indirect_vreg.gather [hbm4b:s16+s0], $0x80, v2, vm0, $0xb8;
	[tilespmem:$0x1E400] =	vst v63  }
0x3b0: {  	s23 =	simm.s32 $0x9C00  }
0x3b1: {  	[tilespmem:s23], [sflag:$0x2] =	stream.indirect_vreg.gather [hbm4b:s17+s0], $0x80, v2, vm0, $0xb8;
	[tilespmem:$0x1E400] =	vst v63  }
0x3b2: {  	v2 =	vld.msk [tilespmem:$0x2F8], $0xff;
	_ =	sdelay $0x4  }
0x3b3: {  	v3 =	vshll.u32 v2, $0x3  }
0x3b4: {  	v2 =	vand.u32 $0x7, v2;
	v3 =	vand.u32 $0xFFFFFFC0, v3  }
0x3b5: {  	v2 =	vor.u32 v2, v3  }
0x3b6: {  	v2 =	vperm.xlane v2, v0;
	_ =	sdelay $0x1  }
0x3b7: {  	v2 =	vadd.s32 v1, v2;
	_ =	sdelay $0x4  }
0x3b8: {  	[tilespmem:s25], [sflag:$0x2] =	stream.indirect_vreg.gather [hbm4b:s19+s0], $0x80, v2, vm0, $0xb8;
	[tilespmem:$0x1E400] =	vst v63  }
0x3b9: {  	s24 =	simm.s32 $0xAC00  }
0x3ba: {  	[tilespmem:s24], [sflag:$0x2] =	stream.indirect_vreg.gather [hbm4b:s31+s0], $0x80, v2, vm0, $0xb8;
	[tilespmem:$0x1E400] =	vst v63  }
0x3bb: {  	s25 =	simm.s32 $0xB400  }
0x3bc: {  	[tilespmem:s25], [sflag:$0x2] =	stream.indirect_vreg.gather [hbm4b:s16+s0], $0x80, v2, vm0, $0xb8;
	[tilespmem:$0x1E400] =	vst v63  }
0x3bd: {  	s26 =	simm.s32 $0xBC00  }
0x3be: {  	[tilespmem:s26], [sflag:$0x2] =	stream.indirect_vreg.gather [hbm4b:s17+s0], $0x80, v2, vm0, $0xb8;
	[tilespmem:$0x1E400] =	vst v63  }
0x3bf: {  	v2 =	vld.msk [tilespmem:$0x378], $0xff;
	_ =	sdelay $0x4  }
0x3c0: {  	v3 =	vshll.u32 v2, $0x3  }
0x3c1: {  	v2 =	vand.u32 $0x7, v2;
	v3 =	vand.u32 $0xFFFFFFC0, v3  }
0x3c2: {  	v2 =	vor.u32 v2, v3  }
0x3c3: {  	v2 =	vperm.xlane v2, v0;
	_ =	sdelay $0x1  }
0x3c4: {  	v2 =	vadd.s32 v1, v2;
	_ =	sdelay $0x4  }
0x3c5: {  	[tilespmem:s28], [sflag:$0x2] =	stream.indirect_vreg.gather [hbm4b:s19+s0], $0x80, v2, vm0, $0xb8;
	[tilespmem:$0x1E400] =	vst v63  }
0x3c6: {  	s30 =	simm.s32 $0xCC00  }
0x3c7: {  	[tilespmem:s30], [sflag:$0x2] =	stream.indirect_vreg.gather [hbm4b:s31+s0], $0x80, v2, vm0, $0xb8;
	[tilespmem:$0x1E400] =	vst v63  }
0x3c8: {  	s3 =	simm.s32 $0xD400  }
0x3c9: {  	[tilespmem:s3], [sflag:$0x2] =	stream.indirect_vreg.gather [hbm4b:s16+s0], $0x80, v2, vm0, $0xb8;
	[tilespmem:$0x1E400] =	vst v63  }
0x3ca: {  	s4 =	simm.s32 $0xDC00  }
0x3cb: {  	[tilespmem:s4], [sflag:$0x2] =	stream.indirect_vreg.gather [hbm4b:s17+s0], $0x80, v2, vm0, $0xb8;
	[tilespmem:$0x1E400] =	vst v63  }
0x3cc: {  	v2 =	vld.msk [tilespmem:$0x3F8], $0xff;
	_ =	sdelay $0x4  }
0x3cd: {  	v3 =	vshll.u32 v2, $0x3  }
0x3ce: {  	v2 =	vand.u32 $0x7, v2;
	v3 =	vand.u32 $0xFFFFFFC0, v3  }
0x3cf: {  	v2 =	vor.u32 v2, v3  }
0x3d0: {  	v2 =	vperm.xlane v2, v0;
	_ =	sdelay $0x1  }
0x3d1: {  	v2 =	vadd.s32 v1, v2;
	_ =	sdelay $0x4  }
0x3d2: {  	[tilespmem:s29], [sflag:$0x2] =	stream.indirect_vreg.gather [hbm4b:s19+s0], $0x80, v2, vm0, $0xb8;
	[tilespmem:$0x1E400] =	vst v63  }
0x3d3: {  	s5 =	simm.s32 $0xEC00  }
0x3d4: {  	[tilespmem:s5], [sflag:$0x2] =	stream.indirect_vreg.gather [hbm4b:s31+s0], $0x80, v2, vm0, $0xb8;
	[tilespmem:$0x1E400] =	vst v63  }
0x3d5: {  	s6 =	simm.s32 $0xF400  }
0x3d6: {  	[tilespmem:s6], [sflag:$0x2] =	stream.indirect_vreg.gather [hbm4b:s16+s0], $0x80, v2, vm0, $0xb8;
	[tilespmem:$0x1E400] =	vst v63  }
0x3d7: {  	s7 =	simm.s32 $0xFC00;
	s8 =	simm.s32 $0x7  }
0x3d8: {  	[tilespmem:s7], [sflag:$0x2] =	stream.indirect_vreg.gather [hbm4b:s17+s0], $0x80, v2, vm0, $0xb8;
	[tilespmem:$0x1E400] =	vst v63  }
0x3d9: {  	_ =	swait.ge [sflag:s8], $0x2000  }
0x3da: {  	[sflag:s8] =	ssyncset.done $0x0  }
0x3db: {  	s3 =	simm.s32 $0x1;
	[sflag:s8] =	ssyncadd.s32 $0xFFFFE000  }
0x3dc: {  	_ =	swait.ge [sflag:s3], $0x2000  }
0x3dd: {  	[sflag:s3] =	ssyncset.done $0x0  }
0x3de: {  	[sflag:s3] =	ssyncadd.s32 $0xFFFFE000  }
0x3df: {  	_ =	swait.ge [sflag:s3], $0x2000  }
0x3e0: {  	[sflag:s3] =	ssyncset.done $0x0  }
0x3e1: {  	[sflag:s3] =	ssyncadd.s32 $0xFFFFE000  }
0x3e2: {  	_ =	swait.ge [sflag:s3], $0x2000  }
0x3e3: {  	[sflag:s3] =	ssyncset.done $0x0  }
0x3e4: {  	s9 =	sand.u32 $0x40, s0;
	[sflag:s3] =	ssyncadd.s32 $0xFFFFE000  }
0x3e5: {  	s10 =	sand.u32 $0x1C00, s0;
	s0 =	sand.u32 $0x380, s0;
	_ =	swait.ge [sflag:s3], $0x2000  }
0x3e6: {  	s11 =	sor.u32 $0x30, s9;
	s0 =	sor.u32 s0, s10;
	[sflag:s3] =	ssyncset.done $0x0  }
0x3e7: {  	s13 =	sor.u32 s11, s0;
	[sflag:s3] =	ssyncadd.s32 $0xFFFFE000  }
0x3e8: {  	s7 =	sor.u32 $0x10, s9;
	s4 =	sor.u32 s9, s0;
	v2 =	vld [tilespmem:s13+$0x18400]  }
0x3e9: {  	s19 =	sor.u32 s7, s0;
	v3 =	vld [tilespmem:s4+$0x18400]  }
0x3ea: {  	v4 =	vld [tilespmem:s19+$0x18400];
	_ =	sdelay $0x2  }
0x3eb: {  	[tilespmem:s13+$0x400] =	vst.add.f32.msk $0xffff, v2  }
0x3ec: {  	s5 =	sadd.s32 $0x2400, s0;
	[tilespmem:s4+$0x400] =	vst.add.f32.msk $0xffff, v3  }
0x3ed: {  	s15 =	sor.u32 s11, s5;
	[tilespmem:s19+$0x400] =	vst.add.f32.msk $0xffff, v4  }
0x3ee: {  	s22 =	sor.u32 s9, s5;
	[tilespmem:s15+$0x0] =	vst.add.f32.msk $0xffff, v2  }
0x3ef: {  	s6 =	sadd.s32 $0x4400, s0;
	s25 =	sor.u32 s7, s5;
	[tilespmem:s22+$0x0] =	vst.add.f32.msk $0xffff, v3  }
0x3f0: {  	s20 =	sadd.s32 $0x6400, s0;
	s18 =	sor.u32 s11, s6;
	[tilespmem:s25+$0x0] =	vst.add.f32.msk $0xffff, v4  }
0x3f1: {  	s23 =	sor.u32 $0x20, s9;
	s2 =	sor.u32 s11, s20;
	[tilespmem:s18+$0x0] =	vst.add.f32.msk $0xffff, v2  }
0x3f2: {  	s0 =	sor.u32 s23, s0;
	[tilespmem:s2+$0x0] =	vst.add.f32.msk $0xffff, v2  }
0x3f3: {  	s24 =	sor.u32 s9, s6;
	v2 =	vld [tilespmem:s0+$0x18400]  }
0x3f4: {  	s26 =	sor.u32 s7, s6;
	[tilespmem:s24+$0x0] =	vst.add.f32.msk $0xffff, v3  }
0x3f5: {  	s1 =	sor.u32 s9, s20;
	s30 =	sor.u32 s7, s20;
	s8 =	sor.u32 s23, s5;
	[tilespmem:s26+$0x0] =	vst.add.f32.msk $0xffff, v4  }
0x3f6: {  	s9 =	simm.s32 $0x40;
	s13 =	sor.u32 s23, s20;
	s19 =	simm.s32 $0x8;
	[tilespmem:s1+$0x0] =	vst.add.f32.msk $0xffff, v3  }
0x3f7: {  	s15 =	sor.u32 s23, s6;
	s22 =	simm.s32 $0x200;
	s18 =	simm.s32 $0x0;
	[tilespmem:s30+$0x0] =	vst.add.f32.msk $0xffff, v4  }
.LBB2_16:
0x3f8: {  	s1 =	sand.u32 $0x40, s9;
	s2 =	sand.u32 $0x1C00, s22;
	s3 =	sand.u32 $0x380, s19;
	[tilespmem:s0+$0x400] =	vst.add.f32.msk $0xffff, v2  }
0x3f9: {  	s2 =	sor.u32 s3, s2;
	s3 =	sor.u32 $0x10, s1;
	s4 =	sor.u32 $0x30, s1;
	[tilespmem:s8+$0x0] =	vst.add.f32.msk $0xffff, v2  }
0x3fa: {  	s6 =	sor.u32 $0x20, s1;
	s5 =	sor.u32 s1, s2;
	s7 =	sor.u32 s4, s2;
	[tilespmem:s15+$0x0] =	vst.add.f32.msk $0xffff, v2  }
0x3fb: {  	s18 =	sadd.s32 $0x4, s18;
	s10 =	sor.u32 s3, s2;
	s0 =	sor.u32 s6, s2;
	v3 =	vld [tilespmem:s7+$0x18400]  }
0x3fc: {  	p0 =	slt.u32 s18, $0x1FC;
	v4 =	vld [tilespmem:s5+$0x18400]  }
0x3fd: {  	v5 =	vld [tilespmem:s10+$0x18400]  }
0x3fe: {  	v6 =	vld [tilespmem:s0+$0x18400]  }
0x3ff: {  	s8 =	sadd.s32 $0x2400, s2;
	[tilespmem:s13+$0x0] =	vst.add.f32.msk $0xffff, v2  }
0x400: {  	s11 =	sor.u32 s1, s8;
	s13 =	sadd.s32 $0x4400, s2;
	[tilespmem:s7+$0x400] =	vst.add.f32.msk $0xffff, v3;
	s7 =	sor.u32 s4, s8  }
0x401: {  	s2 =	sadd.s32 $0x6400, s2;
	s20 =	sor.u32 s1, s13;
	[tilespmem:s7+$0x0] =	vst.add.f32.msk $0xffff, v3;
	s7 =	sor.u32 s4, s13  }
0x402: {  	s23 =	sor.u32 s3, s8;
	s1 =	sor.u32 s1, s2;
	s4 =	sor.u32 s4, s2;
	[tilespmem:s7+$0x0] =	vst.add.f32.msk $0xffff, v3  }
0x403: {  	s8 =	sor.u32 s6, s8;
	s7 =	sor.u32 s3, s13;
	s3 =	sor.u32 s3, s2;
	[tilespmem:s4+$0x0] =	vst.add.f32.msk $0xffff, v3;
	v2 =	vmov v6  }
0x404: {  	s15 =	sor.u32 s6, s13;
	s13 =	sor.u32 s6, s2;
	[tilespmem:s5+$0x400] =	vst.add.f32.msk $0xffff, v4  }
0x405: {  	[tilespmem:s11+$0x0] =	vst.add.f32.msk $0xffff, v4  }
0x406: {  	[tilespmem:s20+$0x0] =	vst.add.f32.msk $0xffff, v4  }
.Ltmp7:
0x407: {  	[tilespmem:s1+$0x0] =	vst.add.f32.msk $0xffff, v4;
	(pc) =	sbr.rel @p0 .LBB2_16-.Ltmp7, $4  }
0x408: {  	[tilespmem:s10+$0x400] =	vst.add.f32.msk $0xffff, v5  }
0x409: {  	[tilespmem:s23+$0x0] =	vst.add.f32.msk $0xffff, v5  }
0x40a: {  	[tilespmem:s7+$0x0] =	vst.add.f32.msk $0xffff, v5  }
0x40b: {  	s19 =	sadd.s32 $0x8, s19;
	s22 =	sadd.s32 $0x200, s22;
	s9 =	sadd.s32 $0x40, s9;
	[tilespmem:s3+$0x0] =	vst.add.f32.msk $0xffff, v5  }
0x40c: {  	[tilespmem:s0+$0x400] =	vst.add.f32.msk $0xffff, v2  }
0x40d: {  	[tilespmem:s8+$0x0] =	vst.add.f32.msk $0xffff, v2  }
0x40e: {  	[tilespmem:s15+$0x0] =	vst.add.f32.msk $0xffff, v2  }
0x40f: {  	[tilespmem:s13+$0x0] =	vst.add.f32.msk $0xffff, v2  }
0x410: {  	s1 =	sld [smem:$0x7F8];
	_ =	sdelay $0x1  }
0x411: {  	s30 =	simm.s32 $0x0;
	s2 =	simm.s32 $0x400  }
0x412: {  	[hbm4b:s1+s30] =	stream.linear.scatter [tilespmem:s2], [sflag:$0x4], $0x2000, $0x38;
	[tilespmem:$0x1E400] =	vst v63  }
0x413: {  	s2 =	sld [smem:$0x7F6];
	_ =	sdelay $0x1  }
0x414: {  	s3 =	simm.s32 $0x2400;
	s4 =	sld [smem:$0x7F7]  }
0x415: {  	[hbm4b:s2+s30] =	stream.linear.scatter [tilespmem:s3], [sflag:$0x4], $0x2000, $0x38;
	[tilespmem:$0x1E400] =	vst v63  }
0x416: {  	s5 =	simm.s32 $0x4400;
	s6 =	sld [smem:$0x7F9]  }
0x417: {  	[hbm4b:s4+s30] =	stream.linear.scatter [tilespmem:s5], [sflag:$0x4], $0x2000, $0x38;
	[tilespmem:$0x1E400] =	vst v63  }
0x418: {  	s7 =	simm.s32 $0x6400;
	s8 =	simm.s32 $0x6  }
0x419: {  	[hbm4b:s6+s30] =	stream.linear.scatter [tilespmem:s7], [sflag:$0x4], $0x2000, $0x38;
	[tilespmem:$0x1E400] =	vst v63  }
0x41a: {  	_ =	swait.ge [sflag:s8], $0x2000  }
0x41b: {  	[sflag:s8] =	ssyncset.done $0x0  }
0x41c: {  	[sflag:s8] =	ssyncadd.s32 $0xFFFFE000  }
0x41d: {  	_ =	swait.ge [sflag:s8], $0x2000  }
0x41e: {  	[sflag:s8] =	ssyncset.done $0x0  }
0x41f: {  	[sflag:s8] =	ssyncadd.s32 $0xFFFFE000  }
0x420: {  	_ =	swait.ge [sflag:s8], $0x2000  }
0x421: {  	[sflag:s8] =	ssyncset.done $0x0  }
0x422: {  	[sflag:s8] =	ssyncadd.s32 $0xFFFFE000  }
0x423: {  	_ =	swait.ge [sflag:s8], $0x2000  }
0x424: {  	[sflag:s8] =	ssyncset.done $0x0  }
0x425: {  	s9 =	simm.s32 $0x8;
	[sflag:s8] =	ssyncadd.s32 $0xFFFFE000  }
0x426: {  	_ =	swait.ge [sflag:s9], $0x2000  }
0x427: {  	[sflag:s9] =	ssyncset.done $0x0  }
0x428: {  	[sflag:s9] =	ssyncadd.s32 $0xFFFFE000  }
0x429: {  	_ =	swait.ge [sflag:s14], $0x2000  }
0x42a: {  	[sflag:s14] =	ssyncset.done $0x0  }
0x42b: {  	[sflag:s14] =	ssyncadd.s32 $0xFFFFE000  }
0x42c: {  	_ =	swait.ge [sflag:s14], $0x2000  }
0x42d: {  	[sflag:s14] =	ssyncset.done $0x0  }
0x42e: {  	[sflag:s14] =	ssyncadd.s32 $0xFFFFE000  }
0x42f: {  	_ =	swait.ge [sflag:s14], $0x2000  }
0x430: {  	[sflag:s14] =	ssyncset.done $0x0  }
0x431: {  	s10 =	sand.u32 $0x40, s30;
	[sflag:s14] =	ssyncadd.s32 $0xFFFFE000  }
0x432: {  	s11 =	sand.u32 $0x1C00, s30;
	s0 =	sand.u32 $0x380, s30;
	_ =	swait.ge [sflag:s14], $0x2000  }
0x433: {  	s0 =	sor.u32 s0, s11;
	s13 =	sor.u32 $0x30, s10;
	[sflag:s14] =	ssyncset.done $0x0  }
0x434: {  	s3 =	sor.u32 s13, s0;
	[sflag:s14] =	ssyncadd.s32 $0xFFFFE000  }
0x435: {  	s4 =	sor.u32 $0x10, s10;
	s5 =	sor.u32 s10, s0;
	v3 =	vld [tilespmem:s3+$0x1A400]  }
0x436: {  	s7 =	sor.u32 s4, s0;
	v4 =	vld [tilespmem:s5+$0x1A400]  }
0x437: {  	s6 =	sor.u32 $0x20, s10;
	v5 =	vld [tilespmem:s7+$0x1A400]  }
0x438: {  	s18 =	sor.u32 s6, s0  }
0x439: {  	v2 =	vld [tilespmem:s18+$0x1A400]  }
0x43a: {  	[tilespmem:s3+$0x8400] =	vst.add.f32.msk $0xffff, v3  }
0x43b: {  	s15 =	sadd.s32 $0xA400, s0;
	[tilespmem:s5+$0x8400] =	vst.add.f32.msk $0xffff, v4  }
0x43c: {  	s20 =	sor.u32 s13, s15;
	[tilespmem:s7+$0x8400] =	vst.add.f32.msk $0xffff, v5  }
0x43d: {  	s23 =	sor.u32 s10, s15;
	[tilespmem:s20+$0x0] =	vst.add.f32.msk $0xffff, v3  }
0x43e: {  	s25 =	sor.u32 s4, s15;
	s9 =	sadd.s32 $0xC400, s0;
	[tilespmem:s23+$0x0] =	vst.add.f32.msk $0xffff, v4  }
0x43f: {  	s22 =	sor.u32 s13, s9;
	[tilespmem:s25+$0x0] =	vst.add.f32.msk $0xffff, v5  }
0x440: {  	s24 =	sor.u32 s10, s9;
	[tilespmem:s22+$0x0] =	vst.add.f32.msk $0xffff, v3  }
0x441: {  	s0 =	sadd.s32 $0xE400, s0;
	s26 =	sor.u32 s4, s9;
	[tilespmem:s24+$0x0] =	vst.add.f32.msk $0xffff, v4  }
0x442: {  	s2 =	sor.u32 s13, s0;
	[tilespmem:s26+$0x0] =	vst.add.f32.msk $0xffff, v5  }
0x443: {  	s19 =	simm.s32 $0x0;
	s8 =	sor.u32 s6, s15;
	s1 =	sor.u32 s10, s0;
	[tilespmem:s2+$0x0] =	vst.add.f32.msk $0xffff, v3  }
0x444: {  	s30 =	sor.u32 s4, s0;
	s15 =	sor.u32 s6, s9;
	s13 =	sor.u32 s6, s0;
	[tilespmem:s1+$0x0] =	vst.add.f32.msk $0xffff, v4  }
0x445: {  	s0 =	simm.s32 $0x8;
	s9 =	simm.s32 $0x40;
	s22 =	simm.s32 $0x200;
	[tilespmem:s30+$0x0] =	vst.add.f32.msk $0xffff, v5  }
.LBB2_18:
0x446: {  	s1 =	sand.u32 $0x40, s9;
	s2 =	sand.u32 $0x1C00, s22;
	s3 =	sand.u32 $0x380, s0;
	[tilespmem:s18+$0x8400] =	vst.add.f32.msk $0xffff, v2  }
0x447: {  	s2 =	sor.u32 s3, s2;
	s3 =	sor.u32 $0x10, s1;
	s4 =	sor.u32 $0x30, s1;
	[tilespmem:s8+$0x0] =	vst.add.f32.msk $0xffff, v2  }
0x448: {  	s6 =	sor.u32 $0x20, s1;
	s5 =	sor.u32 s1, s2;
	s7 =	sor.u32 s4, s2;
	[tilespmem:s15+$0x0] =	vst.add.f32.msk $0xffff, v2  }
0x449: {  	s19 =	sadd.s32 $0x4, s19;
	s10 =	sor.u32 s3, s2;
	s18 =	sor.u32 s6, s2;
	v3 =	vld [tilespmem:s7+$0x1A400]  }
0x44a: {  	p0 =	slt.u32 s19, $0x1FC;
	v4 =	vld [tilespmem:s5+$0x1A400]  }
0x44b: {  	v5 =	vld [tilespmem:s10+$0x1A400]  }
0x44c: {  	v6 =	vld [tilespmem:s18+$0x1A400]  }
0x44d: {  	s8 =	sadd.s32 $0xA400, s2;
	[tilespmem:s13+$0x0] =	vst.add.f32.msk $0xffff, v2  }
0x44e: {  	s11 =	sor.u32 s1, s8;
	s13 =	sadd.s32 $0xC400, s2;
	[tilespmem:s7+$0x8400] =	vst.add.f32.msk $0xffff, v3;
	s7 =	sor.u32 s4, s8  }
0x44f: {  	s2 =	sadd.s32 $0xE400, s2;
	s20 =	sor.u32 s1, s13;
	[tilespmem:s7+$0x0] =	vst.add.f32.msk $0xffff, v3;
	s7 =	sor.u32 s4, s13  }
0x450: {  	s23 =	sor.u32 s3, s8;
	s1 =	sor.u32 s1, s2;
	s4 =	sor.u32 s4, s2;
	[tilespmem:s7+$0x0] =	vst.add.f32.msk $0xffff, v3  }
0x451: {  	s8 =	sor.u32 s6, s8;
	s7 =	sor.u32 s3, s13;
	s3 =	sor.u32 s3, s2;
	[tilespmem:s4+$0x0] =	vst.add.f32.msk $0xffff, v3;
	v2 =	vmov v6  }
0x452: {  	s15 =	sor.u32 s6, s13;
	s13 =	sor.u32 s6, s2;
	[tilespmem:s5+$0x8400] =	vst.add.f32.msk $0xffff, v4  }
0x453: {  	[tilespmem:s11+$0x0] =	vst.add.f32.msk $0xffff, v4  }
0x454: {  	[tilespmem:s20+$0x0] =	vst.add.f32.msk $0xffff, v4  }
.Ltmp8:
0x455: {  	[tilespmem:s1+$0x0] =	vst.add.f32.msk $0xffff, v4;
	(pc) =	sbr.rel @p0 .LBB2_18-.Ltmp8, $4  }
0x456: {  	[tilespmem:s10+$0x8400] =	vst.add.f32.msk $0xffff, v5  }
0x457: {  	[tilespmem:s23+$0x0] =	vst.add.f32.msk $0xffff, v5  }
0x458: {  	[tilespmem:s7+$0x0] =	vst.add.f32.msk $0xffff, v5  }
0x459: {  	s0 =	sadd.s32 $0x8, s0;
	s22 =	sadd.s32 $0x200, s22;
	s9 =	sadd.s32 $0x40, s9;
	[tilespmem:s3+$0x0] =	vst.add.f32.msk $0xffff, v5  }
0x45a: {  	[tilespmem:s18+$0x8400] =	vst.add.f32.msk $0xffff, v2  }
0x45b: {  	[tilespmem:s8+$0x0] =	vst.add.f32.msk $0xffff, v2  }
0x45c: {  	[tilespmem:s15+$0x0] =	vst.add.f32.msk $0xffff, v2  }
0x45d: {  	[tilespmem:s13+$0x0] =	vst.add.f32.msk $0xffff, v2  }
0x45e: {  	s0 =	rddreg [dreg:$0x15]  }
0x45f: {  	s7 =	simm.s32 $0x0;
	s20 =	simm.s32 $0x8400;
	s24 =	sld [smem:$0x7FA]  }
0x460: {  	[hbm4b:s0+s7] =	stream.linear.scatter [tilespmem:s20], [sflag:$0x5], $0x2000, $0x38;
	[tilespmem:$0x1E400] =	vst v63  }
0x461: {  	s23 =	simm.s32 $0xA400;
	s25 =	sld [smem:$0x7FB]  }
0x462: {  	[hbm4b:s24+s7] =	stream.linear.scatter [tilespmem:s23], [sflag:$0x5], $0x2000, $0x38;
	[tilespmem:$0x1E400] =	vst v63  }
0x463: {  	s26 =	sld [smem:$0x7FC]  }
0x464: {  	[hbm4b:s25+s7] =	stream.linear.scatter [tilespmem:s28], [sflag:$0x5], $0x2000, $0x38;
	[tilespmem:$0x1E400] =	vst v63  }
0x465: {  	_ = 	snop  }
0x466: {  	[hbm4b:s26+s7] =	stream.linear.scatter [tilespmem:s29], [sflag:$0x5], $0x2000, $0x38;
	[tilespmem:$0x1E400] =	vst v63  }
0x467: {  	_ =	swait.ge [sflag:s12], $0x2000  }
0x468: {  	[sflag:s12] =	ssyncset.done $0x0  }
0x469: {  	[sflag:s12] =	ssyncadd.s32 $0xFFFFE000  }
0x46a: {  	_ =	swait.ge [sflag:s12], $0x2000  }
0x46b: {  	[sflag:s12] =	ssyncset.done $0x0  }
0x46c: {  	[sflag:s12] =	ssyncadd.s32 $0xFFFFE000  }
0x46d: {  	_ =	swait.ge [sflag:s12], $0x2000  }
0x46e: {  	[sflag:s12] =	ssyncset.done $0x0  }
0x46f: {  	[sflag:s12] =	ssyncadd.s32 $0xFFFFE000  }
0x470: {  	_ =	swait.ge [sflag:s12], $0x2000  }
0x471: {  	[sflag:s12] =	ssyncset.done $0x0  }
0x472: {  	[sflag:s12] =	ssyncadd.s32 $0xFFFFE000  }
0x473: {  	_ =	swait.ge [sflag:s21], $0x2000  }
0x474: {  	[sflag:s21] =	ssyncset.done $0x0  }
0x475: {  	[sflag:s21] =	ssyncadd.s32 $0xFFFFE000  }
0x476: {  	_ =	swait.ge [sflag:s21], $0x2000  }
0x477: {  	[sflag:s21] =	ssyncset.done $0x0  }
0x478: {  	[sflag:s21] =	ssyncadd.s32 $0xFFFFE000  }
0x479: {  	_ =	swait.ge [sflag:s21], $0x2000  }
0x47a: {  	[sflag:s21] =	ssyncset.done $0x0  }
0x47b: {  	[sflag:s21] =	ssyncadd.s32 $0xFFFFE000  }
0x47c: {  	_ =	swait.ge [sflag:s21], $0x2000  }
0x47d: {  	s1 =	sld [smem:$0x7F4];
	_ =	sdelay $0x2  }
0x47e: {  	s30 =	rddreg [dreg:$0x18];
	s1 =	sadd.s32 $0x1, s1  }
0x47f: {  	p0 =	sne.s32 s1, s30  }
.Ltmp9:
0x480: {  	_ = 	snop;
	(pc) =	sbr.rel @p0 .LBB2_1-.Ltmp9, $3  }
0x481: {  	_ =	sdelay $0x1  }
0x482: {  	[sflag:s21] =	ssyncset.done $0x0  }
0x483: {  	[sflag:s21] =	ssyncadd.s32 $0xFFFFE000  }
0x484: {  	_ =	sfence.sel $0x180000  }
0x485: {  	[bflag:$0x0] =	sbarrier.arrive $0xFFFF  }
0x486: {  	_ =	strace $0x90000047  }
0x487: {  	s0 =	stileid.u32;
	[bflag:$0x2] =	sbarrier.arrive $0xFFFF  }
0x488: {  	p0 =	sne.s32 s0, $0x0;
	s0 =	rddreg [dreg:$0x3]  }
0x489: {  	s0 =	sadd.s32 @!p0 $0x100000, s0  }
0x48a: {  	[sflag:s0] =	ssyncadd.tile.s32 @!p0 $0x1;
	_ =	shalt  }
.Lfunc_end2:
_tile_overlayer_lowered:
.L_overlay_start_2:
0x48b: {  	(tag) =	ssettag $0x2  }
0x48c: {  	s0 =	rddreg [dreg:$0x0];
	s2 =	stileid.u32  }
0x48d: {  	s1 =	rddreg [dreg:$0x1];
	p0 =	sne.s32 s2, $0x0  }
0x48e: {  	s3 =	rddreg [dreg:$0x2];
	[bflag:$0x3] =	sbarrier.arrive $0xFFFF;
	s2 =	simm.s32 @!p0 $0x1C0A  }
0x48f: {  	[timem:s3], [sflag:s2] =	dma.local @!p0 [hbm:s0], s1  }
0x490: {  	s0 =	simm.s32 @!p0 $0xA  }
0x491: {  	_ =	swait.ge @!p0 [sflag:s0], s1  }
0x492: {  	s1 =	ssub.s32 @!p0 $0x0, s1;
	[sflag:s0] =	ssyncset.done @!p0 $0x0  }
0x493: {  	[sflag:s0] =	ssyncadd.s32 @!p0 s1  }
0x494: {  	[bflag:$0x3] =	sbarrier.arrive $0xFFFF  }
0x495: {  	_ =	shalt  }

</sc_bundles>
